<compile_context>
chip_gen: v7x
topology: tpu7x:2x2x1
jax: 0.10.2.dev20260603
libtpu: 0.0.44.dev20260713+nightly
codegen_flags: <defaults>
</compile_context>

<pallas_src>
import jax
import jax.numpy as jnp
from jax import lax
from jax.experimental import pallas as pl
from jax.experimental.pallas import tpu as pltpu
from jax.experimental.pallas import tpu_sc as plsc

NUM_CLASSES = 150
FEAT = 256
B = 8
H = 128
W = 128
NC, NS, L = 2, 16, 16
NW = NC * NS
RPW = (B * H) // NW
PXW = RPW * W
GPR = W // L
KCH = 8
NCHUNK = FEAT // KCH
SUMS = FEAT * NUM_CLASSES
CPAD = 160


def _worker(axis_c, axis_s):
    wid = lax.axis_index(axis_s) * NC + lax.axis_index(axis_c)
    b = wid // (NW // B)
    h0 = (wid % (NW // B)) * RPW
    return wid, b, h0


def _pixel_body(s_ref, m_ref, w_ref, pt_ref, pv_ref, z_ref,
                sim_out, wl_out, part_out,
                m_v, w_v, buf0, buf1, pt_v, pv_v, nsq_v, dot_v, sim_v, wl_v,
                acc_v, sem0, sem1):
    wid, b, h0 = _worker("c", "s")

    def copy(c0, buf, sem):
        return pltpu.make_async_copy(
            s_ref.at[b, pl.ds(c0 * KCH, KCH), pl.ds(h0, RPW)], buf, sem)

    copy(0, buf0, sem0).start()
    pltpu.sync_copy(m_ref.at[b, pl.ds(h0, RPW)], m_v)
    pltpu.sync_copy(w_ref.at[b, pl.ds(h0, RPW)], w_v)
    pltpu.sync_copy(pt_ref, pt_v)
    pltpu.sync_copy(pv_ref, pv_v)
    pltpu.sync_copy(z_ref, nsq_v)
    pltpu.sync_copy(z_ref, dot_v)
    for k in range(4):
        acc_v[pl.ds(k * L, L)] = jnp.zeros((L,), jnp.float32)

    def compute(c0, buf):
        def r_body(r, _):
            for u in range(GPR):
                off = r * W + u * L
                idx = m_v[r, pl.ds(u * L, L)]
                nsq = nsq_v[pl.ds(off, L)]
                dot = dot_v[pl.ds(off, L)]
                for ch in range(KCH):
                    x = buf[ch, r, pl.ds(u * L, L)]
                    p = plsc.load_gather(
                        pt_v, [idx + (c0 * KCH + ch) * NUM_CLASSES])
                    nsq = nsq + x * x
                    dot = dot + x * p
                nsq_v[pl.ds(off, L)] = nsq
                dot_v[pl.ds(off, L)] = dot
            return 0
        lax.fori_loop(0, RPW, r_body, 0)

    def pair_body(i, _):
        ca = 2 * i
        cb = 2 * i + 1
        copy(ca, buf0, sem0).wait()
        copy(cb, buf1, sem1).start()
        compute(ca, buf0)
        copy(cb, buf1, sem1).wait()

        @pl.when(i < NCHUNK // 2 - 1)
        def _():
            copy(ca + 2, buf0, sem0).start()
        compute(cb, buf1)
        return 0
    lax.fori_loop(0, NCHUNK // 2, pair_body, 0)

    def fin_body(r, _):
        for u in range(GPR):
            off = r * W + u * L
            x = nsq_v[pl.ds(off, L)]
            d = dot_v[pl.ds(off, L)]
            m16 = m_v[r, pl.ds(u * L, L)]
            sw = w_v[r, pl.ds(u * L, L)]
            i = plsc.bitcast(x, jnp.int32)
            i = jnp.int32(0x5F3759DF) - (i >> 1)
            y = plsc.bitcast(i, jnp.float32)
            for _ in range(3):
                y = y * (1.5 - 0.5 * x * y * y)
            nrm = x * y
            sim = jnp.where(nrm > 1e-12, d * y, d * 1e12)
            v = plsc.load_gather(pv_v, [m16])
            wl = (1.0 - sim) * v * sw
            sim_v[r, pl.ds(u * L, L)] = sim
            wl_v[r, pl.ds(u * L, L)] = wl
            acc_v[pl.ds(0, L)] = acc_v[pl.ds(0, L)] + wl
            acc_v[pl.ds(L, L)] = acc_v[pl.ds(L, L)] + v * sw
            acc_v[pl.ds(2 * L, L)] = acc_v[pl.ds(2 * L, L)] + sim * v
            acc_v[pl.ds(3 * L, L)] = acc_v[pl.ds(3 * L, L)] + v
        return 0
    lax.fori_loop(0, RPW, fin_body, 0)

    pltpu.sync_copy(sim_v, sim_out.at[b, pl.ds(h0, RPW)])
    pltpu.sync_copy(wl_v, wl_out.at[b, pl.ds(h0, RPW)])
    pltpu.sync_copy(acc_v, part_out.at[wid])


HBLK = 8
CPAD_TC = 152


def _tc_proto_body(m_ref, t_ref, sums_ref, counts_ref):
    step = pl.program_id(0) * pl.num_programs(1) + pl.program_id(1)

    mrow = m_ref[...].reshape(1, HBLK * W)
    oh = (jax.lax.broadcasted_iota(jnp.int32, (CPAD_TC, HBLK * W), 0)
          == mrow).astype(jnp.float32)
    t = t_ref[...].reshape(FEAT, HBLK * W)
    part = jax.lax.dot_general(t, oh, (((1,), (1,)), ((), ())),
                               precision=jax.lax.Precision.HIGHEST,
                               preferred_element_type=jnp.float32)
    cnt = jnp.sum(oh, axis=1)

    @pl.when(step == 0)
    def _():
        sums_ref[...] = jnp.zeros_like(sums_ref)
        counts_ref[...] = jnp.zeros_like(counts_ref)
    sums_ref[...] += part
    counts_ref[...] += cnt


def _sc_mesh():
    return plsc.VectorSubcoreMesh(core_axis_name="c", subcore_axis_name="s",
                                  num_cores=NC, num_subcores=NS)


_SC_PARAMS = pltpu.CompilerParams(needs_layout_passes=False)


@jax.jit
def kernel(s_feat, t_feat, mask, swt_weight):
    f32 = jnp.float32
    w3 = swt_weight.reshape(B, H, W)
    zeros_px = jnp.zeros((PXW,), f32)

    sums_tc, counts_tc = pl.pallas_call(
        _tc_proto_body,
        grid=(B, H // HBLK),
        in_specs=[
            pl.BlockSpec((1, HBLK, W), lambda b, h: (b, h, 0)),
            pl.BlockSpec((1, FEAT, HBLK, W), lambda b, h: (b, 0, h, 0)),
        ],
        out_specs=[
            pl.BlockSpec((FEAT, CPAD_TC), lambda b, h: (0, 0)),
            pl.BlockSpec((1, CPAD_TC), lambda b, h: (0, 0)),
        ],
        out_shape=(jax.ShapeDtypeStruct((FEAT, CPAD_TC), f32),
                   jax.ShapeDtypeStruct((1, CPAD_TC), f32)),
    )(mask, t_feat)
    sums = sums_tc.T[:NUM_CLASSES]
    counts = counts_tc[0, :NUM_CLASSES]
    means = jnp.where(counts[:, None] > 0,
                      sums / jnp.maximum(counts[:, None], 1.0), 0.0)
    nrm = jnp.linalg.norm(means, axis=-1, keepdims=True)
    protos = means / jnp.maximum(nrm, 1e-6)
    proto_norm = jnp.linalg.norm(protos, axis=-1)
    proto_valid = proto_norm > 0
    pt_flat = protos.T.reshape(-1)
    pv_f = jnp.zeros((CPAD,), f32).at[:NUM_CLASSES].set(proto_valid.astype(f32))

    pixel_call = pl.kernel(
        _pixel_body,
        out_type=(jax.ShapeDtypeStruct((B, H, W), f32),
                  jax.ShapeDtypeStruct((B, H, W), f32),
                  jax.ShapeDtypeStruct((NW, 4 * L), f32)),
        mesh=_sc_mesh(),
        compiler_params=_SC_PARAMS,
        scratch_types=[
            pltpu.VMEM((RPW, W), jnp.int32),
            pltpu.VMEM((RPW, W), f32),
            pltpu.VMEM((KCH, RPW, W), f32),
            pltpu.VMEM((KCH, RPW, W), f32),
            pltpu.VMEM((SUMS,), f32),
            pltpu.VMEM((CPAD,), f32),
            pltpu.VMEM((PXW,), f32),
            pltpu.VMEM((PXW,), f32),
            pltpu.VMEM((RPW, W), f32),
            pltpu.VMEM((RPW, W), f32),
            pltpu.VMEM((4 * L,), f32),
            pltpu.SemaphoreType.DMA,
            pltpu.SemaphoreType.DMA,
        ],
    )
    sim_map, weighted_loss_map, partials = pixel_call(
        s_feat, mask, w3, pt_flat, pv_f, zeros_px)

    p = partials.reshape(NW, 4, L).sum(axis=(0, 2))
    final_loss = p[0] / jnp.maximum(p[1], 1.0)
    mean_sim = p[2] / jnp.maximum(p[3], 1.0)
    return (final_loss, sim_map, weighted_loss_map, mean_sim, proto_norm, proto_valid)

# --- scband reference (transcript-rebuilt; emitter-appended) ---
"""Pipeline reference for scband-prototype-kdengine-78709570667268 (READ-ONLY COPY).

The authoritative reference and input builder live on the scoring server;
editing this copy changes nothing except your own understanding.
"""

import jax, jax.numpy as jnp
import numpy as np

NUM_CLASSES = 150
FEAT_DIM = 256
IGNORE = 255


def setup_inputs(seed: int = 0) -> dict:
    key = jax.random.key(seed)
    k1, k2, k3, k4 = jax.random.split(key, 4)
    s_feat = jax.random.normal(k1, (8, 256, 128, 128), dtype=jnp.float32)
    t_feat = jax.random.normal(k2, (8, 256, 128, 128), dtype=jnp.float32)
    mask = jax.random.randint(k3, (8, 128, 128), 0, NUM_CLASSES, dtype=jnp.int32)
    swt_weight = jax.random.uniform(k4, (8, 1, 128, 128), dtype=jnp.float32)
    return {"s_feat": s_feat, "t_feat": t_feat, "mask": mask, "swt_weight": swt_weight}


def _compute_prototypes(t_feat, mask):
    # First-call prototype init (proto_initialized=False): prototypes[c] = mean of class-c
    # teacher features, absent classes stay zero; then row-normalize with clamp(min=1e-6).
    B, C, H, W = t_feat.shape
    feat_flat = jnp.transpose(t_feat, (0, 2, 3, 1)).reshape(-1, C)
    mask_flat = mask.reshape(-1)
    valid = mask_flat != IGNORE
    seg = jnp.where(valid, mask_flat, NUM_CLASSES)
    vf = valid.astype(feat_flat.dtype)
    sums = jax.ops.segment_sum(feat_flat * vf[:, None], seg, num_segments=NUM_CLASSES + 1)[:NUM_CLASSES]
    counts = jax.ops.segment_sum(vf, seg, num_segments=NUM_CLASSES + 1)[:NUM_CLASSES]
    means = jnp.where(counts[:, None] > 0, sums / jnp.maximum(counts[:, None], 1.0), 0.0)
    norm = jnp.linalg.norm(means, axis=-1, keepdims=True)
    protos = means / jnp.maximum(norm, 1e-6)
    return protos


def reference(s_feat, t_feat, mask, swt_weight):
    protos = jax.lax.stop_gradient(_compute_prototypes(jax.lax.stop_gradient(t_feat), mask))
    B, C, H, W = s_feat.shape
    s_perm = jnp.transpose(s_feat, (0, 2, 3, 1))
    n = jnp.linalg.norm(s_perm, axis=-1, keepdims=True)
    s_norm = s_perm / jnp.maximum(n, 1e-12)
    safe_mask = jnp.where(mask == IGNORE, 0, mask)
    proto_norm = jnp.linalg.norm(protos, axis=-1)
    proto_valid = proto_norm > 0
    target_protos = jnp.take(protos, safe_mask, axis=0)
    proto_valid_per_pixel = jnp.take(proto_valid, safe_mask, axis=0)
    sim_map = jnp.sum(s_norm * target_protos, axis=-1)
    raw_loss_map = 1.0 - sim_map
    valid_mask = (mask != IGNORE) & proto_valid_per_pixel
    valid_mask_f = valid_mask.astype(jnp.float32)
    swt_map = swt_weight[:, 0]
    weighted_loss_map = raw_loss_map * valid_mask_f * swt_map
    denom = jnp.maximum((valid_mask_f * swt_map).sum(), 1.0)
    final_loss = weighted_loss_map.sum() / denom
    denom_sim = jnp.maximum(valid_mask_f.sum(), 1.0)
    mean_sim = (sim_map * valid_mask_f).sum() / denom_sim
    return (final_loss, sim_map, weighted_loss_map, mean_sim, proto_norm, proto_valid)

if __name__ == "__main__":
    import jax
    _d = setup_inputs()
    print(jax.jit(kernel)(*tuple(_d.values())))

</pallas_src>

<mosaic_0001>
#map = affine_map<(d0, d1) -> (0, 0, 0, 0)>
#map1 = affine_map<(d0, d1) -> (0, 0, 0)>
#map2 = affine_map<(d0, d1) -> (0)>
#map3 = affine_map<(d0, d1) -> (0, 0)>
module attributes {stable_mosaic.version = 14 : i64} {
  func.func @_pixel_body(%arg0: i32, %arg1: i32, %arg2: memref<8x256x128x128xf32, #tpu.memory_space<hbm>>, %arg3: memref<8x128x128xi32, #tpu.memory_space<hbm>>, %arg4: memref<8x128x128xf32, #tpu.memory_space<hbm>>, %arg5: memref<38400xf32, #tpu.memory_space<hbm>>, %arg6: memref<160xf32, #tpu.memory_space<hbm>>, %arg7: memref<4096xf32, #tpu.memory_space<hbm>>, %arg8: memref<8x128x128xf32, #tpu.memory_space<hbm>>, %arg9: memref<8x128x128xf32, #tpu.memory_space<hbm>>, %arg10: memref<32x64xf32, #tpu.memory_space<hbm>>, %arg11: memref<32x128xi32, #tpu.memory_space<vmem>>, %arg12: memref<32x128xf32, #tpu.memory_space<vmem>>, %arg13: memref<8x32x128xf32, #tpu.memory_space<vmem>>, %arg14: memref<8x32x128xf32, #tpu.memory_space<vmem>>, %arg15: memref<38400xf32, #tpu.memory_space<vmem>>, %arg16: memref<160xf32, #tpu.memory_space<vmem>>, %arg17: memref<4096xf32, #tpu.memory_space<vmem>>, %arg18: memref<4096xf32, #tpu.memory_space<vmem>>, %arg19: memref<32x128xf32, #tpu.memory_space<vmem>>, %arg20: memref<32x128xf32, #tpu.memory_space<vmem>>, %arg21: memref<64xf32, #tpu.memory_space<vmem>>, %arg22: memref<!tpu.dma_semaphore, #tpu.memory_space<semaphore_mem>>, %arg23: memref<!tpu.dma_semaphore, #tpu.memory_space<semaphore_mem>>) attributes {dimension_semantics = [#tpu.dimension_semantics<core_parallel>, #tpu.dimension_semantics<subcore_parallel>], iteration_bounds = array<i64: 2, 16>, scalar_prefetch = 0 : i64, scratch_operands = 13 : i64, tpu.core_type = #tpu.core_type<sc_vector_subcore>, window_params = [{transform_indices = #map}, {transform_indices = #map1}, {transform_indices = #map1}, {transform_indices = #map2}, {transform_indices = #map2}, {transform_indices = #map2}, {transform_indices = #map1}, {transform_indices = #map1}, {transform_indices = #map3}]} {
    %mul3A = arith.constant 2 : i32
    %mul3A_0 = arith.muli %arg1, %mul3A : i32
    %add3A = arith.addi %mul3A_0, %arg0 : i32
    %jit3A = arith.constant 4 : i32
    %div3A = arith.divsi %add3A, %jit3A : i32
    %sign3A = arith.constant 0 : i32
    %sign3A_1 = arith.cmpi sgt, %add3A, %sign3A : i32
    %sign3A_2 = arith.extui %sign3A_1 : i1 to i32
    %sign3A_3 = arith.constant 0 : i32
    %sign3A_4 = arith.cmpi slt, %add3A, %sign3A_3 : i32
    %sign3A_5 = arith.extui %sign3A_4 : i1 to i32
    %sign3A_6 = arith.subi %sign3A_2, %sign3A_5 : i32
    %sign3A_7 = arith.constant 0 : i32
    %sign3A_8 = arith.cmpi sgt, %jit3A, %sign3A_7 : i32
    %sign3A_9 = arith.extui %sign3A_8 : i1 to i32
    %sign3A_10 = arith.constant 0 : i32
    %sign3A_11 = arith.cmpi slt, %jit3A, %sign3A_10 : i32
    %sign3A_12 = arith.extui %sign3A_11 : i1 to i32
    %sign3A_13 = arith.subi %sign3A_9, %sign3A_12 : i32
    %ne3A = arith.cmpi ne, %sign3A_6, %sign3A_13 : i32
    %rem3A = arith.remsi %add3A, %jit3A : i32
    %ne3A_14 = arith.constant 0 : i32
    %ne3A_15 = arith.cmpi ne, %rem3A, %ne3A_14 : i32
    %and3A = arith.andi %ne3A, %ne3A_15 : i1
    %sub3A = arith.constant 1 : i32
    %sub3A_16 = arith.subi %div3A, %sub3A : i32
    %select_n3A = arith.select %and3A, %sub3A_16, %div3A : i32
    %jit3A_17 = arith.constant 4 : i32
    %eq3A = arith.constant 0 : i32
    %eq3A_18 = arith.cmpi eq, %jit3A_17, %eq3A : i32
    %jit3A_19 = arith.constant 1 : i32
    %select_n3A_20 = arith.select %eq3A_18, %jit3A_19, %jit3A_17 : i32
    %rem3A_21 = arith.remsi %add3A, %select_n3A_20 : i32
    %ne3A_22 = arith.constant 0 : i32
    %ne3A_23 = arith.cmpi ne, %rem3A_21, %ne3A_22 : i32
    %lt3A = arith.constant 0 : i32
    %lt3A_24 = arith.cmpi slt, %rem3A_21, %lt3A : i32
    %lt3A_25 = arith.constant 0 : i32
    %lt3A_26 = arith.cmpi slt, %select_n3A_20, %lt3A_25 : i32
    %ne3A_27 = arith.xori %lt3A_24, %lt3A_26 : i1
    %and3A_28 = arith.andi %ne3A_27, %ne3A_23 : i1
    %add3A_29 = arith.addi %rem3A_21, %select_n3A_20 : i32
    %select_n3A_30 = arith.select %and3A_28, %add3A_29, %rem3A_21 : i32
    %mul3A_31 = arith.constant 32 : i32
    %mul3A_32 = arith.muli %select_n3A_30, %mul3A_31 : i32
    %dma_start3A = arith.constant 0 : i32
    %dma_start3A_33 = arith.constant 0 : i32
    %dma_start3A_34 = tpu.memref_slice %arg2[%select_n3A, %dma_start3A, %mul3A_32, %dma_start3A_33] : memref<8x256x128x128xf32, #tpu.memory_space<hbm>> -> memref<1x8x32x128xf32, #tpu.memory_space<hbm>>
    %dma_start3A_35 = tpu.memref_squeeze %dma_start3A_34 : memref<1x8x32x128xf32, #tpu.memory_space<hbm>> -> memref<8x32x128xf32, #tpu.memory_space<hbm>>
    %dma_start3A_36 = arith.constant 0 : i32
    %dma_start3A_37 = arith.constant 0 : i32
    %dma_start3A_38 = tpu.memref_slice %arg2[%select_n3A, %dma_start3A_36, %mul3A_32, %dma_start3A_37] : memref<8x256x128x128xf32, #tpu.memory_space<hbm>> -> memref<1x8x32x128xf32, #tpu.memory_space<hbm>>
    %dma_start3A_39 = tpu.memref_squeeze %dma_start3A_38 : memref<1x8x32x128xf32, #tpu.memory_space<hbm>> -> memref<8x32x128xf32, #tpu.memory_space<hbm>>
    tpu.enqueue_dma source(%dma_start3A_39 : memref<8x32x128xf32, #tpu.memory_space<hbm>>) target(%arg13 : memref<8x32x128xf32, #tpu.memory_space<vmem>>) target_semaphore(%arg22 : memref<!tpu.dma_semaphore, #tpu.memory_space<semaphore_mem>>)
    "tpu.region"() ({
      %run_scoped3A = tpu.sem_alloc : memref<!tpu.dma_semaphore, #tpu.memory_space<semaphore_mem>>
      %dma_start3A_67 = arith.constant 0 : i32
      %dma_start3A_68 = tpu.memref_slice %arg3[%select_n3A, %mul3A_32, %dma_start3A_67] : memref<8x128x128xi32, #tpu.memory_space<hbm>> -> memref<1x32x128xi32, #tpu.memory_space<hbm>>
      %dma_start3A_69 = tpu.memref_squeeze %dma_start3A_68 : memref<1x32x128xi32, #tpu.memory_space<hbm>> -> memref<32x128xi32, #tpu.memory_space<hbm>>
      %dma_start3A_70 = arith.constant 0 : i32
      %dma_start3A_71 = tpu.memref_slice %arg3[%select_n3A, %mul3A_32, %dma_start3A_70] : memref<8x128x128xi32, #tpu.memory_space<hbm>> -> memref<1x32x128xi32, #tpu.memory_space<hbm>>
      %dma_start3A_72 = tpu.memref_squeeze %dma_start3A_71 : memref<1x32x128xi32, #tpu.memory_space<hbm>> -> memref<32x128xi32, #tpu.memory_space<hbm>>
      tpu.enqueue_dma source(%dma_start3A_72 : memref<32x128xi32, #tpu.memory_space<hbm>>) target(%arg11 : memref<32x128xi32, #tpu.memory_space<vmem>>) target_semaphore(%run_scoped3A : memref<!tpu.dma_semaphore, #tpu.memory_space<semaphore_mem>>)
      %dma_wait3A = arith.constant 0 : i32
      %dma_wait3A_73 = tpu.memref_slice %arg3[%select_n3A, %mul3A_32, %dma_wait3A] : memref<8x128x128xi32, #tpu.memory_space<hbm>> -> memref<1x32x128xi32, #tpu.memory_space<hbm>>
      %dma_wait3A_74 = tpu.memref_squeeze %dma_wait3A_73 : memref<1x32x128xi32, #tpu.memory_space<hbm>> -> memref<32x128xi32, #tpu.memory_space<hbm>>
      %dma_wait3A_75 = arith.constant 0 : i32
      %dma_wait3A_76 = tpu.memref_slice %arg3[%select_n3A, %mul3A_32, %dma_wait3A_75] : memref<8x128x128xi32, #tpu.memory_space<hbm>> -> memref<1x32x128xi32, #tpu.memory_space<hbm>>
      %dma_wait3A_77 = tpu.memref_squeeze %dma_wait3A_76 : memref<1x32x128xi32, #tpu.memory_space<hbm>> -> memref<32x128xi32, #tpu.memory_space<hbm>>
      tpu.wait_dma2 semaphore(%run_scoped3A : memref<!tpu.dma_semaphore, #tpu.memory_space<semaphore_mem>>) src(%dma_wait3A_77 : memref<32x128xi32, #tpu.memory_space<hbm>>) dst(%arg11 : memref<32x128xi32, #tpu.memory_space<vmem>>)
      tpu.yield
    }) : () -> ()
    "tpu.region"() ({
      %run_scoped3A = tpu.sem_alloc : memref<!tpu.dma_semaphore, #tpu.memory_space<semaphore_mem>>
      %dma_start3A_67 = arith.constant 0 : i32
      %dma_start3A_68 = tpu.memref_slice %arg4[%select_n3A, %mul3A_32, %dma_start3A_67] : memref<8x128x128xf32, #tpu.memory_space<hbm>> -> memref<1x32x128xf32, #tpu.memory_space<hbm>>
      %dma_start3A_69 = tpu.memref_squeeze %dma_start3A_68 : memref<1x32x128xf32, #tpu.memory_space<hbm>> -> memref<32x128xf32, #tpu.memory_space<hbm>>
      %dma_start3A_70 = arith.constant 0 : i32
      %dma_start3A_71 = tpu.memref_slice %arg4[%select_n3A, %mul3A_32, %dma_start3A_70] : memref<8x128x128xf32, #tpu.memory_space<hbm>> -> memref<1x32x128xf32, #tpu.memory_space<hbm>>
      %dma_start3A_72 = tpu.memref_squeeze %dma_start3A_71 : memref<1x32x128xf32, #tpu.memory_space<hbm>> -> memref<32x128xf32, #tpu.memory_space<hbm>>
      tpu.enqueue_dma source(%dma_start3A_72 : memref<32x128xf32, #tpu.memory_space<hbm>>) target(%arg12 : memref<32x128xf32, #tpu.memory_space<vmem>>) target_semaphore(%run_scoped3A : memref<!tpu.dma_semaphore, #tpu.memory_space<semaphore_mem>>)
      %dma_wait3A = arith.constant 0 : i32
      %dma_wait3A_73 = tpu.memref_slice %arg4[%select_n3A, %mul3A_32, %dma_wait3A] : memref<8x128x128xf32, #tpu.memory_space<hbm>> -> memref<1x32x128xf32, #tpu.memory_space<hbm>>
      %dma_wait3A_74 = tpu.memref_squeeze %dma_wait3A_73 : memref<1x32x128xf32, #tpu.memory_space<hbm>> -> memref<32x128xf32, #tpu.memory_space<hbm>>
      %dma_wait3A_75 = arith.constant 0 : i32
      %dma_wait3A_76 = tpu.memref_slice %arg4[%select_n3A, %mul3A_32, %dma_wait3A_75] : memref<8x128x128xf32, #tpu.memory_space<hbm>> -> memref<1x32x128xf32, #tpu.memory_space<hbm>>
      %dma_wait3A_77 = tpu.memref_squeeze %dma_wait3A_76 : memref<1x32x128xf32, #tpu.memory_space<hbm>> -> memref<32x128xf32, #tpu.memory_space<hbm>>
      tpu.wait_dma2 semaphore(%run_scoped3A : memref<!tpu.dma_semaphore, #tpu.memory_space<semaphore_mem>>) src(%dma_wait3A_77 : memref<32x128xf32, #tpu.memory_space<hbm>>) dst(%arg12 : memref<32x128xf32, #tpu.memory_space<vmem>>)
      tpu.yield
    }) : () -> ()
    "tpu.region"() ({
      %run_scoped3A = tpu.sem_alloc : memref<!tpu.dma_semaphore, #tpu.memory_space<semaphore_mem>>
      tpu.enqueue_dma source(%arg5 : memref<38400xf32, #tpu.memory_space<hbm>>) target(%arg15 : memref<38400xf32, #tpu.memory_space<vmem>>) target_semaphore(%run_scoped3A : memref<!tpu.dma_semaphore, #tpu.memory_space<semaphore_mem>>)
      tpu.wait_dma2 semaphore(%run_scoped3A : memref<!tpu.dma_semaphore, #tpu.memory_space<semaphore_mem>>) src(%arg5 : memref<38400xf32, #tpu.memory_space<hbm>>) dst(%arg15 : memref<38400xf32, #tpu.memory_space<vmem>>)
      tpu.yield
    }) : () -> ()
    "tpu.region"() ({
      %run_scoped3A = tpu.sem_alloc : memref<!tpu.dma_semaphore, #tpu.memory_space<semaphore_mem>>
      tpu.enqueue_dma source(%arg6 : memref<160xf32, #tpu.memory_space<hbm>>) target(%arg16 : memref<160xf32, #tpu.memory_space<vmem>>) target_semaphore(%run_scoped3A : memref<!tpu.dma_semaphore, #tpu.memory_space<semaphore_mem>>)
      tpu.wait_dma2 semaphore(%run_scoped3A : memref<!tpu.dma_semaphore, #tpu.memory_space<semaphore_mem>>) src(%arg6 : memref<160xf32, #tpu.memory_space<hbm>>) dst(%arg16 : memref<160xf32, #tpu.memory_space<vmem>>)
      tpu.yield
    }) : () -> ()
    "tpu.region"() ({
      %run_scoped3A = tpu.sem_alloc : memref<!tpu.dma_semaphore, #tpu.memory_space<semaphore_mem>>
      tpu.enqueue_dma source(%arg7 : memref<4096xf32, #tpu.memory_space<hbm>>) target(%arg17 : memref<4096xf32, #tpu.memory_space<vmem>>) target_semaphore(%run_scoped3A : memref<!tpu.dma_semaphore, #tpu.memory_space<semaphore_mem>>)
      tpu.wait_dma2 semaphore(%run_scoped3A : memref<!tpu.dma_semaphore, #tpu.memory_space<semaphore_mem>>) src(%arg7 : memref<4096xf32, #tpu.memory_space<hbm>>) dst(%arg17 : memref<4096xf32, #tpu.memory_space<vmem>>)
      tpu.yield
    }) : () -> ()
    "tpu.region"() ({
      %run_scoped3A = tpu.sem_alloc : memref<!tpu.dma_semaphore, #tpu.memory_space<semaphore_mem>>
      tpu.enqueue_dma source(%arg7 : memref<4096xf32, #tpu.memory_space<hbm>>) target(%arg18 : memref<4096xf32, #tpu.memory_space<vmem>>) target_semaphore(%run_scoped3A : memref<!tpu.dma_semaphore, #tpu.memory_space<semaphore_mem>>)
      tpu.wait_dma2 semaphore(%run_scoped3A : memref<!tpu.dma_semaphore, #tpu.memory_space<semaphore_mem>>) src(%arg7 : memref<4096xf32, #tpu.memory_space<hbm>>) dst(%arg18 : memref<4096xf32, #tpu.memory_space<vmem>>)
      tpu.yield
    }) : () -> ()
    %broadcast_in_dim3A = arith.constant 0.000000e+00 : f32
    %broadcast_in_dim3A_40 = vector.broadcast %broadcast_in_dim3A : f32 to vector<16xf32>
    %swap3A = arith.constant 0 : index
    %swap3A_41 = tpu.vector_load %arg21[%swap3A] {strides = array<i32>} : memref<64xf32, #tpu.memory_space<vmem>>, vector<16xf32>,
    tpu.vector_store %arg21[%swap3A], %broadcast_in_dim3A_40 {strides = array<i32>} : memref<64xf32, #tpu.memory_space<vmem>>, vector<16xf32>,
    %broadcast_in_dim3A_42 = arith.constant 0.000000e+00 : f32
    %broadcast_in_dim3A_43 = vector.broadcast %broadcast_in_dim3A_42 : f32 to vector<16xf32>
    %swap3A_44 = arith.constant 16 : index
    %swap3A_45 = tpu.vector_load %arg21[%swap3A_44] {strides = array<i32>} : memref<64xf32, #tpu.memory_space<vmem>>, vector<16xf32>,
    tpu.vector_store %arg21[%swap3A_44], %broadcast_in_dim3A_43 {strides = array<i32>} : memref<64xf32, #tpu.memory_space<vmem>>, vector<16xf32>,
    %broadcast_in_dim3A_46 = arith.constant 0.000000e+00 : f32
    %broadcast_in_dim3A_47 = vector.broadcast %broadcast_in_dim3A_46 : f32 to vector<16xf32>
    %swap3A_48 = arith.constant 32 : index
    %swap3A_49 = tpu.vector_load %arg21[%swap3A_48] {strides = array<i32>} : memref<64xf32, #tpu.memory_space<vmem>>, vector<16xf32>,
    tpu.vector_store %arg21[%swap3A_48], %broadcast_in_dim3A_47 {strides = array<i32>} : memref<64xf32, #tpu.memory_space<vmem>>, vector<16xf32>,
    %broadcast_in_dim3A_50 = arith.constant 0.000000e+00 : f32
    %broadcast_in_dim3A_51 = vector.broadcast %broadcast_in_dim3A_50 : f32 to vector<16xf32>
    %swap3A_52 = arith.constant 48 : index
    %swap3A_53 = tpu.vector_load %arg21[%swap3A_52] {strides = array<i32>} : memref<64xf32, #tpu.memory_space<vmem>>, vector<16xf32>,
    tpu.vector_store %arg21[%swap3A_52], %broadcast_in_dim3A_51 {strides = array<i32>} : memref<64xf32, #tpu.memory_space<vmem>>, vector<16xf32>,
    %scan3A = arith.constant 0 : i32
    %scan3A_54 = arith.constant 0 : i32
    %scan3A_55 = arith.constant 16 : i32
    %scan3A_56 = arith.addi %scan3A_54, %scan3A_55 : i32
    %scan3A_57 = arith.constant 1 : i32
    %scan3A_58 = scf.for %scan3A_67 = %scan3A_54 to %scan3A_56 step %scan3A_57 iter_args(%scan3A_68 = %scan3A) -> (i32)  : i32 {
      %mul3A_69 = arith.constant 2 : i32
      %mul3A_70 = arith.muli %mul3A_69, %scan3A_67 : i32
      %mul3A_71 = arith.constant 2 : i32
      %mul3A_72 = arith.muli %mul3A_71, %scan3A_67 : i32
      %add3A_73 = arith.constant 1 : i32
      %add3A_74 = arith.addi %mul3A_72, %add3A_73 : i32
      %mul3A_75 = arith.constant 8 : i32
      %mul3A_76 = arith.muli %mul3A_70, %mul3A_75 : i32
      %dma_wait3A = arith.constant 0 : i32
      %dma_wait3A_77 = tpu.memref_slice %arg2[%select_n3A, %mul3A_76, %mul3A_32, %dma_wait3A] : memref<8x256x128x128xf32, #tpu.memory_space<hbm>> -> memref<1x8x32x128xf32, #tpu.memory_space<hbm>>
      %dma_wait3A_78 = tpu.memref_squeeze %dma_wait3A_77 : memref<1x8x32x128xf32, #tpu.memory_space<hbm>> -> memref<8x32x128xf32, #tpu.memory_space<hbm>>
      %dma_wait3A_79 = arith.constant 0 : i32
      %dma_wait3A_80 = tpu.memref_slice %arg2[%select_n3A, %mul3A_76, %mul3A_32, %dma_wait3A_79] : memref<8x256x128x128xf32, #tpu.memory_space<hbm>> -> memref<1x8x32x128xf32, #tpu.memory_space<hbm>>
      %dma_wait3A_81 = tpu.memref_squeeze %dma_wait3A_80 : memref<1x8x32x128xf32, #tpu.memory_space<hbm>> -> memref<8x32x128xf32, #tpu.memory_space<hbm>>
      tpu.wait_dma2 semaphore(%arg22 : memref<!tpu.dma_semaphore, #tpu.memory_space<semaphore_mem>>) src(%dma_wait3A_81 : memref<8x32x128xf32, #tpu.memory_space<hbm>>) dst(%arg13 : memref<8x32x128xf32, #tpu.memory_space<vmem>>)
      %mul3A_82 = arith.constant 8 : i32
      %mul3A_83 = arith.muli %add3A_74, %mul3A_82 : i32
      %dma_start3A_84 = arith.constant 0 : i32
      %dma_start3A_85 = tpu.memref_slice %arg2[%select_n3A, %mul3A_83, %mul3A_32, %dma_start3A_84] : memref<8x256x128x128xf32, #tpu.memory_space<hbm>> -> memref<1x8x32x128xf32, #tpu.memory_space<hbm>>
      %dma_start3A_86 = tpu.memref_squeeze %dma_start3A_85 : memref<1x8x32x128xf32, #tpu.memory_space<hbm>> -> memref<8x32x128xf32, #tpu.memory_space<hbm>>
      %dma_start3A_87 = arith.constant 0 : i32
      %dma_start3A_88 = tpu.memref_slice %arg2[%select_n3A, %mul3A_83, %mul3A_32, %dma_start3A_87] : memref<8x256x128x128xf32, #tpu.memory_space<hbm>> -> memref<1x8x32x128xf32, #tpu.memory_space<hbm>>
      %dma_start3A_89 = tpu.memref_squeeze %dma_start3A_88 : memref<1x8x32x128xf32, #tpu.memory_space<hbm>> -> memref<8x32x128xf32, #tpu.memory_space<hbm>>
      tpu.enqueue_dma source(%dma_start3A_89 : memref<8x32x128xf32, #tpu.memory_space<hbm>>) target(%arg14 : memref<8x32x128xf32, #tpu.memory_space<vmem>>) target_semaphore(%arg23 : memref<!tpu.dma_semaphore, #tpu.memory_space<semaphore_mem>>)
      %scan3A_90 = arith.constant 0 : i32
      %scan3A_91 = arith.constant 0 : i32
      %scan3A_92 = arith.constant 32 : i32
      %scan3A_93 = arith.addi %scan3A_91, %scan3A_92 : i32
      %scan3A_94 = arith.constant 1 : i32
      %scan3A_95 = scf.for %scan3A_116 = %scan3A_91 to %scan3A_93 step %scan3A_94 iter_args(%scan3A_117 = %scan3A_90) -> (i32)  : i32 {
        %mul3A_118 = arith.constant 128 : i32
        %mul3A_119 = arith.muli %scan3A_116, %mul3A_118 : i32
        %add3A_120 = arith.constant 0 : i32
        %add3A_121 = arith.addi %mul3A_119, %add3A_120 : i32
        %get3A = arith.index_cast %scan3A_116 : i32 to index
        %get3A_122 = arith.constant 0 : index
        %get3A_123 = tpu.vector_load %arg11[%get3A, %get3A_122] {strides = array<i32>} : memref<32x128xi32, #tpu.memory_space<vmem>>, vector<16xi32>,
        %get3A_124 = arith.index_cast %add3A_121 : i32 to index
        %get3A_125 = tpu.vector_load %arg17[%get3A_124] {strides = array<i32>} : memref<4096xf32, #tpu.memory_space<vmem>>, vector<16xf32>,
        %get3A_126 = arith.index_cast %add3A_121 : i32 to index
        %get3A_127 = tpu.vector_load %arg18[%get3A_126] {strides = array<i32>} : memref<4096xf32, #tpu.memory_space<vmem>>, vector<16xf32>,
        %get3A_128 = arith.constant 0 : i32
        %get3A_129 = arith.index_cast %get3A_128 : i32 to index
        %get3A_130 = arith.index_cast %scan3A_116 : i32 to index
        %get3A_131 = arith.constant 0 : index
        %get3A_132 = tpu.vector_load %arg13[%get3A_129, %get3A_130, %get3A_131] {strides = array<i32>} : memref<8x32x128xf32, #tpu.memory_space<vmem>>, vector<16xf32>,
        %mul3A_133 = arith.constant 8 : i32
        %mul3A_134 = arith.muli %mul3A_70, %mul3A_133 : i32
        %add3A_135 = arith.constant 0 : i32
        %add3A_136 = arith.addi %mul3A_134, %add3A_135 : i32
        %mul3A_137 = arith.constant 150 : i32
        %mul3A_138 = arith.muli %add3A_136, %mul3A_137 : i32
        %add3A_139 = vector.broadcast %mul3A_138 : i32 to vector<16xi32>
        %add3A_140 = arith.addi %get3A_123, %add3A_139 : vector<16xi32>
        %gather3A = tpu.vector_load_idx %arg15[%add3A_140] : memref<38400xf32, #tpu.memory_space<vmem>>[vector<16xi32>], vector<16xf32>,
        %mul3A_141 = arith.mulf %get3A_132, %get3A_132 : vector<16xf32>
        %add3A_142 = arith.addf %get3A_125, %mul3A_141 : vector<16xf32>
        %mul3A_143 = arith.mulf %get3A_132, %gather3A : vector<16xf32>
        %add3A_144 = arith.addf %get3A_127, %mul3A_143 : vector<16xf32>
        %get3A_145 = arith.constant 1 : i32
        %get3A_146 = arith.index_cast %get3A_145 : i32 to index
        %get3A_147 = arith.index_cast %scan3A_116 : i32 to index
        %get3A_148 = arith.constant 0 : index
        %get3A_149 = tpu.vector_load %arg13[%get3A_146, %get3A_147, %get3A_148] {strides = array<i32>} : memref<8x32x128xf32, #tpu.memory_space<vmem>>, vector<16xf32>,
        %mul3A_150 = arith.constant 8 : i32
        %mul3A_151 = arith.muli %mul3A_70, %mul3A_150 : i32
        %add3A_152 = arith.constant 1 : i32
        %add3A_153 = arith.addi %mul3A_151, %add3A_152 : i32
        %mul3A_154 = arith.constant 150 : i32
        %mul3A_155 = arith.muli %add3A_153, %mul3A_154 : i32
        %add3A_156 = vector.broadcast %mul3A_155 : i32 to vector<16xi32>
        %add3A_157 = arith.addi %get3A_123, %add3A_156 : vector<16xi32>
        %gather3A_158 = tpu.vector_load_idx %arg15[%add3A_157] : memref<38400xf32, #tpu.memory_space<vmem>>[vector<16xi32>], vector<16xf32>,
        %mul3A_159 = arith.mulf %get3A_149, %get3A_149 : vector<16xf32>
        %add3A_160 = arith.addf %add3A_142, %mul3A_159 : vector<16xf32>
        %mul3A_161 = arith.mulf %get3A_149, %gather3A_158 : vector<16xf32>
        %add3A_162 = arith.addf %add3A_144, %mul3A_161 : vector<16xf32>
        %get3A_163 = arith.constant 2 : i32
        %get3A_164 = arith.index_cast %get3A_163 : i32 to index
        %get3A_165 = arith.index_cast %scan3A_116 : i32 to index
        %get3A_166 = arith.constant 0 : index
        %get3A_167 = tpu.vector_load %arg13[%get3A_164, %get3A_165, %get3A_166] {strides = array<i32>} : memref<8x32x128xf32, #tpu.memory_space<vmem>>, vector<16xf32>,
        %mul3A_168 = arith.constant 8 : i32
        %mul3A_169 = arith.muli %mul3A_70, %mul3A_168 : i32
        %add3A_170 = arith.constant 2 : i32
        %add3A_171 = arith.addi %mul3A_169, %add3A_170 : i32
        %mul3A_172 = arith.constant 150 : i32
        %mul3A_173 = arith.muli %add3A_171, %mul3A_172 : i32
        %add3A_174 = vector.broadcast %mul3A_173 : i32 to vector<16xi32>
        %add3A_175 = arith.addi %get3A_123, %add3A_174 : vector<16xi32>
        %gather3A_176 = tpu.vector_load_idx %arg15[%add3A_175] : memref<38400xf32, #tpu.memory_space<vmem>>[vector<16xi32>], vector<16xf32>,
        %mul3A_177 = arith.mulf %get3A_167, %get3A_167 : vector<16xf32>
        %add3A_178 = arith.addf %add3A_160, %mul3A_177 : vector<16xf32>
        %mul3A_179 = arith.mulf %get3A_167, %gather3A_176 : vector<16xf32>
        %add3A_180 = arith.addf %add3A_162, %mul3A_179 : vector<16xf32>
        %get3A_181 = arith.constant 3 : i32
        %get3A_182 = arith.index_cast %get3A_181 : i32 to index
        %get3A_183 = arith.index_cast %scan3A_116 : i32 to index
        %get3A_184 = arith.constant 0 : index
        %get3A_185 = tpu.vector_load %arg13[%get3A_182, %get3A_183, %get3A_184] {strides = array<i32>} : memref<8x32x128xf32, #tpu.memory_space<vmem>>, vector<16xf32>,
        %mul3A_186 = arith.constant 8 : i32
        %mul3A_187 = arith.muli %mul3A_70, %mul3A_186 : i32
        %add3A_188 = arith.constant 3 : i32
        %add3A_189 = arith.addi %mul3A_187, %add3A_188 : i32
        %mul3A_190 = arith.constant 150 : i32
        %mul3A_191 = arith.muli %add3A_189, %mul3A_190 : i32
        %add3A_192 = vector.broadcast %mul3A_191 : i32 to vector<16xi32>
        %add3A_193 = arith.addi %get3A_123, %add3A_192 : vector<16xi32>
        %gather3A_194 = tpu.vector_load_idx %arg15[%add3A_193] : memref<38400xf32, #tpu.memory_space<vmem>>[vector<16xi32>], vector<16xf32>,
        %mul3A_195 = arith.mulf %get3A_185, %get3A_185 : vector<16xf32>
        %add3A_196 = arith.addf %add3A_178, %mul3A_195 : vector<16xf32>
        %mul3A_197 = arith.mulf %get3A_185, %gather3A_194 : vector<16xf32>
        %add3A_198 = arith.addf %add3A_180, %mul3A_197 : vector<16xf32>
        %get3A_199 = arith.constant 4 : i32
        %get3A_200 = arith.index_cast %get3A_199 : i32 to index
        %get3A_201 = arith.index_cast %scan3A_116 : i32 to index
        %get3A_202 = arith.constant 0 : index
        %get3A_203 = tpu.vector_load %arg13[%get3A_200, %get3A_201, %get3A_202] {strides = array<i32>} : memref<8x32x128xf32, #tpu.memory_space<vmem>>, vector<16xf32>,
        %mul3A_204 = arith.constant 8 : i32
        %mul3A_205 = arith.muli %mul3A_70, %mul3A_204 : i32
        %add3A_206 = arith.constant 4 : i32
        %add3A_207 = arith.addi %mul3A_205, %add3A_206 : i32
        %mul3A_208 = arith.constant 150 : i32
        %mul3A_209 = arith.muli %add3A_207, %mul3A_208 : i32
        %add3A_210 = vector.broadcast %mul3A_209 : i32 to vector<16xi32>
        %add3A_211 = arith.addi %get3A_123, %add3A_210 : vector<16xi32>
        %gather3A_212 = tpu.vector_load_idx %arg15[%add3A_211] : memref<38400xf32, #tpu.memory_space<vmem>>[vector<16xi32>], vector<16xf32>,
        %mul3A_213 = arith.mulf %get3A_203, %get3A_203 : vector<16xf32>
        %add3A_214 = arith.addf %add3A_196, %mul3A_213 : vector<16xf32>
        %mul3A_215 = arith.mulf %get3A_203, %gather3A_212 : vector<16xf32>
        %add3A_216 = arith.addf %add3A_198, %mul3A_215 : vector<16xf32>
        %get3A_217 = arith.constant 5 : i32
        %get3A_218 = arith.index_cast %get3A_217 : i32 to index
        %get3A_219 = arith.index_cast %scan3A_116 : i32 to index
        %get3A_220 = arith.constant 0 : index
        %get3A_221 = tpu.vector_load %arg13[%get3A_218, %get3A_219, %get3A_220] {strides = array<i32>} : memref<8x32x128xf32, #tpu.memory_space<vmem>>, vector<16xf32>,
        %mul3A_222 = arith.constant 8 : i32
        %mul3A_223 = arith.muli %mul3A_70, %mul3A_222 : i32
        %add3A_224 = arith.constant 5 : i32
        %add3A_225 = arith.addi %mul3A_223, %add3A_224 : i32
        %mul3A_226 = arith.constant 150 : i32
        %mul3A_227 = arith.muli %add3A_225, %mul3A_226 : i32
        %add3A_228 = vector.broadcast %mul3A_227 : i32 to vector<16xi32>
        %add3A_229 = arith.addi %get3A_123, %add3A_228 : vector<16xi32>
        %gather3A_230 = tpu.vector_load_idx %arg15[%add3A_229] : memref<38400xf32, #tpu.memory_space<vmem>>[vector<16xi32>], vector<16xf32>,
        %mul3A_231 = arith.mulf %get3A_221, %get3A_221 : vector<16xf32>
        %add3A_232 = arith.addf %add3A_214, %mul3A_231 : vector<16xf32>
        %mul3A_233 = arith.mulf %get3A_221, %gather3A_230 : vector<16xf32>
        %add3A_234 = arith.addf %add3A_216, %mul3A_233 : vector<16xf32>
        %get3A_235 = arith.constant 6 : i32
        %get3A_236 = arith.index_cast %get3A_235 : i32 to index
        %get3A_237 = arith.index_cast %scan3A_116 : i32 to index
        %get3A_238 = arith.constant 0 : index
        %get3A_239 = tpu.vector_load %arg13[%get3A_236, %get3A_237, %get3A_238] {strides = array<i32>} : memref<8x32x128xf32, #tpu.memory_space<vmem>>, vector<16xf32>,
        %mul3A_240 = arith.constant 8 : i32
        %mul3A_241 = arith.muli %mul3A_70, %mul3A_240 : i32
        %add3A_242 = arith.constant 6 : i32
        %add3A_243 = arith.addi %mul3A_241, %add3A_242 : i32
        %mul3A_244 = arith.constant 150 : i32
        %mul3A_245 = arith.muli %add3A_243, %mul3A_244 : i32
        %add3A_246 = vector.broadcast %mul3A_245 : i32 to vector<16xi32>
        %add3A_247 = arith.addi %get3A_123, %add3A_246 : vector<16xi32>
        %gather3A_248 = tpu.vector_load_idx %arg15[%add3A_247] : memref<38400xf32, #tpu.memory_space<vmem>>[vector<16xi32>], vector<16xf32>,
        %mul3A_249 = arith.mulf %get3A_239, %get3A_239 : vector<16xf32>
        %add3A_250 = arith.addf %add3A_232, %mul3A_249 : vector<16xf32>
        %mul3A_251 = arith.mulf %get3A_239, %gather3A_248 : vector<16xf32>
        %add3A_252 = arith.addf %add3A_234, %mul3A_251 : vector<16xf32>
        %get3A_253 = arith.constant 7 : i32
        %get3A_254 = arith.index_cast %get3A_253 : i32 to index
        %get3A_255 = arith.index_cast %scan3A_116 : i32 to index
        %get3A_256 = arith.constant 0 : index
        %get3A_257 = tpu.vector_load %arg13[%get3A_254, %get3A_255, %get3A_256] {strides = array<i32>} : memref<8x32x128xf32, #tpu.memory_space<vmem>>, vector<16xf32>,
        %mul3A_258 = arith.constant 8 : i32
        %mul3A_259 = arith.muli %mul3A_70, %mul3A_258 : i32
        %add3A_260 = arith.constant 7 : i32
        %add3A_261 = arith.addi %mul3A_259, %add3A_260 : i32
        %mul3A_262 = arith.constant 150 : i32
        %mul3A_263 = arith.muli %add3A_261, %mul3A_262 : i32
        %add3A_264 = vector.broadcast %mul3A_263 : i32 to vector<16xi32>
        %add3A_265 = arith.addi %get3A_123, %add3A_264 : vector<16xi32>
        %gather3A_266 = tpu.vector_load_idx %arg15[%add3A_265] : memref<38400xf32, #tpu.memory_space<vmem>>[vector<16xi32>], vector<16xf32>,
        %mul3A_267 = arith.mulf %get3A_257, %get3A_257 : vector<16xf32>
        %add3A_268 = arith.addf %add3A_250, %mul3A_267 : vector<16xf32>
        %mul3A_269 = arith.mulf %get3A_257, %gather3A_266 : vector<16xf32>
        %add3A_270 = arith.addf %add3A_252, %mul3A_269 : vector<16xf32>
        %swap3A_271 = arith.index_cast %add3A_121 : i32 to index
        %swap3A_272 = tpu.vector_load %arg17[%swap3A_271] {strides = array<i32>} : memref<4096xf32, #tpu.memory_space<vmem>>, vector<16xf32>,
        tpu.vector_store %arg17[%swap3A_271], %add3A_268 {strides = array<i32>} : memref<4096xf32, #tpu.memory_space<vmem>>, vector<16xf32>,
        %swap3A_273 = arith.index_cast %add3A_121 : i32 to index
        %swap3A_274 = tpu.vector_load %arg18[%swap3A_273] {strides = array<i32>} : memref<4096xf32, #tpu.memory_space<vmem>>, vector<16xf32>,
        tpu.vector_store %arg18[%swap3A_273], %add3A_270 {strides = array<i32>} : memref<4096xf32, #tpu.memory_space<vmem>>, vector<16xf32>,
        %mul3A_275 = arith.constant 128 : i32
        %mul3A_276 = arith.muli %scan3A_116, %mul3A_275 : i32
        %add3A_277 = arith.constant 16 : i32
        %add3A_278 = arith.addi %mul3A_276, %add3A_277 : i32
        %get3A_279 = arith.index_cast %scan3A_116 : i32 to index
        %get3A_280 = arith.constant 16 : index
        %get3A_281 = tpu.vector_load %arg11[%get3A_279, %get3A_280] {strides = array<i32>} : memref<32x128xi32, #tpu.memory_space<vmem>>, vector<16xi32>,
        %get3A_282 = arith.index_cast %add3A_278 : i32 to index
        %get3A_283 = tpu.vector_load %arg17[%get3A_282] {strides = array<i32>} : memref<4096xf32, #tpu.memory_space<vmem>>, vector<16xf32>,
        %get3A_284 = arith.index_cast %add3A_278 : i32 to index
        %get3A_285 = tpu.vector_load %arg18[%get3A_284] {strides = array<i32>} : memref<4096xf32, #tpu.memory_space<vmem>>, vector<16xf32>,
        %get3A_286 = arith.constant 0 : i32
        %get3A_287 = arith.index_cast %get3A_286 : i32 to index
        %get3A_288 = arith.index_cast %scan3A_116 : i32 to index
        %get3A_289 = arith.constant 16 : index
        %get3A_290 = tpu.vector_load %arg13[%get3A_287, %get3A_288, %get3A_289] {strides = array<i32>} : memref<8x32x128xf32, #tpu.memory_space<vmem>>, vector<16xf32>,
        %mul3A_291 = arith.constant 8 : i32
        %mul3A_292 = arith.muli %mul3A_70, %mul3A_291 : i32
        %add3A_293 = arith.constant 0 : i32
        %add3A_294 = arith.addi %mul3A_292, %add3A_293 : i32
        %mul3A_295 = arith.constant 150 : i32
        %mul3A_296 = arith.muli %add3A_294, %mul3A_295 : i32
        %add3A_297 = vector.broadcast %mul3A_296 : i32 to vector<16xi32>
        %add3A_298 = arith.addi %get3A_281, %add3A_297 : vector<16xi32>
        %gather3A_299 = tpu.vector_load_idx %arg15[%add3A_298] : memref<38400xf32, #tpu.memory_space<vmem>>[vector<16xi32>], vector<16xf32>,
        %mul3A_300 = arith.mulf %get3A_290, %get3A_290 : vector<16xf32>
        %add3A_301 = arith.addf %get3A_283, %mul3A_300 : vector<16xf32>
        %mul3A_302 = arith.mulf %get3A_290, %gather3A_299 : vector<16xf32>
        %add3A_303 = arith.addf %get3A_285, %mul3A_302 : vector<16xf32>
        %get3A_304 = arith.constant 1 : i32
        %get3A_305 = arith.index_cast %get3A_304 : i32 to index
        %get3A_306 = arith.index_cast %scan3A_116 : i32 to index
        %get3A_307 = arith.constant 16 : index
        %get3A_308 = tpu.vector_load %arg13[%get3A_305, %get3A_306, %get3A_307] {strides = array<i32>} : memref<8x32x128xf32, #tpu.memory_space<vmem>>, vector<16xf32>,
        %mul3A_309 = arith.constant 8 : i32
        %mul3A_310 = arith.muli %mul3A_70, %mul3A_309 : i32
        %add3A_311 = arith.constant 1 : i32
        %add3A_312 = arith.addi %mul3A_310, %add3A_311 : i32
        %mul3A_313 = arith.constant 150 : i32
        %mul3A_314 = arith.muli %add3A_312, %mul3A_313 : i32
        %add3A_315 = vector.broadcast %mul3A_314 : i32 to vector<16xi32>
        %add3A_316 = arith.addi %get3A_281, %add3A_315 : vector<16xi32>
        %gather3A_317 = tpu.vector_load_idx %arg15[%add3A_316] : memref<38400xf32, #tpu.memory_space<vmem>>[vector<16xi32>], vector<16xf32>,
        %mul3A_318 = arith.mulf %get3A_308, %get3A_308 : vector<16xf32>
        %add3A_319 = arith.addf %add3A_301, %mul3A_318 : vector<16xf32>
        %mul3A_320 = arith.mulf %get3A_308, %gather3A_317 : vector<16xf32>
        %add3A_321 = arith.addf %add3A_303, %mul3A_320 : vector<16xf32>
        %get3A_322 = arith.constant 2 : i32
        %get3A_323 = arith.index_cast %get3A_322 : i32 to index
        %get3A_324 = arith.index_cast %scan3A_116 : i32 to index
        %get3A_325 = arith.constant 16 : index
        %get3A_326 = tpu.vector_load %arg13[%get3A_323, %get3A_324, %get3A_325] {strides = array<i32>} : memref<8x32x128xf32, #tpu.memory_space<vmem>>, vector<16xf32>,
        %mul3A_327 = arith.constant 8 : i32
        %mul3A_328 = arith.muli %mul3A_70, %mul3A_327 : i32
        %add3A_329 = arith.constant 2 : i32
        %add3A_330 = arith.addi %mul3A_328, %add3A_329 : i32
        %mul3A_331 = arith.constant 150 : i32
        %mul3A_332 = arith.muli %add3A_330, %mul3A_331 : i32
        %add3A_333 = vector.broadcast %mul3A_332 : i32 to vector<16xi32>
        %add3A_334 = arith.addi %get3A_281, %add3A_333 : vector<16xi32>
        %gather3A_335 = tpu.vector_load_idx %arg15[%add3A_334] : memref<38400xf32, #tpu.memory_space<vmem>>[vector<16xi32>], vector<16xf32>,
        %mul3A_336 = arith.mulf %get3A_326, %get3A_326 : vector<16xf32>
        %add3A_337 = arith.addf %add3A_319, %mul3A_336 : vector<16xf32>
        %mul3A_338 = arith.mulf %get3A_326, %gather3A_335 : vector<16xf32>
        %add3A_339 = arith.addf %add3A_321, %mul3A_338 : vector<16xf32>
        %get3A_340 = arith.constant 3 : i32
        %get3A_341 = arith.index_cast %get3A_340 : i32 to index
        %get3A_342 = arith.index_cast %scan3A_116 : i32 to index
        %get3A_343 = arith.constant 16 : index
        %get3A_344 = tpu.vector_load %arg13[%get3A_341, %get3A_342, %get3A_343] {strides = array<i32>} : memref<8x32x128xf32, #tpu.memory_space<vmem>>, vector<16xf32>,
        %mul3A_345 = arith.constant 8 : i32
        %mul3A_346 = arith.muli %mul3A_70, %mul3A_345 : i32
        %add3A_347 = arith.constant 3 : i32
        %add3A_348 = arith.addi %mul3A_346, %add3A_347 : i32
        %mul3A_349 = arith.constant 150 : i32
        %mul3A_350 = arith.muli %add3A_348, %mul3A_349 : i32
        %add3A_351 = vector.broadcast %mul3A_350 : i32 to vector<16xi32>
        %add3A_352 = arith.addi %get3A_281, %add3A_351 : vector<16xi32>
        %gather3A_353 = tpu.vector_load_idx %arg15[%add3A_352] : memref<38400xf32, #tpu.memory_space<vmem>>[vector<16xi32>], vector<16xf32>,
        %mul3A_354 = arith.mulf %get3A_344, %get3A_344 : vector<16xf32>
        %add3A_355 = arith.addf %add3A_337, %mul3A_354 : vector<16xf32>
        %mul3A_356 = arith.mulf %get3A_344, %gather3A_353 : vector<16xf32>
        %add3A_357 = arith.addf %add3A_339, %mul3A_356 : vector<16xf32>
        %get3A_358 = arith.constant 4 : i32
        %get3A_359 = arith.index_cast %get3A_358 : i32 to index
        %get3A_360 = arith.index_cast %scan3A_116 : i32 to index
        %get3A_361 = arith.constant 16 : index
        %get3A_362 = tpu.vector_load %arg13[%get3A_359, %get3A_360, %get3A_361] {strides = array<i32>} : memref<8x32x128xf32, #tpu.memory_space<vmem>>, vector<16xf32>,
        %mul3A_363 = arith.constant 8 : i32
        %mul3A_364 = arith.muli %mul3A_70, %mul3A_363 : i32
        %add3A_365 = arith.constant 4 : i32
        %add3A_366 = arith.addi %mul3A_364, %add3A_365 : i32
        %mul3A_367 = arith.constant 150 : i32
        %mul3A_368 = arith.muli %add3A_366, %mul3A_367 : i32
        %add3A_369 = vector.broadcast %mul3A_368 : i32 to vector<16xi32>
        %add3A_370 = arith.addi %get3A_281, %add3A_369 : vector<16xi32>
        %gather3A_371 = tpu.vector_load_idx %arg15[%add3A_370] : memref<38400xf32, #tpu.memory_space<vmem>>[vector<16xi32>], vector<16xf32>,
        %mul3A_372 = arith.mulf %get3A_362, %get3A_362 : vector<16xf32>
        %add3A_373 = arith.addf %add3A_355, %mul3A_372 : vector<16xf32>
        %mul3A_374 = arith.mulf %get3A_362, %gather3A_371 : vector<16xf32>
        %add3A_375 = arith.addf %add3A_357, %mul3A_374 : vector<16xf32>
        %get3A_376 = arith.constant 5 : i32
        %get3A_377 = arith.index_cast %get3A_376 : i32 to index
        %get3A_378 = arith.index_cast %scan3A_116 : i32 to index
        %get3A_379 = arith.constant 16 : index
        %get3A_380 = tpu.vector_load %arg13[%get3A_377, %get3A_378, %get3A_379] {strides = array<i32>} : memref<8x32x128xf32, #tpu.memory_space<vmem>>, vector<16xf32>,
        %mul3A_381 = arith.constant 8 : i32
        %mul3A_382 = arith.muli %mul3A_70, %mul3A_381 : i32
        %add3A_383 = arith.constant 5 : i32
        %add3A_384 = arith.addi %mul3A_382, %add3A_383 : i32
        %mul3A_385 = arith.constant 150 : i32
        %mul3A_386 = arith.muli %add3A_384, %mul3A_385 : i32
        %add3A_387 = vector.broadcast %mul3A_386 : i32 to vector<16xi32>
        %add3A_388 = arith.addi %get3A_281, %add3A_387 : vector<16xi32>
        %gather3A_389 = tpu.vector_load_idx %arg15[%add3A_388] : memref<38400xf32, #tpu.memory_space<vmem>>[vector<16xi32>], vector<16xf32>,
        %mul3A_390 = arith.mulf %get3A_380, %get3A_380 : vector<16xf32>
        %add3A_391 = arith.addf %add3A_373, %mul3A_390 : vector<16xf32>
        %mul3A_392 = arith.mulf %get3A_380, %gather3A_389 : vector<16xf32>
        %add3A_393 = arith.addf %add3A_375, %mul3A_392 : vector<16xf32>
        %get3A_394 = arith.constant 6 : i32
        %get3A_395 = arith.index_cast %get3A_394 : i32 to index
        %get3A_396 = arith.index_cast %scan3A_116 : i32 to index
        %get3A_397 = arith.constant 16 : index
        %get3A_398 = tpu.vector_load %arg13[%get3A_395, %get3A_396, %get3A_397] {strides = array<i32>} : memref<8x32x128xf32, #tpu.memory_space<vmem>>, vector<16xf32>,
        %mul3A_399 = arith.constant 8 : i32
        %mul3A_400 = arith.muli %mul3A_70, %mul3A_399 : i32
        %add3A_401 = arith.constant 6 : i32
        %add3A_402 = arith.addi %mul3A_400, %add3A_401 : i32
        %mul3A_403 = arith.constant 150 : i32
        %mul3A_404 = arith.muli %add3A_402, %mul3A_403 : i32
        %add3A_405 = vector.broadcast %mul3A_404 : i32 to vector<16xi32>
        %add3A_406 = arith.addi %get3A_281, %add3A_405 : vector<16xi32>
        %gather3A_407 = tpu.vector_load_idx %arg15[%add3A_406] : memref<38400xf32, #tpu.memory_space<vmem>>[vector<16xi32>], vector<16xf32>,
        %mul3A_408 = arith.mulf %get3A_398, %get3A_398 : vector<16xf32>
        %add3A_409 = arith.addf %add3A_391, %mul3A_408 : vector<16xf32>
        %mul3A_410 = arith.mulf %get3A_398, %gather3A_407 : vector<16xf32>
        %add3A_411 = arith.addf %add3A_393, %mul3A_410 : vector<16xf32>
        %get3A_412 = arith.constant 7 : i32
        %get3A_413 = arith.index_cast %get3A_412 : i32 to index
        %get3A_414 = arith.index_cast %scan3A_116 : i32 to index
        %get3A_415 = arith.constant 16 : index
        %get3A_416 = tpu.vector_load %arg13[%get3A_413, %get3A_414, %get3A_415] {strides = array<i32>} : memref<8x32x128xf32, #tpu.memory_space<vmem>>, vector<16xf32>,
        %mul3A_417 = arith.constant 8 : i32
        %mul3A_418 = arith.muli %mul3A_70, %mul3A_417 : i32
        %add3A_419 = arith.constant 7 : i32
        %add3A_420 = arith.addi %mul3A_418, %add3A_419 : i32
        %mul3A_421 = arith.constant 150 : i32
        %mul3A_422 = arith.muli %add3A_420, %mul3A_421 : i32
        %add3A_423 = vector.broadcast %mul3A_422 : i32 to vector<16xi32>
        %add3A_424 = arith.addi %get3A_281, %add3A_423 : vector<16xi32>
        %gather3A_425 = tpu.vector_load_idx %arg15[%add3A_424] : memref<38400xf32, #tpu.memory_space<vmem>>[vector<16xi32>], vector<16xf32>,
        %mul3A_426 = arith.mulf %get3A_416, %get3A_416 : vector<16xf32>
        %add3A_427 = arith.addf %add3A_409, %mul3A_426 : vector<16xf32>
        %mul3A_428 = arith.mulf %get3A_416, %gather3A_425 : vector<16xf32>
        %add3A_429 = arith.addf %add3A_411, %mul3A_428 : vector<16xf32>
        %swap3A_430 = arith.index_cast %add3A_278 : i32 to index
        %swap3A_431 = tpu.vector_load %arg17[%swap3A_430] {strides = array<i32>} : memref<4096xf32, #tpu.memory_space<vmem>>, vector<16xf32>,
        tpu.vector_store %arg17[%swap3A_430], %add3A_427 {strides = array<i32>} : memref<4096xf32, #tpu.memory_space<vmem>>, vector<16xf32>,
        %swap3A_432 = arith.index_cast %add3A_278 : i32 to index
        %swap3A_433 = tpu.vector_load %arg18[%swap3A_432] {strides = array<i32>} : memref<4096xf32, #tpu.memory_space<vmem>>, vector<16xf32>,
        tpu.vector_store %arg18[%swap3A_432], %add3A_429 {strides = array<i32>} : memref<4096xf32, #tpu.memory_space<vmem>>, vector<16xf32>,
        %mul3A_434 = arith.constant 128 : i32
        %mul3A_435 = arith.muli %scan3A_116, %mul3A_434 : i32
        %add3A_436 = arith.constant 32 : i32
        %add3A_437 = arith.addi %mul3A_435, %add3A_436 : i32
        %get3A_438 = arith.index_cast %scan3A_116 : i32 to index
        %get3A_439 = arith.constant 32 : index
        %get3A_440 = tpu.vector_load %arg11[%get3A_438, %get3A_439] {strides = array<i32>} : memref<32x128xi32, #tpu.memory_space<vmem>>, vector<16xi32>,
        %get3A_441 = arith.index_cast %add3A_437 : i32 to index
        %get3A_442 = tpu.vector_load %arg17[%get3A_441] {strides = array<i32>} : memref<4096xf32, #tpu.memory_space<vmem>>, vector<16xf32>,
        %get3A_443 = arith.index_cast %add3A_437 : i32 to index
        %get3A_444 = tpu.vector_load %arg18[%get3A_443] {strides = array<i32>} : memref<4096xf32, #tpu.memory_space<vmem>>, vector<16xf32>,
        %get3A_445 = arith.constant 0 : i32
        %get3A_446 = arith.index_cast %get3A_445 : i32 to index
        %get3A_447 = arith.index_cast %scan3A_116 : i32 to index
        %get3A_448 = arith.constant 32 : index
        %get3A_449 = tpu.vector_load %arg13[%get3A_446, %get3A_447, %get3A_448] {strides = array<i32>} : memref<8x32x128xf32, #tpu.memory_space<vmem>>, vector<16xf32>,
        %mul3A_450 = arith.constant 8 : i32
        %mul3A_451 = arith.muli %mul3A_70, %mul3A_450 : i32
        %add3A_452 = arith.constant 0 : i32
        %add3A_453 = arith.addi %mul3A_451, %add3A_452 : i32
        %mul3A_454 = arith.constant 150 : i32
        %mul3A_455 = arith.muli %add3A_453, %mul3A_454 : i32
        %add3A_456 = vector.broadcast %mul3A_455 : i32 to vector<16xi32>
        %add3A_457 = arith.addi %get3A_440, %add3A_456 : vector<16xi32>
        %gather3A_458 = tpu.vector_load_idx %arg15[%add3A_457] : memref<38400xf32, #tpu.memory_space<vmem>>[vector<16xi32>], vector<16xf32>,
        %mul3A_459 = arith.mulf %get3A_449, %get3A_449 : vector<16xf32>
        %add3A_460 = arith.addf %get3A_442, %mul3A_459 : vector<16xf32>
        %mul3A_461 = arith.mulf %get3A_449, %gather3A_458 : vector<16xf32>
        %add3A_462 = arith.addf %get3A_444, %mul3A_461 : vector<16xf32>
        %get3A_463 = arith.constant 1 : i32
        %get3A_464 = arith.index_cast %get3A_463 : i32 to index
        %get3A_465 = arith.index_cast %scan3A_116 : i32 to index
        %get3A_466 = arith.constant 32 : index
        %get3A_467 = tpu.vector_load %arg13[%get3A_464, %get3A_465, %get3A_466] {strides = array<i32>} : memref<8x32x128xf32, #tpu.memory_space<vmem>>, vector<16xf32>,
        %mul3A_468 = arith.constant 8 : i32
        %mul3A_469 = arith.muli %mul3A_70, %mul3A_468 : i32
        %add3A_470 = arith.constant 1 : i32
        %add3A_471 = arith.addi %mul3A_469, %add3A_470 : i32
        %mul3A_472 = arith.constant 150 : i32
        %mul3A_473 = arith.muli %add3A_471, %mul3A_472 : i32
        %add3A_474 = vector.broadcast %mul3A_473 : i32 to vector<16xi32>
        %add3A_475 = arith.addi %get3A_440, %add3A_474 : vector<16xi32>
        %gather3A_476 = tpu.vector_load_idx %arg15[%add3A_475] : memref<38400xf32, #tpu.memory_space<vmem>>[vector<16xi32>], vector<16xf32>,
        %mul3A_477 = arith.mulf %get3A_467, %get3A_467 : vector<16xf32>
        %add3A_478 = arith.addf %add3A_460, %mul3A_477 : vector<16xf32>
        %mul3A_479 = arith.mulf %get3A_467, %gather3A_476 : vector<16xf32>
        %add3A_480 = arith.addf %add3A_462, %mul3A_479 : vector<16xf32>
        %get3A_481 = arith.constant 2 : i32
        %get3A_482 = arith.index_cast %get3A_481 : i32 to index
        %get3A_483 = arith.index_cast %scan3A_116 : i32 to index
        %get3A_484 = arith.constant 32 : index
        %get3A_485 = tpu.vector_load %arg13[%get3A_482, %get3A_483, %get3A_484] {strides = array<i32>} : memref<8x32x128xf32, #tpu.memory_space<vmem>>, vector<16xf32>,
        %mul3A_486 = arith.constant 8 : i32
        %mul3A_487 = arith.muli %mul3A_70, %mul3A_486 : i32
        %add3A_488 = arith.constant 2 : i32
        %add3A_489 = arith.addi %mul3A_487, %add3A_488 : i32
        %mul3A_490 = arith.constant 150 : i32
        %mul3A_491 = arith.muli %add3A_489, %mul3A_490 : i32
        %add3A_492 = vector.broadcast %mul3A_491 : i32 to vector<16xi32>
        %add3A_493 = arith.addi %get3A_440, %add3A_492 : vector<16xi32>
        %gather3A_494 = tpu.vector_load_idx %arg15[%add3A_493] : memref<38400xf32, #tpu.memory_space<vmem>>[vector<16xi32>], vector<16xf32>,
        %mul3A_495 = arith.mulf %get3A_485, %get3A_485 : vector<16xf32>
        %add3A_496 = arith.addf %add3A_478, %mul3A_495 : vector<16xf32>
        %mul3A_497 = arith.mulf %get3A_485, %gather3A_494 : vector<16xf32>
        %add3A_498 = arith.addf %add3A_480, %mul3A_497 : vector<16xf32>
        %get3A_499 = arith.constant 3 : i32
        %get3A_500 = arith.index_cast %get3A_499 : i32 to index
        %get3A_501 = arith.index_cast %scan3A_116 : i32 to index
        %get3A_502 = arith.constant 32 : index
        %get3A_503 = tpu.vector_load %arg13[%get3A_500, %get3A_501, %get3A_502] {strides = array<i32>} : memref<8x32x128xf32, #tpu.memory_space<vmem>>, vector<16xf32>,
        %mul3A_504 = arith.constant 8 : i32
        %mul3A_505 = arith.muli %mul3A_70, %mul3A_504 : i32
        %add3A_506 = arith.constant 3 : i32
        %add3A_507 = arith.addi %mul3A_505, %add3A_506 : i32
        %mul3A_508 = arith.constant 150 : i32
        %mul3A_509 = arith.muli %add3A_507, %mul3A_508 : i32
        %add3A_510 = vector.broadcast %mul3A_509 : i32 to vector<16xi32>
        %add3A_511 = arith.addi %get3A_440, %add3A_510 : vector<16xi32>
        %gather3A_512 = tpu.vector_load_idx %arg15[%add3A_511] : memref<38400xf32, #tpu.memory_space<vmem>>[vector<16xi32>], vector<16xf32>,
        %mul3A_513 = arith.mulf %get3A_503, %get3A_503 : vector<16xf32>
        %add3A_514 = arith.addf %add3A_496, %mul3A_513 : vector<16xf32>
        %mul3A_515 = arith.mulf %get3A_503, %gather3A_512 : vector<16xf32>
        %add3A_516 = arith.addf %add3A_498, %mul3A_515 : vector<16xf32>
        %get3A_517 = arith.constant 4 : i32
        %get3A_518 = arith.index_cast %get3A_517 : i32 to index
        %get3A_519 = arith.index_cast %scan3A_116 : i32 to index
        %get3A_520 = arith.constant 32 : index
        %get3A_521 = tpu.vector_load %arg13[%get3A_518, %get3A_519, %get3A_520] {strides = array<i32>} : memref<8x32x128xf32, #tpu.memory_space<vmem>>, vector<16xf32>,
        %mul3A_522 = arith.constant 8 : i32
        %mul3A_523 = arith.muli %mul3A_70, %mul3A_522 : i32
        %add3A_524 = arith.constant 4 : i32
        %add3A_525 = arith.addi %mul3A_523, %add3A_524 : i32
        %mul3A_526 = arith.constant 150 : i32
        %mul3A_527 = arith.muli %add3A_525, %mul3A_526 : i32
        %add3A_528 = vector.broadcast %mul3A_527 : i32 to vector<16xi32>
        %add3A_529 = arith.addi %get3A_440, %add3A_528 : vector<16xi32>
        %gather3A_530 = tpu.vector_load_idx %arg15[%add3A_529] : memref<38400xf32, #tpu.memory_space<vmem>>[vector<16xi32>], vector<16xf32>,
        %mul3A_531 = arith.mulf %get3A_521, %get3A_521 : vector<16xf32>
        %add3A_532 = arith.addf %add3A_514, %mul3A_531 : vector<16xf32>
        %mul3A_533 = arith.mulf %get3A_521, %gather3A_530 : vector<16xf32>
        %add3A_534 = arith.addf %add3A_516, %mul3A_533 : vector<16xf32>
        %get3A_535 = arith.constant 5 : i32
        %get3A_536 = arith.index_cast %get3A_535 : i32 to index
        %get3A_537 = arith.index_cast %scan3A_116 : i32 to index
        %get3A_538 = arith.constant 32 : index
        %get3A_539 = tpu.vector_load %arg13[%get3A_536, %get3A_537, %get3A_538] {strides = array<i32>} : memref<8x32x128xf32, #tpu.memory_space<vmem>>, vector<16xf32>,
        %mul3A_540 = arith.constant 8 : i32
        %mul3A_541 = arith.muli %mul3A_70, %mul3A_540 : i32
        %add3A_542 = arith.constant 5 : i32
        %add3A_543 = arith.addi %mul3A_541, %add3A_542 : i32
        %mul3A_544 = arith.constant 150 : i32
        %mul3A_545 = arith.muli %add3A_543, %mul3A_544 : i32
        %add3A_546 = vector.broadcast %mul3A_545 : i32 to vector<16xi32>
        %add3A_547 = arith.addi %get3A_440, %add3A_546 : vector<16xi32>
        %gather3A_548 = tpu.vector_load_idx %arg15[%add3A_547] : memref<38400xf32, #tpu.memory_space<vmem>>[vector<16xi32>], vector<16xf32>,
        %mul3A_549 = arith.mulf %get3A_539, %get3A_539 : vector<16xf32>
        %add3A_550 = arith.addf %add3A_532, %mul3A_549 : vector<16xf32>
        %mul3A_551 = arith.mulf %get3A_539, %gather3A_548 : vector<16xf32>
        %add3A_552 = arith.addf %add3A_534, %mul3A_551 : vector<16xf32>
        %get3A_553 = arith.constant 6 : i32
        %get3A_554 = arith.index_cast %get3A_553 : i32 to index
        %get3A_555 = arith.index_cast %scan3A_116 : i32 to index
        %get3A_556 = arith.constant 32 : index
        %get3A_557 = tpu.vector_load %arg13[%get3A_554, %get3A_555, %get3A_556] {strides = array<i32>} : memref<8x32x128xf32, #tpu.memory_space<vmem>>, vector<16xf32>,
        %mul3A_558 = arith.constant 8 : i32
        %mul3A_559 = arith.muli %mul3A_70, %mul3A_558 : i32
        %add3A_560 = arith.constant 6 : i32
        %add3A_561 = arith.addi %mul3A_559, %add3A_560 : i32
        %mul3A_562 = arith.constant 150 : i32
        %mul3A_563 = arith.muli %add3A_561, %mul3A_562 : i32
        %add3A_564 = vector.broadcast %mul3A_563 : i32 to vector<16xi32>
        %add3A_565 = arith.addi %get3A_440, %add3A_564 : vector<16xi32>
        %gather3A_566 = tpu.vector_load_idx %arg15[%add3A_565] : memref<38400xf32, #tpu.memory_space<vmem>>[vector<16xi32>], vector<16xf32>,
        %mul3A_567 = arith.mulf %get3A_557, %get3A_557 : vector<16xf32>
        %add3A_568 = arith.addf %add3A_550, %mul3A_567 : vector<16xf32>
        %mul3A_569 = arith.mulf %get3A_557, %gather3A_566 : vector<16xf32>
        %add3A_570 = arith.addf %add3A_552, %mul3A_569 : vector<16xf32>
        %get3A_571 = arith.constant 7 : i32
        %get3A_572 = arith.index_cast %get3A_571 : i32 to index
        %get3A_573 = arith.index_cast %scan3A_116 : i32 to index
        %get3A_574 = arith.constant 32 : index
        %get3A_575 = tpu.vector_load %arg13[%get3A_572, %get3A_573, %get3A_574] {strides = array<i32>} : memref<8x32x128xf32, #tpu.memory_space<vmem>>, vector<16xf32>,
        %mul3A_576 = arith.constant 8 : i32
        %mul3A_577 = arith.muli %mul3A_70, %mul3A_576 : i32
        %add3A_578 = arith.constant 7 : i32
        %add3A_579 = arith.addi %mul3A_577, %add3A_578 : i32
        %mul3A_580 = arith.constant 150 : i32
        %mul3A_581 = arith.muli %add3A_579, %mul3A_580 : i32
        %add3A_582 = vector.broadcast %mul3A_581 : i32 to vector<16xi32>
        %add3A_583 = arith.addi %get3A_440, %add3A_582 : vector<16xi32>
        %gather3A_584 = tpu.vector_load_idx %arg15[%add3A_583] : memref<38400xf32, #tpu.memory_space<vmem>>[vector<16xi32>], vector<16xf32>,
        %mul3A_585 = arith.mulf %get3A_575, %get3A_575 : vector<16xf32>
        %add3A_586 = arith.addf %add3A_568, %mul3A_585 : vector<16xf32>
        %mul3A_587 = arith.mulf %get3A_575, %gather3A_584 : vector<16xf32>
        %add3A_588 = arith.addf %add3A_570, %mul3A_587 : vector<16xf32>
        %swap3A_589 = arith.index_cast %add3A_437 : i32 to index
        %swap3A_590 = tpu.vector_load %arg17[%swap3A_589] {strides = array<i32>} : memref<4096xf32, #tpu.memory_space<vmem>>, vector<16xf32>,
        tpu.vector_store %arg17[%swap3A_589], %add3A_586 {strides = array<i32>} : memref<4096xf32, #tpu.memory_space<vmem>>, vector<16xf32>,
        %swap3A_591 = arith.index_cast %add3A_437 : i32 to index
        %swap3A_592 = tpu.vector_load %arg18[%swap3A_591] {strides = array<i32>} : memref<4096xf32, #tpu.memory_space<vmem>>, vector<16xf32>,
        tpu.vector_store %arg18[%swap3A_591], %add3A_588 {strides = array<i32>} : memref<4096xf32, #tpu.memory_space<vmem>>, vector<16xf32>,
        %mul3A_593 = arith.constant 128 : i32
        %mul3A_594 = arith.muli %scan3A_116, %mul3A_593 : i32
        %add3A_595 = arith.constant 48 : i32
        %add3A_596 = arith.addi %mul3A_594, %add3A_595 : i32
        %get3A_597 = arith.index_cast %scan3A_116 : i32 to index
        %get3A_598 = arith.constant 48 : index
        %get3A_599 = tpu.vector_load %arg11[%get3A_597, %get3A_598] {strides = array<i32>} : memref<32x128xi32, #tpu.memory_space<vmem>>, vector<16xi32>,
        %get3A_600 = arith.index_cast %add3A_596 : i32 to index
        %get3A_601 = tpu.vector_load %arg17[%get3A_600] {strides = array<i32>} : memref<4096xf32, #tpu.memory_space<vmem>>, vector<16xf32>,
        %get3A_602 = arith.index_cast %add3A_596 : i32 to index
        %get3A_603 = tpu.vector_load %arg18[%get3A_602] {strides = array<i32>} : memref<4096xf32, #tpu.memory_space<vmem>>, vector<16xf32>,
        %get3A_604 = arith.constant 0 : i32
        %get3A_605 = arith.index_cast %get3A_604 : i32 to index
        %get3A_606 = arith.index_cast %scan3A_116 : i32 to index
        %get3A_607 = arith.constant 48 : index
        %get3A_608 = tpu.vector_load %arg13[%get3A_605, %get3A_606, %get3A_607] {strides = array<i32>} : memref<8x32x128xf32, #tpu.memory_space<vmem>>, vector<16xf32>,
        %mul3A_609 = arith.constant 8 : i32
        %mul3A_610 = arith.muli %mul3A_70, %mul3A_609 : i32
        %add3A_611 = arith.constant 0 : i32
        %add3A_612 = arith.addi %mul3A_610, %add3A_611 : i32
        %mul3A_613 = arith.constant 150 : i32
        %mul3A_614 = arith.muli %add3A_612, %mul3A_613 : i32
        %add3A_615 = vector.broadcast %mul3A_614 : i32 to vector<16xi32>
        %add3A_616 = arith.addi %get3A_599, %add3A_615 : vector<16xi32>
        %gather3A_617 = tpu.vector_load_idx %arg15[%add3A_616] : memref<38400xf32, #tpu.memory_space<vmem>>[vector<16xi32>], vector<16xf32>,
        %mul3A_618 = arith.mulf %get3A_608, %get3A_608 : vector<16xf32>
        %add3A_619 = arith.addf %get3A_601, %mul3A_618 : vector<16xf32>
        %mul3A_620 = arith.mulf %get3A_608, %gather3A_617 : vector<16xf32>
        %add3A_621 = arith.addf %get3A_603, %mul3A_620 : vector<16xf32>
        %get3A_622 = arith.constant 1 : i32
        %get3A_623 = arith.index_cast %get3A_622 : i32 to index
        %get3A_624 = arith.index_cast %scan3A_116 : i32 to index
        %get3A_625 = arith.constant 48 : index
        %get3A_626 = tpu.vector_load %arg13[%get3A_623, %get3A_624, %get3A_625] {strides = array<i32>} : memref<8x32x128xf32, #tpu.memory_space<vmem>>, vector<16xf32>,
        %mul3A_627 = arith.constant 8 : i32
        %mul3A_628 = arith.muli %mul3A_70, %mul3A_627 : i32
        %add3A_629 = arith.constant 1 : i32
        %add3A_630 = arith.addi %mul3A_628, %add3A_629 : i32
        %mul3A_631 = arith.constant 150 : i32
        %mul3A_632 = arith.muli %add3A_630, %mul3A_631 : i32
        %add3A_633 = vector.broadcast %mul3A_632 : i32 to vector<16xi32>
        %add3A_634 = arith.addi %get3A_599, %add3A_633 : vector<16xi32>
        %gather3A_635 = tpu.vector_load_idx %arg15[%add3A_634] : memref<38400xf32, #tpu.memory_space<vmem>>[vector<16xi32>], vector<16xf32>,
        %mul3A_636 = arith.mulf %get3A_626, %get3A_626 : vector<16xf32>
        %add3A_637 = arith.addf %add3A_619, %mul3A_636 : vector<16xf32>
        %mul3A_638 = arith.mulf %get3A_626, %gather3A_635 : vector<16xf32>
        %add3A_639 = arith.addf %add3A_621, %mul3A_638 : vector<16xf32>
        %get3A_640 = arith.constant 2 : i32
        %get3A_641 = arith.index_cast %get3A_640 : i32 to index
        %get3A_642 = arith.index_cast %scan3A_116 : i32 to index
        %get3A_643 = arith.constant 48 : index
        %get3A_644 = tpu.vector_load %arg13[%get3A_641, %get3A_642, %get3A_643] {strides = array<i32>} : memref<8x32x128xf32, #tpu.memory_space<vmem>>, vector<16xf32>,
        %mul3A_645 = arith.constant 8 : i32
        %mul3A_646 = arith.muli %mul3A_70, %mul3A_645 : i32
        %add3A_647 = arith.constant 2 : i32
        %add3A_648 = arith.addi %mul3A_646, %add3A_647 : i32
        %mul3A_649 = arith.constant 150 : i32
        %mul3A_650 = arith.muli %add3A_648, %mul3A_649 : i32
        %add3A_651 = vector.broadcast %mul3A_650 : i32 to vector<16xi32>
        %add3A_652 = arith.addi %get3A_599, %add3A_651 : vector<16xi32>
        %gather3A_653 = tpu.vector_load_idx %arg15[%add3A_652] : memref<38400xf32, #tpu.memory_space<vmem>>[vector<16xi32>], vector<16xf32>,
        %mul3A_654 = arith.mulf %get3A_644, %get3A_644 : vector<16xf32>
        %add3A_655 = arith.addf %add3A_637, %mul3A_654 : vector<16xf32>
        %mul3A_656 = arith.mulf %get3A_644, %gather3A_653 : vector<16xf32>
        %add3A_657 = arith.addf %add3A_639, %mul3A_656 : vector<16xf32>
        %get3A_658 = arith.constant 3 : i32
        %get3A_659 = arith.index_cast %get3A_658 : i32 to index
        %get3A_660 = arith.index_cast %scan3A_116 : i32 to index
        %get3A_661 = arith.constant 48 : index
        %get3A_662 = tpu.vector_load %arg13[%get3A_659, %get3A_660, %get3A_661] {strides = array<i32>} : memref<8x32x128xf32, #tpu.memory_space<vmem>>, vector<16xf32>,
        %mul3A_663 = arith.constant 8 : i32
        %mul3A_664 = arith.muli %mul3A_70, %mul3A_663 : i32
        %add3A_665 = arith.constant 3 : i32
        %add3A_666 = arith.addi %mul3A_664, %add3A_665 : i32
        %mul3A_667 = arith.constant 150 : i32
        %mul3A_668 = arith.muli %add3A_666, %mul3A_667 : i32
        %add3A_669 = vector.broadcast %mul3A_668 : i32 to vector<16xi32>
        %add3A_670 = arith.addi %get3A_599, %add3A_669 : vector<16xi32>
        %gather3A_671 = tpu.vector_load_idx %arg15[%add3A_670] : memref<38400xf32, #tpu.memory_space<vmem>>[vector<16xi32>], vector<16xf32>,
        %mul3A_672 = arith.mulf %get3A_662, %get3A_662 : vector<16xf32>
        %add3A_673 = arith.addf %add3A_655, %mul3A_672 : vector<16xf32>
        %mul3A_674 = arith.mulf %get3A_662, %gather3A_671 : vector<16xf32>
        %add3A_675 = arith.addf %add3A_657, %mul3A_674 : vector<16xf32>
        %get3A_676 = arith.constant 4 : i32
        %get3A_677 = arith.index_cast %get3A_676 : i32 to index
        %get3A_678 = arith.index_cast %scan3A_116 : i32 to index
        %get3A_679 = arith.constant 48 : index
        %get3A_680 = tpu.vector_load %arg13[%get3A_677, %get3A_678, %get3A_679] {strides = array<i32>} : memref<8x32x128xf32, #tpu.memory_space<vmem>>, vector<16xf32>,
        %mul3A_681 = arith.constant 8 : i32
        %mul3A_682 = arith.muli %mul3A_70, %mul3A_681 : i32
        %add3A_683 = arith.constant 4 : i32
        %add3A_684 = arith.addi %mul3A_682, %add3A_683 : i32
        %mul3A_685 = arith.constant 150 : i32
        %mul3A_686 = arith.muli %add3A_684, %mul3A_685 : i32
        %add3A_687 = vector.broadcast %mul3A_686 : i32 to vector<16xi32>
        %add3A_688 = arith.addi %get3A_599, %add3A_687 : vector<16xi32>
        %gather3A_689 = tpu.vector_load_idx %arg15[%add3A_688] : memref<38400xf32, #tpu.memory_space<vmem>>[vector<16xi32>], vector<16xf32>,
        %mul3A_690 = arith.mulf %get3A_680, %get3A_680 : vector<16xf32>
        %add3A_691 = arith.addf %add3A_673, %mul3A_690 : vector<16xf32>
        %mul3A_692 = arith.mulf %get3A_680, %gather3A_689 : vector<16xf32>
        %add3A_693 = arith.addf %add3A_675, %mul3A_692 : vector<16xf32>
        %get3A_694 = arith.constant 5 : i32
        %get3A_695 = arith.index_cast %get3A_694 : i32 to index
        %get3A_696 = arith.index_cast %scan3A_116 : i32 to index
        %get3A_697 = arith.constant 48 : index
        %get3A_698 = tpu.vector_load %arg13[%get3A_695, %get3A_696, %get3A_697] {strides = array<i32>} : memref<8x32x128xf32, #tpu.memory_space<vmem>>, vector<16xf32>,
        %mul3A_699 = arith.constant 8 : i32
        %mul3A_700 = arith.muli %mul3A_70, %mul3A_699 : i32
        %add3A_701 = arith.constant 5 : i32
        %add3A_702 = arith.addi %mul3A_700, %add3A_701 : i32
        %mul3A_703 = arith.constant 150 : i32
        %mul3A_704 = arith.muli %add3A_702, %mul3A_703 : i32
        %add3A_705 = vector.broadcast %mul3A_704 : i32 to vector<16xi32>
        %add3A_706 = arith.addi %get3A_599, %add3A_705 : vector<16xi32>
        %gather3A_707 = tpu.vector_load_idx %arg15[%add3A_706] : memref<38400xf32, #tpu.memory_space<vmem>>[vector<16xi32>], vector<16xf32>,
        %mul3A_708 = arith.mulf %get3A_698, %get3A_698 : vector<16xf32>
        %add3A_709 = arith.addf %add3A_691, %mul3A_708 : vector<16xf32>
        %mul3A_710 = arith.mulf %get3A_698, %gather3A_707 : vector<16xf32>
        %add3A_711 = arith.addf %add3A_693, %mul3A_710 : vector<16xf32>
        %get3A_712 = arith.constant 6 : i32
        %get3A_713 = arith.index_cast %get3A_712 : i32 to index
        %get3A_714 = arith.index_cast %scan3A_116 : i32 to index
        %get3A_715 = arith.constant 48 : index
        %get3A_716 = tpu.vector_load %arg13[%get3A_713, %get3A_714, %get3A_715] {strides = array<i32>} : memref<8x32x128xf32, #tpu.memory_space<vmem>>, vector<16xf32>,
        %mul3A_717 = arith.constant 8 : i32
        %mul3A_718 = arith.muli %mul3A_70, %mul3A_717 : i32
        %add3A_719 = arith.constant 6 : i32
        %add3A_720 = arith.addi %mul3A_718, %add3A_719 : i32
        %mul3A_721 = arith.constant 150 : i32
        %mul3A_722 = arith.muli %add3A_720, %mul3A_721 : i32
        %add3A_723 = vector.broadcast %mul3A_722 : i32 to vector<16xi32>
        %add3A_724 = arith.addi %get3A_599, %add3A_723 : vector<16xi32>
        %gather3A_725 = tpu.vector_load_idx %arg15[%add3A_724] : memref<38400xf32, #tpu.memory_space<vmem>>[vector<16xi32>], vector<16xf32>,
        %mul3A_726 = arith.mulf %get3A_716, %get3A_716 : vector<16xf32>
        %add3A_727 = arith.addf %add3A_709, %mul3A_726 : vector<16xf32>
        %mul3A_728 = arith.mulf %get3A_716, %gather3A_725 : vector<16xf32>
        %add3A_729 = arith.addf %add3A_711, %mul3A_728 : vector<16xf32>
        %get3A_730 = arith.constant 7 : i32
        %get3A_731 = arith.index_cast %get3A_730 : i32 to index
        %get3A_732 = arith.index_cast %scan3A_116 : i32 to index
        %get3A_733 = arith.constant 48 : index
        %get3A_734 = tpu.vector_load %arg13[%get3A_731, %get3A_732, %get3A_733] {strides = array<i32>} : memref<8x32x128xf32, #tpu.memory_space<vmem>>, vector<16xf32>,
        %mul3A_735 = arith.constant 8 : i32
        %mul3A_736 = arith.muli %mul3A_70, %mul3A_735 : i32
        %add3A_737 = arith.constant 7 : i32
        %add3A_738 = arith.addi %mul3A_736, %add3A_737 : i32
        %mul3A_739 = arith.constant 150 : i32
        %mul3A_740 = arith.muli %add3A_738, %mul3A_739 : i32
        %add3A_741 = vector.broadcast %mul3A_740 : i32 to vector<16xi32>
        %add3A_742 = arith.addi %get3A_599, %add3A_741 : vector<16xi32>
        %gather3A_743 = tpu.vector_load_idx %arg15[%add3A_742] : memref<38400xf32, #tpu.memory_space<vmem>>[vector<16xi32>], vector<16xf32>,
        %mul3A_744 = arith.mulf %get3A_734, %get3A_734 : vector<16xf32>
        %add3A_745 = arith.addf %add3A_727, %mul3A_744 : vector<16xf32>
        %mul3A_746 = arith.mulf %get3A_734, %gather3A_743 : vector<16xf32>
        %add3A_747 = arith.addf %add3A_729, %mul3A_746 : vector<16xf32>
        %swap3A_748 = arith.index_cast %add3A_596 : i32 to index
        %swap3A_749 = tpu.vector_load %arg17[%swap3A_748] {strides = array<i32>} : memref<4096xf32, #tpu.memory_space<vmem>>, vector<16xf32>,
        tpu.vector_store %arg17[%swap3A_748], %add3A_745 {strides = array<i32>} : memref<4096xf32, #tpu.memory_space<vmem>>, vector<16xf32>,
        %swap3A_750 = arith.index_cast %add3A_596 : i32 to index
        %swap3A_751 = tpu.vector_load %arg18[%swap3A_750] {strides = array<i32>} : memref<4096xf32, #tpu.memory_space<vmem>>, vector<16xf32>,
        tpu.vector_store %arg18[%swap3A_750], %add3A_747 {strides = array<i32>} : memref<4096xf32, #tpu.memory_space<vmem>>, vector<16xf32>,
        %mul3A_752 = arith.constant 128 : i32
        %mul3A_753 = arith.muli %scan3A_116, %mul3A_752 : i32
        %add3A_754 = arith.constant 64 : i32
        %add3A_755 = arith.addi %mul3A_753, %add3A_754 : i32
        %get3A_756 = arith.index_cast %scan3A_116 : i32 to index
        %get3A_757 = arith.constant 64 : index
        %get3A_758 = tpu.vector_load %arg11[%get3A_756, %get3A_757] {strides = array<i32>} : memref<32x128xi32, #tpu.memory_space<vmem>>, vector<16xi32>,
        %get3A_759 = arith.index_cast %add3A_755 : i32 to index
        %get3A_760 = tpu.vector_load %arg17[%get3A_759] {strides = array<i32>} : memref<4096xf32, #tpu.memory_space<vmem>>, vector<16xf32>,
        %get3A_761 = arith.index_cast %add3A_755 : i32 to index
        %get3A_762 = tpu.vector_load %arg18[%get3A_761] {strides = array<i32>} : memref<4096xf32, #tpu.memory_space<vmem>>, vector<16xf32>,
        %get3A_763 = arith.constant 0 : i32
        %get3A_764 = arith.index_cast %get3A_763 : i32 to index
        %get3A_765 = arith.index_cast %scan3A_116 : i32 to index
        %get3A_766 = arith.constant 64 : index
        %get3A_767 = tpu.vector_load %arg13[%get3A_764, %get3A_765, %get3A_766] {strides = array<i32>} : memref<8x32x128xf32, #tpu.memory_space<vmem>>, vector<16xf32>,
        %mul3A_768 = arith.constant 8 : i32
        %mul3A_769 = arith.muli %mul3A_70, %mul3A_768 : i32
        %add3A_770 = arith.constant 0 : i32
        %add3A_771 = arith.addi %mul3A_769, %add3A_770 : i32
        %mul3A_772 = arith.constant 150 : i32
        %mul3A_773 = arith.muli %add3A_771, %mul3A_772 : i32
        %add3A_774 = vector.broadcast %mul3A_773 : i32 to vector<16xi32>
        %add3A_775 = arith.addi %get3A_758, %add3A_774 : vector<16xi32>
        %gather3A_776 = tpu.vector_load_idx %arg15[%add3A_775] : memref<38400xf32, #tpu.memory_space<vmem>>[vector<16xi32>], vector<16xf32>,
        %mul3A_777 = arith.mulf %get3A_767, %get3A_767 : vector<16xf32>
        %add3A_778 = arith.addf %get3A_760, %mul3A_777 : vector<16xf32>
        %mul3A_779 = arith.mulf %get3A_767, %gather3A_776 : vector<16xf32>
        %add3A_780 = arith.addf %get3A_762, %mul3A_779 : vector<16xf32>
        %get3A_781 = arith.constant 1 : i32
        %get3A_782 = arith.index_cast %get3A_781 : i32 to index
        %get3A_783 = arith.index_cast %scan3A_116 : i32 to index
        %get3A_784 = arith.constant 64 : index
        %get3A_785 = tpu.vector_load %arg13[%get3A_782, %get3A_783, %get3A_784] {strides = array<i32>} : memref<8x32x128xf32, #tpu.memory_space<vmem>>, vector<16xf32>,
        %mul3A_786 = arith.constant 8 : i32
        %mul3A_787 = arith.muli %mul3A_70, %mul3A_786 : i32
        %add3A_788 = arith.constant 1 : i32
        %add3A_789 = arith.addi %mul3A_787, %add3A_788 : i32
        %mul3A_790 = arith.constant 150 : i32
        %mul3A_791 = arith.muli %add3A_789, %mul3A_790 : i32
        %add3A_792 = vector.broadcast %mul3A_791 : i32 to vector<16xi32>
        %add3A_793 = arith.addi %get3A_758, %add3A_792 : vector<16xi32>
        %gather3A_794 = tpu.vector_load_idx %arg15[%add3A_793] : memref<38400xf32, #tpu.memory_space<vmem>>[vector<16xi32>], vector<16xf32>,
        %mul3A_795 = arith.mulf %get3A_785, %get3A_785 : vector<16xf32>
        %add3A_796 = arith.addf %add3A_778, %mul3A_795 : vector<16xf32>
        %mul3A_797 = arith.mulf %get3A_785, %gather3A_794 : vector<16xf32>
        %add3A_798 = arith.addf %add3A_780, %mul3A_797 : vector<16xf32>
        %get3A_799 = arith.constant 2 : i32
        %get3A_800 = arith.index_cast %get3A_799 : i32 to index
        %get3A_801 = arith.index_cast %scan3A_116 : i32 to index
        %get3A_802 = arith.constant 64 : index
        %get3A_803 = tpu.vector_load %arg13[%get3A_800, %get3A_801, %get3A_802] {strides = array<i32>} : memref<8x32x128xf32, #tpu.memory_space<vmem>>, vector<16xf32>,
        %mul3A_804 = arith.constant 8 : i32
        %mul3A_805 = arith.muli %mul3A_70, %mul3A_804 : i32
        %add3A_806 = arith.constant 2 : i32
        %add3A_807 = arith.addi %mul3A_805, %add3A_806 : i32
        %mul3A_808 = arith.constant 150 : i32
        %mul3A_809 = arith.muli %add3A_807, %mul3A_808 : i32
        %add3A_810 = vector.broadcast %mul3A_809 : i32 to vector<16xi32>
        %add3A_811 = arith.addi %get3A_758, %add3A_810 : vector<16xi32>
        %gather3A_812 = tpu.vector_load_idx %arg15[%add3A_811] : memref<38400xf32, #tpu.memory_space<vmem>>[vector<16xi32>], vector<16xf32>,
        %mul3A_813 = arith.mulf %get3A_803, %get3A_803 : vector<16xf32>
        %add3A_814 = arith.addf %add3A_796, %mul3A_813 : vector<16xf32>
        %mul3A_815 = arith.mulf %get3A_803, %gather3A_812 : vector<16xf32>
        %add3A_816 = arith.addf %add3A_798, %mul3A_815 : vector<16xf32>
        %get3A_817 = arith.constant 3 : i32
        %get3A_818 = arith.index_cast %get3A_817 : i32 to index
        %get3A_819 = arith.index_cast %scan3A_116 : i32 to index
        %get3A_820 = arith.constant 64 : index
        %get3A_821 = tpu.vector_load %arg13[%get3A_818, %get3A_819, %get3A_820] {strides = array<i32>} : memref<8x32x128xf32, #tpu.memory_space<vmem>>, vector<16xf32>,
        %mul3A_822 = arith.constant 8 : i32
        %mul3A_823 = arith.muli %mul3A_70, %mul3A_822 : i32
        %add3A_824 = arith.constant 3 : i32
        %add3A_825 = arith.addi %mul3A_823, %add3A_824 : i32
        %mul3A_826 = arith.constant 150 : i32
        %mul3A_827 = arith.muli %add3A_825, %mul3A_826 : i32
        %add3A_828 = vector.broadcast %mul3A_827 : i32 to vector<16xi32>
        %add3A_829 = arith.addi %get3A_758, %add3A_828 : vector<16xi32>
        %gather3A_830 = tpu.vector_load_idx %arg15[%add3A_829] : memref<38400xf32, #tpu.memory_space<vmem>>[vector<16xi32>], vector<16xf32>,
        %mul3A_831 = arith.mulf %get3A_821, %get3A_821 : vector<16xf32>
        %add3A_832 = arith.addf %add3A_814, %mul3A_831 : vector<16xf32>
        %mul3A_833 = arith.mulf %get3A_821, %gather3A_830 : vector<16xf32>
        %add3A_834 = arith.addf %add3A_816, %mul3A_833 : vector<16xf32>
        %get3A_835 = arith.constant 4 : i32
        %get3A_836 = arith.index_cast %get3A_835 : i32 to index
        %get3A_837 = arith.index_cast %scan3A_116 : i32 to index
        %get3A_838 = arith.constant 64 : index
        %get3A_839 = tpu.vector_load %arg13[%get3A_836, %get3A_837, %get3A_838] {strides = array<i32>} : memref<8x32x128xf32, #tpu.memory_space<vmem>>, vector<16xf32>,
        %mul3A_840 = arith.constant 8 : i32
        %mul3A_841 = arith.muli %mul3A_70, %mul3A_840 : i32
        %add3A_842 = arith.constant 4 : i32
        %add3A_843 = arith.addi %mul3A_841, %add3A_842 : i32
        %mul3A_844 = arith.constant 150 : i32
        %mul3A_845 = arith.muli %add3A_843, %mul3A_844 : i32
        %add3A_846 = vector.broadcast %mul3A_845 : i32 to vector<16xi32>
        %add3A_847 = arith.addi %get3A_758, %add3A_846 : vector<16xi32>
        %gather3A_848 = tpu.vector_load_idx %arg15[%add3A_847] : memref<38400xf32, #tpu.memory_space<vmem>>[vector<16xi32>], vector<16xf32>,
        %mul3A_849 = arith.mulf %get3A_839, %get3A_839 : vector<16xf32>
        %add3A_850 = arith.addf %add3A_832, %mul3A_849 : vector<16xf32>
        %mul3A_851 = arith.mulf %get3A_839, %gather3A_848 : vector<16xf32>
        %add3A_852 = arith.addf %add3A_834, %mul3A_851 : vector<16xf32>
        %get3A_853 = arith.constant 5 : i32
        %get3A_854 = arith.index_cast %get3A_853 : i32 to index
        %get3A_855 = arith.index_cast %scan3A_116 : i32 to index
        %get3A_856 = arith.constant 64 : index
        %get3A_857 = tpu.vector_load %arg13[%get3A_854, %get3A_855, %get3A_856] {strides = array<i32>} : memref<8x32x128xf32, #tpu.memory_space<vmem>>, vector<16xf32>,
        %mul3A_858 = arith.constant 8 : i32
        %mul3A_859 = arith.muli %mul3A_70, %mul3A_858 : i32
        %add3A_860 = arith.constant 5 : i32
        %add3A_861 = arith.addi %mul3A_859, %add3A_860 : i32
        %mul3A_862 = arith.constant 150 : i32
        %mul3A_863 = arith.muli %add3A_861, %mul3A_862 : i32
        %add3A_864 = vector.broadcast %mul3A_863 : i32 to vector<16xi32>
        %add3A_865 = arith.addi %get3A_758, %add3A_864 : vector<16xi32>
        %gather3A_866 = tpu.vector_load_idx %arg15[%add3A_865] : memref<38400xf32, #tpu.memory_space<vmem>>[vector<16xi32>], vector<16xf32>,
        %mul3A_867 = arith.mulf %get3A_857, %get3A_857 : vector<16xf32>
        %add3A_868 = arith.addf %add3A_850, %mul3A_867 : vector<16xf32>
        %mul3A_869 = arith.mulf %get3A_857, %gather3A_866 : vector<16xf32>
        %add3A_870 = arith.addf %add3A_852, %mul3A_869 : vector<16xf32>
        %get3A_871 = arith.constant 6 : i32
        %get3A_872 = arith.index_cast %get3A_871 : i32 to index
        %get3A_873 = arith.index_cast %scan3A_116 : i32 to index
        %get3A_874 = arith.constant 64 : index
        %get3A_875 = tpu.vector_load %arg13[%get3A_872, %get3A_873, %get3A_874] {strides = array<i32>} : memref<8x32x128xf32, #tpu.memory_space<vmem>>, vector<16xf32>,
        %mul3A_876 = arith.constant 8 : i32
        %mul3A_877 = arith.muli %mul3A_70, %mul3A_876 : i32
        %add3A_878 = arith.constant 6 : i32
        %add3A_879 = arith.addi %mul3A_877, %add3A_878 : i32
        %mul3A_880 = arith.constant 150 : i32
        %mul3A_881 = arith.muli %add3A_879, %mul3A_880 : i32
        %add3A_882 = vector.broadcast %mul3A_881 : i32 to vector<16xi32>
        %add3A_883 = arith.addi %get3A_758, %add3A_882 : vector<16xi32>
        %gather3A_884 = tpu.vector_load_idx %arg15[%add3A_883] : memref<38400xf32, #tpu.memory_space<vmem>>[vector<16xi32>], vector<16xf32>,
        %mul3A_885 = arith.mulf %get3A_875, %get3A_875 : vector<16xf32>
        %add3A_886 = arith.addf %add3A_868, %mul3A_885 : vector<16xf32>
        %mul3A_887 = arith.mulf %get3A_875, %gather3A_884 : vector<16xf32>
        %add3A_888 = arith.addf %add3A_870, %mul3A_887 : vector<16xf32>
        %get3A_889 = arith.constant 7 : i32
        %get3A_890 = arith.index_cast %get3A_889 : i32 to index
        %get3A_891 = arith.index_cast %scan3A_116 : i32 to index
        %get3A_892 = arith.constant 64 : index
        %get3A_893 = tpu.vector_load %arg13[%get3A_890, %get3A_891, %get3A_892] {strides = array<i32>} : memref<8x32x128xf32, #tpu.memory_space<vmem>>, vector<16xf32>,
        %mul3A_894 = arith.constant 8 : i32
        %mul3A_895 = arith.muli %mul3A_70, %mul3A_894 : i32
        %add3A_896 = arith.constant 7 : i32
        %add3A_897 = arith.addi %mul3A_895, %add3A_896 : i32
        %mul3A_898 = arith.constant 150 : i32
        %mul3A_899 = arith.muli %add3A_897, %mul3A_898 : i32
        %add3A_900 = vector.broadcast %mul3A_899 : i32 to vector<16xi32>
        %add3A_901 = arith.addi %get3A_758, %add3A_900 : vector<16xi32>
        %gather3A_902 = tpu.vector_load_idx %arg15[%add3A_901] : memref<38400xf32, #tpu.memory_space<vmem>>[vector<16xi32>], vector<16xf32>,
        %mul3A_903 = arith.mulf %get3A_893, %get3A_893 : vector<16xf32>
        %add3A_904 = arith.addf %add3A_886, %mul3A_903 : vector<16xf32>
        %mul3A_905 = arith.mulf %get3A_893, %gather3A_902 : vector<16xf32>
        %add3A_906 = arith.addf %add3A_888, %mul3A_905 : vector<16xf32>
        %swap3A_907 = arith.index_cast %add3A_755 : i32 to index
        %swap3A_908 = tpu.vector_load %arg17[%swap3A_907] {strides = array<i32>} : memref<4096xf32, #tpu.memory_space<vmem>>, vector<16xf32>,
        tpu.vector_store %arg17[%swap3A_907], %add3A_904 {strides = array<i32>} : memref<4096xf32, #tpu.memory_space<vmem>>, vector<16xf32>,
        %swap3A_909 = arith.index_cast %add3A_755 : i32 to index
        %swap3A_910 = tpu.vector_load %arg18[%swap3A_909] {strides = array<i32>} : memref<4096xf32, #tpu.memory_space<vmem>>, vector<16xf32>,
        tpu.vector_store %arg18[%swap3A_909], %add3A_906 {strides = array<i32>} : memref<4096xf32, #tpu.memory_space<vmem>>, vector<16xf32>,
        %mul3A_911 = arith.constant 128 : i32
        %mul3A_912 = arith.muli %scan3A_116, %mul3A_911 : i32
        %add3A_913 = arith.constant 80 : i32
        %add3A_914 = arith.addi %mul3A_912, %add3A_913 : i32
        %get3A_915 = arith.index_cast %scan3A_116 : i32 to index
        %get3A_916 = arith.constant 80 : index
        %get3A_917 = tpu.vector_load %arg11[%get3A_915, %get3A_916] {strides = array<i32>} : memref<32x128xi32, #tpu.memory_space<vmem>>, vector<16xi32>,
        %get3A_918 = arith.index_cast %add3A_914 : i32 to index
        %get3A_919 = tpu.vector_load %arg17[%get3A_918] {strides = array<i32>} : memref<4096xf32, #tpu.memory_space<vmem>>, vector<16xf32>,
        %get3A_920 = arith.index_cast %add3A_914 : i32 to index
        %get3A_921 = tpu.vector_load %arg18[%get3A_920] {strides = array<i32>} : memref<4096xf32, #tpu.memory_space<vmem>>, vector<16xf32>,
        %get3A_922 = arith.constant 0 : i32
        %get3A_923 = arith.index_cast %get3A_922 : i32 to index
        %get3A_924 = arith.index_cast %scan3A_116 : i32 to index
        %get3A_925 = arith.constant 80 : index
        %get3A_926 = tpu.vector_load %arg13[%get3A_923, %get3A_924, %get3A_925] {strides = array<i32>} : memref<8x32x128xf32, #tpu.memory_space<vmem>>, vector<16xf32>,
        %mul3A_927 = arith.constant 8 : i32
        %mul3A_928 = arith.muli %mul3A_70, %mul3A_927 : i32
        %add3A_929 = arith.constant 0 : i32
        %add3A_930 = arith.addi %mul3A_928, %add3A_929 : i32
        %mul3A_931 = arith.constant 150 : i32
        %mul3A_932 = arith.muli %add3A_930, %mul3A_931 : i32
        %add3A_933 = vector.broadcast %mul3A_932 : i32 to vector<16xi32>
        %add3A_934 = arith.addi %get3A_917, %add3A_933 : vector<16xi32>
        %gather3A_935 = tpu.vector_load_idx %arg15[%add3A_934] : memref<38400xf32, #tpu.memory_space<vmem>>[vector<16xi32>], vector<16xf32>,
        %mul3A_936 = arith.mulf %get3A_926, %get3A_926 : vector<16xf32>
        %add3A_937 = arith.addf %get3A_919, %mul3A_936 : vector<16xf32>
        %mul3A_938 = arith.mulf %get3A_926, %gather3A_935 : vector<16xf32>
        %add3A_939 = arith.addf %get3A_921, %mul3A_938 : vector<16xf32>
        %get3A_940 = arith.constant 1 : i32
        %get3A_941 = arith.index_cast %get3A_940 : i32 to index
        %get3A_942 = arith.index_cast %scan3A_116 : i32 to index
        %get3A_943 = arith.constant 80 : index
        %get3A_944 = tpu.vector_load %arg13[%get3A_941, %get3A_942, %get3A_943] {strides = array<i32>} : memref<8x32x128xf32, #tpu.memory_space<vmem>>, vector<16xf32>,
        %mul3A_945 = arith.constant 8 : i32
        %mul3A_946 = arith.muli %mul3A_70, %mul3A_945 : i32
        %add3A_947 = arith.constant 1 : i32
        %add3A_948 = arith.addi %mul3A_946, %add3A_947 : i32
        %mul3A_949 = arith.constant 150 : i32
        %mul3A_950 = arith.muli %add3A_948, %mul3A_949 : i32
        %add3A_951 = vector.broadcast %mul3A_950 : i32 to vector<16xi32>
        %add3A_952 = arith.addi %get3A_917, %add3A_951 : vector<16xi32>
        %gather3A_953 = tpu.vector_load_idx %arg15[%add3A_952] : memref<38400xf32, #tpu.memory_space<vmem>>[vector<16xi32>], vector<16xf32>,
        %mul3A_954 = arith.mulf %get3A_944, %get3A_944 : vector<16xf32>
        %add3A_955 = arith.addf %add3A_937, %mul3A_954 : vector<16xf32>
        %mul3A_956 = arith.mulf %get3A_944, %gather3A_953 : vector<16xf32>
        %add3A_957 = arith.addf %add3A_939, %mul3A_956 : vector<16xf32>
        %get3A_958 = arith.constant 2 : i32
        %get3A_959 = arith.index_cast %get3A_958 : i32 to index
        %get3A_960 = arith.index_cast %scan3A_116 : i32 to index
        %get3A_961 = arith.constant 80 : index
        %get3A_962 = tpu.vector_load %arg13[%get3A_959, %get3A_960, %get3A_961] {strides = array<i32>} : memref<8x32x128xf32, #tpu.memory_space<vmem>>, vector<16xf32>,
        %mul3A_963 = arith.constant 8 : i32
        %mul3A_964 = arith.muli %mul3A_70, %mul3A_963 : i32
        %add3A_965 = arith.constant 2 : i32
        %add3A_966 = arith.addi %mul3A_964, %add3A_965 : i32
        %mul3A_967 = arith.constant 150 : i32
        %mul3A_968 = arith.muli %add3A_966, %mul3A_967 : i32
        %add3A_969 = vector.broadcast %mul3A_968 : i32 to vector<16xi32>
        %add3A_970 = arith.addi %get3A_917, %add3A_969 : vector<16xi32>
        %gather3A_971 = tpu.vector_load_idx %arg15[%add3A_970] : memref<38400xf32, #tpu.memory_space<vmem>>[vector<16xi32>], vector<16xf32>,
        %mul3A_972 = arith.mulf %get3A_962, %get3A_962 : vector<16xf32>
        %add3A_973 = arith.addf %add3A_955, %mul3A_972 : vector<16xf32>
        %mul3A_974 = arith.mulf %get3A_962, %gather3A_971 : vector<16xf32>
        %add3A_975 = arith.addf %add3A_957, %mul3A_974 : vector<16xf32>
        %get3A_976 = arith.constant 3 : i32
        %get3A_977 = arith.index_cast %get3A_976 : i32 to index
        %get3A_978 = arith.index_cast %scan3A_116 : i32 to index
        %get3A_979 = arith.constant 80 : index
        %get3A_980 = tpu.vector_load %arg13[%get3A_977, %get3A_978, %get3A_979] {strides = array<i32>} : memref<8x32x128xf32, #tpu.memory_space<vmem>>, vector<16xf32>,
        %mul3A_981 = arith.constant 8 : i32
        %mul3A_982 = arith.muli %mul3A_70, %mul3A_981 : i32
        %add3A_983 = arith.constant 3 : i32
        %add3A_984 = arith.addi %mul3A_982, %add3A_983 : i32
        %mul3A_985 = arith.constant 150 : i32
        %mul3A_986 = arith.muli %add3A_984, %mul3A_985 : i32
        %add3A_987 = vector.broadcast %mul3A_986 : i32 to vector<16xi32>
        %add3A_988 = arith.addi %get3A_917, %add3A_987 : vector<16xi32>
        %gather3A_989 = tpu.vector_load_idx %arg15[%add3A_988] : memref<38400xf32, #tpu.memory_space<vmem>>[vector<16xi32>], vector<16xf32>,
        %mul3A_990 = arith.mulf %get3A_980, %get3A_980 : vector<16xf32>
        %add3A_991 = arith.addf %add3A_973, %mul3A_990 : vector<16xf32>
        %mul3A_992 = arith.mulf %get3A_980, %gather3A_989 : vector<16xf32>
        %add3A_993 = arith.addf %add3A_975, %mul3A_992 : vector<16xf32>
        %get3A_994 = arith.constant 4 : i32
        %get3A_995 = arith.index_cast %get3A_994 : i32 to index
        %get3A_996 = arith.index_cast %scan3A_116 : i32 to index
        %get3A_997 = arith.constant 80 : index
        %get3A_998 = tpu.vector_load %arg13[%get3A_995, %get3A_996, %get3A_997] {strides = array<i32>} : memref<8x32x128xf32, #tpu.memory_space<vmem>>, vector<16xf32>,
        %mul3A_999 = arith.constant 8 : i32
        %mul3A_1000 = arith.muli %mul3A_70, %mul3A_999 : i32
        %add3A_1001 = arith.constant 4 : i32
        %add3A_1002 = arith.addi %mul3A_1000, %add3A_1001 : i32
        %mul3A_1003 = arith.constant 150 : i32
        %mul3A_1004 = arith.muli %add3A_1002, %mul3A_1003 : i32
        %add3A_1005 = vector.broadcast %mul3A_1004 : i32 to vector<16xi32>
        %add3A_1006 = arith.addi %get3A_917, %add3A_1005 : vector<16xi32>
        %gather3A_1007 = tpu.vector_load_idx %arg15[%add3A_1006] : memref<38400xf32, #tpu.memory_space<vmem>>[vector<16xi32>], vector<16xf32>,
        %mul3A_1008 = arith.mulf %get3A_998, %get3A_998 : vector<16xf32>
        %add3A_1009 = arith.addf %add3A_991, %mul3A_1008 : vector<16xf32>
        %mul3A_1010 = arith.mulf %get3A_998, %gather3A_1007 : vector<16xf32>
        %add3A_1011 = arith.addf %add3A_993, %mul3A_1010 : vector<16xf32>
        %get3A_1012 = arith.constant 5 : i32
        %get3A_1013 = arith.index_cast %get3A_1012 : i32 to index
        %get3A_1014 = arith.index_cast %scan3A_116 : i32 to index
        %get3A_1015 = arith.constant 80 : index
        %get3A_1016 = tpu.vector_load %arg13[%get3A_1013, %get3A_1014, %get3A_1015] {strides = array<i32>} : memref<8x32x128xf32, #tpu.memory_space<vmem>>, vector<16xf32>,
        %mul3A_1017 = arith.constant 8 : i32
        %mul3A_1018 = arith.muli %mul3A_70, %mul3A_1017 : i32
        %add3A_1019 = arith.constant 5 : i32
        %add3A_1020 = arith.addi %mul3A_1018, %add3A_1019 : i32
        %mul3A_1021 = arith.constant 150 : i32
        %mul3A_1022 = arith.muli %add3A_1020, %mul3A_1021 : i32
        %add3A_1023 = vector.broadcast %mul3A_1022 : i32 to vector<16xi32>
        %add3A_1024 = arith.addi %get3A_917, %add3A_1023 : vector<16xi32>
        %gather3A_1025 = tpu.vector_load_idx %arg15[%add3A_1024] : memref<38400xf32, #tpu.memory_space<vmem>>[vector<16xi32>], vector<16xf32>,
        %mul3A_1026 = arith.mulf %get3A_1016, %get3A_1016 : vector<16xf32>
        %add3A_1027 = arith.addf %add3A_1009, %mul3A_1026 : vector<16xf32>
        %mul3A_1028 = arith.mulf %get3A_1016, %gather3A_1025 : vector<16xf32>
        %add3A_1029 = arith.addf %add3A_1011, %mul3A_1028 : vector<16xf32>
        %get3A_1030 = arith.constant 6 : i32
        %get3A_1031 = arith.index_cast %get3A_1030 : i32 to index
        %get3A_1032 = arith.index_cast %scan3A_116 : i32 to index
        %get3A_1033 = arith.constant 80 : index
        %get3A_1034 = tpu.vector_load %arg13[%get3A_1031, %get3A_1032, %get3A_1033] {strides = array<i32>} : memref<8x32x128xf32, #tpu.memory_space<vmem>>, vector<16xf32>,
        %mul3A_1035 = arith.constant 8 : i32
        %mul3A_1036 = arith.muli %mul3A_70, %mul3A_1035 : i32
        %add3A_1037 = arith.constant 6 : i32
        %add3A_1038 = arith.addi %mul3A_1036, %add3A_1037 : i32
        %mul3A_1039 = arith.constant 150 : i32
        %mul3A_1040 = arith.muli %add3A_1038, %mul3A_1039 : i32
        %add3A_1041 = vector.broadcast %mul3A_1040 : i32 to vector<16xi32>
        %add3A_1042 = arith.addi %get3A_917, %add3A_1041 : vector<16xi32>
        %gather3A_1043 = tpu.vector_load_idx %arg15[%add3A_1042] : memref<38400xf32, #tpu.memory_space<vmem>>[vector<16xi32>], vector<16xf32>,
        %mul3A_1044 = arith.mulf %get3A_1034, %get3A_1034 : vector<16xf32>
        %add3A_1045 = arith.addf %add3A_1027, %mul3A_1044 : vector<16xf32>
        %mul3A_1046 = arith.mulf %get3A_1034, %gather3A_1043 : vector<16xf32>
        %add3A_1047 = arith.addf %add3A_1029, %mul3A_1046 : vector<16xf32>
        %get3A_1048 = arith.constant 7 : i32
        %get3A_1049 = arith.index_cast %get3A_1048 : i32 to index
        %get3A_1050 = arith.index_cast %scan3A_116 : i32 to index
        %get3A_1051 = arith.constant 80 : index
        %get3A_1052 = tpu.vector_load %arg13[%get3A_1049, %get3A_1050, %get3A_1051] {strides = array<i32>} : memref<8x32x128xf32, #tpu.memory_space<vmem>>, vector<16xf32>,
        %mul3A_1053 = arith.constant 8 : i32
        %mul3A_1054 = arith.muli %mul3A_70, %mul3A_1053 : i32
        %add3A_1055 = arith.constant 7 : i32
        %add3A_1056 = arith.addi %mul3A_1054, %add3A_1055 : i32
        %mul3A_1057 = arith.constant 150 : i32
        %mul3A_1058 = arith.muli %add3A_1056, %mul3A_1057 : i32
        %add3A_1059 = vector.broadcast %mul3A_1058 : i32 to vector<16xi32>
        %add3A_1060 = arith.addi %get3A_917, %add3A_1059 : vector<16xi32>
        %gather3A_1061 = tpu.vector_load_idx %arg15[%add3A_1060] : memref<38400xf32, #tpu.memory_space<vmem>>[vector<16xi32>], vector<16xf32>,
        %mul3A_1062 = arith.mulf %get3A_1052, %get3A_1052 : vector<16xf32>
        %add3A_1063 = arith.addf %add3A_1045, %mul3A_1062 : vector<16xf32>
        %mul3A_1064 = arith.mulf %get3A_1052, %gather3A_1061 : vector<16xf32>
        %add3A_1065 = arith.addf %add3A_1047, %mul3A_1064 : vector<16xf32>
        %swap3A_1066 = arith.index_cast %add3A_914 : i32 to index
        %swap3A_1067 = tpu.vector_load %arg17[%swap3A_1066] {strides = array<i32>} : memref<4096xf32, #tpu.memory_space<vmem>>, vector<16xf32>,
        tpu.vector_store %arg17[%swap3A_1066], %add3A_1063 {strides = array<i32>} : memref<4096xf32, #tpu.memory_space<vmem>>, vector<16xf32>,
        %swap3A_1068 = arith.index_cast %add3A_914 : i32 to index
        %swap3A_1069 = tpu.vector_load %arg18[%swap3A_1068] {strides = array<i32>} : memref<4096xf32, #tpu.memory_space<vmem>>, vector<16xf32>,
        tpu.vector_store %arg18[%swap3A_1068], %add3A_1065 {strides = array<i32>} : memref<4096xf32, #tpu.memory_space<vmem>>, vector<16xf32>,
        %mul3A_1070 = arith.constant 128 : i32
        %mul3A_1071 = arith.muli %scan3A_116, %mul3A_1070 : i32
        %add3A_1072 = arith.constant 96 : i32
        %add3A_1073 = arith.addi %mul3A_1071, %add3A_1072 : i32
        %get3A_1074 = arith.index_cast %scan3A_116 : i32 to index
        %get3A_1075 = arith.constant 96 : index
        %get3A_1076 = tpu.vector_load %arg11[%get3A_1074, %get3A_1075] {strides = array<i32>} : memref<32x128xi32, #tpu.memory_space<vmem>>, vector<16xi32>,
        %get3A_1077 = arith.index_cast %add3A_1073 : i32 to index
        %get3A_1078 = tpu.vector_load %arg17[%get3A_1077] {strides = array<i32>} : memref<4096xf32, #tpu.memory_space<vmem>>, vector<16xf32>,
        %get3A_1079 = arith.index_cast %add3A_1073 : i32 to index
        %get3A_1080 = tpu.vector_load %arg18[%get3A_1079] {strides = array<i32>} : memref<4096xf32, #tpu.memory_space<vmem>>, vector<16xf32>,
        %get3A_1081 = arith.constant 0 : i32
        %get3A_1082 = arith.index_cast %get3A_1081 : i32 to index
        %get3A_1083 = arith.index_cast %scan3A_116 : i32 to index
        %get3A_1084 = arith.constant 96 : index
        %get3A_1085 = tpu.vector_load %arg13[%get3A_1082, %get3A_1083, %get3A_1084] {strides = array<i32>} : memref<8x32x128xf32, #tpu.memory_space<vmem>>, vector<16xf32>,
        %mul3A_1086 = arith.constant 8 : i32
        %mul3A_1087 = arith.muli %mul3A_70, %mul3A_1086 : i32
        %add3A_1088 = arith.constant 0 : i32
        %add3A_1089 = arith.addi %mul3A_1087, %add3A_1088 : i32
        %mul3A_1090 = arith.constant 150 : i32
        %mul3A_1091 = arith.muli %add3A_1089, %mul3A_1090 : i32
        %add3A_1092 = vector.broadcast %mul3A_1091 : i32 to vector<16xi32>
        %add3A_1093 = arith.addi %get3A_1076, %add3A_1092 : vector<16xi32>
        %gather3A_1094 = tpu.vector_load_idx %arg15[%add3A_1093] : memref<38400xf32, #tpu.memory_space<vmem>>[vector<16xi32>], vector<16xf32>,
        %mul3A_1095 = arith.mulf %get3A_1085, %get3A_1085 : vector<16xf32>
        %add3A_1096 = arith.addf %get3A_1078, %mul3A_1095 : vector<16xf32>
        %mul3A_1097 = arith.mulf %get3A_1085, %gather3A_1094 : vector<16xf32>
        %add3A_1098 = arith.addf %get3A_1080, %mul3A_1097 : vector<16xf32>
        %get3A_1099 = arith.constant 1 : i32
        %get3A_1100 = arith.index_cast %get3A_1099 : i32 to index
        %get3A_1101 = arith.index_cast %scan3A_116 : i32 to index
        %get3A_1102 = arith.constant 96 : index
        %get3A_1103 = tpu.vector_load %arg13[%get3A_1100, %get3A_1101, %get3A_1102] {strides = array<i32>} : memref<8x32x128xf32, #tpu.memory_space<vmem>>, vector<16xf32>,
        %mul3A_1104 = arith.constant 8 : i32
        %mul3A_1105 = arith.muli %mul3A_70, %mul3A_1104 : i32
        %add3A_1106 = arith.constant 1 : i32
        %add3A_1107 = arith.addi %mul3A_1105, %add3A_1106 : i32
        %mul3A_1108 = arith.constant 150 : i32
        %mul3A_1109 = arith.muli %add3A_1107, %mul3A_1108 : i32
        %add3A_1110 = vector.broadcast %mul3A_1109 : i32 to vector<16xi32>
        %add3A_1111 = arith.addi %get3A_1076, %add3A_1110 : vector<16xi32>
        %gather3A_1112 = tpu.vector_load_idx %arg15[%add3A_1111] : memref<38400xf32, #tpu.memory_space<vmem>>[vector<16xi32>], vector<16xf32>,
        %mul3A_1113 = arith.mulf %get3A_1103, %get3A_1103 : vector<16xf32>
        %add3A_1114 = arith.addf %add3A_1096, %mul3A_1113 : vector<16xf32>
        %mul3A_1115 = arith.mulf %get3A_1103, %gather3A_1112 : vector<16xf32>
        %add3A_1116 = arith.addf %add3A_1098, %mul3A_1115 : vector<16xf32>
        %get3A_1117 = arith.constant 2 : i32
        %get3A_1118 = arith.index_cast %get3A_1117 : i32 to index
        %get3A_1119 = arith.index_cast %scan3A_116 : i32 to index
        %get3A_1120 = arith.constant 96 : index
        %get3A_1121 = tpu.vector_load %arg13[%get3A_1118, %get3A_1119, %get3A_1120] {strides = array<i32>} : memref<8x32x128xf32, #tpu.memory_space<vmem>>, vector<16xf32>,
        %mul3A_1122 = arith.constant 8 : i32
        %mul3A_1123 = arith.muli %mul3A_70, %mul3A_1122 : i32
        %add3A_1124 = arith.constant 2 : i32
        %add3A_1125 = arith.addi %mul3A_1123, %add3A_1124 : i32
        %mul3A_1126 = arith.constant 150 : i32
        %mul3A_1127 = arith.muli %add3A_1125, %mul3A_1126 : i32
        %add3A_1128 = vector.broadcast %mul3A_1127 : i32 to vector<16xi32>
        %add3A_1129 = arith.addi %get3A_1076, %add3A_1128 : vector<16xi32>
        %gather3A_1130 = tpu.vector_load_idx %arg15[%add3A_1129] : memref<38400xf32, #tpu.memory_space<vmem>>[vector<16xi32>], vector<16xf32>,
        %mul3A_1131 = arith.mulf %get3A_1121, %get3A_1121 : vector<16xf32>
        %add3A_1132 = arith.addf %add3A_1114, %mul3A_1131 : vector<16xf32>
        %mul3A_1133 = arith.mulf %get3A_1121, %gather3A_1130 : vector<16xf32>
        %add3A_1134 = arith.addf %add3A_1116, %mul3A_1133 : vector<16xf32>
        %get3A_1135 = arith.constant 3 : i32
        %get3A_1136 = arith.index_cast %get3A_1135 : i32 to index
        %get3A_1137 = arith.index_cast %scan3A_116 : i32 to index
        %get3A_1138 = arith.constant 96 : index
        %get3A_1139 = tpu.vector_load %arg13[%get3A_1136, %get3A_1137, %get3A_1138] {strides = array<i32>} : memref<8x32x128xf32, #tpu.memory_space<vmem>>, vector<16xf32>,
        %mul3A_1140 = arith.constant 8 : i32
        %mul3A_1141 = arith.muli %mul3A_70, %mul3A_1140 : i32
        %add3A_1142 = arith.constant 3 : i32
        %add3A_1143 = arith.addi %mul3A_1141, %add3A_1142 : i32
        %mul3A_1144 = arith.constant 150 : i32
        %mul3A_1145 = arith.muli %add3A_1143, %mul3A_1144 : i32
        %add3A_1146 = vector.broadcast %mul3A_1145 : i32 to vector<16xi32>
        %add3A_1147 = arith.addi %get3A_1076, %add3A_1146 : vector<16xi32>
        %gather3A_1148 = tpu.vector_load_idx %arg15[%add3A_1147] : memref<38400xf32, #tpu.memory_space<vmem>>[vector<16xi32>], vector<16xf32>,
        %mul3A_1149 = arith.mulf %get3A_1139, %get3A_1139 : vector<16xf32>
        %add3A_1150 = arith.addf %add3A_1132, %mul3A_1149 : vector<16xf32>
        %mul3A_1151 = arith.mulf %get3A_1139, %gather3A_1148 : vector<16xf32>
        %add3A_1152 = arith.addf %add3A_1134, %mul3A_1151 : vector<16xf32>
        %get3A_1153 = arith.constant 4 : i32
        %get3A_1154 = arith.index_cast %get3A_1153 : i32 to index
        %get3A_1155 = arith.index_cast %scan3A_116 : i32 to index
        %get3A_1156 = arith.constant 96 : index
        %get3A_1157 = tpu.vector_load %arg13[%get3A_1154, %get3A_1155, %get3A_1156] {strides = array<i32>} : memref<8x32x128xf32, #tpu.memory_space<vmem>>, vector<16xf32>,
        %mul3A_1158 = arith.constant 8 : i32
        %mul3A_1159 = arith.muli %mul3A_70, %mul3A_1158 : i32
        %add3A_1160 = arith.constant 4 : i32
        %add3A_1161 = arith.addi %mul3A_1159, %add3A_1160 : i32
        %mul3A_1162 = arith.constant 150 : i32
        %mul3A_1163 = arith.muli %add3A_1161, %mul3A_1162 : i32
        %add3A_1164 = vector.broadcast %mul3A_1163 : i32 to vector<16xi32>
        %add3A_1165 = arith.addi %get3A_1076, %add3A_1164 : vector<16xi32>
        %gather3A_1166 = tpu.vector_load_idx %arg15[%add3A_1165] : memref<38400xf32, #tpu.memory_space<vmem>>[vector<16xi32>], vector<16xf32>,
        %mul3A_1167 = arith.mulf %get3A_1157, %get3A_1157 : vector<16xf32>
        %add3A_1168 = arith.addf %add3A_1150, %mul3A_1167 : vector<16xf32>
        %mul3A_1169 = arith.mulf %get3A_1157, %gather3A_1166 : vector<16xf32>
        %add3A_1170 = arith.addf %add3A_1152, %mul3A_1169 : vector<16xf32>
        %get3A_1171 = arith.constant 5 : i32
        %get3A_1172 = arith.index_cast %get3A_1171 : i32 to index
        %get3A_1173 = arith.index_cast %scan3A_116 : i32 to index
        %get3A_1174 = arith.constant 96 : index
        %get3A_1175 = tpu.vector_load %arg13[%get3A_1172, %get3A_1173, %get3A_1174] {strides = array<i32>} : memref<8x32x128xf32, #tpu.memory_space<vmem>>, vector<16xf32>,
        %mul3A_1176 = arith.constant 8 : i32
        %mul3A_1177 = arith.muli %mul3A_70, %mul3A_1176 : i32
        %add3A_1178 = arith.constant 5 : i32
        %add3A_1179 = arith.addi %mul3A_1177, %add3A_1178 : i32
        %mul3A_1180 = arith.constant 150 : i32
        %mul3A_1181 = arith.muli %add3A_1179, %mul3A_1180 : i32
        %add3A_1182 = vector.broadcast %mul3A_1181 : i32 to vector<16xi32>
        %add3A_1183 = arith.addi %get3A_1076, %add3A_1182 : vector<16xi32>
        %gather3A_1184 = tpu.vector_load_idx %arg15[%add3A_1183] : memref<38400xf32, #tpu.memory_space<vmem>>[vector<16xi32>], vector<16xf32>,
        %mul3A_1185 = arith.mulf %get3A_1175, %get3A_1175 : vector<16xf32>
        %add3A_1186 = arith.addf %add3A_1168, %mul3A_1185 : vector<16xf32>
        %mul3A_1187 = arith.mulf %get3A_1175, %gather3A_1184 : vector<16xf32>
        %add3A_1188 = arith.addf %add3A_1170, %mul3A_1187 : vector<16xf32>
        %get3A_1189 = arith.constant 6 : i32
        %get3A_1190 = arith.index_cast %get3A_1189 : i32 to index
        %get3A_1191 = arith.index_cast %scan3A_116 : i32 to index
        %get3A_1192 = arith.constant 96 : index
        %get3A_1193 = tpu.vector_load %arg13[%get3A_1190, %get3A_1191, %get3A_1192] {strides = array<i32>} : memref<8x32x128xf32, #tpu.memory_space<vmem>>, vector<16xf32>,
        %mul3A_1194 = arith.constant 8 : i32
        %mul3A_1195 = arith.muli %mul3A_70, %mul3A_1194 : i32
        %add3A_1196 = arith.constant 6 : i32
        %add3A_1197 = arith.addi %mul3A_1195, %add3A_1196 : i32
        %mul3A_1198 = arith.constant 150 : i32
        %mul3A_1199 = arith.muli %add3A_1197, %mul3A_1198 : i32
        %add3A_1200 = vector.broadcast %mul3A_1199 : i32 to vector<16xi32>
        %add3A_1201 = arith.addi %get3A_1076, %add3A_1200 : vector<16xi32>
        %gather3A_1202 = tpu.vector_load_idx %arg15[%add3A_1201] : memref<38400xf32, #tpu.memory_space<vmem>>[vector<16xi32>], vector<16xf32>,
        %mul3A_1203 = arith.mulf %get3A_1193, %get3A_1193 : vector<16xf32>
        %add3A_1204 = arith.addf %add3A_1186, %mul3A_1203 : vector<16xf32>
        %mul3A_1205 = arith.mulf %get3A_1193, %gather3A_1202 : vector<16xf32>
        %add3A_1206 = arith.addf %add3A_1188, %mul3A_1205 : vector<16xf32>
        %get3A_1207 = arith.constant 7 : i32
        %get3A_1208 = arith.index_cast %get3A_1207 : i32 to index
        %get3A_1209 = arith.index_cast %scan3A_116 : i32 to index
        %get3A_1210 = arith.constant 96 : index
        %get3A_1211 = tpu.vector_load %arg13[%get3A_1208, %get3A_1209, %get3A_1210] {strides = array<i32>} : memref<8x32x128xf32, #tpu.memory_space<vmem>>, vector<16xf32>,
        %mul3A_1212 = arith.constant 8 : i32
        %mul3A_1213 = arith.muli %mul3A_70, %mul3A_1212 : i32
        %add3A_1214 = arith.constant 7 : i32
        %add3A_1215 = arith.addi %mul3A_1213, %add3A_1214 : i32
        %mul3A_1216 = arith.constant 150 : i32
        %mul3A_1217 = arith.muli %add3A_1215, %mul3A_1216 : i32
        %add3A_1218 = vector.broadcast %mul3A_1217 : i32 to vector<16xi32>
        %add3A_1219 = arith.addi %get3A_1076, %add3A_1218 : vector<16xi32>
        %gather3A_1220 = tpu.vector_load_idx %arg15[%add3A_1219] : memref<38400xf32, #tpu.memory_space<vmem>>[vector<16xi32>], vector<16xf32>,
        %mul3A_1221 = arith.mulf %get3A_1211, %get3A_1211 : vector<16xf32>
        %add3A_1222 = arith.addf %add3A_1204, %mul3A_1221 : vector<16xf32>
        %mul3A_1223 = arith.mulf %get3A_1211, %gather3A_1220 : vector<16xf32>
        %add3A_1224 = arith.addf %add3A_1206, %mul3A_1223 : vector<16xf32>
        %swap3A_1225 = arith.index_cast %add3A_1073 : i32 to index
        %swap3A_1226 = tpu.vector_load %arg17[%swap3A_1225] {strides = array<i32>} : memref<4096xf32, #tpu.memory_space<vmem>>, vector<16xf32>,
        tpu.vector_store %arg17[%swap3A_1225], %add3A_1222 {strides = array<i32>} : memref<4096xf32, #tpu.memory_space<vmem>>, vector<16xf32>,
        %swap3A_1227 = arith.index_cast %add3A_1073 : i32 to index
        %swap3A_1228 = tpu.vector_load %arg18[%swap3A_1227] {strides = array<i32>} : memref<4096xf32, #tpu.memory_space<vmem>>, vector<16xf32>,
        tpu.vector_store %arg18[%swap3A_1227], %add3A_1224 {strides = array<i32>} : memref<4096xf32, #tpu.memory_space<vmem>>, vector<16xf32>,
        %mul3A_1229 = arith.constant 128 : i32
        %mul3A_1230 = arith.muli %scan3A_116, %mul3A_1229 : i32
        %add3A_1231 = arith.constant 112 : i32
        %add3A_1232 = arith.addi %mul3A_1230, %add3A_1231 : i32
        %get3A_1233 = arith.index_cast %scan3A_116 : i32 to index
        %get3A_1234 = arith.constant 112 : index
        %get3A_1235 = tpu.vector_load %arg11[%get3A_1233, %get3A_1234] {strides = array<i32>} : memref<32x128xi32, #tpu.memory_space<vmem>>, vector<16xi32>,
        %get3A_1236 = arith.index_cast %add3A_1232 : i32 to index
        %get3A_1237 = tpu.vector_load %arg17[%get3A_1236] {strides = array<i32>} : memref<4096xf32, #tpu.memory_space<vmem>>, vector<16xf32>,
        %get3A_1238 = arith.index_cast %add3A_1232 : i32 to index
        %get3A_1239 = tpu.vector_load %arg18[%get3A_1238] {strides = array<i32>} : memref<4096xf32, #tpu.memory_space<vmem>>, vector<16xf32>,
        %get3A_1240 = arith.constant 0 : i32
        %get3A_1241 = arith.index_cast %get3A_1240 : i32 to index
        %get3A_1242 = arith.index_cast %scan3A_116 : i32 to index
        %get3A_1243 = arith.constant 112 : index
        %get3A_1244 = tpu.vector_load %arg13[%get3A_1241, %get3A_1242, %get3A_1243] {strides = array<i32>} : memref<8x32x128xf32, #tpu.memory_space<vmem>>, vector<16xf32>,
        %mul3A_1245 = arith.constant 8 : i32
        %mul3A_1246 = arith.muli %mul3A_70, %mul3A_1245 : i32
        %add3A_1247 = arith.constant 0 : i32
        %add3A_1248 = arith.addi %mul3A_1246, %add3A_1247 : i32
        %mul3A_1249 = arith.constant 150 : i32
        %mul3A_1250 = arith.muli %add3A_1248, %mul3A_1249 : i32
        %add3A_1251 = vector.broadcast %mul3A_1250 : i32 to vector<16xi32>
        %add3A_1252 = arith.addi %get3A_1235, %add3A_1251 : vector<16xi32>
        %gather3A_1253 = tpu.vector_load_idx %arg15[%add3A_1252] : memref<38400xf32, #tpu.memory_space<vmem>>[vector<16xi32>], vector<16xf32>,
        %mul3A_1254 = arith.mulf %get3A_1244, %get3A_1244 : vector<16xf32>
        %add3A_1255 = arith.addf %get3A_1237, %mul3A_1254 : vector<16xf32>
        %mul3A_1256 = arith.mulf %get3A_1244, %gather3A_1253 : vector<16xf32>
        %add3A_1257 = arith.addf %get3A_1239, %mul3A_1256 : vector<16xf32>
        %get3A_1258 = arith.constant 1 : i32
        %get3A_1259 = arith.index_cast %get3A_1258 : i32 to index
        %get3A_1260 = arith.index_cast %scan3A_116 : i32 to index
        %get3A_1261 = arith.constant 112 : index
        %get3A_1262 = tpu.vector_load %arg13[%get3A_1259, %get3A_1260, %get3A_1261] {strides = array<i32>} : memref<8x32x128xf32, #tpu.memory_space<vmem>>, vector<16xf32>,
        %mul3A_1263 = arith.constant 8 : i32
        %mul3A_1264 = arith.muli %mul3A_70, %mul3A_1263 : i32
        %add3A_1265 = arith.constant 1 : i32
        %add3A_1266 = arith.addi %mul3A_1264, %add3A_1265 : i32
        %mul3A_1267 = arith.constant 150 : i32
        %mul3A_1268 = arith.muli %add3A_1266, %mul3A_1267 : i32
        %add3A_1269 = vector.broadcast %mul3A_1268 : i32 to vector<16xi32>
        %add3A_1270 = arith.addi %get3A_1235, %add3A_1269 : vector<16xi32>
        %gather3A_1271 = tpu.vector_load_idx %arg15[%add3A_1270] : memref<38400xf32, #tpu.memory_space<vmem>>[vector<16xi32>], vector<16xf32>,
        %mul3A_1272 = arith.mulf %get3A_1262, %get3A_1262 : vector<16xf32>
        %add3A_1273 = arith.addf %add3A_1255, %mul3A_1272 : vector<16xf32>
        %mul3A_1274 = arith.mulf %get3A_1262, %gather3A_1271 : vector<16xf32>
        %add3A_1275 = arith.addf %add3A_1257, %mul3A_1274 : vector<16xf32>
        %get3A_1276 = arith.constant 2 : i32
        %get3A_1277 = arith.index_cast %get3A_1276 : i32 to index
        %get3A_1278 = arith.index_cast %scan3A_116 : i32 to index
        %get3A_1279 = arith.constant 112 : index
        %get3A_1280 = tpu.vector_load %arg13[%get3A_1277, %get3A_1278, %get3A_1279] {strides = array<i32>} : memref<8x32x128xf32, #tpu.memory_space<vmem>>, vector<16xf32>,
        %mul3A_1281 = arith.constant 8 : i32
        %mul3A_1282 = arith.muli %mul3A_70, %mul3A_1281 : i32
        %add3A_1283 = arith.constant 2 : i32
        %add3A_1284 = arith.addi %mul3A_1282, %add3A_1283 : i32
        %mul3A_1285 = arith.constant 150 : i32
        %mul3A_1286 = arith.muli %add3A_1284, %mul3A_1285 : i32
        %add3A_1287 = vector.broadcast %mul3A_1286 : i32 to vector<16xi32>
        %add3A_1288 = arith.addi %get3A_1235, %add3A_1287 : vector<16xi32>
        %gather3A_1289 = tpu.vector_load_idx %arg15[%add3A_1288] : memref<38400xf32, #tpu.memory_space<vmem>>[vector<16xi32>], vector<16xf32>,
        %mul3A_1290 = arith.mulf %get3A_1280, %get3A_1280 : vector<16xf32>
        %add3A_1291 = arith.addf %add3A_1273, %mul3A_1290 : vector<16xf32>
        %mul3A_1292 = arith.mulf %get3A_1280, %gather3A_1289 : vector<16xf32>
        %add3A_1293 = arith.addf %add3A_1275, %mul3A_1292 : vector<16xf32>
        %get3A_1294 = arith.constant 3 : i32
        %get3A_1295 = arith.index_cast %get3A_1294 : i32 to index
        %get3A_1296 = arith.index_cast %scan3A_116 : i32 to index
        %get3A_1297 = arith.constant 112 : index
        %get3A_1298 = tpu.vector_load %arg13[%get3A_1295, %get3A_1296, %get3A_1297] {strides = array<i32>} : memref<8x32x128xf32, #tpu.memory_space<vmem>>, vector<16xf32>,
        %mul3A_1299 = arith.constant 8 : i32
        %mul3A_1300 = arith.muli %mul3A_70, %mul3A_1299 : i32
        %add3A_1301 = arith.constant 3 : i32
        %add3A_1302 = arith.addi %mul3A_1300, %add3A_1301 : i32
        %mul3A_1303 = arith.constant 150 : i32
        %mul3A_1304 = arith.muli %add3A_1302, %mul3A_1303 : i32
        %add3A_1305 = vector.broadcast %mul3A_1304 : i32 to vector<16xi32>
        %add3A_1306 = arith.addi %get3A_1235, %add3A_1305 : vector<16xi32>
        %gather3A_1307 = tpu.vector_load_idx %arg15[%add3A_1306] : memref<38400xf32, #tpu.memory_space<vmem>>[vector<16xi32>], vector<16xf32>,
        %mul3A_1308 = arith.mulf %get3A_1298, %get3A_1298 : vector<16xf32>
        %add3A_1309 = arith.addf %add3A_1291, %mul3A_1308 : vector<16xf32>
        %mul3A_1310 = arith.mulf %get3A_1298, %gather3A_1307 : vector<16xf32>
        %add3A_1311 = arith.addf %add3A_1293, %mul3A_1310 : vector<16xf32>
        %get3A_1312 = arith.constant 4 : i32
        %get3A_1313 = arith.index_cast %get3A_1312 : i32 to index
        %get3A_1314 = arith.index_cast %scan3A_116 : i32 to index
        %get3A_1315 = arith.constant 112 : index
        %get3A_1316 = tpu.vector_load %arg13[%get3A_1313, %get3A_1314, %get3A_1315] {strides = array<i32>} : memref<8x32x128xf32, #tpu.memory_space<vmem>>, vector<16xf32>,
        %mul3A_1317 = arith.constant 8 : i32
        %mul3A_1318 = arith.muli %mul3A_70, %mul3A_1317 : i32
        %add3A_1319 = arith.constant 4 : i32
        %add3A_1320 = arith.addi %mul3A_1318, %add3A_1319 : i32
        %mul3A_1321 = arith.constant 150 : i32
        %mul3A_1322 = arith.muli %add3A_1320, %mul3A_1321 : i32
        %add3A_1323 = vector.broadcast %mul3A_1322 : i32 to vector<16xi32>
        %add3A_1324 = arith.addi %get3A_1235, %add3A_1323 : vector<16xi32>
        %gather3A_1325 = tpu.vector_load_idx %arg15[%add3A_1324] : memref<38400xf32, #tpu.memory_space<vmem>>[vector<16xi32>], vector<16xf32>,
        %mul3A_1326 = arith.mulf %get3A_1316, %get3A_1316 : vector<16xf32>
        %add3A_1327 = arith.addf %add3A_1309, %mul3A_1326 : vector<16xf32>
        %mul3A_1328 = arith.mulf %get3A_1316, %gather3A_1325 : vector<16xf32>
        %add3A_1329 = arith.addf %add3A_1311, %mul3A_1328 : vector<16xf32>
        %get3A_1330 = arith.constant 5 : i32
        %get3A_1331 = arith.index_cast %get3A_1330 : i32 to index
        %get3A_1332 = arith.index_cast %scan3A_116 : i32 to index
        %get3A_1333 = arith.constant 112 : index
        %get3A_1334 = tpu.vector_load %arg13[%get3A_1331, %get3A_1332, %get3A_1333] {strides = array<i32>} : memref<8x32x128xf32, #tpu.memory_space<vmem>>, vector<16xf32>,
        %mul3A_1335 = arith.constant 8 : i32
        %mul3A_1336 = arith.muli %mul3A_70, %mul3A_1335 : i32
        %add3A_1337 = arith.constant 5 : i32
        %add3A_1338 = arith.addi %mul3A_1336, %add3A_1337 : i32
        %mul3A_1339 = arith.constant 150 : i32
        %mul3A_1340 = arith.muli %add3A_1338, %mul3A_1339 : i32
        %add3A_1341 = vector.broadcast %mul3A_1340 : i32 to vector<16xi32>
        %add3A_1342 = arith.addi %get3A_1235, %add3A_1341 : vector<16xi32>
        %gather3A_1343 = tpu.vector_load_idx %arg15[%add3A_1342] : memref<38400xf32, #tpu.memory_space<vmem>>[vector<16xi32>], vector<16xf32>,
        %mul3A_1344 = arith.mulf %get3A_1334, %get3A_1334 : vector<16xf32>
        %add3A_1345 = arith.addf %add3A_1327, %mul3A_1344 : vector<16xf32>
        %mul3A_1346 = arith.mulf %get3A_1334, %gather3A_1343 : vector<16xf32>
        %add3A_1347 = arith.addf %add3A_1329, %mul3A_1346 : vector<16xf32>
        %get3A_1348 = arith.constant 6 : i32
        %get3A_1349 = arith.index_cast %get3A_1348 : i32 to index
        %get3A_1350 = arith.index_cast %scan3A_116 : i32 to index
        %get3A_1351 = arith.constant 112 : index
        %get3A_1352 = tpu.vector_load %arg13[%get3A_1349, %get3A_1350, %get3A_1351] {strides = array<i32>} : memref<8x32x128xf32, #tpu.memory_space<vmem>>, vector<16xf32>,
        %mul3A_1353 = arith.constant 8 : i32
        %mul3A_1354 = arith.muli %mul3A_70, %mul3A_1353 : i32
        %add3A_1355 = arith.constant 6 : i32
        %add3A_1356 = arith.addi %mul3A_1354, %add3A_1355 : i32
        %mul3A_1357 = arith.constant 150 : i32
        %mul3A_1358 = arith.muli %add3A_1356, %mul3A_1357 : i32
        %add3A_1359 = vector.broadcast %mul3A_1358 : i32 to vector<16xi32>
        %add3A_1360 = arith.addi %get3A_1235, %add3A_1359 : vector<16xi32>
        %gather3A_1361 = tpu.vector_load_idx %arg15[%add3A_1360] : memref<38400xf32, #tpu.memory_space<vmem>>[vector<16xi32>], vector<16xf32>,
        %mul3A_1362 = arith.mulf %get3A_1352, %get3A_1352 : vector<16xf32>
        %add3A_1363 = arith.addf %add3A_1345, %mul3A_1362 : vector<16xf32>
        %mul3A_1364 = arith.mulf %get3A_1352, %gather3A_1361 : vector<16xf32>
        %add3A_1365 = arith.addf %add3A_1347, %mul3A_1364 : vector<16xf32>
        %get3A_1366 = arith.constant 7 : i32
        %get3A_1367 = arith.index_cast %get3A_1366 : i32 to index
        %get3A_1368 = arith.index_cast %scan3A_116 : i32 to index
        %get3A_1369 = arith.constant 112 : index
        %get3A_1370 = tpu.vector_load %arg13[%get3A_1367, %get3A_1368, %get3A_1369] {strides = array<i32>} : memref<8x32x128xf32, #tpu.memory_space<vmem>>, vector<16xf32>,
        %mul3A_1371 = arith.constant 8 : i32
        %mul3A_1372 = arith.muli %mul3A_70, %mul3A_1371 : i32
        %add3A_1373 = arith.constant 7 : i32
        %add3A_1374 = arith.addi %mul3A_1372, %add3A_1373 : i32
        %mul3A_1375 = arith.constant 150 : i32
        %mul3A_1376 = arith.muli %add3A_1374, %mul3A_1375 : i32
        %add3A_1377 = vector.broadcast %mul3A_1376 : i32 to vector<16xi32>
        %add3A_1378 = arith.addi %get3A_1235, %add3A_1377 : vector<16xi32>
        %gather3A_1379 = tpu.vector_load_idx %arg15[%add3A_1378] : memref<38400xf32, #tpu.memory_space<vmem>>[vector<16xi32>], vector<16xf32>,
        %mul3A_1380 = arith.mulf %get3A_1370, %get3A_1370 : vector<16xf32>
        %add3A_1381 = arith.addf %add3A_1363, %mul3A_1380 : vector<16xf32>
        %mul3A_1382 = arith.mulf %get3A_1370, %gather3A_1379 : vector<16xf32>
        %add3A_1383 = arith.addf %add3A_1365, %mul3A_1382 : vector<16xf32>
        %swap3A_1384 = arith.index_cast %add3A_1232 : i32 to index
        %swap3A_1385 = tpu.vector_load %arg17[%swap3A_1384] {strides = array<i32>} : memref<4096xf32, #tpu.memory_space<vmem>>, vector<16xf32>,
        tpu.vector_store %arg17[%swap3A_1384], %add3A_1381 {strides = array<i32>} : memref<4096xf32, #tpu.memory_space<vmem>>, vector<16xf32>,
        %swap3A_1386 = arith.index_cast %add3A_1232 : i32 to index
        %swap3A_1387 = tpu.vector_load %arg18[%swap3A_1386] {strides = array<i32>} : memref<4096xf32, #tpu.memory_space<vmem>>, vector<16xf32>,
        tpu.vector_store %arg18[%swap3A_1386], %add3A_1383 {strides = array<i32>} : memref<4096xf32, #tpu.memory_space<vmem>>, vector<16xf32>,
        %scan3A_1388 = arith.constant 0 : i32
        scf.yield %scan3A_1388 : i32
      }
      %scan3A_96 = arith.constant 32 : i32
      %mul3A_97 = arith.constant 8 : i32
      %mul3A_98 = arith.muli %add3A_74, %mul3A_97 : i32
      %dma_wait3A_99 = arith.constant 0 : i32
      %dma_wait3A_100 = tpu.memref_slice %arg2[%select_n3A, %mul3A_98, %mul3A_32, %dma_wait3A_99] : memref<8x256x128x128xf32, #tpu.memory_space<hbm>> -> memref<1x8x32x128xf32, #tpu.memory_space<hbm>>
      %dma_wait3A_101 = tpu.memref_squeeze %dma_wait3A_100 : memref<1x8x32x128xf32, #tpu.memory_space<hbm>> -> memref<8x32x128xf32, #tpu.memory_space<hbm>>
      %dma_wait3A_102 = arith.constant 0 : i32
      %dma_wait3A_103 = tpu.memref_slice %arg2[%select_n3A, %mul3A_98, %mul3A_32, %dma_wait3A_102] : memref<8x256x128x128xf32, #tpu.memory_space<hbm>> -> memref<1x8x32x128xf32, #tpu.memory_space<hbm>>
      %dma_wait3A_104 = tpu.memref_squeeze %dma_wait3A_103 : memref<1x8x32x128xf32, #tpu.memory_space<hbm>> -> memref<8x32x128xf32, #tpu.memory_space<hbm>>
      tpu.wait_dma2 semaphore(%arg23 : memref<!tpu.dma_semaphore, #tpu.memory_space<semaphore_mem>>) src(%dma_wait3A_104 : memref<8x32x128xf32, #tpu.memory_space<hbm>>) dst(%arg14 : memref<8x32x128xf32, #tpu.memory_space<vmem>>)
      %lt3A_105 = arith.constant 15 : i32
      %lt3A_106 = arith.cmpi slt, %scan3A_67, %lt3A_105 : i32
      %convert_element_type3A = arith.extui %lt3A_106 : i1 to i32
      %cond3A = arith.constant 0 : i32
      %cond3A_107 = arith.cmpi ne, %convert_element_type3A, %cond3A : i32
      scf.if %cond3A_107 {
        %add3A_116 = arith.constant 2 : i32
        %add3A_117 = arith.addi %mul3A_70, %add3A_116 : i32
        %mul3A_118 = arith.constant 8 : i32
        %mul3A_119 = arith.muli %add3A_117, %mul3A_118 : i32
        %dma_start3A_120 = arith.constant 0 : i32
        %dma_start3A_121 = tpu.memref_slice %arg2[%select_n3A, %mul3A_119, %mul3A_32, %dma_start3A_120] : memref<8x256x128x128xf32, #tpu.memory_space<hbm>> -> memref<1x8x32x128xf32, #tpu.memory_space<hbm>>
        %dma_start3A_122 = tpu.memref_squeeze %dma_start3A_121 : memref<1x8x32x128xf32, #tpu.memory_space<hbm>> -> memref<8x32x128xf32, #tpu.memory_space<hbm>>
        %dma_start3A_123 = arith.constant 0 : i32
        %dma_start3A_124 = tpu.memref_slice %arg2[%select_n3A, %mul3A_119, %mul3A_32, %dma_start3A_123] : memref<8x256x128x128xf32, #tpu.memory_space<hbm>> -> memref<1x8x32x128xf32, #tpu.memory_space<hbm>>
        %dma_start3A_125 = tpu.memref_squeeze %dma_start3A_124 : memref<1x8x32x128xf32, #tpu.memory_space<hbm>> -> memref<8x32x128xf32, #tpu.memory_space<hbm>>
        tpu.enqueue_dma source(%dma_start3A_125 : memref<8x32x128xf32, #tpu.memory_space<hbm>>) target(%arg13 : memref<8x32x128xf32, #tpu.memory_space<vmem>>) target_semaphore(%arg22 : memref<!tpu.dma_semaphore, #tpu.memory_space<semaphore_mem>>)
      } else {
      }
      %scan3A_108 = arith.constant 0 : i32
      %scan3A_109 = arith.constant 0 : i32
      %scan3A_110 = arith.constant 32 : i32
      %scan3A_111 = arith.addi %scan3A_109, %scan3A_110 : i32
      %scan3A_112 = arith.constant 1 : i32
      %scan3A_113 = scf.for %scan3A_116 = %scan3A_109 to %scan3A_111 step %scan3A_112 iter_args(%scan3A_117 = %scan3A_108) -> (i32)  : i32 {
        %mul3A_118 = arith.constant 128 : i32
        %mul3A_119 = arith.muli %scan3A_116, %mul3A_118 : i32
        %add3A_120 = arith.constant 0 : i32
        %add3A_121 = arith.addi %mul3A_119, %add3A_120 : i32
        %get3A = arith.index_cast %scan3A_116 : i32 to index
        %get3A_122 = arith.constant 0 : index
        %get3A_123 = tpu.vector_load %arg11[%get3A, %get3A_122] {strides = array<i32>} : memref<32x128xi32, #tpu.memory_space<vmem>>, vector<16xi32>,
        %get3A_124 = arith.index_cast %add3A_121 : i32 to index
        %get3A_125 = tpu.vector_load %arg17[%get3A_124] {strides = array<i32>} : memref<4096xf32, #tpu.memory_space<vmem>>, vector<16xf32>,
        %get3A_126 = arith.index_cast %add3A_121 : i32 to index
        %get3A_127 = tpu.vector_load %arg18[%get3A_126] {strides = array<i32>} : memref<4096xf32, #tpu.memory_space<vmem>>, vector<16xf32>,
        %get3A_128 = arith.constant 0 : i32
        %get3A_129 = arith.index_cast %get3A_128 : i32 to index
        %get3A_130 = arith.index_cast %scan3A_116 : i32 to index
        %get3A_131 = arith.constant 0 : index
        %get3A_132 = tpu.vector_load %arg14[%get3A_129, %get3A_130, %get3A_131] {strides = array<i32>} : memref<8x32x128xf32, #tpu.memory_space<vmem>>, vector<16xf32>,
        %mul3A_133 = arith.constant 8 : i32
        %mul3A_134 = arith.muli %add3A_74, %mul3A_133 : i32
        %add3A_135 = arith.constant 0 : i32
        %add3A_136 = arith.addi %mul3A_134, %add3A_135 : i32
        %mul3A_137 = arith.constant 150 : i32
        %mul3A_138 = arith.muli %add3A_136, %mul3A_137 : i32
        %add3A_139 = vector.broadcast %mul3A_138 : i32 to vector<16xi32>
        %add3A_140 = arith.addi %get3A_123, %add3A_139 : vector<16xi32>
        %gather3A = tpu.vector_load_idx %arg15[%add3A_140] : memref<38400xf32, #tpu.memory_space<vmem>>[vector<16xi32>], vector<16xf32>,
        %mul3A_141 = arith.mulf %get3A_132, %get3A_132 : vector<16xf32>
        %add3A_142 = arith.addf %get3A_125, %mul3A_141 : vector<16xf32>
        %mul3A_143 = arith.mulf %get3A_132, %gather3A : vector<16xf32>
        %add3A_144 = arith.addf %get3A_127, %mul3A_143 : vector<16xf32>
        %get3A_145 = arith.constant 1 : i32
        %get3A_146 = arith.index_cast %get3A_145 : i32 to index
        %get3A_147 = arith.index_cast %scan3A_116 : i32 to index
        %get3A_148 = arith.constant 0 : index
        %get3A_149 = tpu.vector_load %arg14[%get3A_146, %get3A_147, %get3A_148] {strides = array<i32>} : memref<8x32x128xf32, #tpu.memory_space<vmem>>, vector<16xf32>,
        %mul3A_150 = arith.constant 8 : i32
        %mul3A_151 = arith.muli %add3A_74, %mul3A_150 : i32
        %add3A_152 = arith.constant 1 : i32
        %add3A_153 = arith.addi %mul3A_151, %add3A_152 : i32
        %mul3A_154 = arith.constant 150 : i32
        %mul3A_155 = arith.muli %add3A_153, %mul3A_154 : i32
        %add3A_156 = vector.broadcast %mul3A_155 : i32 to vector<16xi32>
        %add3A_157 = arith.addi %get3A_123, %add3A_156 : vector<16xi32>
        %gather3A_158 = tpu.vector_load_idx %arg15[%add3A_157] : memref<38400xf32, #tpu.memory_space<vmem>>[vector<16xi32>], vector<16xf32>,
        %mul3A_159 = arith.mulf %get3A_149, %get3A_149 : vector<16xf32>
        %add3A_160 = arith.addf %add3A_142, %mul3A_159 : vector<16xf32>
        %mul3A_161 = arith.mulf %get3A_149, %gather3A_158 : vector<16xf32>
        %add3A_162 = arith.addf %add3A_144, %mul3A_161 : vector<16xf32>
        %get3A_163 = arith.constant 2 : i32
        %get3A_164 = arith.index_cast %get3A_163 : i32 to index
        %get3A_165 = arith.index_cast %scan3A_116 : i32 to index
        %get3A_166 = arith.constant 0 : index
        %get3A_167 = tpu.vector_load %arg14[%get3A_164, %get3A_165, %get3A_166] {strides = array<i32>} : memref<8x32x128xf32, #tpu.memory_space<vmem>>, vector<16xf32>,
        %mul3A_168 = arith.constant 8 : i32
        %mul3A_169 = arith.muli %add3A_74, %mul3A_168 : i32
        %add3A_170 = arith.constant 2 : i32
        %add3A_171 = arith.addi %mul3A_169, %add3A_170 : i32
        %mul3A_172 = arith.constant 150 : i32
        %mul3A_173 = arith.muli %add3A_171, %mul3A_172 : i32
        %add3A_174 = vector.broadcast %mul3A_173 : i32 to vector<16xi32>
        %add3A_175 = arith.addi %get3A_123, %add3A_174 : vector<16xi32>
        %gather3A_176 = tpu.vector_load_idx %arg15[%add3A_175] : memref<38400xf32, #tpu.memory_space<vmem>>[vector<16xi32>], vector<16xf32>,
        %mul3A_177 = arith.mulf %get3A_167, %get3A_167 : vector<16xf32>
        %add3A_178 = arith.addf %add3A_160, %mul3A_177 : vector<16xf32>
        %mul3A_179 = arith.mulf %get3A_167, %gather3A_176 : vector<16xf32>
        %add3A_180 = arith.addf %add3A_162, %mul3A_179 : vector<16xf32>
        %get3A_181 = arith.constant 3 : i32
        %get3A_182 = arith.index_cast %get3A_181 : i32 to index
        %get3A_183 = arith.index_cast %scan3A_116 : i32 to index
        %get3A_184 = arith.constant 0 : index
        %get3A_185 = tpu.vector_load %arg14[%get3A_182, %get3A_183, %get3A_184] {strides = array<i32>} : memref<8x32x128xf32, #tpu.memory_space<vmem>>, vector<16xf32>,
        %mul3A_186 = arith.constant 8 : i32
        %mul3A_187 = arith.muli %add3A_74, %mul3A_186 : i32
        %add3A_188 = arith.constant 3 : i32
        %add3A_189 = arith.addi %mul3A_187, %add3A_188 : i32
        %mul3A_190 = arith.constant 150 : i32
        %mul3A_191 = arith.muli %add3A_189, %mul3A_190 : i32
        %add3A_192 = vector.broadcast %mul3A_191 : i32 to vector<16xi32>
        %add3A_193 = arith.addi %get3A_123, %add3A_192 : vector<16xi32>
        %gather3A_194 = tpu.vector_load_idx %arg15[%add3A_193] : memref<38400xf32, #tpu.memory_space<vmem>>[vector<16xi32>], vector<16xf32>,
        %mul3A_195 = arith.mulf %get3A_185, %get3A_185 : vector<16xf32>
        %add3A_196 = arith.addf %add3A_178, %mul3A_195 : vector<16xf32>
        %mul3A_197 = arith.mulf %get3A_185, %gather3A_194 : vector<16xf32>
        %add3A_198 = arith.addf %add3A_180, %mul3A_197 : vector<16xf32>
        %get3A_199 = arith.constant 4 : i32
        %get3A_200 = arith.index_cast %get3A_199 : i32 to index
        %get3A_201 = arith.index_cast %scan3A_116 : i32 to index
        %get3A_202 = arith.constant 0 : index
        %get3A_203 = tpu.vector_load %arg14[%get3A_200, %get3A_201, %get3A_202] {strides = array<i32>} : memref<8x32x128xf32, #tpu.memory_space<vmem>>, vector<16xf32>,
        %mul3A_204 = arith.constant 8 : i32
        %mul3A_205 = arith.muli %add3A_74, %mul3A_204 : i32
        %add3A_206 = arith.constant 4 : i32
        %add3A_207 = arith.addi %mul3A_205, %add3A_206 : i32
        %mul3A_208 = arith.constant 150 : i32
        %mul3A_209 = arith.muli %add3A_207, %mul3A_208 : i32
        %add3A_210 = vector.broadcast %mul3A_209 : i32 to vector<16xi32>
        %add3A_211 = arith.addi %get3A_123, %add3A_210 : vector<16xi32>
        %gather3A_212 = tpu.vector_load_idx %arg15[%add3A_211] : memref<38400xf32, #tpu.memory_space<vmem>>[vector<16xi32>], vector<16xf32>,
        %mul3A_213 = arith.mulf %get3A_203, %get3A_203 : vector<16xf32>
        %add3A_214 = arith.addf %add3A_196, %mul3A_213 : vector<16xf32>
        %mul3A_215 = arith.mulf %get3A_203, %gather3A_212 : vector<16xf32>
        %add3A_216 = arith.addf %add3A_198, %mul3A_215 : vector<16xf32>
        %get3A_217 = arith.constant 5 : i32
        %get3A_218 = arith.index_cast %get3A_217 : i32 to index
        %get3A_219 = arith.index_cast %scan3A_116 : i32 to index
        %get3A_220 = arith.constant 0 : index
        %get3A_221 = tpu.vector_load %arg14[%get3A_218, %get3A_219, %get3A_220] {strides = array<i32>} : memref<8x32x128xf32, #tpu.memory_space<vmem>>, vector<16xf32>,
        %mul3A_222 = arith.constant 8 : i32
        %mul3A_223 = arith.muli %add3A_74, %mul3A_222 : i32
        %add3A_224 = arith.constant 5 : i32
        %add3A_225 = arith.addi %mul3A_223, %add3A_224 : i32
        %mul3A_226 = arith.constant 150 : i32
        %mul3A_227 = arith.muli %add3A_225, %mul3A_226 : i32
        %add3A_228 = vector.broadcast %mul3A_227 : i32 to vector<16xi32>
        %add3A_229 = arith.addi %get3A_123, %add3A_228 : vector<16xi32>
        %gather3A_230 = tpu.vector_load_idx %arg15[%add3A_229] : memref<38400xf32, #tpu.memory_space<vmem>>[vector<16xi32>], vector<16xf32>,
        %mul3A_231 = arith.mulf %get3A_221, %get3A_221 : vector<16xf32>
        %add3A_232 = arith.addf %add3A_214, %mul3A_231 : vector<16xf32>
        %mul3A_233 = arith.mulf %get3A_221, %gather3A_230 : vector<16xf32>
        %add3A_234 = arith.addf %add3A_216, %mul3A_233 : vector<16xf32>
        %get3A_235 = arith.constant 6 : i32
        %get3A_236 = arith.index_cast %get3A_235 : i32 to index
        %get3A_237 = arith.index_cast %scan3A_116 : i32 to index
        %get3A_238 = arith.constant 0 : index
        %get3A_239 = tpu.vector_load %arg14[%get3A_236, %get3A_237, %get3A_238] {strides = array<i32>} : memref<8x32x128xf32, #tpu.memory_space<vmem>>, vector<16xf32>,
        %mul3A_240 = arith.constant 8 : i32
        %mul3A_241 = arith.muli %add3A_74, %mul3A_240 : i32
        %add3A_242 = arith.constant 6 : i32
        %add3A_243 = arith.addi %mul3A_241, %add3A_242 : i32
        %mul3A_244 = arith.constant 150 : i32
        %mul3A_245 = arith.muli %add3A_243, %mul3A_244 : i32
        %add3A_246 = vector.broadcast %mul3A_245 : i32 to vector<16xi32>
        %add3A_247 = arith.addi %get3A_123, %add3A_246 : vector<16xi32>
        %gather3A_248 = tpu.vector_load_idx %arg15[%add3A_247] : memref<38400xf32, #tpu.memory_space<vmem>>[vector<16xi32>], vector<16xf32>,
        %mul3A_249 = arith.mulf %get3A_239, %get3A_239 : vector<16xf32>
        %add3A_250 = arith.addf %add3A_232, %mul3A_249 : vector<16xf32>
        %mul3A_251 = arith.mulf %get3A_239, %gather3A_248 : vector<16xf32>
        %add3A_252 = arith.addf %add3A_234, %mul3A_251 : vector<16xf32>
        %get3A_253 = arith.constant 7 : i32
        %get3A_254 = arith.index_cast %get3A_253 : i32 to index
        %get3A_255 = arith.index_cast %scan3A_116 : i32 to index
        %get3A_256 = arith.constant 0 : index
        %get3A_257 = tpu.vector_load %arg14[%get3A_254, %get3A_255, %get3A_256] {strides = array<i32>} : memref<8x32x128xf32, #tpu.memory_space<vmem>>, vector<16xf32>,
        %mul3A_258 = arith.constant 8 : i32
        %mul3A_259 = arith.muli %add3A_74, %mul3A_258 : i32
        %add3A_260 = arith.constant 7 : i32
        %add3A_261 = arith.addi %mul3A_259, %add3A_260 : i32
        %mul3A_262 = arith.constant 150 : i32
        %mul3A_263 = arith.muli %add3A_261, %mul3A_262 : i32
        %add3A_264 = vector.broadcast %mul3A_263 : i32 to vector<16xi32>
        %add3A_265 = arith.addi %get3A_123, %add3A_264 : vector<16xi32>
        %gather3A_266 = tpu.vector_load_idx %arg15[%add3A_265] : memref<38400xf32, #tpu.memory_space<vmem>>[vector<16xi32>], vector<16xf32>,
        %mul3A_267 = arith.mulf %get3A_257, %get3A_257 : vector<16xf32>
        %add3A_268 = arith.addf %add3A_250, %mul3A_267 : vector<16xf32>
        %mul3A_269 = arith.mulf %get3A_257, %gather3A_266 : vector<16xf32>
        %add3A_270 = arith.addf %add3A_252, %mul3A_269 : vector<16xf32>
        %swap3A_271 = arith.index_cast %add3A_121 : i32 to index
        %swap3A_272 = tpu.vector_load %arg17[%swap3A_271] {strides = array<i32>} : memref<4096xf32, #tpu.memory_space<vmem>>, vector<16xf32>,
        tpu.vector_store %arg17[%swap3A_271], %add3A_268 {strides = array<i32>} : memref<4096xf32, #tpu.memory_space<vmem>>, vector<16xf32>,
        %swap3A_273 = arith.index_cast %add3A_121 : i32 to index
        %swap3A_274 = tpu.vector_load %arg18[%swap3A_273] {strides = array<i32>} : memref<4096xf32, #tpu.memory_space<vmem>>, vector<16xf32>,
        tpu.vector_store %arg18[%swap3A_273], %add3A_270 {strides = array<i32>} : memref<4096xf32, #tpu.memory_space<vmem>>, vector<16xf32>,
        %mul3A_275 = arith.constant 128 : i32
        %mul3A_276 = arith.muli %scan3A_116, %mul3A_275 : i32
        %add3A_277 = arith.constant 16 : i32
        %add3A_278 = arith.addi %mul3A_276, %add3A_277 : i32
        %get3A_279 = arith.index_cast %scan3A_116 : i32 to index
        %get3A_280 = arith.constant 16 : index
        %get3A_281 = tpu.vector_load %arg11[%get3A_279, %get3A_280] {strides = array<i32>} : memref<32x128xi32, #tpu.memory_space<vmem>>, vector<16xi32>,
        %get3A_282 = arith.index_cast %add3A_278 : i32 to index
        %get3A_283 = tpu.vector_load %arg17[%get3A_282] {strides = array<i32>} : memref<4096xf32, #tpu.memory_space<vmem>>, vector<16xf32>,
        %get3A_284 = arith.index_cast %add3A_278 : i32 to index
        %get3A_285 = tpu.vector_load %arg18[%get3A_284] {strides = array<i32>} : memref<4096xf32, #tpu.memory_space<vmem>>, vector<16xf32>,
        %get3A_286 = arith.constant 0 : i32
        %get3A_287 = arith.index_cast %get3A_286 : i32 to index
        %get3A_288 = arith.index_cast %scan3A_116 : i32 to index
        %get3A_289 = arith.constant 16 : index
        %get3A_290 = tpu.vector_load %arg14[%get3A_287, %get3A_288, %get3A_289] {strides = array<i32>} : memref<8x32x128xf32, #tpu.memory_space<vmem>>, vector<16xf32>,
        %mul3A_291 = arith.constant 8 : i32
        %mul3A_292 = arith.muli %add3A_74, %mul3A_291 : i32
        %add3A_293 = arith.constant 0 : i32
        %add3A_294 = arith.addi %mul3A_292, %add3A_293 : i32
        %mul3A_295 = arith.constant 150 : i32
        %mul3A_296 = arith.muli %add3A_294, %mul3A_295 : i32
        %add3A_297 = vector.broadcast %mul3A_296 : i32 to vector<16xi32>
        %add3A_298 = arith.addi %get3A_281, %add3A_297 : vector<16xi32>
        %gather3A_299 = tpu.vector_load_idx %arg15[%add3A_298] : memref<38400xf32, #tpu.memory_space<vmem>>[vector<16xi32>], vector<16xf32>,
        %mul3A_300 = arith.mulf %get3A_290, %get3A_290 : vector<16xf32>
        %add3A_301 = arith.addf %get3A_283, %mul3A_300 : vector<16xf32>
        %mul3A_302 = arith.mulf %get3A_290, %gather3A_299 : vector<16xf32>
        %add3A_303 = arith.addf %get3A_285, %mul3A_302 : vector<16xf32>
        %get3A_304 = arith.constant 1 : i32
        %get3A_305 = arith.index_cast %get3A_304 : i32 to index
        %get3A_306 = arith.index_cast %scan3A_116 : i32 to index
        %get3A_307 = arith.constant 16 : index
        %get3A_308 = tpu.vector_load %arg14[%get3A_305, %get3A_306, %get3A_307] {strides = array<i32>} : memref<8x32x128xf32, #tpu.memory_space<vmem>>, vector<16xf32>,
        %mul3A_309 = arith.constant 8 : i32
        %mul3A_310 = arith.muli %add3A_74, %mul3A_309 : i32
        %add3A_311 = arith.constant 1 : i32
        %add3A_312 = arith.addi %mul3A_310, %add3A_311 : i32
        %mul3A_313 = arith.constant 150 : i32
        %mul3A_314 = arith.muli %add3A_312, %mul3A_313 : i32
        %add3A_315 = vector.broadcast %mul3A_314 : i32 to vector<16xi32>
        %add3A_316 = arith.addi %get3A_281, %add3A_315 : vector<16xi32>
        %gather3A_317 = tpu.vector_load_idx %arg15[%add3A_316] : memref<38400xf32, #tpu.memory_space<vmem>>[vector<16xi32>], vector<16xf32>,
        %mul3A_318 = arith.mulf %get3A_308, %get3A_308 : vector<16xf32>
        %add3A_319 = arith.addf %add3A_301, %mul3A_318 : vector<16xf32>
        %mul3A_320 = arith.mulf %get3A_308, %gather3A_317 : vector<16xf32>
        %add3A_321 = arith.addf %add3A_303, %mul3A_320 : vector<16xf32>
        %get3A_322 = arith.constant 2 : i32
        %get3A_323 = arith.index_cast %get3A_322 : i32 to index
        %get3A_324 = arith.index_cast %scan3A_116 : i32 to index
        %get3A_325 = arith.constant 16 : index
        %get3A_326 = tpu.vector_load %arg14[%get3A_323, %get3A_324, %get3A_325] {strides = array<i32>} : memref<8x32x128xf32, #tpu.memory_space<vmem>>, vector<16xf32>,
        %mul3A_327 = arith.constant 8 : i32
        %mul3A_328 = arith.muli %add3A_74, %mul3A_327 : i32
        %add3A_329 = arith.constant 2 : i32
        %add3A_330 = arith.addi %mul3A_328, %add3A_329 : i32
        %mul3A_331 = arith.constant 150 : i32
        %mul3A_332 = arith.muli %add3A_330, %mul3A_331 : i32
        %add3A_333 = vector.broadcast %mul3A_332 : i32 to vector<16xi32>
        %add3A_334 = arith.addi %get3A_281, %add3A_333 : vector<16xi32>
        %gather3A_335 = tpu.vector_load_idx %arg15[%add3A_334] : memref<38400xf32, #tpu.memory_space<vmem>>[vector<16xi32>], vector<16xf32>,
        %mul3A_336 = arith.mulf %get3A_326, %get3A_326 : vector<16xf32>
        %add3A_337 = arith.addf %add3A_319, %mul3A_336 : vector<16xf32>
        %mul3A_338 = arith.mulf %get3A_326, %gather3A_335 : vector<16xf32>
        %add3A_339 = arith.addf %add3A_321, %mul3A_338 : vector<16xf32>
        %get3A_340 = arith.constant 3 : i32
        %get3A_341 = arith.index_cast %get3A_340 : i32 to index
        %get3A_342 = arith.index_cast %scan3A_116 : i32 to index
        %get3A_343 = arith.constant 16 : index
        %get3A_344 = tpu.vector_load %arg14[%get3A_341, %get3A_342, %get3A_343] {strides = array<i32>} : memref<8x32x128xf32, #tpu.memory_space<vmem>>, vector<16xf32>,
        %mul3A_345 = arith.constant 8 : i32
        %mul3A_346 = arith.muli %add3A_74, %mul3A_345 : i32
        %add3A_347 = arith.constant 3 : i32
        %add3A_348 = arith.addi %mul3A_346, %add3A_347 : i32
        %mul3A_349 = arith.constant 150 : i32
        %mul3A_350 = arith.muli %add3A_348, %mul3A_349 : i32
        %add3A_351 = vector.broadcast %mul3A_350 : i32 to vector<16xi32>
        %add3A_352 = arith.addi %get3A_281, %add3A_351 : vector<16xi32>
        %gather3A_353 = tpu.vector_load_idx %arg15[%add3A_352] : memref<38400xf32, #tpu.memory_space<vmem>>[vector<16xi32>], vector<16xf32>,
        %mul3A_354 = arith.mulf %get3A_344, %get3A_344 : vector<16xf32>
        %add3A_355 = arith.addf %add3A_337, %mul3A_354 : vector<16xf32>
        %mul3A_356 = arith.mulf %get3A_344, %gather3A_353 : vector<16xf32>
        %add3A_357 = arith.addf %add3A_339, %mul3A_356 : vector<16xf32>
        %get3A_358 = arith.constant 4 : i32
        %get3A_359 = arith.index_cast %get3A_358 : i32 to index
        %get3A_360 = arith.index_cast %scan3A_116 : i32 to index
        %get3A_361 = arith.constant 16 : index
        %get3A_362 = tpu.vector_load %arg14[%get3A_359, %get3A_360, %get3A_361] {strides = array<i32>} : memref<8x32x128xf32, #tpu.memory_space<vmem>>, vector<16xf32>,
        %mul3A_363 = arith.constant 8 : i32
        %mul3A_364 = arith.muli %add3A_74, %mul3A_363 : i32
        %add3A_365 = arith.constant 4 : i32
        %add3A_366 = arith.addi %mul3A_364, %add3A_365 : i32
        %mul3A_367 = arith.constant 150 : i32
        %mul3A_368 = arith.muli %add3A_366, %mul3A_367 : i32
        %add3A_369 = vector.broadcast %mul3A_368 : i32 to vector<16xi32>
        %add3A_370 = arith.addi %get3A_281, %add3A_369 : vector<16xi32>
        %gather3A_371 = tpu.vector_load_idx %arg15[%add3A_370] : memref<38400xf32, #tpu.memory_space<vmem>>[vector<16xi32>], vector<16xf32>,
        %mul3A_372 = arith.mulf %get3A_362, %get3A_362 : vector<16xf32>
        %add3A_373 = arith.addf %add3A_355, %mul3A_372 : vector<16xf32>
        %mul3A_374 = arith.mulf %get3A_362, %gather3A_371 : vector<16xf32>
        %add3A_375 = arith.addf %add3A_357, %mul3A_374 : vector<16xf32>
        %get3A_376 = arith.constant 5 : i32
        %get3A_377 = arith.index_cast %get3A_376 : i32 to index
        %get3A_378 = arith.index_cast %scan3A_116 : i32 to index
        %get3A_379 = arith.constant 16 : index
        %get3A_380 = tpu.vector_load %arg14[%get3A_377, %get3A_378, %get3A_379] {strides = array<i32>} : memref<8x32x128xf32, #tpu.memory_space<vmem>>, vector<16xf32>,
        %mul3A_381 = arith.constant 8 : i32
        %mul3A_382 = arith.muli %add3A_74, %mul3A_381 : i32
        %add3A_383 = arith.constant 5 : i32
        %add3A_384 = arith.addi %mul3A_382, %add3A_383 : i32
        %mul3A_385 = arith.constant 150 : i32
        %mul3A_386 = arith.muli %add3A_384, %mul3A_385 : i32
        %add3A_387 = vector.broadcast %mul3A_386 : i32 to vector<16xi32>
        %add3A_388 = arith.addi %get3A_281, %add3A_387 : vector<16xi32>
        %gather3A_389 = tpu.vector_load_idx %arg15[%add3A_388] : memref<38400xf32, #tpu.memory_space<vmem>>[vector<16xi32>], vector<16xf32>,
        %mul3A_390 = arith.mulf %get3A_380, %get3A_380 : vector<16xf32>
        %add3A_391 = arith.addf %add3A_373, %mul3A_390 : vector<16xf32>
        %mul3A_392 = arith.mulf %get3A_380, %gather3A_389 : vector<16xf32>
        %add3A_393 = arith.addf %add3A_375, %mul3A_392 : vector<16xf32>
        %get3A_394 = arith.constant 6 : i32
        %get3A_395 = arith.index_cast %get3A_394 : i32 to index
        %get3A_396 = arith.index_cast %scan3A_116 : i32 to index
        %get3A_397 = arith.constant 16 : index
        %get3A_398 = tpu.vector_load %arg14[%get3A_395, %get3A_396, %get3A_397] {strides = array<i32>} : memref<8x32x128xf32, #tpu.memory_space<vmem>>, vector<16xf32>,
        %mul3A_399 = arith.constant 8 : i32
        %mul3A_400 = arith.muli %add3A_74, %mul3A_399 : i32
        %add3A_401 = arith.constant 6 : i32
        %add3A_402 = arith.addi %mul3A_400, %add3A_401 : i32
        %mul3A_403 = arith.constant 150 : i32
        %mul3A_404 = arith.muli %add3A_402, %mul3A_403 : i32
        %add3A_405 = vector.broadcast %mul3A_404 : i32 to vector<16xi32>
        %add3A_406 = arith.addi %get3A_281, %add3A_405 : vector<16xi32>
        %gather3A_407 = tpu.vector_load_idx %arg15[%add3A_406] : memref<38400xf32, #tpu.memory_space<vmem>>[vector<16xi32>], vector<16xf32>,
        %mul3A_408 = arith.mulf %get3A_398, %get3A_398 : vector<16xf32>
        %add3A_409 = arith.addf %add3A_391, %mul3A_408 : vector<16xf32>
        %mul3A_410 = arith.mulf %get3A_398, %gather3A_407 : vector<16xf32>
        %add3A_411 = arith.addf %add3A_393, %mul3A_410 : vector<16xf32>
        %get3A_412 = arith.constant 7 : i32
        %get3A_413 = arith.index_cast %get3A_412 : i32 to index
        %get3A_414 = arith.index_cast %scan3A_116 : i32 to index
        %get3A_415 = arith.constant 16 : index
        %get3A_416 = tpu.vector_load %arg14[%get3A_413, %get3A_414, %get3A_415] {strides = array<i32>} : memref<8x32x128xf32, #tpu.memory_space<vmem>>, vector<16xf32>,
        %mul3A_417 = arith.constant 8 : i32
        %mul3A_418 = arith.muli %add3A_74, %mul3A_417 : i32
        %add3A_419 = arith.constant 7 : i32
        %add3A_420 = arith.addi %mul3A_418, %add3A_419 : i32
        %mul3A_421 = arith.constant 150 : i32
        %mul3A_422 = arith.muli %add3A_420, %mul3A_421 : i32
        %add3A_423 = vector.broadcast %mul3A_422 : i32 to vector<16xi32>
        %add3A_424 = arith.addi %get3A_281, %add3A_423 : vector<16xi32>
        %gather3A_425 = tpu.vector_load_idx %arg15[%add3A_424] : memref<38400xf32, #tpu.memory_space<vmem>>[vector<16xi32>], vector<16xf32>,
        %mul3A_426 = arith.mulf %get3A_416, %get3A_416 : vector<16xf32>
        %add3A_427 = arith.addf %add3A_409, %mul3A_426 : vector<16xf32>
        %mul3A_428 = arith.mulf %get3A_416, %gather3A_425 : vector<16xf32>
        %add3A_429 = arith.addf %add3A_411, %mul3A_428 : vector<16xf32>
        %swap3A_430 = arith.index_cast %add3A_278 : i32 to index
        %swap3A_431 = tpu.vector_load %arg17[%swap3A_430] {strides = array<i32>} : memref<4096xf32, #tpu.memory_space<vmem>>, vector<16xf32>,
        tpu.vector_store %arg17[%swap3A_430], %add3A_427 {strides = array<i32>} : memref<4096xf32, #tpu.memory_space<vmem>>, vector<16xf32>,
        %swap3A_432 = arith.index_cast %add3A_278 : i32 to index
        %swap3A_433 = tpu.vector_load %arg18[%swap3A_432] {strides = array<i32>} : memref<4096xf32, #tpu.memory_space<vmem>>, vector<16xf32>,
        tpu.vector_store %arg18[%swap3A_432], %add3A_429 {strides = array<i32>} : memref<4096xf32, #tpu.memory_space<vmem>>, vector<16xf32>,
        %mul3A_434 = arith.constant 128 : i32
        %mul3A_435 = arith.muli %scan3A_116, %mul3A_434 : i32
        %add3A_436 = arith.constant 32 : i32
        %add3A_437 = arith.addi %mul3A_435, %add3A_436 : i32
        %get3A_438 = arith.index_cast %scan3A_116 : i32 to index
        %get3A_439 = arith.constant 32 : index
        %get3A_440 = tpu.vector_load %arg11[%get3A_438, %get3A_439] {strides = array<i32>} : memref<32x128xi32, #tpu.memory_space<vmem>>, vector<16xi32>,
        %get3A_441 = arith.index_cast %add3A_437 : i32 to index
        %get3A_442 = tpu.vector_load %arg17[%get3A_441] {strides = array<i32>} : memref<4096xf32, #tpu.memory_space<vmem>>, vector<16xf32>,
        %get3A_443 = arith.index_cast %add3A_437 : i32 to index
        %get3A_444 = tpu.vector_load %arg18[%get3A_443] {strides = array<i32>} : memref<4096xf32, #tpu.memory_space<vmem>>, vector<16xf32>,
        %get3A_445 = arith.constant 0 : i32
        %get3A_446 = arith.index_cast %get3A_445 : i32 to index
        %get3A_447 = arith.index_cast %scan3A_116 : i32 to index
        %get3A_448 = arith.constant 32 : index
        %get3A_449 = tpu.vector_load %arg14[%get3A_446, %get3A_447, %get3A_448] {strides = array<i32>} : memref<8x32x128xf32, #tpu.memory_space<vmem>>, vector<16xf32>,
        %mul3A_450 = arith.constant 8 : i32
        %mul3A_451 = arith.muli %add3A_74, %mul3A_450 : i32
        %add3A_452 = arith.constant 0 : i32
        %add3A_453 = arith.addi %mul3A_451, %add3A_452 : i32
        %mul3A_454 = arith.constant 150 : i32
        %mul3A_455 = arith.muli %add3A_453, %mul3A_454 : i32
        %add3A_456 = vector.broadcast %mul3A_455 : i32 to vector<16xi32>
        %add3A_457 = arith.addi %get3A_440, %add3A_456 : vector<16xi32>
        %gather3A_458 = tpu.vector_load_idx %arg15[%add3A_457] : memref<38400xf32, #tpu.memory_space<vmem>>[vector<16xi32>], vector<16xf32>,
        %mul3A_459 = arith.mulf %get3A_449, %get3A_449 : vector<16xf32>
        %add3A_460 = arith.addf %get3A_442, %mul3A_459 : vector<16xf32>
        %mul3A_461 = arith.mulf %get3A_449, %gather3A_458 : vector<16xf32>
        %add3A_462 = arith.addf %get3A_444, %mul3A_461 : vector<16xf32>
        %get3A_463 = arith.constant 1 : i32
        %get3A_464 = arith.index_cast %get3A_463 : i32 to index
        %get3A_465 = arith.index_cast %scan3A_116 : i32 to index
        %get3A_466 = arith.constant 32 : index
        %get3A_467 = tpu.vector_load %arg14[%get3A_464, %get3A_465, %get3A_466] {strides = array<i32>} : memref<8x32x128xf32, #tpu.memory_space<vmem>>, vector<16xf32>,
        %mul3A_468 = arith.constant 8 : i32
        %mul3A_469 = arith.muli %add3A_74, %mul3A_468 : i32
        %add3A_470 = arith.constant 1 : i32
        %add3A_471 = arith.addi %mul3A_469, %add3A_470 : i32
        %mul3A_472 = arith.constant 150 : i32
        %mul3A_473 = arith.muli %add3A_471, %mul3A_472 : i32
        %add3A_474 = vector.broadcast %mul3A_473 : i32 to vector<16xi32>
        %add3A_475 = arith.addi %get3A_440, %add3A_474 : vector<16xi32>
        %gather3A_476 = tpu.vector_load_idx %arg15[%add3A_475] : memref<38400xf32, #tpu.memory_space<vmem>>[vector<16xi32>], vector<16xf32>,
        %mul3A_477 = arith.mulf %get3A_467, %get3A_467 : vector<16xf32>
        %add3A_478 = arith.addf %add3A_460, %mul3A_477 : vector<16xf32>
        %mul3A_479 = arith.mulf %get3A_467, %gather3A_476 : vector<16xf32>
        %add3A_480 = arith.addf %add3A_462, %mul3A_479 : vector<16xf32>
        %get3A_481 = arith.constant 2 : i32
        %get3A_482 = arith.index_cast %get3A_481 : i32 to index
        %get3A_483 = arith.index_cast %scan3A_116 : i32 to index
        %get3A_484 = arith.constant 32 : index
        %get3A_485 = tpu.vector_load %arg14[%get3A_482, %get3A_483, %get3A_484] {strides = array<i32>} : memref<8x32x128xf32, #tpu.memory_space<vmem>>, vector<16xf32>,
        %mul3A_486 = arith.constant 8 : i32
        %mul3A_487 = arith.muli %add3A_74, %mul3A_486 : i32
        %add3A_488 = arith.constant 2 : i32
        %add3A_489 = arith.addi %mul3A_487, %add3A_488 : i32
        %mul3A_490 = arith.constant 150 : i32
        %mul3A_491 = arith.muli %add3A_489, %mul3A_490 : i32
        %add3A_492 = vector.broadcast %mul3A_491 : i32 to vector<16xi32>
        %add3A_493 = arith.addi %get3A_440, %add3A_492 : vector<16xi32>
        %gather3A_494 = tpu.vector_load_idx %arg15[%add3A_493] : memref<38400xf32, #tpu.memory_space<vmem>>[vector<16xi32>], vector<16xf32>,
        %mul3A_495 = arith.mulf %get3A_485, %get3A_485 : vector<16xf32>
        %add3A_496 = arith.addf %add3A_478, %mul3A_495 : vector<16xf32>
        %mul3A_497 = arith.mulf %get3A_485, %gather3A_494 : vector<16xf32>
        %add3A_498 = arith.addf %add3A_480, %mul3A_497 : vector<16xf32>
        %get3A_499 = arith.constant 3 : i32
        %get3A_500 = arith.index_cast %get3A_499 : i32 to index
        %get3A_501 = arith.index_cast %scan3A_116 : i32 to index
        %get3A_502 = arith.constant 32 : index
        %get3A_503 = tpu.vector_load %arg14[%get3A_500, %get3A_501, %get3A_502] {strides = array<i32>} : memref<8x32x128xf32, #tpu.memory_space<vmem>>, vector<16xf32>,
        %mul3A_504 = arith.constant 8 : i32
        %mul3A_505 = arith.muli %add3A_74, %mul3A_504 : i32
        %add3A_506 = arith.constant 3 : i32
        %add3A_507 = arith.addi %mul3A_505, %add3A_506 : i32
        %mul3A_508 = arith.constant 150 : i32
        %mul3A_509 = arith.muli %add3A_507, %mul3A_508 : i32
        %add3A_510 = vector.broadcast %mul3A_509 : i32 to vector<16xi32>
        %add3A_511 = arith.addi %get3A_440, %add3A_510 : vector<16xi32>
        %gather3A_512 = tpu.vector_load_idx %arg15[%add3A_511] : memref<38400xf32, #tpu.memory_space<vmem>>[vector<16xi32>], vector<16xf32>,
        %mul3A_513 = arith.mulf %get3A_503, %get3A_503 : vector<16xf32>
        %add3A_514 = arith.addf %add3A_496, %mul3A_513 : vector<16xf32>
        %mul3A_515 = arith.mulf %get3A_503, %gather3A_512 : vector<16xf32>
        %add3A_516 = arith.addf %add3A_498, %mul3A_515 : vector<16xf32>
        %get3A_517 = arith.constant 4 : i32
        %get3A_518 = arith.index_cast %get3A_517 : i32 to index
        %get3A_519 = arith.index_cast %scan3A_116 : i32 to index
        %get3A_520 = arith.constant 32 : index
        %get3A_521 = tpu.vector_load %arg14[%get3A_518, %get3A_519, %get3A_520] {strides = array<i32>} : memref<8x32x128xf32, #tpu.memory_space<vmem>>, vector<16xf32>,
        %mul3A_522 = arith.constant 8 : i32
        %mul3A_523 = arith.muli %add3A_74, %mul3A_522 : i32
        %add3A_524 = arith.constant 4 : i32
        %add3A_525 = arith.addi %mul3A_523, %add3A_524 : i32
        %mul3A_526 = arith.constant 150 : i32
        %mul3A_527 = arith.muli %add3A_525, %mul3A_526 : i32
        %add3A_528 = vector.broadcast %mul3A_527 : i32 to vector<16xi32>
        %add3A_529 = arith.addi %get3A_440, %add3A_528 : vector<16xi32>
        %gather3A_530 = tpu.vector_load_idx %arg15[%add3A_529] : memref<38400xf32, #tpu.memory_space<vmem>>[vector<16xi32>], vector<16xf32>,
        %mul3A_531 = arith.mulf %get3A_521, %get3A_521 : vector<16xf32>
        %add3A_532 = arith.addf %add3A_514, %mul3A_531 : vector<16xf32>
        %mul3A_533 = arith.mulf %get3A_521, %gather3A_530 : vector<16xf32>
        %add3A_534 = arith.addf %add3A_516, %mul3A_533 : vector<16xf32>
        %get3A_535 = arith.constant 5 : i32
        %get3A_536 = arith.index_cast %get3A_535 : i32 to index
        %get3A_537 = arith.index_cast %scan3A_116 : i32 to index
        %get3A_538 = arith.constant 32 : index
        %get3A_539 = tpu.vector_load %arg14[%get3A_536, %get3A_537, %get3A_538] {strides = array<i32>} : memref<8x32x128xf32, #tpu.memory_space<vmem>>, vector<16xf32>,
        %mul3A_540 = arith.constant 8 : i32
        %mul3A_541 = arith.muli %add3A_74, %mul3A_540 : i32
        %add3A_542 = arith.constant 5 : i32
        %add3A_543 = arith.addi %mul3A_541, %add3A_542 : i32
        %mul3A_544 = arith.constant 150 : i32
        %mul3A_545 = arith.muli %add3A_543, %mul3A_544 : i32
        %add3A_546 = vector.broadcast %mul3A_545 : i32 to vector<16xi32>
        %add3A_547 = arith.addi %get3A_440, %add3A_546 : vector<16xi32>
        %gather3A_548 = tpu.vector_load_idx %arg15[%add3A_547] : memref<38400xf32, #tpu.memory_space<vmem>>[vector<16xi32>], vector<16xf32>,
        %mul3A_549 = arith.mulf %get3A_539, %get3A_539 : vector<16xf32>
        %add3A_550 = arith.addf %add3A_532, %mul3A_549 : vector<16xf32>
        %mul3A_551 = arith.mulf %get3A_539, %gather3A_548 : vector<16xf32>
        %add3A_552 = arith.addf %add3A_534, %mul3A_551 : vector<16xf32>
        %get3A_553 = arith.constant 6 : i32
        %get3A_554 = arith.index_cast %get3A_553 : i32 to index
        %get3A_555 = arith.index_cast %scan3A_116 : i32 to index
        %get3A_556 = arith.constant 32 : index
        %get3A_557 = tpu.vector_load %arg14[%get3A_554, %get3A_555, %get3A_556] {strides = array<i32>} : memref<8x32x128xf32, #tpu.memory_space<vmem>>, vector<16xf32>,
        %mul3A_558 = arith.constant 8 : i32
        %mul3A_559 = arith.muli %add3A_74, %mul3A_558 : i32
        %add3A_560 = arith.constant 6 : i32
        %add3A_561 = arith.addi %mul3A_559, %add3A_560 : i32
        %mul3A_562 = arith.constant 150 : i32
        %mul3A_563 = arith.muli %add3A_561, %mul3A_562 : i32
        %add3A_564 = vector.broadcast %mul3A_563 : i32 to vector<16xi32>
        %add3A_565 = arith.addi %get3A_440, %add3A_564 : vector<16xi32>
        %gather3A_566 = tpu.vector_load_idx %arg15[%add3A_565] : memref<38400xf32, #tpu.memory_space<vmem>>[vector<16xi32>], vector<16xf32>,
        %mul3A_567 = arith.mulf %get3A_557, %get3A_557 : vector<16xf32>
        %add3A_568 = arith.addf %add3A_550, %mul3A_567 : vector<16xf32>
        %mul3A_569 = arith.mulf %get3A_557, %gather3A_566 : vector<16xf32>
        %add3A_570 = arith.addf %add3A_552, %mul3A_569 : vector<16xf32>
        %get3A_571 = arith.constant 7 : i32
        %get3A_572 = arith.index_cast %get3A_571 : i32 to index
        %get3A_573 = arith.index_cast %scan3A_116 : i32 to index
        %get3A_574 = arith.constant 32 : index
        %get3A_575 = tpu.vector_load %arg14[%get3A_572, %get3A_573, %get3A_574] {strides = array<i32>} : memref<8x32x128xf32, #tpu.memory_space<vmem>>, vector<16xf32>,
        %mul3A_576 = arith.constant 8 : i32
        %mul3A_577 = arith.muli %add3A_74, %mul3A_576 : i32
        %add3A_578 = arith.constant 7 : i32
        %add3A_579 = arith.addi %mul3A_577, %add3A_578 : i32
        %mul3A_580 = arith.constant 150 : i32
        %mul3A_581 = arith.muli %add3A_579, %mul3A_580 : i32
        %add3A_582 = vector.broadcast %mul3A_581 : i32 to vector<16xi32>
        %add3A_583 = arith.addi %get3A_440, %add3A_582 : vector<16xi32>
        %gather3A_584 = tpu.vector_load_idx %arg15[%add3A_583] : memref<38400xf32, #tpu.memory_space<vmem>>[vector<16xi32>], vector<16xf32>,
        %mul3A_585 = arith.mulf %get3A_575, %get3A_575 : vector<16xf32>
        %add3A_586 = arith.addf %add3A_568, %mul3A_585 : vector<16xf32>
        %mul3A_587 = arith.mulf %get3A_575, %gather3A_584 : vector<16xf32>
        %add3A_588 = arith.addf %add3A_570, %mul3A_587 : vector<16xf32>
        %swap3A_589 = arith.index_cast %add3A_437 : i32 to index
        %swap3A_590 = tpu.vector_load %arg17[%swap3A_589] {strides = array<i32>} : memref<4096xf32, #tpu.memory_space<vmem>>, vector<16xf32>,
        tpu.vector_store %arg17[%swap3A_589], %add3A_586 {strides = array<i32>} : memref<4096xf32, #tpu.memory_space<vmem>>, vector<16xf32>,
        %swap3A_591 = arith.index_cast %add3A_437 : i32 to index
        %swap3A_592 = tpu.vector_load %arg18[%swap3A_591] {strides = array<i32>} : memref<4096xf32, #tpu.memory_space<vmem>>, vector<16xf32>,
        tpu.vector_store %arg18[%swap3A_591], %add3A_588 {strides = array<i32>} : memref<4096xf32, #tpu.memory_space<vmem>>, vector<16xf32>,
        %mul3A_593 = arith.constant 128 : i32
        %mul3A_594 = arith.muli %scan3A_116, %mul3A_593 : i32
        %add3A_595 = arith.constant 48 : i32
        %add3A_596 = arith.addi %mul3A_594, %add3A_595 : i32
        %get3A_597 = arith.index_cast %scan3A_116 : i32 to index
        %get3A_598 = arith.constant 48 : index
        %get3A_599 = tpu.vector_load %arg11[%get3A_597, %get3A_598] {strides = array<i32>} : memref<32x128xi32, #tpu.memory_space<vmem>>, vector<16xi32>,
        %get3A_600 = arith.index_cast %add3A_596 : i32 to index
        %get3A_601 = tpu.vector_load %arg17[%get3A_600] {strides = array<i32>} : memref<4096xf32, #tpu.memory_space<vmem>>, vector<16xf32>,
        %get3A_602 = arith.index_cast %add3A_596 : i32 to index
        %get3A_603 = tpu.vector_load %arg18[%get3A_602] {strides = array<i32>} : memref<4096xf32, #tpu.memory_space<vmem>>, vector<16xf32>,
        %get3A_604 = arith.constant 0 : i32
        %get3A_605 = arith.index_cast %get3A_604 : i32 to index
        %get3A_606 = arith.index_cast %scan3A_116 : i32 to index
        %get3A_607 = arith.constant 48 : index
        %get3A_608 = tpu.vector_load %arg14[%get3A_605, %get3A_606, %get3A_607] {strides = array<i32>} : memref<8x32x128xf32, #tpu.memory_space<vmem>>, vector<16xf32>,
        %mul3A_609 = arith.constant 8 : i32
        %mul3A_610 = arith.muli %add3A_74, %mul3A_609 : i32
        %add3A_611 = arith.constant 0 : i32
        %add3A_612 = arith.addi %mul3A_610, %add3A_611 : i32
        %mul3A_613 = arith.constant 150 : i32
        %mul3A_614 = arith.muli %add3A_612, %mul3A_613 : i32
        %add3A_615 = vector.broadcast %mul3A_614 : i32 to vector<16xi32>
        %add3A_616 = arith.addi %get3A_599, %add3A_615 : vector<16xi32>
        %gather3A_617 = tpu.vector_load_idx %arg15[%add3A_616] : memref<38400xf32, #tpu.memory_space<vmem>>[vector<16xi32>], vector<16xf32>,
        %mul3A_618 = arith.mulf %get3A_608, %get3A_608 : vector<16xf32>
        %add3A_619 = arith.addf %get3A_601, %mul3A_618 : vector<16xf32>
        %mul3A_620 = arith.mulf %get3A_608, %gather3A_617 : vector<16xf32>
        %add3A_621 = arith.addf %get3A_603, %mul3A_620 : vector<16xf32>
        %get3A_622 = arith.constant 1 : i32
        %get3A_623 = arith.index_cast %get3A_622 : i32 to index
        %get3A_624 = arith.index_cast %scan3A_116 : i32 to index
        %get3A_625 = arith.constant 48 : index
        %get3A_626 = tpu.vector_load %arg14[%get3A_623, %get3A_624, %get3A_625] {strides = array<i32>} : memref<8x32x128xf32, #tpu.memory_space<vmem>>, vector<16xf32>,
        %mul3A_627 = arith.constant 8 : i32
        %mul3A_628 = arith.muli %add3A_74, %mul3A_627 : i32
        %add3A_629 = arith.constant 1 : i32
        %add3A_630 = arith.addi %mul3A_628, %add3A_629 : i32
        %mul3A_631 = arith.constant 150 : i32
        %mul3A_632 = arith.muli %add3A_630, %mul3A_631 : i32
        %add3A_633 = vector.broadcast %mul3A_632 : i32 to vector<16xi32>
        %add3A_634 = arith.addi %get3A_599, %add3A_633 : vector<16xi32>
        %gather3A_635 = tpu.vector_load_idx %arg15[%add3A_634] : memref<38400xf32, #tpu.memory_space<vmem>>[vector<16xi32>], vector<16xf32>,
        %mul3A_636 = arith.mulf %get3A_626, %get3A_626 : vector<16xf32>
        %add3A_637 = arith.addf %add3A_619, %mul3A_636 : vector<16xf32>
        %mul3A_638 = arith.mulf %get3A_626, %gather3A_635 : vector<16xf32>
        %add3A_639 = arith.addf %add3A_621, %mul3A_638 : vector<16xf32>
        %get3A_640 = arith.constant 2 : i32
        %get3A_641 = arith.index_cast %get3A_640 : i32 to index
        %get3A_642 = arith.index_cast %scan3A_116 : i32 to index
        %get3A_643 = arith.constant 48 : index
        %get3A_644 = tpu.vector_load %arg14[%get3A_641, %get3A_642, %get3A_643] {strides = array<i32>} : memref<8x32x128xf32, #tpu.memory_space<vmem>>, vector<16xf32>,
        %mul3A_645 = arith.constant 8 : i32
        %mul3A_646 = arith.muli %add3A_74, %mul3A_645 : i32
        %add3A_647 = arith.constant 2 : i32
        %add3A_648 = arith.addi %mul3A_646, %add3A_647 : i32
        %mul3A_649 = arith.constant 150 : i32
        %mul3A_650 = arith.muli %add3A_648, %mul3A_649 : i32
        %add3A_651 = vector.broadcast %mul3A_650 : i32 to vector<16xi32>
        %add3A_652 = arith.addi %get3A_599, %add3A_651 : vector<16xi32>
        %gather3A_653 = tpu.vector_load_idx %arg15[%add3A_652] : memref<38400xf32, #tpu.memory_space<vmem>>[vector<16xi32>], vector<16xf32>,
        %mul3A_654 = arith.mulf %get3A_644, %get3A_644 : vector<16xf32>
        %add3A_655 = arith.addf %add3A_637, %mul3A_654 : vector<16xf32>
        %mul3A_656 = arith.mulf %get3A_644, %gather3A_653 : vector<16xf32>
        %add3A_657 = arith.addf %add3A_639, %mul3A_656 : vector<16xf32>
        %get3A_658 = arith.constant 3 : i32
        %get3A_659 = arith.index_cast %get3A_658 : i32 to index
        %get3A_660 = arith.index_cast %scan3A_116 : i32 to index
        %get3A_661 = arith.constant 48 : index
        %get3A_662 = tpu.vector_load %arg14[%get3A_659, %get3A_660, %get3A_661] {strides = array<i32>} : memref<8x32x128xf32, #tpu.memory_space<vmem>>, vector<16xf32>,
        %mul3A_663 = arith.constant 8 : i32
        %mul3A_664 = arith.muli %add3A_74, %mul3A_663 : i32
        %add3A_665 = arith.constant 3 : i32
        %add3A_666 = arith.addi %mul3A_664, %add3A_665 : i32
        %mul3A_667 = arith.constant 150 : i32
        %mul3A_668 = arith.muli %add3A_666, %mul3A_667 : i32
        %add3A_669 = vector.broadcast %mul3A_668 : i32 to vector<16xi32>
        %add3A_670 = arith.addi %get3A_599, %add3A_669 : vector<16xi32>
        %gather3A_671 = tpu.vector_load_idx %arg15[%add3A_670] : memref<38400xf32, #tpu.memory_space<vmem>>[vector<16xi32>], vector<16xf32>,
        %mul3A_672 = arith.mulf %get3A_662, %get3A_662 : vector<16xf32>
        %add3A_673 = arith.addf %add3A_655, %mul3A_672 : vector<16xf32>
        %mul3A_674 = arith.mulf %get3A_662, %gather3A_671 : vector<16xf32>
        %add3A_675 = arith.addf %add3A_657, %mul3A_674 : vector<16xf32>
        %get3A_676 = arith.constant 4 : i32
        %get3A_677 = arith.index_cast %get3A_676 : i32 to index
        %get3A_678 = arith.index_cast %scan3A_116 : i32 to index
        %get3A_679 = arith.constant 48 : index
        %get3A_680 = tpu.vector_load %arg14[%get3A_677, %get3A_678, %get3A_679] {strides = array<i32>} : memref<8x32x128xf32, #tpu.memory_space<vmem>>, vector<16xf32>,
        %mul3A_681 = arith.constant 8 : i32
        %mul3A_682 = arith.muli %add3A_74, %mul3A_681 : i32
        %add3A_683 = arith.constant 4 : i32
        %add3A_684 = arith.addi %mul3A_682, %add3A_683 : i32
        %mul3A_685 = arith.constant 150 : i32
        %mul3A_686 = arith.muli %add3A_684, %mul3A_685 : i32
        %add3A_687 = vector.broadcast %mul3A_686 : i32 to vector<16xi32>
        %add3A_688 = arith.addi %get3A_599, %add3A_687 : vector<16xi32>
        %gather3A_689 = tpu.vector_load_idx %arg15[%add3A_688] : memref<38400xf32, #tpu.memory_space<vmem>>[vector<16xi32>], vector<16xf32>,
        %mul3A_690 = arith.mulf %get3A_680, %get3A_680 : vector<16xf32>
        %add3A_691 = arith.addf %add3A_673, %mul3A_690 : vector<16xf32>
        %mul3A_692 = arith.mulf %get3A_680, %gather3A_689 : vector<16xf32>
        %add3A_693 = arith.addf %add3A_675, %mul3A_692 : vector<16xf32>
        %get3A_694 = arith.constant 5 : i32
        %get3A_695 = arith.index_cast %get3A_694 : i32 to index
        %get3A_696 = arith.index_cast %scan3A_116 : i32 to index
        %get3A_697 = arith.constant 48 : index
        %get3A_698 = tpu.vector_load %arg14[%get3A_695, %get3A_696, %get3A_697] {strides = array<i32>} : memref<8x32x128xf32, #tpu.memory_space<vmem>>, vector<16xf32>,
        %mul3A_699 = arith.constant 8 : i32
        %mul3A_700 = arith.muli %add3A_74, %mul3A_699 : i32
        %add3A_701 = arith.constant 5 : i32
        %add3A_702 = arith.addi %mul3A_700, %add3A_701 : i32
        %mul3A_703 = arith.constant 150 : i32
        %mul3A_704 = arith.muli %add3A_702, %mul3A_703 : i32
        %add3A_705 = vector.broadcast %mul3A_704 : i32 to vector<16xi32>
        %add3A_706 = arith.addi %get3A_599, %add3A_705 : vector<16xi32>
        %gather3A_707 = tpu.vector_load_idx %arg15[%add3A_706] : memref<38400xf32, #tpu.memory_space<vmem>>[vector<16xi32>], vector<16xf32>,
        %mul3A_708 = arith.mulf %get3A_698, %get3A_698 : vector<16xf32>
        %add3A_709 = arith.addf %add3A_691, %mul3A_708 : vector<16xf32>
        %mul3A_710 = arith.mulf %get3A_698, %gather3A_707 : vector<16xf32>
        %add3A_711 = arith.addf %add3A_693, %mul3A_710 : vector<16xf32>
        %get3A_712 = arith.constant 6 : i32
        %get3A_713 = arith.index_cast %get3A_712 : i32 to index
        %get3A_714 = arith.index_cast %scan3A_116 : i32 to index
        %get3A_715 = arith.constant 48 : index
        %get3A_716 = tpu.vector_load %arg14[%get3A_713, %get3A_714, %get3A_715] {strides = array<i32>} : memref<8x32x128xf32, #tpu.memory_space<vmem>>, vector<16xf32>,
        %mul3A_717 = arith.constant 8 : i32
        %mul3A_718 = arith.muli %add3A_74, %mul3A_717 : i32
        %add3A_719 = arith.constant 6 : i32
        %add3A_720 = arith.addi %mul3A_718, %add3A_719 : i32
        %mul3A_721 = arith.constant 150 : i32
        %mul3A_722 = arith.muli %add3A_720, %mul3A_721 : i32
        %add3A_723 = vector.broadcast %mul3A_722 : i32 to vector<16xi32>
        %add3A_724 = arith.addi %get3A_599, %add3A_723 : vector<16xi32>
        %gather3A_725 = tpu.vector_load_idx %arg15[%add3A_724] : memref<38400xf32, #tpu.memory_space<vmem>>[vector<16xi32>], vector<16xf32>,
        %mul3A_726 = arith.mulf %get3A_716, %get3A_716 : vector<16xf32>
        %add3A_727 = arith.addf %add3A_709, %mul3A_726 : vector<16xf32>
        %mul3A_728 = arith.mulf %get3A_716, %gather3A_725 : vector<16xf32>
        %add3A_729 = arith.addf %add3A_711, %mul3A_728 : vector<16xf32>
        %get3A_730 = arith.constant 7 : i32
        %get3A_731 = arith.index_cast %get3A_730 : i32 to index
        %get3A_732 = arith.index_cast %scan3A_116 : i32 to index
        %get3A_733 = arith.constant 48 : index
        %get3A_734 = tpu.vector_load %arg14[%get3A_731, %get3A_732, %get3A_733] {strides = array<i32>} : memref<8x32x128xf32, #tpu.memory_space<vmem>>, vector<16xf32>,
        %mul3A_735 = arith.constant 8 : i32
        %mul3A_736 = arith.muli %add3A_74, %mul3A_735 : i32
        %add3A_737 = arith.constant 7 : i32
        %add3A_738 = arith.addi %mul3A_736, %add3A_737 : i32
        %mul3A_739 = arith.constant 150 : i32
        %mul3A_740 = arith.muli %add3A_738, %mul3A_739 : i32
        %add3A_741 = vector.broadcast %mul3A_740 : i32 to vector<16xi32>
        %add3A_742 = arith.addi %get3A_599, %add3A_741 : vector<16xi32>
        %gather3A_743 = tpu.vector_load_idx %arg15[%add3A_742] : memref<38400xf32, #tpu.memory_space<vmem>>[vector<16xi32>], vector<16xf32>,
        %mul3A_744 = arith.mulf %get3A_734, %get3A_734 : vector<16xf32>
        %add3A_745 = arith.addf %add3A_727, %mul3A_744 : vector<16xf32>
        %mul3A_746 = arith.mulf %get3A_734, %gather3A_743 : vector<16xf32>
        %add3A_747 = arith.addf %add3A_729, %mul3A_746 : vector<16xf32>
        %swap3A_748 = arith.index_cast %add3A_596 : i32 to index
        %swap3A_749 = tpu.vector_load %arg17[%swap3A_748] {strides = array<i32>} : memref<4096xf32, #tpu.memory_space<vmem>>, vector<16xf32>,
        tpu.vector_store %arg17[%swap3A_748], %add3A_745 {strides = array<i32>} : memref<4096xf32, #tpu.memory_space<vmem>>, vector<16xf32>,
        %swap3A_750 = arith.index_cast %add3A_596 : i32 to index
        %swap3A_751 = tpu.vector_load %arg18[%swap3A_750] {strides = array<i32>} : memref<4096xf32, #tpu.memory_space<vmem>>, vector<16xf32>,
        tpu.vector_store %arg18[%swap3A_750], %add3A_747 {strides = array<i32>} : memref<4096xf32, #tpu.memory_space<vmem>>, vector<16xf32>,
        %mul3A_752 = arith.constant 128 : i32
        %mul3A_753 = arith.muli %scan3A_116, %mul3A_752 : i32
        %add3A_754 = arith.constant 64 : i32
        %add3A_755 = arith.addi %mul3A_753, %add3A_754 : i32
        %get3A_756 = arith.index_cast %scan3A_116 : i32 to index
        %get3A_757 = arith.constant 64 : index
        %get3A_758 = tpu.vector_load %arg11[%get3A_756, %get3A_757] {strides = array<i32>} : memref<32x128xi32, #tpu.memory_space<vmem>>, vector<16xi32>,
        %get3A_759 = arith.index_cast %add3A_755 : i32 to index
        %get3A_760 = tpu.vector_load %arg17[%get3A_759] {strides = array<i32>} : memref<4096xf32, #tpu.memory_space<vmem>>, vector<16xf32>,
        %get3A_761 = arith.index_cast %add3A_755 : i32 to index
        %get3A_762 = tpu.vector_load %arg18[%get3A_761] {strides = array<i32>} : memref<4096xf32, #tpu.memory_space<vmem>>, vector<16xf32>,
        %get3A_763 = arith.constant 0 : i32
        %get3A_764 = arith.index_cast %get3A_763 : i32 to index
        %get3A_765 = arith.index_cast %scan3A_116 : i32 to index
        %get3A_766 = arith.constant 64 : index
        %get3A_767 = tpu.vector_load %arg14[%get3A_764, %get3A_765, %get3A_766] {strides = array<i32>} : memref<8x32x128xf32, #tpu.memory_space<vmem>>, vector<16xf32>,
        %mul3A_768 = arith.constant 8 : i32
        %mul3A_769 = arith.muli %add3A_74, %mul3A_768 : i32
        %add3A_770 = arith.constant 0 : i32
        %add3A_771 = arith.addi %mul3A_769, %add3A_770 : i32
        %mul3A_772 = arith.constant 150 : i32
        %mul3A_773 = arith.muli %add3A_771, %mul3A_772 : i32
        %add3A_774 = vector.broadcast %mul3A_773 : i32 to vector<16xi32>
        %add3A_775 = arith.addi %get3A_758, %add3A_774 : vector<16xi32>
        %gather3A_776 = tpu.vector_load_idx %arg15[%add3A_775] : memref<38400xf32, #tpu.memory_space<vmem>>[vector<16xi32>], vector<16xf32>,
        %mul3A_777 = arith.mulf %get3A_767, %get3A_767 : vector<16xf32>
        %add3A_778 = arith.addf %get3A_760, %mul3A_777 : vector<16xf32>
        %mul3A_779 = arith.mulf %get3A_767, %gather3A_776 : vector<16xf32>
        %add3A_780 = arith.addf %get3A_762, %mul3A_779 : vector<16xf32>
        %get3A_781 = arith.constant 1 : i32
        %get3A_782 = arith.index_cast %get3A_781 : i32 to index
        %get3A_783 = arith.index_cast %scan3A_116 : i32 to index
        %get3A_784 = arith.constant 64 : index
        %get3A_785 = tpu.vector_load %arg14[%get3A_782, %get3A_783, %get3A_784] {strides = array<i32>} : memref<8x32x128xf32, #tpu.memory_space<vmem>>, vector<16xf32>,
        %mul3A_786 = arith.constant 8 : i32
        %mul3A_787 = arith.muli %add3A_74, %mul3A_786 : i32
        %add3A_788 = arith.constant 1 : i32
        %add3A_789 = arith.addi %mul3A_787, %add3A_788 : i32
        %mul3A_790 = arith.constant 150 : i32
        %mul3A_791 = arith.muli %add3A_789, %mul3A_790 : i32
        %add3A_792 = vector.broadcast %mul3A_791 : i32 to vector<16xi32>
        %add3A_793 = arith.addi %get3A_758, %add3A_792 : vector<16xi32>
        %gather3A_794 = tpu.vector_load_idx %arg15[%add3A_793] : memref<38400xf32, #tpu.memory_space<vmem>>[vector<16xi32>], vector<16xf32>,
        %mul3A_795 = arith.mulf %get3A_785, %get3A_785 : vector<16xf32>
        %add3A_796 = arith.addf %add3A_778, %mul3A_795 : vector<16xf32>
        %mul3A_797 = arith.mulf %get3A_785, %gather3A_794 : vector<16xf32>
        %add3A_798 = arith.addf %add3A_780, %mul3A_797 : vector<16xf32>
        %get3A_799 = arith.constant 2 : i32
        %get3A_800 = arith.index_cast %get3A_799 : i32 to index
        %get3A_801 = arith.index_cast %scan3A_116 : i32 to index
        %get3A_802 = arith.constant 64 : index
        %get3A_803 = tpu.vector_load %arg14[%get3A_800, %get3A_801, %get3A_802] {strides = array<i32>} : memref<8x32x128xf32, #tpu.memory_space<vmem>>, vector<16xf32>,
        %mul3A_804 = arith.constant 8 : i32
        %mul3A_805 = arith.muli %add3A_74, %mul3A_804 : i32
        %add3A_806 = arith.constant 2 : i32
        %add3A_807 = arith.addi %mul3A_805, %add3A_806 : i32
        %mul3A_808 = arith.constant 150 : i32
        %mul3A_809 = arith.muli %add3A_807, %mul3A_808 : i32
        %add3A_810 = vector.broadcast %mul3A_809 : i32 to vector<16xi32>
        %add3A_811 = arith.addi %get3A_758, %add3A_810 : vector<16xi32>
        %gather3A_812 = tpu.vector_load_idx %arg15[%add3A_811] : memref<38400xf32, #tpu.memory_space<vmem>>[vector<16xi32>], vector<16xf32>,
        %mul3A_813 = arith.mulf %get3A_803, %get3A_803 : vector<16xf32>
        %add3A_814 = arith.addf %add3A_796, %mul3A_813 : vector<16xf32>
        %mul3A_815 = arith.mulf %get3A_803, %gather3A_812 : vector<16xf32>
        %add3A_816 = arith.addf %add3A_798, %mul3A_815 : vector<16xf32>
        %get3A_817 = arith.constant 3 : i32
        %get3A_818 = arith.index_cast %get3A_817 : i32 to index
        %get3A_819 = arith.index_cast %scan3A_116 : i32 to index
        %get3A_820 = arith.constant 64 : index
        %get3A_821 = tpu.vector_load %arg14[%get3A_818, %get3A_819, %get3A_820] {strides = array<i32>} : memref<8x32x128xf32, #tpu.memory_space<vmem>>, vector<16xf32>,
        %mul3A_822 = arith.constant 8 : i32
        %mul3A_823 = arith.muli %add3A_74, %mul3A_822 : i32
        %add3A_824 = arith.constant 3 : i32
        %add3A_825 = arith.addi %mul3A_823, %add3A_824 : i32
        %mul3A_826 = arith.constant 150 : i32
        %mul3A_827 = arith.muli %add3A_825, %mul3A_826 : i32
        %add3A_828 = vector.broadcast %mul3A_827 : i32 to vector<16xi32>
        %add3A_829 = arith.addi %get3A_758, %add3A_828 : vector<16xi32>
        %gather3A_830 = tpu.vector_load_idx %arg15[%add3A_829] : memref<38400xf32, #tpu.memory_space<vmem>>[vector<16xi32>], vector<16xf32>,
        %mul3A_831 = arith.mulf %get3A_821, %get3A_821 : vector<16xf32>
        %add3A_832 = arith.addf %add3A_814, %mul3A_831 : vector<16xf32>
        %mul3A_833 = arith.mulf %get3A_821, %gather3A_830 : vector<16xf32>
        %add3A_834 = arith.addf %add3A_816, %mul3A_833 : vector<16xf32>
        %get3A_835 = arith.constant 4 : i32
        %get3A_836 = arith.index_cast %get3A_835 : i32 to index
        %get3A_837 = arith.index_cast %scan3A_116 : i32 to index
        %get3A_838 = arith.constant 64 : index
        %get3A_839 = tpu.vector_load %arg14[%get3A_836, %get3A_837, %get3A_838] {strides = array<i32>} : memref<8x32x128xf32, #tpu.memory_space<vmem>>, vector<16xf32>,
        %mul3A_840 = arith.constant 8 : i32
        %mul3A_841 = arith.muli %add3A_74, %mul3A_840 : i32
        %add3A_842 = arith.constant 4 : i32
        %add3A_843 = arith.addi %mul3A_841, %add3A_842 : i32
        %mul3A_844 = arith.constant 150 : i32
        %mul3A_845 = arith.muli %add3A_843, %mul3A_844 : i32
        %add3A_846 = vector.broadcast %mul3A_845 : i32 to vector<16xi32>
        %add3A_847 = arith.addi %get3A_758, %add3A_846 : vector<16xi32>
        %gather3A_848 = tpu.vector_load_idx %arg15[%add3A_847] : memref<38400xf32, #tpu.memory_space<vmem>>[vector<16xi32>], vector<16xf32>,
        %mul3A_849 = arith.mulf %get3A_839, %get3A_839 : vector<16xf32>
        %add3A_850 = arith.addf %add3A_832, %mul3A_849 : vector<16xf32>
        %mul3A_851 = arith.mulf %get3A_839, %gather3A_848 : vector<16xf32>
        %add3A_852 = arith.addf %add3A_834, %mul3A_851 : vector<16xf32>
        %get3A_853 = arith.constant 5 : i32
        %get3A_854 = arith.index_cast %get3A_853 : i32 to index
        %get3A_855 = arith.index_cast %scan3A_116 : i32 to index
        %get3A_856 = arith.constant 64 : index
        %get3A_857 = tpu.vector_load %arg14[%get3A_854, %get3A_855, %get3A_856] {strides = array<i32>} : memref<8x32x128xf32, #tpu.memory_space<vmem>>, vector<16xf32>,
        %mul3A_858 = arith.constant 8 : i32
        %mul3A_859 = arith.muli %add3A_74, %mul3A_858 : i32
        %add3A_860 = arith.constant 5 : i32
        %add3A_861 = arith.addi %mul3A_859, %add3A_860 : i32
        %mul3A_862 = arith.constant 150 : i32
        %mul3A_863 = arith.muli %add3A_861, %mul3A_862 : i32
        %add3A_864 = vector.broadcast %mul3A_863 : i32 to vector<16xi32>
        %add3A_865 = arith.addi %get3A_758, %add3A_864 : vector<16xi32>
        %gather3A_866 = tpu.vector_load_idx %arg15[%add3A_865] : memref<38400xf32, #tpu.memory_space<vmem>>[vector<16xi32>], vector<16xf32>,
        %mul3A_867 = arith.mulf %get3A_857, %get3A_857 : vector<16xf32>
        %add3A_868 = arith.addf %add3A_850, %mul3A_867 : vector<16xf32>
        %mul3A_869 = arith.mulf %get3A_857, %gather3A_866 : vector<16xf32>
        %add3A_870 = arith.addf %add3A_852, %mul3A_869 : vector<16xf32>
        %get3A_871 = arith.constant 6 : i32
        %get3A_872 = arith.index_cast %get3A_871 : i32 to index
        %get3A_873 = arith.index_cast %scan3A_116 : i32 to index
        %get3A_874 = arith.constant 64 : index
        %get3A_875 = tpu.vector_load %arg14[%get3A_872, %get3A_873, %get3A_874] {strides = array<i32>} : memref<8x32x128xf32, #tpu.memory_space<vmem>>, vector<16xf32>,
        %mul3A_876 = arith.constant 8 : i32
        %mul3A_877 = arith.muli %add3A_74, %mul3A_876 : i32
        %add3A_878 = arith.constant 6 : i32
        %add3A_879 = arith.addi %mul3A_877, %add3A_878 : i32
        %mul3A_880 = arith.constant 150 : i32
        %mul3A_881 = arith.muli %add3A_879, %mul3A_880 : i32
        %add3A_882 = vector.broadcast %mul3A_881 : i32 to vector<16xi32>
        %add3A_883 = arith.addi %get3A_758, %add3A_882 : vector<16xi32>
        %gather3A_884 = tpu.vector_load_idx %arg15[%add3A_883] : memref<38400xf32, #tpu.memory_space<vmem>>[vector<16xi32>], vector<16xf32>,
        %mul3A_885 = arith.mulf %get3A_875, %get3A_875 : vector<16xf32>
        %add3A_886 = arith.addf %add3A_868, %mul3A_885 : vector<16xf32>
        %mul3A_887 = arith.mulf %get3A_875, %gather3A_884 : vector<16xf32>
        %add3A_888 = arith.addf %add3A_870, %mul3A_887 : vector<16xf32>
        %get3A_889 = arith.constant 7 : i32
        %get3A_890 = arith.index_cast %get3A_889 : i32 to index
        %get3A_891 = arith.index_cast %scan3A_116 : i32 to index
        %get3A_892 = arith.constant 64 : index
        %get3A_893 = tpu.vector_load %arg14[%get3A_890, %get3A_891, %get3A_892] {strides = array<i32>} : memref<8x32x128xf32, #tpu.memory_space<vmem>>, vector<16xf32>,
        %mul3A_894 = arith.constant 8 : i32
        %mul3A_895 = arith.muli %add3A_74, %mul3A_894 : i32
        %add3A_896 = arith.constant 7 : i32
        %add3A_897 = arith.addi %mul3A_895, %add3A_896 : i32
        %mul3A_898 = arith.constant 150 : i32
        %mul3A_899 = arith.muli %add3A_897, %mul3A_898 : i32
        %add3A_900 = vector.broadcast %mul3A_899 : i32 to vector<16xi32>
        %add3A_901 = arith.addi %get3A_758, %add3A_900 : vector<16xi32>
        %gather3A_902 = tpu.vector_load_idx %arg15[%add3A_901] : memref<38400xf32, #tpu.memory_space<vmem>>[vector<16xi32>], vector<16xf32>,
        %mul3A_903 = arith.mulf %get3A_893, %get3A_893 : vector<16xf32>
        %add3A_904 = arith.addf %add3A_886, %mul3A_903 : vector<16xf32>
        %mul3A_905 = arith.mulf %get3A_893, %gather3A_902 : vector<16xf32>
        %add3A_906 = arith.addf %add3A_888, %mul3A_905 : vector<16xf32>
        %swap3A_907 = arith.index_cast %add3A_755 : i32 to index
        %swap3A_908 = tpu.vector_load %arg17[%swap3A_907] {strides = array<i32>} : memref<4096xf32, #tpu.memory_space<vmem>>, vector<16xf32>,
        tpu.vector_store %arg17[%swap3A_907], %add3A_904 {strides = array<i32>} : memref<4096xf32, #tpu.memory_space<vmem>>, vector<16xf32>,
        %swap3A_909 = arith.index_cast %add3A_755 : i32 to index
        %swap3A_910 = tpu.vector_load %arg18[%swap3A_909] {strides = array<i32>} : memref<4096xf32, #tpu.memory_space<vmem>>, vector<16xf32>,
        tpu.vector_store %arg18[%swap3A_909], %add3A_906 {strides = array<i32>} : memref<4096xf32, #tpu.memory_space<vmem>>, vector<16xf32>,
        %mul3A_911 = arith.constant 128 : i32
        %mul3A_912 = arith.muli %scan3A_116, %mul3A_911 : i32
        %add3A_913 = arith.constant 80 : i32
        %add3A_914 = arith.addi %mul3A_912, %add3A_913 : i32
        %get3A_915 = arith.index_cast %scan3A_116 : i32 to index
        %get3A_916 = arith.constant 80 : index
        %get3A_917 = tpu.vector_load %arg11[%get3A_915, %get3A_916] {strides = array<i32>} : memref<32x128xi32, #tpu.memory_space<vmem>>, vector<16xi32>,
        %get3A_918 = arith.index_cast %add3A_914 : i32 to index
        %get3A_919 = tpu.vector_load %arg17[%get3A_918] {strides = array<i32>} : memref<4096xf32, #tpu.memory_space<vmem>>, vector<16xf32>,
        %get3A_920 = arith.index_cast %add3A_914 : i32 to index
        %get3A_921 = tpu.vector_load %arg18[%get3A_920] {strides = array<i32>} : memref<4096xf32, #tpu.memory_space<vmem>>, vector<16xf32>,
        %get3A_922 = arith.constant 0 : i32
        %get3A_923 = arith.index_cast %get3A_922 : i32 to index
        %get3A_924 = arith.index_cast %scan3A_116 : i32 to index
        %get3A_925 = arith.constant 80 : index
        %get3A_926 = tpu.vector_load %arg14[%get3A_923, %get3A_924, %get3A_925] {strides = array<i32>} : memref<8x32x128xf32, #tpu.memory_space<vmem>>, vector<16xf32>,
        %mul3A_927 = arith.constant 8 : i32
        %mul3A_928 = arith.muli %add3A_74, %mul3A_927 : i32
        %add3A_929 = arith.constant 0 : i32
        %add3A_930 = arith.addi %mul3A_928, %add3A_929 : i32
        %mul3A_931 = arith.constant 150 : i32
        %mul3A_932 = arith.muli %add3A_930, %mul3A_931 : i32
        %add3A_933 = vector.broadcast %mul3A_932 : i32 to vector<16xi32>
        %add3A_934 = arith.addi %get3A_917, %add3A_933 : vector<16xi32>
        %gather3A_935 = tpu.vector_load_idx %arg15[%add3A_934] : memref<38400xf32, #tpu.memory_space<vmem>>[vector<16xi32>], vector<16xf32>,
        %mul3A_936 = arith.mulf %get3A_926, %get3A_926 : vector<16xf32>
        %add3A_937 = arith.addf %get3A_919, %mul3A_936 : vector<16xf32>
        %mul3A_938 = arith.mulf %get3A_926, %gather3A_935 : vector<16xf32>
        %add3A_939 = arith.addf %get3A_921, %mul3A_938 : vector<16xf32>
        %get3A_940 = arith.constant 1 : i32
        %get3A_941 = arith.index_cast %get3A_940 : i32 to index
        %get3A_942 = arith.index_cast %scan3A_116 : i32 to index
        %get3A_943 = arith.constant 80 : index
        %get3A_944 = tpu.vector_load %arg14[%get3A_941, %get3A_942, %get3A_943] {strides = array<i32>} : memref<8x32x128xf32, #tpu.memory_space<vmem>>, vector<16xf32>,
        %mul3A_945 = arith.constant 8 : i32
        %mul3A_946 = arith.muli %add3A_74, %mul3A_945 : i32
        %add3A_947 = arith.constant 1 : i32
        %add3A_948 = arith.addi %mul3A_946, %add3A_947 : i32
        %mul3A_949 = arith.constant 150 : i32
        %mul3A_950 = arith.muli %add3A_948, %mul3A_949 : i32
        %add3A_951 = vector.broadcast %mul3A_950 : i32 to vector<16xi32>
        %add3A_952 = arith.addi %get3A_917, %add3A_951 : vector<16xi32>
        %gather3A_953 = tpu.vector_load_idx %arg15[%add3A_952] : memref<38400xf32, #tpu.memory_space<vmem>>[vector<16xi32>], vector<16xf32>,
        %mul3A_954 = arith.mulf %get3A_944, %get3A_944 : vector<16xf32>
        %add3A_955 = arith.addf %add3A_937, %mul3A_954 : vector<16xf32>
        %mul3A_956 = arith.mulf %get3A_944, %gather3A_953 : vector<16xf32>
        %add3A_957 = arith.addf %add3A_939, %mul3A_956 : vector<16xf32>
        %get3A_958 = arith.constant 2 : i32
        %get3A_959 = arith.index_cast %get3A_958 : i32 to index
        %get3A_960 = arith.index_cast %scan3A_116 : i32 to index
        %get3A_961 = arith.constant 80 : index
        %get3A_962 = tpu.vector_load %arg14[%get3A_959, %get3A_960, %get3A_961] {strides = array<i32>} : memref<8x32x128xf32, #tpu.memory_space<vmem>>, vector<16xf32>,
        %mul3A_963 = arith.constant 8 : i32
        %mul3A_964 = arith.muli %add3A_74, %mul3A_963 : i32
        %add3A_965 = arith.constant 2 : i32
        %add3A_966 = arith.addi %mul3A_964, %add3A_965 : i32
        %mul3A_967 = arith.constant 150 : i32
        %mul3A_968 = arith.muli %add3A_966, %mul3A_967 : i32
        %add3A_969 = vector.broadcast %mul3A_968 : i32 to vector<16xi32>
        %add3A_970 = arith.addi %get3A_917, %add3A_969 : vector<16xi32>
        %gather3A_971 = tpu.vector_load_idx %arg15[%add3A_970] : memref<38400xf32, #tpu.memory_space<vmem>>[vector<16xi32>], vector<16xf32>,
        %mul3A_972 = arith.mulf %get3A_962, %get3A_962 : vector<16xf32>
        %add3A_973 = arith.addf %add3A_955, %mul3A_972 : vector<16xf32>
        %mul3A_974 = arith.mulf %get3A_962, %gather3A_971 : vector<16xf32>
        %add3A_975 = arith.addf %add3A_957, %mul3A_974 : vector<16xf32>
        %get3A_976 = arith.constant 3 : i32
        %get3A_977 = arith.index_cast %get3A_976 : i32 to index
        %get3A_978 = arith.index_cast %scan3A_116 : i32 to index
        %get3A_979 = arith.constant 80 : index
        %get3A_980 = tpu.vector_load %arg14[%get3A_977, %get3A_978, %get3A_979] {strides = array<i32>} : memref<8x32x128xf32, #tpu.memory_space<vmem>>, vector<16xf32>,
        %mul3A_981 = arith.constant 8 : i32
        %mul3A_982 = arith.muli %add3A_74, %mul3A_981 : i32
        %add3A_983 = arith.constant 3 : i32
        %add3A_984 = arith.addi %mul3A_982, %add3A_983 : i32
        %mul3A_985 = arith.constant 150 : i32
        %mul3A_986 = arith.muli %add3A_984, %mul3A_985 : i32
        %add3A_987 = vector.broadcast %mul3A_986 : i32 to vector<16xi32>
        %add3A_988 = arith.addi %get3A_917, %add3A_987 : vector<16xi32>
        %gather3A_989 = tpu.vector_load_idx %arg15[%add3A_988] : memref<38400xf32, #tpu.memory_space<vmem>>[vector<16xi32>], vector<16xf32>,
        %mul3A_990 = arith.mulf %get3A_980, %get3A_980 : vector<16xf32>
        %add3A_991 = arith.addf %add3A_973, %mul3A_990 : vector<16xf32>
        %mul3A_992 = arith.mulf %get3A_980, %gather3A_989 : vector<16xf32>
        %add3A_993 = arith.addf %add3A_975, %mul3A_992 : vector<16xf32>
        %get3A_994 = arith.constant 4 : i32
        %get3A_995 = arith.index_cast %get3A_994 : i32 to index
        %get3A_996 = arith.index_cast %scan3A_116 : i32 to index
        %get3A_997 = arith.constant 80 : index
        %get3A_998 = tpu.vector_load %arg14[%get3A_995, %get3A_996, %get3A_997] {strides = array<i32>} : memref<8x32x128xf32, #tpu.memory_space<vmem>>, vector<16xf32>,
        %mul3A_999 = arith.constant 8 : i32
        %mul3A_1000 = arith.muli %add3A_74, %mul3A_999 : i32
        %add3A_1001 = arith.constant 4 : i32
        %add3A_1002 = arith.addi %mul3A_1000, %add3A_1001 : i32
        %mul3A_1003 = arith.constant 150 : i32
        %mul3A_1004 = arith.muli %add3A_1002, %mul3A_1003 : i32
        %add3A_1005 = vector.broadcast %mul3A_1004 : i32 to vector<16xi32>
        %add3A_1006 = arith.addi %get3A_917, %add3A_1005 : vector<16xi32>
        %gather3A_1007 = tpu.vector_load_idx %arg15[%add3A_1006] : memref<38400xf32, #tpu.memory_space<vmem>>[vector<16xi32>], vector<16xf32>,
        %mul3A_1008 = arith.mulf %get3A_998, %get3A_998 : vector<16xf32>
        %add3A_1009 = arith.addf %add3A_991, %mul3A_1008 : vector<16xf32>
        %mul3A_1010 = arith.mulf %get3A_998, %gather3A_1007 : vector<16xf32>
        %add3A_1011 = arith.addf %add3A_993, %mul3A_1010 : vector<16xf32>
        %get3A_1012 = arith.constant 5 : i32
        %get3A_1013 = arith.index_cast %get3A_1012 : i32 to index
        %get3A_1014 = arith.index_cast %scan3A_116 : i32 to index
        %get3A_1015 = arith.constant 80 : index
        %get3A_1016 = tpu.vector_load %arg14[%get3A_1013, %get3A_1014, %get3A_1015] {strides = array<i32>} : memref<8x32x128xf32, #tpu.memory_space<vmem>>, vector<16xf32>,
        %mul3A_1017 = arith.constant 8 : i32
        %mul3A_1018 = arith.muli %add3A_74, %mul3A_1017 : i32
        %add3A_1019 = arith.constant 5 : i32
        %add3A_1020 = arith.addi %mul3A_1018, %add3A_1019 : i32
        %mul3A_1021 = arith.constant 150 : i32
        %mul3A_1022 = arith.muli %add3A_1020, %mul3A_1021 : i32
        %add3A_1023 = vector.broadcast %mul3A_1022 : i32 to vector<16xi32>
        %add3A_1024 = arith.addi %get3A_917, %add3A_1023 : vector<16xi32>
        %gather3A_1025 = tpu.vector_load_idx %arg15[%add3A_1024] : memref<38400xf32, #tpu.memory_space<vmem>>[vector<16xi32>], vector<16xf32>,
        %mul3A_1026 = arith.mulf %get3A_1016, %get3A_1016 : vector<16xf32>
        %add3A_1027 = arith.addf %add3A_1009, %mul3A_1026 : vector<16xf32>
        %mul3A_1028 = arith.mulf %get3A_1016, %gather3A_1025 : vector<16xf32>
        %add3A_1029 = arith.addf %add3A_1011, %mul3A_1028 : vector<16xf32>
        %get3A_1030 = arith.constant 6 : i32
        %get3A_1031 = arith.index_cast %get3A_1030 : i32 to index
        %get3A_1032 = arith.index_cast %scan3A_116 : i32 to index
        %get3A_1033 = arith.constant 80 : index
        %get3A_1034 = tpu.vector_load %arg14[%get3A_1031, %get3A_1032, %get3A_1033] {strides = array<i32>} : memref<8x32x128xf32, #tpu.memory_space<vmem>>, vector<16xf32>,
        %mul3A_1035 = arith.constant 8 : i32
        %mul3A_1036 = arith.muli %add3A_74, %mul3A_1035 : i32
        %add3A_1037 = arith.constant 6 : i32
        %add3A_1038 = arith.addi %mul3A_1036, %add3A_1037 : i32
        %mul3A_1039 = arith.constant 150 : i32
        %mul3A_1040 = arith.muli %add3A_1038, %mul3A_1039 : i32
        %add3A_1041 = vector.broadcast %mul3A_1040 : i32 to vector<16xi32>
        %add3A_1042 = arith.addi %get3A_917, %add3A_1041 : vector<16xi32>
        %gather3A_1043 = tpu.vector_load_idx %arg15[%add3A_1042] : memref<38400xf32, #tpu.memory_space<vmem>>[vector<16xi32>], vector<16xf32>,
        %mul3A_1044 = arith.mulf %get3A_1034, %get3A_1034 : vector<16xf32>
        %add3A_1045 = arith.addf %add3A_1027, %mul3A_1044 : vector<16xf32>
        %mul3A_1046 = arith.mulf %get3A_1034, %gather3A_1043 : vector<16xf32>
        %add3A_1047 = arith.addf %add3A_1029, %mul3A_1046 : vector<16xf32>
        %get3A_1048 = arith.constant 7 : i32
        %get3A_1049 = arith.index_cast %get3A_1048 : i32 to index
        %get3A_1050 = arith.index_cast %scan3A_116 : i32 to index
        %get3A_1051 = arith.constant 80 : index
        %get3A_1052 = tpu.vector_load %arg14[%get3A_1049, %get3A_1050, %get3A_1051] {strides = array<i32>} : memref<8x32x128xf32, #tpu.memory_space<vmem>>, vector<16xf32>,
        %mul3A_1053 = arith.constant 8 : i32
        %mul3A_1054 = arith.muli %add3A_74, %mul3A_1053 : i32
        %add3A_1055 = arith.constant 7 : i32
        %add3A_1056 = arith.addi %mul3A_1054, %add3A_1055 : i32
        %mul3A_1057 = arith.constant 150 : i32
        %mul3A_1058 = arith.muli %add3A_1056, %mul3A_1057 : i32
        %add3A_1059 = vector.broadcast %mul3A_1058 : i32 to vector<16xi32>
        %add3A_1060 = arith.addi %get3A_917, %add3A_1059 : vector<16xi32>
        %gather3A_1061 = tpu.vector_load_idx %arg15[%add3A_1060] : memref<38400xf32, #tpu.memory_space<vmem>>[vector<16xi32>], vector<16xf32>,
        %mul3A_1062 = arith.mulf %get3A_1052, %get3A_1052 : vector<16xf32>
        %add3A_1063 = arith.addf %add3A_1045, %mul3A_1062 : vector<16xf32>
        %mul3A_1064 = arith.mulf %get3A_1052, %gather3A_1061 : vector<16xf32>
        %add3A_1065 = arith.addf %add3A_1047, %mul3A_1064 : vector<16xf32>
        %swap3A_1066 = arith.index_cast %add3A_914 : i32 to index
        %swap3A_1067 = tpu.vector_load %arg17[%swap3A_1066] {strides = array<i32>} : memref<4096xf32, #tpu.memory_space<vmem>>, vector<16xf32>,
        tpu.vector_store %arg17[%swap3A_1066], %add3A_1063 {strides = array<i32>} : memref<4096xf32, #tpu.memory_space<vmem>>, vector<16xf32>,
        %swap3A_1068 = arith.index_cast %add3A_914 : i32 to index
        %swap3A_1069 = tpu.vector_load %arg18[%swap3A_1068] {strides = array<i32>} : memref<4096xf32, #tpu.memory_space<vmem>>, vector<16xf32>,
        tpu.vector_store %arg18[%swap3A_1068], %add3A_1065 {strides = array<i32>} : memref<4096xf32, #tpu.memory_space<vmem>>, vector<16xf32>,
        %mul3A_1070 = arith.constant 128 : i32
        %mul3A_1071 = arith.muli %scan3A_116, %mul3A_1070 : i32
        %add3A_1072 = arith.constant 96 : i32
        %add3A_1073 = arith.addi %mul3A_1071, %add3A_1072 : i32
        %get3A_1074 = arith.index_cast %scan3A_116 : i32 to index
        %get3A_1075 = arith.constant 96 : index
        %get3A_1076 = tpu.vector_load %arg11[%get3A_1074, %get3A_1075] {strides = array<i32>} : memref<32x128xi32, #tpu.memory_space<vmem>>, vector<16xi32>,
        %get3A_1077 = arith.index_cast %add3A_1073 : i32 to index
        %get3A_1078 = tpu.vector_load %arg17[%get3A_1077] {strides = array<i32>} : memref<4096xf32, #tpu.memory_space<vmem>>, vector<16xf32>,
        %get3A_1079 = arith.index_cast %add3A_1073 : i32 to index
        %get3A_1080 = tpu.vector_load %arg18[%get3A_1079] {strides = array<i32>} : memref<4096xf32, #tpu.memory_space<vmem>>, vector<16xf32>,
        %get3A_1081 = arith.constant 0 : i32
        %get3A_1082 = arith.index_cast %get3A_1081 : i32 to index
        %get3A_1083 = arith.index_cast %scan3A_116 : i32 to index
        %get3A_1084 = arith.constant 96 : index
        %get3A_1085 = tpu.vector_load %arg14[%get3A_1082, %get3A_1083, %get3A_1084] {strides = array<i32>} : memref<8x32x128xf32, #tpu.memory_space<vmem>>, vector<16xf32>,
        %mul3A_1086 = arith.constant 8 : i32
        %mul3A_1087 = arith.muli %add3A_74, %mul3A_1086 : i32
        %add3A_1088 = arith.constant 0 : i32
        %add3A_1089 = arith.addi %mul3A_1087, %add3A_1088 : i32
        %mul3A_1090 = arith.constant 150 : i32
        %mul3A_1091 = arith.muli %add3A_1089, %mul3A_1090 : i32
        %add3A_1092 = vector.broadcast %mul3A_1091 : i32 to vector<16xi32>
        %add3A_1093 = arith.addi %get3A_1076, %add3A_1092 : vector<16xi32>
        %gather3A_1094 = tpu.vector_load_idx %arg15[%add3A_1093] : memref<38400xf32, #tpu.memory_space<vmem>>[vector<16xi32>], vector<16xf32>,
        %mul3A_1095 = arith.mulf %get3A_1085, %get3A_1085 : vector<16xf32>
        %add3A_1096 = arith.addf %get3A_1078, %mul3A_1095 : vector<16xf32>
        %mul3A_1097 = arith.mulf %get3A_1085, %gather3A_1094 : vector<16xf32>
        %add3A_1098 = arith.addf %get3A_1080, %mul3A_1097 : vector<16xf32>
        %get3A_1099 = arith.constant 1 : i32
        %get3A_1100 = arith.index_cast %get3A_1099 : i32 to index
        %get3A_1101 = arith.index_cast %scan3A_116 : i32 to index
        %get3A_1102 = arith.constant 96 : index
        %get3A_1103 = tpu.vector_load %arg14[%get3A_1100, %get3A_1101, %get3A_1102] {strides = array<i32>} : memref<8x32x128xf32, #tpu.memory_space<vmem>>, vector<16xf32>,
        %mul3A_1104 = arith.constant 8 : i32
        %mul3A_1105 = arith.muli %add3A_74, %mul3A_1104 : i32
        %add3A_1106 = arith.constant 1 : i32
        %add3A_1107 = arith.addi %mul3A_1105, %add3A_1106 : i32
        %mul3A_1108 = arith.constant 150 : i32
        %mul3A_1109 = arith.muli %add3A_1107, %mul3A_1108 : i32
        %add3A_1110 = vector.broadcast %mul3A_1109 : i32 to vector<16xi32>
        %add3A_1111 = arith.addi %get3A_1076, %add3A_1110 : vector<16xi32>
        %gather3A_1112 = tpu.vector_load_idx %arg15[%add3A_1111] : memref<38400xf32, #tpu.memory_space<vmem>>[vector<16xi32>], vector<16xf32>,
        %mul3A_1113 = arith.mulf %get3A_1103, %get3A_1103 : vector<16xf32>
        %add3A_1114 = arith.addf %add3A_1096, %mul3A_1113 : vector<16xf32>
        %mul3A_1115 = arith.mulf %get3A_1103, %gather3A_1112 : vector<16xf32>
        %add3A_1116 = arith.addf %add3A_1098, %mul3A_1115 : vector<16xf32>
        %get3A_1117 = arith.constant 2 : i32
        %get3A_1118 = arith.index_cast %get3A_1117 : i32 to index
        %get3A_1119 = arith.index_cast %scan3A_116 : i32 to index
        %get3A_1120 = arith.constant 96 : index
        %get3A_1121 = tpu.vector_load %arg14[%get3A_1118, %get3A_1119, %get3A_1120] {strides = array<i32>} : memref<8x32x128xf32, #tpu.memory_space<vmem>>, vector<16xf32>,
        %mul3A_1122 = arith.constant 8 : i32
        %mul3A_1123 = arith.muli %add3A_74, %mul3A_1122 : i32
        %add3A_1124 = arith.constant 2 : i32
        %add3A_1125 = arith.addi %mul3A_1123, %add3A_1124 : i32
        %mul3A_1126 = arith.constant 150 : i32
        %mul3A_1127 = arith.muli %add3A_1125, %mul3A_1126 : i32
        %add3A_1128 = vector.broadcast %mul3A_1127 : i32 to vector<16xi32>
        %add3A_1129 = arith.addi %get3A_1076, %add3A_1128 : vector<16xi32>
        %gather3A_1130 = tpu.vector_load_idx %arg15[%add3A_1129] : memref<38400xf32, #tpu.memory_space<vmem>>[vector<16xi32>], vector<16xf32>,
        %mul3A_1131 = arith.mulf %get3A_1121, %get3A_1121 : vector<16xf32>
        %add3A_1132 = arith.addf %add3A_1114, %mul3A_1131 : vector<16xf32>
        %mul3A_1133 = arith.mulf %get3A_1121, %gather3A_1130 : vector<16xf32>
        %add3A_1134 = arith.addf %add3A_1116, %mul3A_1133 : vector<16xf32>
        %get3A_1135 = arith.constant 3 : i32
        %get3A_1136 = arith.index_cast %get3A_1135 : i32 to index
        %get3A_1137 = arith.index_cast %scan3A_116 : i32 to index
        %get3A_1138 = arith.constant 96 : index
        %get3A_1139 = tpu.vector_load %arg14[%get3A_1136, %get3A_1137, %get3A_1138] {strides = array<i32>} : memref<8x32x128xf32, #tpu.memory_space<vmem>>, vector<16xf32>,
        %mul3A_1140 = arith.constant 8 : i32
        %mul3A_1141 = arith.muli %add3A_74, %mul3A_1140 : i32
        %add3A_1142 = arith.constant 3 : i32
        %add3A_1143 = arith.addi %mul3A_1141, %add3A_1142 : i32
        %mul3A_1144 = arith.constant 150 : i32
        %mul3A_1145 = arith.muli %add3A_1143, %mul3A_1144 : i32
        %add3A_1146 = vector.broadcast %mul3A_1145 : i32 to vector<16xi32>
        %add3A_1147 = arith.addi %get3A_1076, %add3A_1146 : vector<16xi32>
        %gather3A_1148 = tpu.vector_load_idx %arg15[%add3A_1147] : memref<38400xf32, #tpu.memory_space<vmem>>[vector<16xi32>], vector<16xf32>,
        %mul3A_1149 = arith.mulf %get3A_1139, %get3A_1139 : vector<16xf32>
        %add3A_1150 = arith.addf %add3A_1132, %mul3A_1149 : vector<16xf32>
        %mul3A_1151 = arith.mulf %get3A_1139, %gather3A_1148 : vector<16xf32>
        %add3A_1152 = arith.addf %add3A_1134, %mul3A_1151 : vector<16xf32>
        %get3A_1153 = arith.constant 4 : i32
        %get3A_1154 = arith.index_cast %get3A_1153 : i32 to index
        %get3A_1155 = arith.index_cast %scan3A_116 : i32 to index
        %get3A_1156 = arith.constant 96 : index
        %get3A_1157 = tpu.vector_load %arg14[%get3A_1154, %get3A_1155, %get3A_1156] {strides = array<i32>} : memref<8x32x128xf32, #tpu.memory_space<vmem>>, vector<16xf32>,
        %mul3A_1158 = arith.constant 8 : i32
        %mul3A_1159 = arith.muli %add3A_74, %mul3A_1158 : i32
        %add3A_1160 = arith.constant 4 : i32
        %add3A_1161 = arith.addi %mul3A_1159, %add3A_1160 : i32
        %mul3A_1162 = arith.constant 150 : i32
        %mul3A_1163 = arith.muli %add3A_1161, %mul3A_1162 : i32
        %add3A_1164 = vector.broadcast %mul3A_1163 : i32 to vector<16xi32>
        %add3A_1165 = arith.addi %get3A_1076, %add3A_1164 : vector<16xi32>
        %gather3A_1166 = tpu.vector_load_idx %arg15[%add3A_1165] : memref<38400xf32, #tpu.memory_space<vmem>>[vector<16xi32>], vector<16xf32>,
        %mul3A_1167 = arith.mulf %get3A_1157, %get3A_1157 : vector<16xf32>
        %add3A_1168 = arith.addf %add3A_1150, %mul3A_1167 : vector<16xf32>
        %mul3A_1169 = arith.mulf %get3A_1157, %gather3A_1166 : vector<16xf32>
        %add3A_1170 = arith.addf %add3A_1152, %mul3A_1169 : vector<16xf32>
        %get3A_1171 = arith.constant 5 : i32
        %get3A_1172 = arith.index_cast %get3A_1171 : i32 to index
        %get3A_1173 = arith.index_cast %scan3A_116 : i32 to index
        %get3A_1174 = arith.constant 96 : index
        %get3A_1175 = tpu.vector_load %arg14[%get3A_1172, %get3A_1173, %get3A_1174] {strides = array<i32>} : memref<8x32x128xf32, #tpu.memory_space<vmem>>, vector<16xf32>,
        %mul3A_1176 = arith.constant 8 : i32
        %mul3A_1177 = arith.muli %add3A_74, %mul3A_1176 : i32
        %add3A_1178 = arith.constant 5 : i32
        %add3A_1179 = arith.addi %mul3A_1177, %add3A_1178 : i32
        %mul3A_1180 = arith.constant 150 : i32
        %mul3A_1181 = arith.muli %add3A_1179, %mul3A_1180 : i32
        %add3A_1182 = vector.broadcast %mul3A_1181 : i32 to vector<16xi32>
        %add3A_1183 = arith.addi %get3A_1076, %add3A_1182 : vector<16xi32>
        %gather3A_1184 = tpu.vector_load_idx %arg15[%add3A_1183] : memref<38400xf32, #tpu.memory_space<vmem>>[vector<16xi32>], vector<16xf32>,
        %mul3A_1185 = arith.mulf %get3A_1175, %get3A_1175 : vector<16xf32>
        %add3A_1186 = arith.addf %add3A_1168, %mul3A_1185 : vector<16xf32>
        %mul3A_1187 = arith.mulf %get3A_1175, %gather3A_1184 : vector<16xf32>
        %add3A_1188 = arith.addf %add3A_1170, %mul3A_1187 : vector<16xf32>
        %get3A_1189 = arith.constant 6 : i32
        %get3A_1190 = arith.index_cast %get3A_1189 : i32 to index
        %get3A_1191 = arith.index_cast %scan3A_116 : i32 to index
        %get3A_1192 = arith.constant 96 : index
        %get3A_1193 = tpu.vector_load %arg14[%get3A_1190, %get3A_1191, %get3A_1192] {strides = array<i32>} : memref<8x32x128xf32, #tpu.memory_space<vmem>>, vector<16xf32>,
        %mul3A_1194 = arith.constant 8 : i32
        %mul3A_1195 = arith.muli %add3A_74, %mul3A_1194 : i32
        %add3A_1196 = arith.constant 6 : i32
        %add3A_1197 = arith.addi %mul3A_1195, %add3A_1196 : i32
        %mul3A_1198 = arith.constant 150 : i32
        %mul3A_1199 = arith.muli %add3A_1197, %mul3A_1198 : i32
        %add3A_1200 = vector.broadcast %mul3A_1199 : i32 to vector<16xi32>
        %add3A_1201 = arith.addi %get3A_1076, %add3A_1200 : vector<16xi32>
        %gather3A_1202 = tpu.vector_load_idx %arg15[%add3A_1201] : memref<38400xf32, #tpu.memory_space<vmem>>[vector<16xi32>], vector<16xf32>,
        %mul3A_1203 = arith.mulf %get3A_1193, %get3A_1193 : vector<16xf32>
        %add3A_1204 = arith.addf %add3A_1186, %mul3A_1203 : vector<16xf32>
        %mul3A_1205 = arith.mulf %get3A_1193, %gather3A_1202 : vector<16xf32>
        %add3A_1206 = arith.addf %add3A_1188, %mul3A_1205 : vector<16xf32>
        %get3A_1207 = arith.constant 7 : i32
        %get3A_1208 = arith.index_cast %get3A_1207 : i32 to index
        %get3A_1209 = arith.index_cast %scan3A_116 : i32 to index
        %get3A_1210 = arith.constant 96 : index
        %get3A_1211 = tpu.vector_load %arg14[%get3A_1208, %get3A_1209, %get3A_1210] {strides = array<i32>} : memref<8x32x128xf32, #tpu.memory_space<vmem>>, vector<16xf32>,
        %mul3A_1212 = arith.constant 8 : i32
        %mul3A_1213 = arith.muli %add3A_74, %mul3A_1212 : i32
        %add3A_1214 = arith.constant 7 : i32
        %add3A_1215 = arith.addi %mul3A_1213, %add3A_1214 : i32
        %mul3A_1216 = arith.constant 150 : i32
        %mul3A_1217 = arith.muli %add3A_1215, %mul3A_1216 : i32
        %add3A_1218 = vector.broadcast %mul3A_1217 : i32 to vector<16xi32>
        %add3A_1219 = arith.addi %get3A_1076, %add3A_1218 : vector<16xi32>
        %gather3A_1220 = tpu.vector_load_idx %arg15[%add3A_1219] : memref<38400xf32, #tpu.memory_space<vmem>>[vector<16xi32>], vector<16xf32>,
        %mul3A_1221 = arith.mulf %get3A_1211, %get3A_1211 : vector<16xf32>
        %add3A_1222 = arith.addf %add3A_1204, %mul3A_1221 : vector<16xf32>
        %mul3A_1223 = arith.mulf %get3A_1211, %gather3A_1220 : vector<16xf32>
        %add3A_1224 = arith.addf %add3A_1206, %mul3A_1223 : vector<16xf32>
        %swap3A_1225 = arith.index_cast %add3A_1073 : i32 to index
        %swap3A_1226 = tpu.vector_load %arg17[%swap3A_1225] {strides = array<i32>} : memref<4096xf32, #tpu.memory_space<vmem>>, vector<16xf32>,
        tpu.vector_store %arg17[%swap3A_1225], %add3A_1222 {strides = array<i32>} : memref<4096xf32, #tpu.memory_space<vmem>>, vector<16xf32>,
        %swap3A_1227 = arith.index_cast %add3A_1073 : i32 to index
        %swap3A_1228 = tpu.vector_load %arg18[%swap3A_1227] {strides = array<i32>} : memref<4096xf32, #tpu.memory_space<vmem>>, vector<16xf32>,
        tpu.vector_store %arg18[%swap3A_1227], %add3A_1224 {strides = array<i32>} : memref<4096xf32, #tpu.memory_space<vmem>>, vector<16xf32>,
        %mul3A_1229 = arith.constant 128 : i32
        %mul3A_1230 = arith.muli %scan3A_116, %mul3A_1229 : i32
        %add3A_1231 = arith.constant 112 : i32
        %add3A_1232 = arith.addi %mul3A_1230, %add3A_1231 : i32
        %get3A_1233 = arith.index_cast %scan3A_116 : i32 to index
        %get3A_1234 = arith.constant 112 : index
        %get3A_1235 = tpu.vector_load %arg11[%get3A_1233, %get3A_1234] {strides = array<i32>} : memref<32x128xi32, #tpu.memory_space<vmem>>, vector<16xi32>,
        %get3A_1236 = arith.index_cast %add3A_1232 : i32 to index
        %get3A_1237 = tpu.vector_load %arg17[%get3A_1236] {strides = array<i32>} : memref<4096xf32, #tpu.memory_space<vmem>>, vector<16xf32>,
        %get3A_1238 = arith.index_cast %add3A_1232 : i32 to index
        %get3A_1239 = tpu.vector_load %arg18[%get3A_1238] {strides = array<i32>} : memref<4096xf32, #tpu.memory_space<vmem>>, vector<16xf32>,
        %get3A_1240 = arith.constant 0 : i32
        %get3A_1241 = arith.index_cast %get3A_1240 : i32 to index
        %get3A_1242 = arith.index_cast %scan3A_116 : i32 to index
        %get3A_1243 = arith.constant 112 : index
        %get3A_1244 = tpu.vector_load %arg14[%get3A_1241, %get3A_1242, %get3A_1243] {strides = array<i32>} : memref<8x32x128xf32, #tpu.memory_space<vmem>>, vector<16xf32>,
        %mul3A_1245 = arith.constant 8 : i32
        %mul3A_1246 = arith.muli %add3A_74, %mul3A_1245 : i32
        %add3A_1247 = arith.constant 0 : i32
        %add3A_1248 = arith.addi %mul3A_1246, %add3A_1247 : i32
        %mul3A_1249 = arith.constant 150 : i32
        %mul3A_1250 = arith.muli %add3A_1248, %mul3A_1249 : i32
        %add3A_1251 = vector.broadcast %mul3A_1250 : i32 to vector<16xi32>
        %add3A_1252 = arith.addi %get3A_1235, %add3A_1251 : vector<16xi32>
        %gather3A_1253 = tpu.vector_load_idx %arg15[%add3A_1252] : memref<38400xf32, #tpu.memory_space<vmem>>[vector<16xi32>], vector<16xf32>,
        %mul3A_1254 = arith.mulf %get3A_1244, %get3A_1244 : vector<16xf32>
        %add3A_1255 = arith.addf %get3A_1237, %mul3A_1254 : vector<16xf32>
        %mul3A_1256 = arith.mulf %get3A_1244, %gather3A_1253 : vector<16xf32>
        %add3A_1257 = arith.addf %get3A_1239, %mul3A_1256 : vector<16xf32>
        %get3A_1258 = arith.constant 1 : i32
        %get3A_1259 = arith.index_cast %get3A_1258 : i32 to index
        %get3A_1260 = arith.index_cast %scan3A_116 : i32 to index
        %get3A_1261 = arith.constant 112 : index
        %get3A_1262 = tpu.vector_load %arg14[%get3A_1259, %get3A_1260, %get3A_1261] {strides = array<i32>} : memref<8x32x128xf32, #tpu.memory_space<vmem>>, vector<16xf32>,
        %mul3A_1263 = arith.constant 8 : i32
        %mul3A_1264 = arith.muli %add3A_74, %mul3A_1263 : i32
        %add3A_1265 = arith.constant 1 : i32
        %add3A_1266 = arith.addi %mul3A_1264, %add3A_1265 : i32
        %mul3A_1267 = arith.constant 150 : i32
        %mul3A_1268 = arith.muli %add3A_1266, %mul3A_1267 : i32
        %add3A_1269 = vector.broadcast %mul3A_1268 : i32 to vector<16xi32>
        %add3A_1270 = arith.addi %get3A_1235, %add3A_1269 : vector<16xi32>
        %gather3A_1271 = tpu.vector_load_idx %arg15[%add3A_1270] : memref<38400xf32, #tpu.memory_space<vmem>>[vector<16xi32>], vector<16xf32>,
        %mul3A_1272 = arith.mulf %get3A_1262, %get3A_1262 : vector<16xf32>
        %add3A_1273 = arith.addf %add3A_1255, %mul3A_1272 : vector<16xf32>
        %mul3A_1274 = arith.mulf %get3A_1262, %gather3A_1271 : vector<16xf32>
        %add3A_1275 = arith.addf %add3A_1257, %mul3A_1274 : vector<16xf32>
        %get3A_1276 = arith.constant 2 : i32
        %get3A_1277 = arith.index_cast %get3A_1276 : i32 to index
        %get3A_1278 = arith.index_cast %scan3A_116 : i32 to index
        %get3A_1279 = arith.constant 112 : index
        %get3A_1280 = tpu.vector_load %arg14[%get3A_1277, %get3A_1278, %get3A_1279] {strides = array<i32>} : memref<8x32x128xf32, #tpu.memory_space<vmem>>, vector<16xf32>,
        %mul3A_1281 = arith.constant 8 : i32
        %mul3A_1282 = arith.muli %add3A_74, %mul3A_1281 : i32
        %add3A_1283 = arith.constant 2 : i32
        %add3A_1284 = arith.addi %mul3A_1282, %add3A_1283 : i32
        %mul3A_1285 = arith.constant 150 : i32
        %mul3A_1286 = arith.muli %add3A_1284, %mul3A_1285 : i32
        %add3A_1287 = vector.broadcast %mul3A_1286 : i32 to vector<16xi32>
        %add3A_1288 = arith.addi %get3A_1235, %add3A_1287 : vector<16xi32>
        %gather3A_1289 = tpu.vector_load_idx %arg15[%add3A_1288] : memref<38400xf32, #tpu.memory_space<vmem>>[vector<16xi32>], vector<16xf32>,
        %mul3A_1290 = arith.mulf %get3A_1280, %get3A_1280 : vector<16xf32>
        %add3A_1291 = arith.addf %add3A_1273, %mul3A_1290 : vector<16xf32>
        %mul3A_1292 = arith.mulf %get3A_1280, %gather3A_1289 : vector<16xf32>
        %add3A_1293 = arith.addf %add3A_1275, %mul3A_1292 : vector<16xf32>
        %get3A_1294 = arith.constant 3 : i32
        %get3A_1295 = arith.index_cast %get3A_1294 : i32 to index
        %get3A_1296 = arith.index_cast %scan3A_116 : i32 to index
        %get3A_1297 = arith.constant 112 : index
        %get3A_1298 = tpu.vector_load %arg14[%get3A_1295, %get3A_1296, %get3A_1297] {strides = array<i32>} : memref<8x32x128xf32, #tpu.memory_space<vmem>>, vector<16xf32>,
        %mul3A_1299 = arith.constant 8 : i32
        %mul3A_1300 = arith.muli %add3A_74, %mul3A_1299 : i32
        %add3A_1301 = arith.constant 3 : i32
        %add3A_1302 = arith.addi %mul3A_1300, %add3A_1301 : i32
        %mul3A_1303 = arith.constant 150 : i32
        %mul3A_1304 = arith.muli %add3A_1302, %mul3A_1303 : i32
        %add3A_1305 = vector.broadcast %mul3A_1304 : i32 to vector<16xi32>
        %add3A_1306 = arith.addi %get3A_1235, %add3A_1305 : vector<16xi32>
        %gather3A_1307 = tpu.vector_load_idx %arg15[%add3A_1306] : memref<38400xf32, #tpu.memory_space<vmem>>[vector<16xi32>], vector<16xf32>,
        %mul3A_1308 = arith.mulf %get3A_1298, %get3A_1298 : vector<16xf32>
        %add3A_1309 = arith.addf %add3A_1291, %mul3A_1308 : vector<16xf32>
        %mul3A_1310 = arith.mulf %get3A_1298, %gather3A_1307 : vector<16xf32>
        %add3A_1311 = arith.addf %add3A_1293, %mul3A_1310 : vector<16xf32>
        %get3A_1312 = arith.constant 4 : i32
        %get3A_1313 = arith.index_cast %get3A_1312 : i32 to index
        %get3A_1314 = arith.index_cast %scan3A_116 : i32 to index
        %get3A_1315 = arith.constant 112 : index
        %get3A_1316 = tpu.vector_load %arg14[%get3A_1313, %get3A_1314, %get3A_1315] {strides = array<i32>} : memref<8x32x128xf32, #tpu.memory_space<vmem>>, vector<16xf32>,
        %mul3A_1317 = arith.constant 8 : i32
        %mul3A_1318 = arith.muli %add3A_74, %mul3A_1317 : i32
        %add3A_1319 = arith.constant 4 : i32
        %add3A_1320 = arith.addi %mul3A_1318, %add3A_1319 : i32
        %mul3A_1321 = arith.constant 150 : i32
        %mul3A_1322 = arith.muli %add3A_1320, %mul3A_1321 : i32
        %add3A_1323 = vector.broadcast %mul3A_1322 : i32 to vector<16xi32>
        %add3A_1324 = arith.addi %get3A_1235, %add3A_1323 : vector<16xi32>
        %gather3A_1325 = tpu.vector_load_idx %arg15[%add3A_1324] : memref<38400xf32, #tpu.memory_space<vmem>>[vector<16xi32>], vector<16xf32>,
        %mul3A_1326 = arith.mulf %get3A_1316, %get3A_1316 : vector<16xf32>
        %add3A_1327 = arith.addf %add3A_1309, %mul3A_1326 : vector<16xf32>
        %mul3A_1328 = arith.mulf %get3A_1316, %gather3A_1325 : vector<16xf32>
        %add3A_1329 = arith.addf %add3A_1311, %mul3A_1328 : vector<16xf32>
        %get3A_1330 = arith.constant 5 : i32
        %get3A_1331 = arith.index_cast %get3A_1330 : i32 to index
        %get3A_1332 = arith.index_cast %scan3A_116 : i32 to index
        %get3A_1333 = arith.constant 112 : index
        %get3A_1334 = tpu.vector_load %arg14[%get3A_1331, %get3A_1332, %get3A_1333] {strides = array<i32>} : memref<8x32x128xf32, #tpu.memory_space<vmem>>, vector<16xf32>,
        %mul3A_1335 = arith.constant 8 : i32
        %mul3A_1336 = arith.muli %add3A_74, %mul3A_1335 : i32
        %add3A_1337 = arith.constant 5 : i32
        %add3A_1338 = arith.addi %mul3A_1336, %add3A_1337 : i32
        %mul3A_1339 = arith.constant 150 : i32
        %mul3A_1340 = arith.muli %add3A_1338, %mul3A_1339 : i32
        %add3A_1341 = vector.broadcast %mul3A_1340 : i32 to vector<16xi32>
        %add3A_1342 = arith.addi %get3A_1235, %add3A_1341 : vector<16xi32>
        %gather3A_1343 = tpu.vector_load_idx %arg15[%add3A_1342] : memref<38400xf32, #tpu.memory_space<vmem>>[vector<16xi32>], vector<16xf32>,
        %mul3A_1344 = arith.mulf %get3A_1334, %get3A_1334 : vector<16xf32>
        %add3A_1345 = arith.addf %add3A_1327, %mul3A_1344 : vector<16xf32>
        %mul3A_1346 = arith.mulf %get3A_1334, %gather3A_1343 : vector<16xf32>
        %add3A_1347 = arith.addf %add3A_1329, %mul3A_1346 : vector<16xf32>
        %get3A_1348 = arith.constant 6 : i32
        %get3A_1349 = arith.index_cast %get3A_1348 : i32 to index
        %get3A_1350 = arith.index_cast %scan3A_116 : i32 to index
        %get3A_1351 = arith.constant 112 : index
        %get3A_1352 = tpu.vector_load %arg14[%get3A_1349, %get3A_1350, %get3A_1351] {strides = array<i32>} : memref<8x32x128xf32, #tpu.memory_space<vmem>>, vector<16xf32>,
        %mul3A_1353 = arith.constant 8 : i32
        %mul3A_1354 = arith.muli %add3A_74, %mul3A_1353 : i32
        %add3A_1355 = arith.constant 6 : i32
        %add3A_1356 = arith.addi %mul3A_1354, %add3A_1355 : i32
        %mul3A_1357 = arith.constant 150 : i32
        %mul3A_1358 = arith.muli %add3A_1356, %mul3A_1357 : i32
        %add3A_1359 = vector.broadcast %mul3A_1358 : i32 to vector<16xi32>
        %add3A_1360 = arith.addi %get3A_1235, %add3A_1359 : vector<16xi32>
        %gather3A_1361 = tpu.vector_load_idx %arg15[%add3A_1360] : memref<38400xf32, #tpu.memory_space<vmem>>[vector<16xi32>], vector<16xf32>,
        %mul3A_1362 = arith.mulf %get3A_1352, %get3A_1352 : vector<16xf32>
        %add3A_1363 = arith.addf %add3A_1345, %mul3A_1362 : vector<16xf32>
        %mul3A_1364 = arith.mulf %get3A_1352, %gather3A_1361 : vector<16xf32>
        %add3A_1365 = arith.addf %add3A_1347, %mul3A_1364 : vector<16xf32>
        %get3A_1366 = arith.constant 7 : i32
        %get3A_1367 = arith.index_cast %get3A_1366 : i32 to index
        %get3A_1368 = arith.index_cast %scan3A_116 : i32 to index
        %get3A_1369 = arith.constant 112 : index
        %get3A_1370 = tpu.vector_load %arg14[%get3A_1367, %get3A_1368, %get3A_1369] {strides = array<i32>} : memref<8x32x128xf32, #tpu.memory_space<vmem>>, vector<16xf32>,
        %mul3A_1371 = arith.constant 8 : i32
        %mul3A_1372 = arith.muli %add3A_74, %mul3A_1371 : i32
        %add3A_1373 = arith.constant 7 : i32
        %add3A_1374 = arith.addi %mul3A_1372, %add3A_1373 : i32
        %mul3A_1375 = arith.constant 150 : i32
        %mul3A_1376 = arith.muli %add3A_1374, %mul3A_1375 : i32
        %add3A_1377 = vector.broadcast %mul3A_1376 : i32 to vector<16xi32>
        %add3A_1378 = arith.addi %get3A_1235, %add3A_1377 : vector<16xi32>
        %gather3A_1379 = tpu.vector_load_idx %arg15[%add3A_1378] : memref<38400xf32, #tpu.memory_space<vmem>>[vector<16xi32>], vector<16xf32>,
        %mul3A_1380 = arith.mulf %get3A_1370, %get3A_1370 : vector<16xf32>
        %add3A_1381 = arith.addf %add3A_1363, %mul3A_1380 : vector<16xf32>
        %mul3A_1382 = arith.mulf %get3A_1370, %gather3A_1379 : vector<16xf32>
        %add3A_1383 = arith.addf %add3A_1365, %mul3A_1382 : vector<16xf32>
        %swap3A_1384 = arith.index_cast %add3A_1232 : i32 to index
        %swap3A_1385 = tpu.vector_load %arg17[%swap3A_1384] {strides = array<i32>} : memref<4096xf32, #tpu.memory_space<vmem>>, vector<16xf32>,
        tpu.vector_store %arg17[%swap3A_1384], %add3A_1381 {strides = array<i32>} : memref<4096xf32, #tpu.memory_space<vmem>>, vector<16xf32>,
        %swap3A_1386 = arith.index_cast %add3A_1232 : i32 to index
        %swap3A_1387 = tpu.vector_load %arg18[%swap3A_1386] {strides = array<i32>} : memref<4096xf32, #tpu.memory_space<vmem>>, vector<16xf32>,
        tpu.vector_store %arg18[%swap3A_1386], %add3A_1383 {strides = array<i32>} : memref<4096xf32, #tpu.memory_space<vmem>>, vector<16xf32>,
        %scan3A_1388 = arith.constant 0 : i32
        scf.yield %scan3A_1388 : i32
      }
      %scan3A_114 = arith.constant 32 : i32
      %scan3A_115 = arith.constant 0 : i32
      scf.yield %scan3A_115 : i32
    }
    %scan3A_59 = arith.constant 16 : i32
    %scan3A_60 = arith.constant 0 : i32
    %scan3A_61 = arith.constant 0 : i32
    %scan3A_62 = arith.constant 32 : i32
    %scan3A_63 = arith.addi %scan3A_61, %scan3A_62 : i32
    %scan3A_64 = arith.constant 1 : i32
    %scan3A_65 = scf.for %scan3A_67 = %scan3A_61 to %scan3A_63 step %scan3A_64 iter_args(%scan3A_68 = %scan3A_60) -> (i32)  : i32 {
      %mul3A_69 = arith.constant 128 : i32
      %mul3A_70 = arith.muli %scan3A_67, %mul3A_69 : i32
      %add3A_71 = arith.constant 0 : i32
      %add3A_72 = arith.addi %mul3A_70, %add3A_71 : i32
      %get3A = arith.index_cast %add3A_72 : i32 to index
      %get3A_73 = tpu.vector_load %arg17[%get3A] {strides = array<i32>} : memref<4096xf32, #tpu.memory_space<vmem>>, vector<16xf32>,
      %get3A_74 = arith.index_cast %add3A_72 : i32 to index
      %get3A_75 = tpu.vector_load %arg18[%get3A_74] {strides = array<i32>} : memref<4096xf32, #tpu.memory_space<vmem>>, vector<16xf32>,
      %get3A_76 = arith.index_cast %scan3A_67 : i32 to index
      %get3A_77 = arith.constant 0 : index
      %get3A_78 = tpu.vector_load %arg11[%get3A_76, %get3A_77] {strides = array<i32>} : memref<32x128xi32, #tpu.memory_space<vmem>>, vector<16xi32>,
      %get3A_79 = arith.index_cast %scan3A_67 : i32 to index
      %get3A_80 = arith.constant 0 : index
      %get3A_81 = tpu.vector_load %arg12[%get3A_79, %get3A_80] {strides = array<i32>} : memref<32x128xf32, #tpu.memory_space<vmem>>, vector<16xf32>,
      %bitcast3A = vector.bitcast %get3A_73 : vector<16xf32> to vector<16xi32>
      %shift_right_arithmetic3A = arith.constant 1 : i32
      %shift_right_arithmetic3A_82 = vector.broadcast %shift_right_arithmetic3A : i32 to vector<16xi32>
      %shift_right_arithmetic3A_83 = arith.shrsi %bitcast3A, %shift_right_arithmetic3A_82 : vector<16xi32>
      %sub3A_84 = arith.constant 1597463007 : i32
      %sub3A_85 = vector.broadcast %sub3A_84 : i32 to vector<16xi32>
      %sub3A_86 = arith.subi %sub3A_85, %shift_right_arithmetic3A_83 : vector<16xi32>
      %bitcast3A_87 = vector.bitcast %sub3A_86 : vector<16xi32> to vector<16xf32>
      %mul3A_88 = arith.constant 5.000000e-01 : f32
      %mul3A_89 = vector.broadcast %mul3A_88 : f32 to vector<16xf32>
      %mul3A_90 = arith.mulf %mul3A_89, %get3A_73 : vector<16xf32>
      %mul3A_91 = arith.mulf %mul3A_90, %bitcast3A_87 : vector<16xf32>
      %mul3A_92 = arith.mulf %mul3A_91, %bitcast3A_87 : vector<16xf32>
      %sub3A_93 = arith.constant 1.500000e+00 : f32
      %sub3A_94 = vector.broadcast %sub3A_93 : f32 to vector<16xf32>
      %sub3A_95 = arith.subf %sub3A_94, %mul3A_92 : vector<16xf32>
      %mul3A_96 = arith.mulf %bitcast3A_87, %sub3A_95 : vector<16xf32>
      %mul3A_97 = arith.constant 5.000000e-01 : f32
      %mul3A_98 = vector.broadcast %mul3A_97 : f32 to vector<16xf32>
      %mul3A_99 = arith.mulf %mul3A_98, %get3A_73 : vector<16xf32>
      %mul3A_100 = arith.mulf %mul3A_99, %mul3A_96 : vector<16xf32>
      %mul3A_101 = arith.mulf %mul3A_100, %mul3A_96 : vector<16xf32>
      %sub3A_102 = arith.constant 1.500000e+00 : f32
      %sub3A_103 = vector.broadcast %sub3A_102 : f32 to vector<16xf32>
      %sub3A_104 = arith.subf %sub3A_103, %mul3A_101 : vector<16xf32>
      %mul3A_105 = arith.mulf %mul3A_96, %sub3A_104 : vector<16xf32>
      %mul3A_106 = arith.constant 5.000000e-01 : f32
      %mul3A_107 = vector.broadcast %mul3A_106 : f32 to vector<16xf32>
      %mul3A_108 = arith.mulf %mul3A_107, %get3A_73 : vector<16xf32>
      %mul3A_109 = arith.mulf %mul3A_108, %mul3A_105 : vector<16xf32>
      %mul3A_110 = arith.mulf %mul3A_109, %mul3A_105 : vector<16xf32>
      %sub3A_111 = arith.constant 1.500000e+00 : f32
      %sub3A_112 = vector.broadcast %sub3A_111 : f32 to vector<16xf32>
      %sub3A_113 = arith.subf %sub3A_112, %mul3A_110 : vector<16xf32>
      %mul3A_114 = arith.mulf %mul3A_105, %sub3A_113 : vector<16xf32>
      %mul3A_115 = arith.mulf %get3A_73, %mul3A_114 : vector<16xf32>
      %gt3A = arith.constant 9.99999996E-13 : f32
      %gt3A_116 = vector.broadcast %gt3A : f32 to vector<16xf32>
      %gt3A_117 = arith.cmpf ogt, %mul3A_115, %gt3A_116 : vector<16xf32>
      %mul3A_118 = arith.mulf %get3A_75, %mul3A_114 : vector<16xf32>
      %mul3A_119 = arith.constant 9.99999995E+11 : f32
      %mul3A_120 = vector.broadcast %mul3A_119 : f32 to vector<16xf32>
      %mul3A_121 = arith.mulf %get3A_75, %mul3A_120 : vector<16xf32>
      %select_n3A_122 = arith.select %gt3A_117, %mul3A_118, %mul3A_121 : vector<16xi1>, vector<16xf32>
      %gather3A = tpu.vector_load_idx %arg16[%get3A_78] : memref<160xf32, #tpu.memory_space<vmem>>[vector<16xi32>], vector<16xf32>,
      %sub3A_123 = arith.constant 1.000000e+00 : f32
      %sub3A_124 = vector.broadcast %sub3A_123 : f32 to vector<16xf32>
      %sub3A_125 = arith.subf %sub3A_124, %select_n3A_122 : vector<16xf32>
      %mul3A_126 = arith.mulf %sub3A_125, %gather3A : vector<16xf32>
      %mul3A_127 = arith.mulf %mul3A_126, %get3A_81 : vector<16xf32>
      %swap3A_128 = arith.index_cast %scan3A_67 : i32 to index
      %swap3A_129 = arith.constant 0 : index
      %swap3A_130 = tpu.vector_load %arg19[%swap3A_128, %swap3A_129] {strides = array<i32>} : memref<32x128xf32, #tpu.memory_space<vmem>>, vector<16xf32>,
      tpu.vector_store %arg19[%swap3A_128, %swap3A_129], %select_n3A_122 {strides = array<i32>} : memref<32x128xf32, #tpu.memory_space<vmem>>, vector<16xf32>,
      %swap3A_131 = arith.index_cast %scan3A_67 : i32 to index
      %swap3A_132 = arith.constant 0 : index
      %swap3A_133 = tpu.vector_load %arg20[%swap3A_131, %swap3A_132] {strides = array<i32>} : memref<32x128xf32, #tpu.memory_space<vmem>>, vector<16xf32>,
      tpu.vector_store %arg20[%swap3A_131, %swap3A_132], %mul3A_127 {strides = array<i32>} : memref<32x128xf32, #tpu.memory_space<vmem>>, vector<16xf32>,
      %get3A_134 = arith.constant 0 : index
      %get3A_135 = tpu.vector_load %arg21[%get3A_134] {strides = array<i32>} : memref<64xf32, #tpu.memory_space<vmem>>, vector<16xf32>,
      %add3A_136 = arith.addf %get3A_135, %mul3A_127 : vector<16xf32>
      %swap3A_137 = arith.constant 0 : index
      %swap3A_138 = tpu.vector_load %arg21[%swap3A_137] {strides = array<i32>} : memref<64xf32, #tpu.memory_space<vmem>>, vector<16xf32>,
      tpu.vector_store %arg21[%swap3A_137], %add3A_136 {strides = array<i32>} : memref<64xf32, #tpu.memory_space<vmem>>, vector<16xf32>,
      %get3A_139 = arith.constant 16 : index
      %get3A_140 = tpu.vector_load %arg21[%get3A_139] {strides = array<i32>} : memref<64xf32, #tpu.memory_space<vmem>>, vector<16xf32>,
      %mul3A_141 = arith.mulf %gather3A, %get3A_81 : vector<16xf32>
      %add3A_142 = arith.addf %get3A_140, %mul3A_141 : vector<16xf32>
      %swap3A_143 = arith.constant 16 : index
      %swap3A_144 = tpu.vector_load %arg21[%swap3A_143] {strides = array<i32>} : memref<64xf32, #tpu.memory_space<vmem>>, vector<16xf32>,
      tpu.vector_store %arg21[%swap3A_143], %add3A_142 {strides = array<i32>} : memref<64xf32, #tpu.memory_space<vmem>>, vector<16xf32>,
      %get3A_145 = arith.constant 32 : index
      %get3A_146 = tpu.vector_load %arg21[%get3A_145] {strides = array<i32>} : memref<64xf32, #tpu.memory_space<vmem>>, vector<16xf32>,
      %mul3A_147 = arith.mulf %select_n3A_122, %gather3A : vector<16xf32>
      %add3A_148 = arith.addf %get3A_146, %mul3A_147 : vector<16xf32>
      %swap3A_149 = arith.constant 32 : index
      %swap3A_150 = tpu.vector_load %arg21[%swap3A_149] {strides = array<i32>} : memref<64xf32, #tpu.memory_space<vmem>>, vector<16xf32>,
      tpu.vector_store %arg21[%swap3A_149], %add3A_148 {strides = array<i32>} : memref<64xf32, #tpu.memory_space<vmem>>, vector<16xf32>,
      %get3A_151 = arith.constant 48 : index
      %get3A_152 = tpu.vector_load %arg21[%get3A_151] {strides = array<i32>} : memref<64xf32, #tpu.memory_space<vmem>>, vector<16xf32>,
      %add3A_153 = arith.addf %get3A_152, %gather3A : vector<16xf32>
      %swap3A_154 = arith.constant 48 : index
      %swap3A_155 = tpu.vector_load %arg21[%swap3A_154] {strides = array<i32>} : memref<64xf32, #tpu.memory_space<vmem>>, vector<16xf32>,
      tpu.vector_store %arg21[%swap3A_154], %add3A_153 {strides = array<i32>} : memref<64xf32, #tpu.memory_space<vmem>>, vector<16xf32>,
      %mul3A_156 = arith.constant 128 : i32
      %mul3A_157 = arith.muli %scan3A_67, %mul3A_156 : i32
      %add3A_158 = arith.constant 16 : i32
      %add3A_159 = arith.addi %mul3A_157, %add3A_158 : i32
      %get3A_160 = arith.index_cast %add3A_159 : i32 to index
      %get3A_161 = tpu.vector_load %arg17[%get3A_160] {strides = array<i32>} : memref<4096xf32, #tpu.memory_space<vmem>>, vector<16xf32>,
      %get3A_162 = arith.index_cast %add3A_159 : i32 to index
      %get3A_163 = tpu.vector_load %arg18[%get3A_162] {strides = array<i32>} : memref<4096xf32, #tpu.memory_space<vmem>>, vector<16xf32>,
      %get3A_164 = arith.index_cast %scan3A_67 : i32 to index
      %get3A_165 = arith.constant 16 : index
      %get3A_166 = tpu.vector_load %arg11[%get3A_164, %get3A_165] {strides = array<i32>} : memref<32x128xi32, #tpu.memory_space<vmem>>, vector<16xi32>,
      %get3A_167 = arith.index_cast %scan3A_67 : i32 to index
      %get3A_168 = arith.constant 16 : index
      %get3A_169 = tpu.vector_load %arg12[%get3A_167, %get3A_168] {strides = array<i32>} : memref<32x128xf32, #tpu.memory_space<vmem>>, vector<16xf32>,
      %bitcast3A_170 = vector.bitcast %get3A_161 : vector<16xf32> to vector<16xi32>
      %shift_right_arithmetic3A_171 = arith.constant 1 : i32
      %shift_right_arithmetic3A_172 = vector.broadcast %shift_right_arithmetic3A_171 : i32 to vector<16xi32>
      %shift_right_arithmetic3A_173 = arith.shrsi %bitcast3A_170, %shift_right_arithmetic3A_172 : vector<16xi32>
      %sub3A_174 = arith.constant 1597463007 : i32
      %sub3A_175 = vector.broadcast %sub3A_174 : i32 to vector<16xi32>
      %sub3A_176 = arith.subi %sub3A_175, %shift_right_arithmetic3A_173 : vector<16xi32>
      %bitcast3A_177 = vector.bitcast %sub3A_176 : vector<16xi32> to vector<16xf32>
      %mul3A_178 = arith.constant 5.000000e-01 : f32
      %mul3A_179 = vector.broadcast %mul3A_178 : f32 to vector<16xf32>
      %mul3A_180 = arith.mulf %mul3A_179, %get3A_161 : vector<16xf32>
      %mul3A_181 = arith.mulf %mul3A_180, %bitcast3A_177 : vector<16xf32>
      %mul3A_182 = arith.mulf %mul3A_181, %bitcast3A_177 : vector<16xf32>
      %sub3A_183 = arith.constant 1.500000e+00 : f32
      %sub3A_184 = vector.broadcast %sub3A_183 : f32 to vector<16xf32>
      %sub3A_185 = arith.subf %sub3A_184, %mul3A_182 : vector<16xf32>
      %mul3A_186 = arith.mulf %bitcast3A_177, %sub3A_185 : vector<16xf32>
      %mul3A_187 = arith.constant 5.000000e-01 : f32
      %mul3A_188 = vector.broadcast %mul3A_187 : f32 to vector<16xf32>
      %mul3A_189 = arith.mulf %mul3A_188, %get3A_161 : vector<16xf32>
      %mul3A_190 = arith.mulf %mul3A_189, %mul3A_186 : vector<16xf32>
      %mul3A_191 = arith.mulf %mul3A_190, %mul3A_186 : vector<16xf32>
      %sub3A_192 = arith.constant 1.500000e+00 : f32
      %sub3A_193 = vector.broadcast %sub3A_192 : f32 to vector<16xf32>
      %sub3A_194 = arith.subf %sub3A_193, %mul3A_191 : vector<16xf32>
      %mul3A_195 = arith.mulf %mul3A_186, %sub3A_194 : vector<16xf32>
      %mul3A_196 = arith.constant 5.000000e-01 : f32
      %mul3A_197 = vector.broadcast %mul3A_196 : f32 to vector<16xf32>
      %mul3A_198 = arith.mulf %mul3A_197, %get3A_161 : vector<16xf32>
      %mul3A_199 = arith.mulf %mul3A_198, %mul3A_195 : vector<16xf32>
      %mul3A_200 = arith.mulf %mul3A_199, %mul3A_195 : vector<16xf32>
      %sub3A_201 = arith.constant 1.500000e+00 : f32
      %sub3A_202 = vector.broadcast %sub3A_201 : f32 to vector<16xf32>
      %sub3A_203 = arith.subf %sub3A_202, %mul3A_200 : vector<16xf32>
      %mul3A_204 = arith.mulf %mul3A_195, %sub3A_203 : vector<16xf32>
      %mul3A_205 = arith.mulf %get3A_161, %mul3A_204 : vector<16xf32>
      %gt3A_206 = arith.constant 9.99999996E-13 : f32
      %gt3A_207 = vector.broadcast %gt3A_206 : f32 to vector<16xf32>
      %gt3A_208 = arith.cmpf ogt, %mul3A_205, %gt3A_207 : vector<16xf32>
      %mul3A_209 = arith.mulf %get3A_163, %mul3A_204 : vector<16xf32>
      %mul3A_210 = arith.constant 9.99999995E+11 : f32
      %mul3A_211 = vector.broadcast %mul3A_210 : f32 to vector<16xf32>
      %mul3A_212 = arith.mulf %get3A_163, %mul3A_211 : vector<16xf32>
      %select_n3A_213 = arith.select %gt3A_208, %mul3A_209, %mul3A_212 : vector<16xi1>, vector<16xf32>
      %gather3A_214 = tpu.vector_load_idx %arg16[%get3A_166] : memref<160xf32, #tpu.memory_space<vmem>>[vector<16xi32>], vector<16xf32>,
      %sub3A_215 = arith.constant 1.000000e+00 : f32
      %sub3A_216 = vector.broadcast %sub3A_215 : f32 to vector<16xf32>
      %sub3A_217 = arith.subf %sub3A_216, %select_n3A_213 : vector<16xf32>
      %mul3A_218 = arith.mulf %sub3A_217, %gather3A_214 : vector<16xf32>
      %mul3A_219 = arith.mulf %mul3A_218, %get3A_169 : vector<16xf32>
      %swap3A_220 = arith.index_cast %scan3A_67 : i32 to index
      %swap3A_221 = arith.constant 16 : index
      %swap3A_222 = tpu.vector_load %arg19[%swap3A_220, %swap3A_221] {strides = array<i32>} : memref<32x128xf32, #tpu.memory_space<vmem>>, vector<16xf32>,
      tpu.vector_store %arg19[%swap3A_220, %swap3A_221], %select_n3A_213 {strides = array<i32>} : memref<32x128xf32, #tpu.memory_space<vmem>>, vector<16xf32>,
      %swap3A_223 = arith.index_cast %scan3A_67 : i32 to index
      %swap3A_224 = arith.constant 16 : index
      %swap3A_225 = tpu.vector_load %arg20[%swap3A_223, %swap3A_224] {strides = array<i32>} : memref<32x128xf32, #tpu.memory_space<vmem>>, vector<16xf32>,
      tpu.vector_store %arg20[%swap3A_223, %swap3A_224], %mul3A_219 {strides = array<i32>} : memref<32x128xf32, #tpu.memory_space<vmem>>, vector<16xf32>,
      %get3A_226 = arith.constant 0 : index
      %get3A_227 = tpu.vector_load %arg21[%get3A_226] {strides = array<i32>} : memref<64xf32, #tpu.memory_space<vmem>>, vector<16xf32>,
      %add3A_228 = arith.addf %get3A_227, %mul3A_219 : vector<16xf32>
      %swap3A_229 = arith.constant 0 : index
      %swap3A_230 = tpu.vector_load %arg21[%swap3A_229] {strides = array<i32>} : memref<64xf32, #tpu.memory_space<vmem>>, vector<16xf32>,
      tpu.vector_store %arg21[%swap3A_229], %add3A_228 {strides = array<i32>} : memref<64xf32, #tpu.memory_space<vmem>>, vector<16xf32>,
      %get3A_231 = arith.constant 16 : index
      %get3A_232 = tpu.vector_load %arg21[%get3A_231] {strides = array<i32>} : memref<64xf32, #tpu.memory_space<vmem>>, vector<16xf32>,
      %mul3A_233 = arith.mulf %gather3A_214, %get3A_169 : vector<16xf32>
      %add3A_234 = arith.addf %get3A_232, %mul3A_233 : vector<16xf32>
      %swap3A_235 = arith.constant 16 : index
      %swap3A_236 = tpu.vector_load %arg21[%swap3A_235] {strides = array<i32>} : memref<64xf32, #tpu.memory_space<vmem>>, vector<16xf32>,
      tpu.vector_store %arg21[%swap3A_235], %add3A_234 {strides = array<i32>} : memref<64xf32, #tpu.memory_space<vmem>>, vector<16xf32>,
      %get3A_237 = arith.constant 32 : index
      %get3A_238 = tpu.vector_load %arg21[%get3A_237] {strides = array<i32>} : memref<64xf32, #tpu.memory_space<vmem>>, vector<16xf32>,
      %mul3A_239 = arith.mulf %select_n3A_213, %gather3A_214 : vector<16xf32>
      %add3A_240 = arith.addf %get3A_238, %mul3A_239 : vector<16xf32>
      %swap3A_241 = arith.constant 32 : index
      %swap3A_242 = tpu.vector_load %arg21[%swap3A_241] {strides = array<i32>} : memref<64xf32, #tpu.memory_space<vmem>>, vector<16xf32>,
      tpu.vector_store %arg21[%swap3A_241], %add3A_240 {strides = array<i32>} : memref<64xf32, #tpu.memory_space<vmem>>, vector<16xf32>,
      %get3A_243 = arith.constant 48 : index
      %get3A_244 = tpu.vector_load %arg21[%get3A_243] {strides = array<i32>} : memref<64xf32, #tpu.memory_space<vmem>>, vector<16xf32>,
      %add3A_245 = arith.addf %get3A_244, %gather3A_214 : vector<16xf32>
      %swap3A_246 = arith.constant 48 : index
      %swap3A_247 = tpu.vector_load %arg21[%swap3A_246] {strides = array<i32>} : memref<64xf32, #tpu.memory_space<vmem>>, vector<16xf32>,
      tpu.vector_store %arg21[%swap3A_246], %add3A_245 {strides = array<i32>} : memref<64xf32, #tpu.memory_space<vmem>>, vector<16xf32>,
      %mul3A_248 = arith.constant 128 : i32
      %mul3A_249 = arith.muli %scan3A_67, %mul3A_248 : i32
      %add3A_250 = arith.constant 32 : i32
      %add3A_251 = arith.addi %mul3A_249, %add3A_250 : i32
      %get3A_252 = arith.index_cast %add3A_251 : i32 to index
      %get3A_253 = tpu.vector_load %arg17[%get3A_252] {strides = array<i32>} : memref<4096xf32, #tpu.memory_space<vmem>>, vector<16xf32>,
      %get3A_254 = arith.index_cast %add3A_251 : i32 to index
      %get3A_255 = tpu.vector_load %arg18[%get3A_254] {strides = array<i32>} : memref<4096xf32, #tpu.memory_space<vmem>>, vector<16xf32>,
      %get3A_256 = arith.index_cast %scan3A_67 : i32 to index
      %get3A_257 = arith.constant 32 : index
      %get3A_258 = tpu.vector_load %arg11[%get3A_256, %get3A_257] {strides = array<i32>} : memref<32x128xi32, #tpu.memory_space<vmem>>, vector<16xi32>,
      %get3A_259 = arith.index_cast %scan3A_67 : i32 to index
      %get3A_260 = arith.constant 32 : index
      %get3A_261 = tpu.vector_load %arg12[%get3A_259, %get3A_260] {strides = array<i32>} : memref<32x128xf32, #tpu.memory_space<vmem>>, vector<16xf32>,
      %bitcast3A_262 = vector.bitcast %get3A_253 : vector<16xf32> to vector<16xi32>
      %shift_right_arithmetic3A_263 = arith.constant 1 : i32
      %shift_right_arithmetic3A_264 = vector.broadcast %shift_right_arithmetic3A_263 : i32 to vector<16xi32>
      %shift_right_arithmetic3A_265 = arith.shrsi %bitcast3A_262, %shift_right_arithmetic3A_264 : vector<16xi32>
      %sub3A_266 = arith.constant 1597463007 : i32
      %sub3A_267 = vector.broadcast %sub3A_266 : i32 to vector<16xi32>
      %sub3A_268 = arith.subi %sub3A_267, %shift_right_arithmetic3A_265 : vector<16xi32>
      %bitcast3A_269 = vector.bitcast %sub3A_268 : vector<16xi32> to vector<16xf32>
      %mul3A_270 = arith.constant 5.000000e-01 : f32
      %mul3A_271 = vector.broadcast %mul3A_270 : f32 to vector<16xf32>
      %mul3A_272 = arith.mulf %mul3A_271, %get3A_253 : vector<16xf32>
      %mul3A_273 = arith.mulf %mul3A_272, %bitcast3A_269 : vector<16xf32>
      %mul3A_274 = arith.mulf %mul3A_273, %bitcast3A_269 : vector<16xf32>
      %sub3A_275 = arith.constant 1.500000e+00 : f32
      %sub3A_276 = vector.broadcast %sub3A_275 : f32 to vector<16xf32>
      %sub3A_277 = arith.subf %sub3A_276, %mul3A_274 : vector<16xf32>
      %mul3A_278 = arith.mulf %bitcast3A_269, %sub3A_277 : vector<16xf32>
      %mul3A_279 = arith.constant 5.000000e-01 : f32
      %mul3A_280 = vector.broadcast %mul3A_279 : f32 to vector<16xf32>
      %mul3A_281 = arith.mulf %mul3A_280, %get3A_253 : vector<16xf32>
      %mul3A_282 = arith.mulf %mul3A_281, %mul3A_278 : vector<16xf32>
      %mul3A_283 = arith.mulf %mul3A_282, %mul3A_278 : vector<16xf32>
      %sub3A_284 = arith.constant 1.500000e+00 : f32
      %sub3A_285 = vector.broadcast %sub3A_284 : f32 to vector<16xf32>
      %sub3A_286 = arith.subf %sub3A_285, %mul3A_283 : vector<16xf32>
      %mul3A_287 = arith.mulf %mul3A_278, %sub3A_286 : vector<16xf32>
      %mul3A_288 = arith.constant 5.000000e-01 : f32
      %mul3A_289 = vector.broadcast %mul3A_288 : f32 to vector<16xf32>
      %mul3A_290 = arith.mulf %mul3A_289, %get3A_253 : vector<16xf32>
      %mul3A_291 = arith.mulf %mul3A_290, %mul3A_287 : vector<16xf32>
      %mul3A_292 = arith.mulf %mul3A_291, %mul3A_287 : vector<16xf32>
      %sub3A_293 = arith.constant 1.500000e+00 : f32
      %sub3A_294 = vector.broadcast %sub3A_293 : f32 to vector<16xf32>
      %sub3A_295 = arith.subf %sub3A_294, %mul3A_292 : vector<16xf32>
      %mul3A_296 = arith.mulf %mul3A_287, %sub3A_295 : vector<16xf32>
      %mul3A_297 = arith.mulf %get3A_253, %mul3A_296 : vector<16xf32>
      %gt3A_298 = arith.constant 9.99999996E-13 : f32
      %gt3A_299 = vector.broadcast %gt3A_298 : f32 to vector<16xf32>
      %gt3A_300 = arith.cmpf ogt, %mul3A_297, %gt3A_299 : vector<16xf32>
      %mul3A_301 = arith.mulf %get3A_255, %mul3A_296 : vector<16xf32>
      %mul3A_302 = arith.constant 9.99999995E+11 : f32
      %mul3A_303 = vector.broadcast %mul3A_302 : f32 to vector<16xf32>
      %mul3A_304 = arith.mulf %get3A_255, %mul3A_303 : vector<16xf32>
      %select_n3A_305 = arith.select %gt3A_300, %mul3A_301, %mul3A_304 : vector<16xi1>, vector<16xf32>
      %gather3A_306 = tpu.vector_load_idx %arg16[%get3A_258] : memref<160xf32, #tpu.memory_space<vmem>>[vector<16xi32>], vector<16xf32>,
      %sub3A_307 = arith.constant 1.000000e+00 : f32
      %sub3A_308 = vector.broadcast %sub3A_307 : f32 to vector<16xf32>
      %sub3A_309 = arith.subf %sub3A_308, %select_n3A_305 : vector<16xf32>
      %mul3A_310 = arith.mulf %sub3A_309, %gather3A_306 : vector<16xf32>
      %mul3A_311 = arith.mulf %mul3A_310, %get3A_261 : vector<16xf32>
      %swap3A_312 = arith.index_cast %scan3A_67 : i32 to index
      %swap3A_313 = arith.constant 32 : index
      %swap3A_314 = tpu.vector_load %arg19[%swap3A_312, %swap3A_313] {strides = array<i32>} : memref<32x128xf32, #tpu.memory_space<vmem>>, vector<16xf32>,
      tpu.vector_store %arg19[%swap3A_312, %swap3A_313], %select_n3A_305 {strides = array<i32>} : memref<32x128xf32, #tpu.memory_space<vmem>>, vector<16xf32>,
      %swap3A_315 = arith.index_cast %scan3A_67 : i32 to index
      %swap3A_316 = arith.constant 32 : index
      %swap3A_317 = tpu.vector_load %arg20[%swap3A_315, %swap3A_316] {strides = array<i32>} : memref<32x128xf32, #tpu.memory_space<vmem>>, vector<16xf32>,
      tpu.vector_store %arg20[%swap3A_315, %swap3A_316], %mul3A_311 {strides = array<i32>} : memref<32x128xf32, #tpu.memory_space<vmem>>, vector<16xf32>,
      %get3A_318 = arith.constant 0 : index
      %get3A_319 = tpu.vector_load %arg21[%get3A_318] {strides = array<i32>} : memref<64xf32, #tpu.memory_space<vmem>>, vector<16xf32>,
      %add3A_320 = arith.addf %get3A_319, %mul3A_311 : vector<16xf32>
      %swap3A_321 = arith.constant 0 : index
      %swap3A_322 = tpu.vector_load %arg21[%swap3A_321] {strides = array<i32>} : memref<64xf32, #tpu.memory_space<vmem>>, vector<16xf32>,
      tpu.vector_store %arg21[%swap3A_321], %add3A_320 {strides = array<i32>} : memref<64xf32, #tpu.memory_space<vmem>>, vector<16xf32>,
      %get3A_323 = arith.constant 16 : index
      %get3A_324 = tpu.vector_load %arg21[%get3A_323] {strides = array<i32>} : memref<64xf32, #tpu.memory_space<vmem>>, vector<16xf32>,
      %mul3A_325 = arith.mulf %gather3A_306, %get3A_261 : vector<16xf32>
      %add3A_326 = arith.addf %get3A_324, %mul3A_325 : vector<16xf32>
      %swap3A_327 = arith.constant 16 : index
      %swap3A_328 = tpu.vector_load %arg21[%swap3A_327] {strides = array<i32>} : memref<64xf32, #tpu.memory_space<vmem>>, vector<16xf32>,
      tpu.vector_store %arg21[%swap3A_327], %add3A_326 {strides = array<i32>} : memref<64xf32, #tpu.memory_space<vmem>>, vector<16xf32>,
      %get3A_329 = arith.constant 32 : index
      %get3A_330 = tpu.vector_load %arg21[%get3A_329] {strides = array<i32>} : memref<64xf32, #tpu.memory_space<vmem>>, vector<16xf32>,
      %mul3A_331 = arith.mulf %select_n3A_305, %gather3A_306 : vector<16xf32>
      %add3A_332 = arith.addf %get3A_330, %mul3A_331 : vector<16xf32>
      %swap3A_333 = arith.constant 32 : index
      %swap3A_334 = tpu.vector_load %arg21[%swap3A_333] {strides = array<i32>} : memref<64xf32, #tpu.memory_space<vmem>>, vector<16xf32>,
      tpu.vector_store %arg21[%swap3A_333], %add3A_332 {strides = array<i32>} : memref<64xf32, #tpu.memory_space<vmem>>, vector<16xf32>,
      %get3A_335 = arith.constant 48 : index
      %get3A_336 = tpu.vector_load %arg21[%get3A_335] {strides = array<i32>} : memref<64xf32, #tpu.memory_space<vmem>>, vector<16xf32>,
      %add3A_337 = arith.addf %get3A_336, %gather3A_306 : vector<16xf32>
      %swap3A_338 = arith.constant 48 : index
      %swap3A_339 = tpu.vector_load %arg21[%swap3A_338] {strides = array<i32>} : memref<64xf32, #tpu.memory_space<vmem>>, vector<16xf32>,
      tpu.vector_store %arg21[%swap3A_338], %add3A_337 {strides = array<i32>} : memref<64xf32, #tpu.memory_space<vmem>>, vector<16xf32>,
      %mul3A_340 = arith.constant 128 : i32
      %mul3A_341 = arith.muli %scan3A_67, %mul3A_340 : i32
      %add3A_342 = arith.constant 48 : i32
      %add3A_343 = arith.addi %mul3A_341, %add3A_342 : i32
      %get3A_344 = arith.index_cast %add3A_343 : i32 to index
      %get3A_345 = tpu.vector_load %arg17[%get3A_344] {strides = array<i32>} : memref<4096xf32, #tpu.memory_space<vmem>>, vector<16xf32>,
      %get3A_346 = arith.index_cast %add3A_343 : i32 to index
      %get3A_347 = tpu.vector_load %arg18[%get3A_346] {strides = array<i32>} : memref<4096xf32, #tpu.memory_space<vmem>>, vector<16xf32>,
      %get3A_348 = arith.index_cast %scan3A_67 : i32 to index
      %get3A_349 = arith.constant 48 : index
      %get3A_350 = tpu.vector_load %arg11[%get3A_348, %get3A_349] {strides = array<i32>} : memref<32x128xi32, #tpu.memory_space<vmem>>, vector<16xi32>,
      %get3A_351 = arith.index_cast %scan3A_67 : i32 to index
      %get3A_352 = arith.constant 48 : index
      %get3A_353 = tpu.vector_load %arg12[%get3A_351, %get3A_352] {strides = array<i32>} : memref<32x128xf32, #tpu.memory_space<vmem>>, vector<16xf32>,
      %bitcast3A_354 = vector.bitcast %get3A_345 : vector<16xf32> to vector<16xi32>
      %shift_right_arithmetic3A_355 = arith.constant 1 : i32
      %shift_right_arithmetic3A_356 = vector.broadcast %shift_right_arithmetic3A_355 : i32 to vector<16xi32>
      %shift_right_arithmetic3A_357 = arith.shrsi %bitcast3A_354, %shift_right_arithmetic3A_356 : vector<16xi32>
      %sub3A_358 = arith.constant 1597463007 : i32
      %sub3A_359 = vector.broadcast %sub3A_358 : i32 to vector<16xi32>
      %sub3A_360 = arith.subi %sub3A_359, %shift_right_arithmetic3A_357 : vector<16xi32>
      %bitcast3A_361 = vector.bitcast %sub3A_360 : vector<16xi32> to vector<16xf32>
      %mul3A_362 = arith.constant 5.000000e-01 : f32
      %mul3A_363 = vector.broadcast %mul3A_362 : f32 to vector<16xf32>
      %mul3A_364 = arith.mulf %mul3A_363, %get3A_345 : vector<16xf32>
      %mul3A_365 = arith.mulf %mul3A_364, %bitcast3A_361 : vector<16xf32>
      %mul3A_366 = arith.mulf %mul3A_365, %bitcast3A_361 : vector<16xf32>
      %sub3A_367 = arith.constant 1.500000e+00 : f32
      %sub3A_368 = vector.broadcast %sub3A_367 : f32 to vector<16xf32>
      %sub3A_369 = arith.subf %sub3A_368, %mul3A_366 : vector<16xf32>
      %mul3A_370 = arith.mulf %bitcast3A_361, %sub3A_369 : vector<16xf32>
      %mul3A_371 = arith.constant 5.000000e-01 : f32
      %mul3A_372 = vector.broadcast %mul3A_371 : f32 to vector<16xf32>
      %mul3A_373 = arith.mulf %mul3A_372, %get3A_345 : vector<16xf32>
      %mul3A_374 = arith.mulf %mul3A_373, %mul3A_370 : vector<16xf32>
      %mul3A_375 = arith.mulf %mul3A_374, %mul3A_370 : vector<16xf32>
      %sub3A_376 = arith.constant 1.500000e+00 : f32
      %sub3A_377 = vector.broadcast %sub3A_376 : f32 to vector<16xf32>
      %sub3A_378 = arith.subf %sub3A_377, %mul3A_375 : vector<16xf32>
      %mul3A_379 = arith.mulf %mul3A_370, %sub3A_378 : vector<16xf32>
      %mul3A_380 = arith.constant 5.000000e-01 : f32
      %mul3A_381 = vector.broadcast %mul3A_380 : f32 to vector<16xf32>
      %mul3A_382 = arith.mulf %mul3A_381, %get3A_345 : vector<16xf32>
      %mul3A_383 = arith.mulf %mul3A_382, %mul3A_379 : vector<16xf32>
      %mul3A_384 = arith.mulf %mul3A_383, %mul3A_379 : vector<16xf32>
      %sub3A_385 = arith.constant 1.500000e+00 : f32
      %sub3A_386 = vector.broadcast %sub3A_385 : f32 to vector<16xf32>
      %sub3A_387 = arith.subf %sub3A_386, %mul3A_384 : vector<16xf32>
      %mul3A_388 = arith.mulf %mul3A_379, %sub3A_387 : vector<16xf32>
      %mul3A_389 = arith.mulf %get3A_345, %mul3A_388 : vector<16xf32>
      %gt3A_390 = arith.constant 9.99999996E-13 : f32
      %gt3A_391 = vector.broadcast %gt3A_390 : f32 to vector<16xf32>
      %gt3A_392 = arith.cmpf ogt, %mul3A_389, %gt3A_391 : vector<16xf32>
      %mul3A_393 = arith.mulf %get3A_347, %mul3A_388 : vector<16xf32>
      %mul3A_394 = arith.constant 9.99999995E+11 : f32
      %mul3A_395 = vector.broadcast %mul3A_394 : f32 to vector<16xf32>
      %mul3A_396 = arith.mulf %get3A_347, %mul3A_395 : vector<16xf32>
      %select_n3A_397 = arith.select %gt3A_392, %mul3A_393, %mul3A_396 : vector<16xi1>, vector<16xf32>
      %gather3A_398 = tpu.vector_load_idx %arg16[%get3A_350] : memref<160xf32, #tpu.memory_space<vmem>>[vector<16xi32>], vector<16xf32>,
      %sub3A_399 = arith.constant 1.000000e+00 : f32
      %sub3A_400 = vector.broadcast %sub3A_399 : f32 to vector<16xf32>
      %sub3A_401 = arith.subf %sub3A_400, %select_n3A_397 : vector<16xf32>
      %mul3A_402 = arith.mulf %sub3A_401, %gather3A_398 : vector<16xf32>
      %mul3A_403 = arith.mulf %mul3A_402, %get3A_353 : vector<16xf32>
      %swap3A_404 = arith.index_cast %scan3A_67 : i32 to index
      %swap3A_405 = arith.constant 48 : index
      %swap3A_406 = tpu.vector_load %arg19[%swap3A_404, %swap3A_405] {strides = array<i32>} : memref<32x128xf32, #tpu.memory_space<vmem>>, vector<16xf32>,
      tpu.vector_store %arg19[%swap3A_404, %swap3A_405], %select_n3A_397 {strides = array<i32>} : memref<32x128xf32, #tpu.memory_space<vmem>>, vector<16xf32>,
      %swap3A_407 = arith.index_cast %scan3A_67 : i32 to index
      %swap3A_408 = arith.constant 48 : index
      %swap3A_409 = tpu.vector_load %arg20[%swap3A_407, %swap3A_408] {strides = array<i32>} : memref<32x128xf32, #tpu.memory_space<vmem>>, vector<16xf32>,
      tpu.vector_store %arg20[%swap3A_407, %swap3A_408], %mul3A_403 {strides = array<i32>} : memref<32x128xf32, #tpu.memory_space<vmem>>, vector<16xf32>,
      %get3A_410 = arith.constant 0 : index
      %get3A_411 = tpu.vector_load %arg21[%get3A_410] {strides = array<i32>} : memref<64xf32, #tpu.memory_space<vmem>>, vector<16xf32>,
      %add3A_412 = arith.addf %get3A_411, %mul3A_403 : vector<16xf32>
      %swap3A_413 = arith.constant 0 : index
      %swap3A_414 = tpu.vector_load %arg21[%swap3A_413] {strides = array<i32>} : memref<64xf32, #tpu.memory_space<vmem>>, vector<16xf32>,
      tpu.vector_store %arg21[%swap3A_413], %add3A_412 {strides = array<i32>} : memref<64xf32, #tpu.memory_space<vmem>>, vector<16xf32>,
      %get3A_415 = arith.constant 16 : index
      %get3A_416 = tpu.vector_load %arg21[%get3A_415] {strides = array<i32>} : memref<64xf32, #tpu.memory_space<vmem>>, vector<16xf32>,
      %mul3A_417 = arith.mulf %gather3A_398, %get3A_353 : vector<16xf32>
      %add3A_418 = arith.addf %get3A_416, %mul3A_417 : vector<16xf32>
      %swap3A_419 = arith.constant 16 : index
      %swap3A_420 = tpu.vector_load %arg21[%swap3A_419] {strides = array<i32>} : memref<64xf32, #tpu.memory_space<vmem>>, vector<16xf32>,
      tpu.vector_store %arg21[%swap3A_419], %add3A_418 {strides = array<i32>} : memref<64xf32, #tpu.memory_space<vmem>>, vector<16xf32>,
      %get3A_421 = arith.constant 32 : index
      %get3A_422 = tpu.vector_load %arg21[%get3A_421] {strides = array<i32>} : memref<64xf32, #tpu.memory_space<vmem>>, vector<16xf32>,
      %mul3A_423 = arith.mulf %select_n3A_397, %gather3A_398 : vector<16xf32>
      %add3A_424 = arith.addf %get3A_422, %mul3A_423 : vector<16xf32>
      %swap3A_425 = arith.constant 32 : index
      %swap3A_426 = tpu.vector_load %arg21[%swap3A_425] {strides = array<i32>} : memref<64xf32, #tpu.memory_space<vmem>>, vector<16xf32>,
      tpu.vector_store %arg21[%swap3A_425], %add3A_424 {strides = array<i32>} : memref<64xf32, #tpu.memory_space<vmem>>, vector<16xf32>,
      %get3A_427 = arith.constant 48 : index
      %get3A_428 = tpu.vector_load %arg21[%get3A_427] {strides = array<i32>} : memref<64xf32, #tpu.memory_space<vmem>>, vector<16xf32>,
      %add3A_429 = arith.addf %get3A_428, %gather3A_398 : vector<16xf32>
      %swap3A_430 = arith.constant 48 : index
      %swap3A_431 = tpu.vector_load %arg21[%swap3A_430] {strides = array<i32>} : memref<64xf32, #tpu.memory_space<vmem>>, vector<16xf32>,
      tpu.vector_store %arg21[%swap3A_430], %add3A_429 {strides = array<i32>} : memref<64xf32, #tpu.memory_space<vmem>>, vector<16xf32>,
      %mul3A_432 = arith.constant 128 : i32
      %mul3A_433 = arith.muli %scan3A_67, %mul3A_432 : i32
      %add3A_434 = arith.constant 64 : i32
      %add3A_435 = arith.addi %mul3A_433, %add3A_434 : i32
      %get3A_436 = arith.index_cast %add3A_435 : i32 to index
      %get3A_437 = tpu.vector_load %arg17[%get3A_436] {strides = array<i32>} : memref<4096xf32, #tpu.memory_space<vmem>>, vector<16xf32>,
      %get3A_438 = arith.index_cast %add3A_435 : i32 to index
      %get3A_439 = tpu.vector_load %arg18[%get3A_438] {strides = array<i32>} : memref<4096xf32, #tpu.memory_space<vmem>>, vector<16xf32>,
      %get3A_440 = arith.index_cast %scan3A_67 : i32 to index
      %get3A_441 = arith.constant 64 : index
      %get3A_442 = tpu.vector_load %arg11[%get3A_440, %get3A_441] {strides = array<i32>} : memref<32x128xi32, #tpu.memory_space<vmem>>, vector<16xi32>,
      %get3A_443 = arith.index_cast %scan3A_67 : i32 to index
      %get3A_444 = arith.constant 64 : index
      %get3A_445 = tpu.vector_load %arg12[%get3A_443, %get3A_444] {strides = array<i32>} : memref<32x128xf32, #tpu.memory_space<vmem>>, vector<16xf32>,
      %bitcast3A_446 = vector.bitcast %get3A_437 : vector<16xf32> to vector<16xi32>
      %shift_right_arithmetic3A_447 = arith.constant 1 : i32
      %shift_right_arithmetic3A_448 = vector.broadcast %shift_right_arithmetic3A_447 : i32 to vector<16xi32>
      %shift_right_arithmetic3A_449 = arith.shrsi %bitcast3A_446, %shift_right_arithmetic3A_448 : vector<16xi32>
      %sub3A_450 = arith.constant 1597463007 : i32
      %sub3A_451 = vector.broadcast %sub3A_450 : i32 to vector<16xi32>
      %sub3A_452 = arith.subi %sub3A_451, %shift_right_arithmetic3A_449 : vector<16xi32>
      %bitcast3A_453 = vector.bitcast %sub3A_452 : vector<16xi32> to vector<16xf32>
      %mul3A_454 = arith.constant 5.000000e-01 : f32
      %mul3A_455 = vector.broadcast %mul3A_454 : f32 to vector<16xf32>
      %mul3A_456 = arith.mulf %mul3A_455, %get3A_437 : vector<16xf32>
      %mul3A_457 = arith.mulf %mul3A_456, %bitcast3A_453 : vector<16xf32>
      %mul3A_458 = arith.mulf %mul3A_457, %bitcast3A_453 : vector<16xf32>
      %sub3A_459 = arith.constant 1.500000e+00 : f32
      %sub3A_460 = vector.broadcast %sub3A_459 : f32 to vector<16xf32>
      %sub3A_461 = arith.subf %sub3A_460, %mul3A_458 : vector<16xf32>
      %mul3A_462 = arith.mulf %bitcast3A_453, %sub3A_461 : vector<16xf32>
      %mul3A_463 = arith.constant 5.000000e-01 : f32
      %mul3A_464 = vector.broadcast %mul3A_463 : f32 to vector<16xf32>
      %mul3A_465 = arith.mulf %mul3A_464, %get3A_437 : vector<16xf32>
      %mul3A_466 = arith.mulf %mul3A_465, %mul3A_462 : vector<16xf32>
      %mul3A_467 = arith.mulf %mul3A_466, %mul3A_462 : vector<16xf32>
      %sub3A_468 = arith.constant 1.500000e+00 : f32
      %sub3A_469 = vector.broadcast %sub3A_468 : f32 to vector<16xf32>
      %sub3A_470 = arith.subf %sub3A_469, %mul3A_467 : vector<16xf32>
      %mul3A_471 = arith.mulf %mul3A_462, %sub3A_470 : vector<16xf32>
      %mul3A_472 = arith.constant 5.000000e-01 : f32
      %mul3A_473 = vector.broadcast %mul3A_472 : f32 to vector<16xf32>
      %mul3A_474 = arith.mulf %mul3A_473, %get3A_437 : vector<16xf32>
      %mul3A_475 = arith.mulf %mul3A_474, %mul3A_471 : vector<16xf32>
      %mul3A_476 = arith.mulf %mul3A_475, %mul3A_471 : vector<16xf32>
      %sub3A_477 = arith.constant 1.500000e+00 : f32
      %sub3A_478 = vector.broadcast %sub3A_477 : f32 to vector<16xf32>
      %sub3A_479 = arith.subf %sub3A_478, %mul3A_476 : vector<16xf32>
      %mul3A_480 = arith.mulf %mul3A_471, %sub3A_479 : vector<16xf32>
      %mul3A_481 = arith.mulf %get3A_437, %mul3A_480 : vector<16xf32>
      %gt3A_482 = arith.constant 9.99999996E-13 : f32
      %gt3A_483 = vector.broadcast %gt3A_482 : f32 to vector<16xf32>
      %gt3A_484 = arith.cmpf ogt, %mul3A_481, %gt3A_483 : vector<16xf32>
      %mul3A_485 = arith.mulf %get3A_439, %mul3A_480 : vector<16xf32>
      %mul3A_486 = arith.constant 9.99999995E+11 : f32
      %mul3A_487 = vector.broadcast %mul3A_486 : f32 to vector<16xf32>
      %mul3A_488 = arith.mulf %get3A_439, %mul3A_487 : vector<16xf32>
      %select_n3A_489 = arith.select %gt3A_484, %mul3A_485, %mul3A_488 : vector<16xi1>, vector<16xf32>
      %gather3A_490 = tpu.vector_load_idx %arg16[%get3A_442] : memref<160xf32, #tpu.memory_space<vmem>>[vector<16xi32>], vector<16xf32>,
      %sub3A_491 = arith.constant 1.000000e+00 : f32
      %sub3A_492 = vector.broadcast %sub3A_491 : f32 to vector<16xf32>
      %sub3A_493 = arith.subf %sub3A_492, %select_n3A_489 : vector<16xf32>
      %mul3A_494 = arith.mulf %sub3A_493, %gather3A_490 : vector<16xf32>
      %mul3A_495 = arith.mulf %mul3A_494, %get3A_445 : vector<16xf32>
      %swap3A_496 = arith.index_cast %scan3A_67 : i32 to index
      %swap3A_497 = arith.constant 64 : index
      %swap3A_498 = tpu.vector_load %arg19[%swap3A_496, %swap3A_497] {strides = array<i32>} : memref<32x128xf32, #tpu.memory_space<vmem>>, vector<16xf32>,
      tpu.vector_store %arg19[%swap3A_496, %swap3A_497], %select_n3A_489 {strides = array<i32>} : memref<32x128xf32, #tpu.memory_space<vmem>>, vector<16xf32>,
      %swap3A_499 = arith.index_cast %scan3A_67 : i32 to index
      %swap3A_500 = arith.constant 64 : index
      %swap3A_501 = tpu.vector_load %arg20[%swap3A_499, %swap3A_500] {strides = array<i32>} : memref<32x128xf32, #tpu.memory_space<vmem>>, vector<16xf32>,
      tpu.vector_store %arg20[%swap3A_499, %swap3A_500], %mul3A_495 {strides = array<i32>} : memref<32x128xf32, #tpu.memory_space<vmem>>, vector<16xf32>,
      %get3A_502 = arith.constant 0 : index
      %get3A_503 = tpu.vector_load %arg21[%get3A_502] {strides = array<i32>} : memref<64xf32, #tpu.memory_space<vmem>>, vector<16xf32>,
      %add3A_504 = arith.addf %get3A_503, %mul3A_495 : vector<16xf32>
      %swap3A_505 = arith.constant 0 : index
      %swap3A_506 = tpu.vector_load %arg21[%swap3A_505] {strides = array<i32>} : memref<64xf32, #tpu.memory_space<vmem>>, vector<16xf32>,
      tpu.vector_store %arg21[%swap3A_505], %add3A_504 {strides = array<i32>} : memref<64xf32, #tpu.memory_space<vmem>>, vector<16xf32>,
      %get3A_507 = arith.constant 16 : index
      %get3A_508 = tpu.vector_load %arg21[%get3A_507] {strides = array<i32>} : memref<64xf32, #tpu.memory_space<vmem>>, vector<16xf32>,
      %mul3A_509 = arith.mulf %gather3A_490, %get3A_445 : vector<16xf32>
      %add3A_510 = arith.addf %get3A_508, %mul3A_509 : vector<16xf32>
      %swap3A_511 = arith.constant 16 : index
      %swap3A_512 = tpu.vector_load %arg21[%swap3A_511] {strides = array<i32>} : memref<64xf32, #tpu.memory_space<vmem>>, vector<16xf32>,
      tpu.vector_store %arg21[%swap3A_511], %add3A_510 {strides = array<i32>} : memref<64xf32, #tpu.memory_space<vmem>>, vector<16xf32>,
      %get3A_513 = arith.constant 32 : index
      %get3A_514 = tpu.vector_load %arg21[%get3A_513] {strides = array<i32>} : memref<64xf32, #tpu.memory_space<vmem>>, vector<16xf32>,
      %mul3A_515 = arith.mulf %select_n3A_489, %gather3A_490 : vector<16xf32>
      %add3A_516 = arith.addf %get3A_514, %mul3A_515 : vector<16xf32>
      %swap3A_517 = arith.constant 32 : index
      %swap3A_518 = tpu.vector_load %arg21[%swap3A_517] {strides = array<i32>} : memref<64xf32, #tpu.memory_space<vmem>>, vector<16xf32>,
      tpu.vector_store %arg21[%swap3A_517], %add3A_516 {strides = array<i32>} : memref<64xf32, #tpu.memory_space<vmem>>, vector<16xf32>,
      %get3A_519 = arith.constant 48 : index
      %get3A_520 = tpu.vector_load %arg21[%get3A_519] {strides = array<i32>} : memref<64xf32, #tpu.memory_space<vmem>>, vector<16xf32>,
      %add3A_521 = arith.addf %get3A_520, %gather3A_490 : vector<16xf32>
      %swap3A_522 = arith.constant 48 : index
      %swap3A_523 = tpu.vector_load %arg21[%swap3A_522] {strides = array<i32>} : memref<64xf32, #tpu.memory_space<vmem>>, vector<16xf32>,
      tpu.vector_store %arg21[%swap3A_522], %add3A_521 {strides = array<i32>} : memref<64xf32, #tpu.memory_space<vmem>>, vector<16xf32>,
      %mul3A_524 = arith.constant 128 : i32
      %mul3A_525 = arith.muli %scan3A_67, %mul3A_524 : i32
      %add3A_526 = arith.constant 80 : i32
      %add3A_527 = arith.addi %mul3A_525, %add3A_526 : i32
      %get3A_528 = arith.index_cast %add3A_527 : i32 to index
      %get3A_529 = tpu.vector_load %arg17[%get3A_528] {strides = array<i32>} : memref<4096xf32, #tpu.memory_space<vmem>>, vector<16xf32>,
      %get3A_530 = arith.index_cast %add3A_527 : i32 to index
      %get3A_531 = tpu.vector_load %arg18[%get3A_530] {strides = array<i32>} : memref<4096xf32, #tpu.memory_space<vmem>>, vector<16xf32>,
      %get3A_532 = arith.index_cast %scan3A_67 : i32 to index
      %get3A_533 = arith.constant 80 : index
      %get3A_534 = tpu.vector_load %arg11[%get3A_532, %get3A_533] {strides = array<i32>} : memref<32x128xi32, #tpu.memory_space<vmem>>, vector<16xi32>,
      %get3A_535 = arith.index_cast %scan3A_67 : i32 to index
      %get3A_536 = arith.constant 80 : index
      %get3A_537 = tpu.vector_load %arg12[%get3A_535, %get3A_536] {strides = array<i32>} : memref<32x128xf32, #tpu.memory_space<vmem>>, vector<16xf32>,
      %bitcast3A_538 = vector.bitcast %get3A_529 : vector<16xf32> to vector<16xi32>
      %shift_right_arithmetic3A_539 = arith.constant 1 : i32
      %shift_right_arithmetic3A_540 = vector.broadcast %shift_right_arithmetic3A_539 : i32 to vector<16xi32>
      %shift_right_arithmetic3A_541 = arith.shrsi %bitcast3A_538, %shift_right_arithmetic3A_540 : vector<16xi32>
      %sub3A_542 = arith.constant 1597463007 : i32
      %sub3A_543 = vector.broadcast %sub3A_542 : i32 to vector<16xi32>
      %sub3A_544 = arith.subi %sub3A_543, %shift_right_arithmetic3A_541 : vector<16xi32>
      %bitcast3A_545 = vector.bitcast %sub3A_544 : vector<16xi32> to vector<16xf32>
      %mul3A_546 = arith.constant 5.000000e-01 : f32
      %mul3A_547 = vector.broadcast %mul3A_546 : f32 to vector<16xf32>
      %mul3A_548 = arith.mulf %mul3A_547, %get3A_529 : vector<16xf32>
      %mul3A_549 = arith.mulf %mul3A_548, %bitcast3A_545 : vector<16xf32>
      %mul3A_550 = arith.mulf %mul3A_549, %bitcast3A_545 : vector<16xf32>
      %sub3A_551 = arith.constant 1.500000e+00 : f32
      %sub3A_552 = vector.broadcast %sub3A_551 : f32 to vector<16xf32>
      %sub3A_553 = arith.subf %sub3A_552, %mul3A_550 : vector<16xf32>
      %mul3A_554 = arith.mulf %bitcast3A_545, %sub3A_553 : vector<16xf32>
      %mul3A_555 = arith.constant 5.000000e-01 : f32
      %mul3A_556 = vector.broadcast %mul3A_555 : f32 to vector<16xf32>
      %mul3A_557 = arith.mulf %mul3A_556, %get3A_529 : vector<16xf32>
      %mul3A_558 = arith.mulf %mul3A_557, %mul3A_554 : vector<16xf32>
      %mul3A_559 = arith.mulf %mul3A_558, %mul3A_554 : vector<16xf32>
      %sub3A_560 = arith.constant 1.500000e+00 : f32
      %sub3A_561 = vector.broadcast %sub3A_560 : f32 to vector<16xf32>
      %sub3A_562 = arith.subf %sub3A_561, %mul3A_559 : vector<16xf32>
      %mul3A_563 = arith.mulf %mul3A_554, %sub3A_562 : vector<16xf32>
      %mul3A_564 = arith.constant 5.000000e-01 : f32
      %mul3A_565 = vector.broadcast %mul3A_564 : f32 to vector<16xf32>
      %mul3A_566 = arith.mulf %mul3A_565, %get3A_529 : vector<16xf32>
      %mul3A_567 = arith.mulf %mul3A_566, %mul3A_563 : vector<16xf32>
      %mul3A_568 = arith.mulf %mul3A_567, %mul3A_563 : vector<16xf32>
      %sub3A_569 = arith.constant 1.500000e+00 : f32
      %sub3A_570 = vector.broadcast %sub3A_569 : f32 to vector<16xf32>
      %sub3A_571 = arith.subf %sub3A_570, %mul3A_568 : vector<16xf32>
      %mul3A_572 = arith.mulf %mul3A_563, %sub3A_571 : vector<16xf32>
      %mul3A_573 = arith.mulf %get3A_529, %mul3A_572 : vector<16xf32>
      %gt3A_574 = arith.constant 9.99999996E-13 : f32
      %gt3A_575 = vector.broadcast %gt3A_574 : f32 to vector<16xf32>
      %gt3A_576 = arith.cmpf ogt, %mul3A_573, %gt3A_575 : vector<16xf32>
      %mul3A_577 = arith.mulf %get3A_531, %mul3A_572 : vector<16xf32>
      %mul3A_578 = arith.constant 9.99999995E+11 : f32
      %mul3A_579 = vector.broadcast %mul3A_578 : f32 to vector<16xf32>
      %mul3A_580 = arith.mulf %get3A_531, %mul3A_579 : vector<16xf32>
      %select_n3A_581 = arith.select %gt3A_576, %mul3A_577, %mul3A_580 : vector<16xi1>, vector<16xf32>
      %gather3A_582 = tpu.vector_load_idx %arg16[%get3A_534] : memref<160xf32, #tpu.memory_space<vmem>>[vector<16xi32>], vector<16xf32>,
      %sub3A_583 = arith.constant 1.000000e+00 : f32
      %sub3A_584 = vector.broadcast %sub3A_583 : f32 to vector<16xf32>
      %sub3A_585 = arith.subf %sub3A_584, %select_n3A_581 : vector<16xf32>
      %mul3A_586 = arith.mulf %sub3A_585, %gather3A_582 : vector<16xf32>
      %mul3A_587 = arith.mulf %mul3A_586, %get3A_537 : vector<16xf32>
      %swap3A_588 = arith.index_cast %scan3A_67 : i32 to index
      %swap3A_589 = arith.constant 80 : index
      %swap3A_590 = tpu.vector_load %arg19[%swap3A_588, %swap3A_589] {strides = array<i32>} : memref<32x128xf32, #tpu.memory_space<vmem>>, vector<16xf32>,
      tpu.vector_store %arg19[%swap3A_588, %swap3A_589], %select_n3A_581 {strides = array<i32>} : memref<32x128xf32, #tpu.memory_space<vmem>>, vector<16xf32>,
      %swap3A_591 = arith.index_cast %scan3A_67 : i32 to index
      %swap3A_592 = arith.constant 80 : index
      %swap3A_593 = tpu.vector_load %arg20[%swap3A_591, %swap3A_592] {strides = array<i32>} : memref<32x128xf32, #tpu.memory_space<vmem>>, vector<16xf32>,
      tpu.vector_store %arg20[%swap3A_591, %swap3A_592], %mul3A_587 {strides = array<i32>} : memref<32x128xf32, #tpu.memory_space<vmem>>, vector<16xf32>,
      %get3A_594 = arith.constant 0 : index
      %get3A_595 = tpu.vector_load %arg21[%get3A_594] {strides = array<i32>} : memref<64xf32, #tpu.memory_space<vmem>>, vector<16xf32>,
      %add3A_596 = arith.addf %get3A_595, %mul3A_587 : vector<16xf32>
      %swap3A_597 = arith.constant 0 : index
      %swap3A_598 = tpu.vector_load %arg21[%swap3A_597] {strides = array<i32>} : memref<64xf32, #tpu.memory_space<vmem>>, vector<16xf32>,
      tpu.vector_store %arg21[%swap3A_597], %add3A_596 {strides = array<i32>} : memref<64xf32, #tpu.memory_space<vmem>>, vector<16xf32>,
      %get3A_599 = arith.constant 16 : index
      %get3A_600 = tpu.vector_load %arg21[%get3A_599] {strides = array<i32>} : memref<64xf32, #tpu.memory_space<vmem>>, vector<16xf32>,
      %mul3A_601 = arith.mulf %gather3A_582, %get3A_537 : vector<16xf32>
      %add3A_602 = arith.addf %get3A_600, %mul3A_601 : vector<16xf32>
      %swap3A_603 = arith.constant 16 : index
      %swap3A_604 = tpu.vector_load %arg21[%swap3A_603] {strides = array<i32>} : memref<64xf32, #tpu.memory_space<vmem>>, vector<16xf32>,
      tpu.vector_store %arg21[%swap3A_603], %add3A_602 {strides = array<i32>} : memref<64xf32, #tpu.memory_space<vmem>>, vector<16xf32>,
      %get3A_605 = arith.constant 32 : index
      %get3A_606 = tpu.vector_load %arg21[%get3A_605] {strides = array<i32>} : memref<64xf32, #tpu.memory_space<vmem>>, vector<16xf32>,
      %mul3A_607 = arith.mulf %select_n3A_581, %gather3A_582 : vector<16xf32>
      %add3A_608 = arith.addf %get3A_606, %mul3A_607 : vector<16xf32>
      %swap3A_609 = arith.constant 32 : index
      %swap3A_610 = tpu.vector_load %arg21[%swap3A_609] {strides = array<i32>} : memref<64xf32, #tpu.memory_space<vmem>>, vector<16xf32>,
      tpu.vector_store %arg21[%swap3A_609], %add3A_608 {strides = array<i32>} : memref<64xf32, #tpu.memory_space<vmem>>, vector<16xf32>,
      %get3A_611 = arith.constant 48 : index
      %get3A_612 = tpu.vector_load %arg21[%get3A_611] {strides = array<i32>} : memref<64xf32, #tpu.memory_space<vmem>>, vector<16xf32>,
      %add3A_613 = arith.addf %get3A_612, %gather3A_582 : vector<16xf32>
      %swap3A_614 = arith.constant 48 : index
      %swap3A_615 = tpu.vector_load %arg21[%swap3A_614] {strides = array<i32>} : memref<64xf32, #tpu.memory_space<vmem>>, vector<16xf32>,
      tpu.vector_store %arg21[%swap3A_614], %add3A_613 {strides = array<i32>} : memref<64xf32, #tpu.memory_space<vmem>>, vector<16xf32>,
      %mul3A_616 = arith.constant 128 : i32
      %mul3A_617 = arith.muli %scan3A_67, %mul3A_616 : i32
      %add3A_618 = arith.constant 96 : i32
      %add3A_619 = arith.addi %mul3A_617, %add3A_618 : i32
      %get3A_620 = arith.index_cast %add3A_619 : i32 to index
      %get3A_621 = tpu.vector_load %arg17[%get3A_620] {strides = array<i32>} : memref<4096xf32, #tpu.memory_space<vmem>>, vector<16xf32>,
      %get3A_622 = arith.index_cast %add3A_619 : i32 to index
      %get3A_623 = tpu.vector_load %arg18[%get3A_622] {strides = array<i32>} : memref<4096xf32, #tpu.memory_space<vmem>>, vector<16xf32>,
      %get3A_624 = arith.index_cast %scan3A_67 : i32 to index
      %get3A_625 = arith.constant 96 : index
      %get3A_626 = tpu.vector_load %arg11[%get3A_624, %get3A_625] {strides = array<i32>} : memref<32x128xi32, #tpu.memory_space<vmem>>, vector<16xi32>,
      %get3A_627 = arith.index_cast %scan3A_67 : i32 to index
      %get3A_628 = arith.constant 96 : index
      %get3A_629 = tpu.vector_load %arg12[%get3A_627, %get3A_628] {strides = array<i32>} : memref<32x128xf32, #tpu.memory_space<vmem>>, vector<16xf32>,
      %bitcast3A_630 = vector.bitcast %get3A_621 : vector<16xf32> to vector<16xi32>
      %shift_right_arithmetic3A_631 = arith.constant 1 : i32
      %shift_right_arithmetic3A_632 = vector.broadcast %shift_right_arithmetic3A_631 : i32 to vector<16xi32>
      %shift_right_arithmetic3A_633 = arith.shrsi %bitcast3A_630, %shift_right_arithmetic3A_632 : vector<16xi32>
      %sub3A_634 = arith.constant 1597463007 : i32
      %sub3A_635 = vector.broadcast %sub3A_634 : i32 to vector<16xi32>
      %sub3A_636 = arith.subi %sub3A_635, %shift_right_arithmetic3A_633 : vector<16xi32>
      %bitcast3A_637 = vector.bitcast %sub3A_636 : vector<16xi32> to vector<16xf32>
      %mul3A_638 = arith.constant 5.000000e-01 : f32
      %mul3A_639 = vector.broadcast %mul3A_638 : f32 to vector<16xf32>
      %mul3A_640 = arith.mulf %mul3A_639, %get3A_621 : vector<16xf32>
      %mul3A_641 = arith.mulf %mul3A_640, %bitcast3A_637 : vector<16xf32>
      %mul3A_642 = arith.mulf %mul3A_641, %bitcast3A_637 : vector<16xf32>
      %sub3A_643 = arith.constant 1.500000e+00 : f32
      %sub3A_644 = vector.broadcast %sub3A_643 : f32 to vector<16xf32>
      %sub3A_645 = arith.subf %sub3A_644, %mul3A_642 : vector<16xf32>
      %mul3A_646 = arith.mulf %bitcast3A_637, %sub3A_645 : vector<16xf32>
      %mul3A_647 = arith.constant 5.000000e-01 : f32
      %mul3A_648 = vector.broadcast %mul3A_647 : f32 to vector<16xf32>
      %mul3A_649 = arith.mulf %mul3A_648, %get3A_621 : vector<16xf32>
      %mul3A_650 = arith.mulf %mul3A_649, %mul3A_646 : vector<16xf32>
      %mul3A_651 = arith.mulf %mul3A_650, %mul3A_646 : vector<16xf32>
      %sub3A_652 = arith.constant 1.500000e+00 : f32
      %sub3A_653 = vector.broadcast %sub3A_652 : f32 to vector<16xf32>
      %sub3A_654 = arith.subf %sub3A_653, %mul3A_651 : vector<16xf32>
      %mul3A_655 = arith.mulf %mul3A_646, %sub3A_654 : vector<16xf32>
      %mul3A_656 = arith.constant 5.000000e-01 : f32
      %mul3A_657 = vector.broadcast %mul3A_656 : f32 to vector<16xf32>
      %mul3A_658 = arith.mulf %mul3A_657, %get3A_621 : vector<16xf32>
      %mul3A_659 = arith.mulf %mul3A_658, %mul3A_655 : vector<16xf32>
      %mul3A_660 = arith.mulf %mul3A_659, %mul3A_655 : vector<16xf32>
      %sub3A_661 = arith.constant 1.500000e+00 : f32
      %sub3A_662 = vector.broadcast %sub3A_661 : f32 to vector<16xf32>
      %sub3A_663 = arith.subf %sub3A_662, %mul3A_660 : vector<16xf32>
      %mul3A_664 = arith.mulf %mul3A_655, %sub3A_663 : vector<16xf32>
      %mul3A_665 = arith.mulf %get3A_621, %mul3A_664 : vector<16xf32>
      %gt3A_666 = arith.constant 9.99999996E-13 : f32
      %gt3A_667 = vector.broadcast %gt3A_666 : f32 to vector<16xf32>
      %gt3A_668 = arith.cmpf ogt, %mul3A_665, %gt3A_667 : vector<16xf32>
      %mul3A_669 = arith.mulf %get3A_623, %mul3A_664 : vector<16xf32>
      %mul3A_670 = arith.constant 9.99999995E+11 : f32
      %mul3A_671 = vector.broadcast %mul3A_670 : f32 to vector<16xf32>
      %mul3A_672 = arith.mulf %get3A_623, %mul3A_671 : vector<16xf32>
      %select_n3A_673 = arith.select %gt3A_668, %mul3A_669, %mul3A_672 : vector<16xi1>, vector<16xf32>
      %gather3A_674 = tpu.vector_load_idx %arg16[%get3A_626] : memref<160xf32, #tpu.memory_space<vmem>>[vector<16xi32>], vector<16xf32>,
      %sub3A_675 = arith.constant 1.000000e+00 : f32
      %sub3A_676 = vector.broadcast %sub3A_675 : f32 to vector<16xf32>
      %sub3A_677 = arith.subf %sub3A_676, %select_n3A_673 : vector<16xf32>
      %mul3A_678 = arith.mulf %sub3A_677, %gather3A_674 : vector<16xf32>
      %mul3A_679 = arith.mulf %mul3A_678, %get3A_629 : vector<16xf32>
      %swap3A_680 = arith.index_cast %scan3A_67 : i32 to index
      %swap3A_681 = arith.constant 96 : index
      %swap3A_682 = tpu.vector_load %arg19[%swap3A_680, %swap3A_681] {strides = array<i32>} : memref<32x128xf32, #tpu.memory_space<vmem>>, vector<16xf32>,
      tpu.vector_store %arg19[%swap3A_680, %swap3A_681], %select_n3A_673 {strides = array<i32>} : memref<32x128xf32, #tpu.memory_space<vmem>>, vector<16xf32>,
      %swap3A_683 = arith.index_cast %scan3A_67 : i32 to index
      %swap3A_684 = arith.constant 96 : index
      %swap3A_685 = tpu.vector_load %arg20[%swap3A_683, %swap3A_684] {strides = array<i32>} : memref<32x128xf32, #tpu.memory_space<vmem>>, vector<16xf32>,
      tpu.vector_store %arg20[%swap3A_683, %swap3A_684], %mul3A_679 {strides = array<i32>} : memref<32x128xf32, #tpu.memory_space<vmem>>, vector<16xf32>,
      %get3A_686 = arith.constant 0 : index
      %get3A_687 = tpu.vector_load %arg21[%get3A_686] {strides = array<i32>} : memref<64xf32, #tpu.memory_space<vmem>>, vector<16xf32>,
      %add3A_688 = arith.addf %get3A_687, %mul3A_679 : vector<16xf32>
      %swap3A_689 = arith.constant 0 : index
      %swap3A_690 = tpu.vector_load %arg21[%swap3A_689] {strides = array<i32>} : memref<64xf32, #tpu.memory_space<vmem>>, vector<16xf32>,
      tpu.vector_store %arg21[%swap3A_689], %add3A_688 {strides = array<i32>} : memref<64xf32, #tpu.memory_space<vmem>>, vector<16xf32>,
      %get3A_691 = arith.constant 16 : index
      %get3A_692 = tpu.vector_load %arg21[%get3A_691] {strides = array<i32>} : memref<64xf32, #tpu.memory_space<vmem>>, vector<16xf32>,
      %mul3A_693 = arith.mulf %gather3A_674, %get3A_629 : vector<16xf32>
      %add3A_694 = arith.addf %get3A_692, %mul3A_693 : vector<16xf32>
      %swap3A_695 = arith.constant 16 : index
      %swap3A_696 = tpu.vector_load %arg21[%swap3A_695] {strides = array<i32>} : memref<64xf32, #tpu.memory_space<vmem>>, vector<16xf32>,
      tpu.vector_store %arg21[%swap3A_695], %add3A_694 {strides = array<i32>} : memref<64xf32, #tpu.memory_space<vmem>>, vector<16xf32>,
      %get3A_697 = arith.constant 32 : index
      %get3A_698 = tpu.vector_load %arg21[%get3A_697] {strides = array<i32>} : memref<64xf32, #tpu.memory_space<vmem>>, vector<16xf32>,
      %mul3A_699 = arith.mulf %select_n3A_673, %gather3A_674 : vector<16xf32>
      %add3A_700 = arith.addf %get3A_698, %mul3A_699 : vector<16xf32>
      %swap3A_701 = arith.constant 32 : index
      %swap3A_702 = tpu.vector_load %arg21[%swap3A_701] {strides = array<i32>} : memref<64xf32, #tpu.memory_space<vmem>>, vector<16xf32>,
      tpu.vector_store %arg21[%swap3A_701], %add3A_700 {strides = array<i32>} : memref<64xf32, #tpu.memory_space<vmem>>, vector<16xf32>,
      %get3A_703 = arith.constant 48 : index
      %get3A_704 = tpu.vector_load %arg21[%get3A_703] {strides = array<i32>} : memref<64xf32, #tpu.memory_space<vmem>>, vector<16xf32>,
      %add3A_705 = arith.addf %get3A_704, %gather3A_674 : vector<16xf32>
      %swap3A_706 = arith.constant 48 : index
      %swap3A_707 = tpu.vector_load %arg21[%swap3A_706] {strides = array<i32>} : memref<64xf32, #tpu.memory_space<vmem>>, vector<16xf32>,
      tpu.vector_store %arg21[%swap3A_706], %add3A_705 {strides = array<i32>} : memref<64xf32, #tpu.memory_space<vmem>>, vector<16xf32>,
      %mul3A_708 = arith.constant 128 : i32
      %mul3A_709 = arith.muli %scan3A_67, %mul3A_708 : i32
      %add3A_710 = arith.constant 112 : i32
      %add3A_711 = arith.addi %mul3A_709, %add3A_710 : i32
      %get3A_712 = arith.index_cast %add3A_711 : i32 to index
      %get3A_713 = tpu.vector_load %arg17[%get3A_712] {strides = array<i32>} : memref<4096xf32, #tpu.memory_space<vmem>>, vector<16xf32>,
      %get3A_714 = arith.index_cast %add3A_711 : i32 to index
      %get3A_715 = tpu.vector_load %arg18[%get3A_714] {strides = array<i32>} : memref<4096xf32, #tpu.memory_space<vmem>>, vector<16xf32>,
      %get3A_716 = arith.index_cast %scan3A_67 : i32 to index
      %get3A_717 = arith.constant 112 : index
      %get3A_718 = tpu.vector_load %arg11[%get3A_716, %get3A_717] {strides = array<i32>} : memref<32x128xi32, #tpu.memory_space<vmem>>, vector<16xi32>,
      %get3A_719 = arith.index_cast %scan3A_67 : i32 to index
      %get3A_720 = arith.constant 112 : index
      %get3A_721 = tpu.vector_load %arg12[%get3A_719, %get3A_720] {strides = array<i32>} : memref<32x128xf32, #tpu.memory_space<vmem>>, vector<16xf32>,
      %bitcast3A_722 = vector.bitcast %get3A_713 : vector<16xf32> to vector<16xi32>
      %shift_right_arithmetic3A_723 = arith.constant 1 : i32
      %shift_right_arithmetic3A_724 = vector.broadcast %shift_right_arithmetic3A_723 : i32 to vector<16xi32>
      %shift_right_arithmetic3A_725 = arith.shrsi %bitcast3A_722, %shift_right_arithmetic3A_724 : vector<16xi32>
      %sub3A_726 = arith.constant 1597463007 : i32
      %sub3A_727 = vector.broadcast %sub3A_726 : i32 to vector<16xi32>
      %sub3A_728 = arith.subi %sub3A_727, %shift_right_arithmetic3A_725 : vector<16xi32>
      %bitcast3A_729 = vector.bitcast %sub3A_728 : vector<16xi32> to vector<16xf32>
      %mul3A_730 = arith.constant 5.000000e-01 : f32
      %mul3A_731 = vector.broadcast %mul3A_730 : f32 to vector<16xf32>
      %mul3A_732 = arith.mulf %mul3A_731, %get3A_713 : vector<16xf32>
      %mul3A_733 = arith.mulf %mul3A_732, %bitcast3A_729 : vector<16xf32>
      %mul3A_734 = arith.mulf %mul3A_733, %bitcast3A_729 : vector<16xf32>
      %sub3A_735 = arith.constant 1.500000e+00 : f32
      %sub3A_736 = vector.broadcast %sub3A_735 : f32 to vector<16xf32>
      %sub3A_737 = arith.subf %sub3A_736, %mul3A_734 : vector<16xf32>
      %mul3A_738 = arith.mulf %bitcast3A_729, %sub3A_737 : vector<16xf32>
      %mul3A_739 = arith.constant 5.000000e-01 : f32
      %mul3A_740 = vector.broadcast %mul3A_739 : f32 to vector<16xf32>
      %mul3A_741 = arith.mulf %mul3A_740, %get3A_713 : vector<16xf32>
      %mul3A_742 = arith.mulf %mul3A_741, %mul3A_738 : vector<16xf32>
      %mul3A_743 = arith.mulf %mul3A_742, %mul3A_738 : vector<16xf32>
      %sub3A_744 = arith.constant 1.500000e+00 : f32
      %sub3A_745 = vector.broadcast %sub3A_744 : f32 to vector<16xf32>
      %sub3A_746 = arith.subf %sub3A_745, %mul3A_743 : vector<16xf32>
      %mul3A_747 = arith.mulf %mul3A_738, %sub3A_746 : vector<16xf32>
      %mul3A_748 = arith.constant 5.000000e-01 : f32
      %mul3A_749 = vector.broadcast %mul3A_748 : f32 to vector<16xf32>
      %mul3A_750 = arith.mulf %mul3A_749, %get3A_713 : vector<16xf32>
      %mul3A_751 = arith.mulf %mul3A_750, %mul3A_747 : vector<16xf32>
      %mul3A_752 = arith.mulf %mul3A_751, %mul3A_747 : vector<16xf32>
      %sub3A_753 = arith.constant 1.500000e+00 : f32
      %sub3A_754 = vector.broadcast %sub3A_753 : f32 to vector<16xf32>
      %sub3A_755 = arith.subf %sub3A_754, %mul3A_752 : vector<16xf32>
      %mul3A_756 = arith.mulf %mul3A_747, %sub3A_755 : vector<16xf32>
      %mul3A_757 = arith.mulf %get3A_713, %mul3A_756 : vector<16xf32>
      %gt3A_758 = arith.constant 9.99999996E-13 : f32
      %gt3A_759 = vector.broadcast %gt3A_758 : f32 to vector<16xf32>
      %gt3A_760 = arith.cmpf ogt, %mul3A_757, %gt3A_759 : vector<16xf32>
      %mul3A_761 = arith.mulf %get3A_715, %mul3A_756 : vector<16xf32>
      %mul3A_762 = arith.constant 9.99999995E+11 : f32
      %mul3A_763 = vector.broadcast %mul3A_762 : f32 to vector<16xf32>
      %mul3A_764 = arith.mulf %get3A_715, %mul3A_763 : vector<16xf32>
      %select_n3A_765 = arith.select %gt3A_760, %mul3A_761, %mul3A_764 : vector<16xi1>, vector<16xf32>
      %gather3A_766 = tpu.vector_load_idx %arg16[%get3A_718] : memref<160xf32, #tpu.memory_space<vmem>>[vector<16xi32>], vector<16xf32>,
      %sub3A_767 = arith.constant 1.000000e+00 : f32
      %sub3A_768 = vector.broadcast %sub3A_767 : f32 to vector<16xf32>
      %sub3A_769 = arith.subf %sub3A_768, %select_n3A_765 : vector<16xf32>
      %mul3A_770 = arith.mulf %sub3A_769, %gather3A_766 : vector<16xf32>
      %mul3A_771 = arith.mulf %mul3A_770, %get3A_721 : vector<16xf32>
      %swap3A_772 = arith.index_cast %scan3A_67 : i32 to index
      %swap3A_773 = arith.constant 112 : index
      %swap3A_774 = tpu.vector_load %arg19[%swap3A_772, %swap3A_773] {strides = array<i32>} : memref<32x128xf32, #tpu.memory_space<vmem>>, vector<16xf32>,
      tpu.vector_store %arg19[%swap3A_772, %swap3A_773], %select_n3A_765 {strides = array<i32>} : memref<32x128xf32, #tpu.memory_space<vmem>>, vector<16xf32>,
      %swap3A_775 = arith.index_cast %scan3A_67 : i32 to index
      %swap3A_776 = arith.constant 112 : index
      %swap3A_777 = tpu.vector_load %arg20[%swap3A_775, %swap3A_776] {strides = array<i32>} : memref<32x128xf32, #tpu.memory_space<vmem>>, vector<16xf32>,
      tpu.vector_store %arg20[%swap3A_775, %swap3A_776], %mul3A_771 {strides = array<i32>} : memref<32x128xf32, #tpu.memory_space<vmem>>, vector<16xf32>,
      %get3A_778 = arith.constant 0 : index
      %get3A_779 = tpu.vector_load %arg21[%get3A_778] {strides = array<i32>} : memref<64xf32, #tpu.memory_space<vmem>>, vector<16xf32>,
      %add3A_780 = arith.addf %get3A_779, %mul3A_771 : vector<16xf32>
      %swap3A_781 = arith.constant 0 : index
      %swap3A_782 = tpu.vector_load %arg21[%swap3A_781] {strides = array<i32>} : memref<64xf32, #tpu.memory_space<vmem>>, vector<16xf32>,
      tpu.vector_store %arg21[%swap3A_781], %add3A_780 {strides = array<i32>} : memref<64xf32, #tpu.memory_space<vmem>>, vector<16xf32>,
      %get3A_783 = arith.constant 16 : index
      %get3A_784 = tpu.vector_load %arg21[%get3A_783] {strides = array<i32>} : memref<64xf32, #tpu.memory_space<vmem>>, vector<16xf32>,
      %mul3A_785 = arith.mulf %gather3A_766, %get3A_721 : vector<16xf32>
      %add3A_786 = arith.addf %get3A_784, %mul3A_785 : vector<16xf32>
      %swap3A_787 = arith.constant 16 : index
      %swap3A_788 = tpu.vector_load %arg21[%swap3A_787] {strides = array<i32>} : memref<64xf32, #tpu.memory_space<vmem>>, vector<16xf32>,
      tpu.vector_store %arg21[%swap3A_787], %add3A_786 {strides = array<i32>} : memref<64xf32, #tpu.memory_space<vmem>>, vector<16xf32>,
      %get3A_789 = arith.constant 32 : index
      %get3A_790 = tpu.vector_load %arg21[%get3A_789] {strides = array<i32>} : memref<64xf32, #tpu.memory_space<vmem>>, vector<16xf32>,
      %mul3A_791 = arith.mulf %select_n3A_765, %gather3A_766 : vector<16xf32>
      %add3A_792 = arith.addf %get3A_790, %mul3A_791 : vector<16xf32>
      %swap3A_793 = arith.constant 32 : index
      %swap3A_794 = tpu.vector_load %arg21[%swap3A_793] {strides = array<i32>} : memref<64xf32, #tpu.memory_space<vmem>>, vector<16xf32>,
      tpu.vector_store %arg21[%swap3A_793], %add3A_792 {strides = array<i32>} : memref<64xf32, #tpu.memory_space<vmem>>, vector<16xf32>,
      %get3A_795 = arith.constant 48 : index
      %get3A_796 = tpu.vector_load %arg21[%get3A_795] {strides = array<i32>} : memref<64xf32, #tpu.memory_space<vmem>>, vector<16xf32>,
      %add3A_797 = arith.addf %get3A_796, %gather3A_766 : vector<16xf32>
      %swap3A_798 = arith.constant 48 : index
      %swap3A_799 = tpu.vector_load %arg21[%swap3A_798] {strides = array<i32>} : memref<64xf32, #tpu.memory_space<vmem>>, vector<16xf32>,
      tpu.vector_store %arg21[%swap3A_798], %add3A_797 {strides = array<i32>} : memref<64xf32, #tpu.memory_space<vmem>>, vector<16xf32>,
      %scan3A_800 = arith.constant 0 : i32
      scf.yield %scan3A_800 : i32
    }
    %scan3A_66 = arith.constant 32 : i32
    "tpu.region"() ({
      %run_scoped3A = tpu.sem_alloc : memref<!tpu.dma_semaphore, #tpu.memory_space<semaphore_mem>>
      %dma_start3A_67 = arith.constant 0 : i32
      %dma_start3A_68 = tpu.memref_slice %arg8[%select_n3A, %mul3A_32, %dma_start3A_67] : memref<8x128x128xf32, #tpu.memory_space<hbm>> -> memref<1x32x128xf32, #tpu.memory_space<hbm>>
      %dma_start3A_69 = tpu.memref_squeeze %dma_start3A_68 : memref<1x32x128xf32, #tpu.memory_space<hbm>> -> memref<32x128xf32, #tpu.memory_space<hbm>>
      %dma_start3A_70 = arith.constant 0 : i32
      %dma_start3A_71 = tpu.memref_slice %arg8[%select_n3A, %mul3A_32, %dma_start3A_70] : memref<8x128x128xf32, #tpu.memory_space<hbm>> -> memref<1x32x128xf32, #tpu.memory_space<hbm>>
      %dma_start3A_72 = tpu.memref_squeeze %dma_start3A_71 : memref<1x32x128xf32, #tpu.memory_space<hbm>> -> memref<32x128xf32, #tpu.memory_space<hbm>>
      tpu.enqueue_dma source(%arg19 : memref<32x128xf32, #tpu.memory_space<vmem>>) target(%dma_start3A_72 : memref<32x128xf32, #tpu.memory_space<hbm>>) target_semaphore(%run_scoped3A : memref<!tpu.dma_semaphore, #tpu.memory_space<semaphore_mem>>)
      %dma_wait3A = arith.constant 0 : i32
      %dma_wait3A_73 = tpu.memref_slice %arg8[%select_n3A, %mul3A_32, %dma_wait3A] : memref<8x128x128xf32, #tpu.memory_space<hbm>> -> memref<1x32x128xf32, #tpu.memory_space<hbm>>
      %dma_wait3A_74 = tpu.memref_squeeze %dma_wait3A_73 : memref<1x32x128xf32, #tpu.memory_space<hbm>> -> memref<32x128xf32, #tpu.memory_space<hbm>>
      %dma_wait3A_75 = arith.constant 0 : i32
      %dma_wait3A_76 = tpu.memref_slice %arg8[%select_n3A, %mul3A_32, %dma_wait3A_75] : memref<8x128x128xf32, #tpu.memory_space<hbm>> -> memref<1x32x128xf32, #tpu.memory_space<hbm>>
      %dma_wait3A_77 = tpu.memref_squeeze %dma_wait3A_76 : memref<1x32x128xf32, #tpu.memory_space<hbm>> -> memref<32x128xf32, #tpu.memory_space<hbm>>
      tpu.wait_dma2 semaphore(%run_scoped3A : memref<!tpu.dma_semaphore, #tpu.memory_space<semaphore_mem>>) src(%arg19 : memref<32x128xf32, #tpu.memory_space<vmem>>) dst(%dma_wait3A_77 : memref<32x128xf32, #tpu.memory_space<hbm>>)
      tpu.yield
    }) : () -> ()
    "tpu.region"() ({
      %run_scoped3A = tpu.sem_alloc : memref<!tpu.dma_semaphore, #tpu.memory_space<semaphore_mem>>
      %dma_start3A_67 = arith.constant 0 : i32
      %dma_start3A_68 = tpu.memref_slice %arg9[%select_n3A, %mul3A_32, %dma_start3A_67] : memref<8x128x128xf32, #tpu.memory_space<hbm>> -> memref<1x32x128xf32, #tpu.memory_space<hbm>>
      %dma_start3A_69 = tpu.memref_squeeze %dma_start3A_68 : memref<1x32x128xf32, #tpu.memory_space<hbm>> -> memref<32x128xf32, #tpu.memory_space<hbm>>
      %dma_start3A_70 = arith.constant 0 : i32
      %dma_start3A_71 = tpu.memref_slice %arg9[%select_n3A, %mul3A_32, %dma_start3A_70] : memref<8x128x128xf32, #tpu.memory_space<hbm>> -> memref<1x32x128xf32, #tpu.memory_space<hbm>>
      %dma_start3A_72 = tpu.memref_squeeze %dma_start3A_71 : memref<1x32x128xf32, #tpu.memory_space<hbm>> -> memref<32x128xf32, #tpu.memory_space<hbm>>
      tpu.enqueue_dma source(%arg20 : memref<32x128xf32, #tpu.memory_space<vmem>>) target(%dma_start3A_72 : memref<32x128xf32, #tpu.memory_space<hbm>>) target_semaphore(%run_scoped3A : memref<!tpu.dma_semaphore, #tpu.memory_space<semaphore_mem>>)
      %dma_wait3A = arith.constant 0 : i32
      %dma_wait3A_73 = tpu.memref_slice %arg9[%select_n3A, %mul3A_32, %dma_wait3A] : memref<8x128x128xf32, #tpu.memory_space<hbm>> -> memref<1x32x128xf32, #tpu.memory_space<hbm>>
      %dma_wait3A_74 = tpu.memref_squeeze %dma_wait3A_73 : memref<1x32x128xf32, #tpu.memory_space<hbm>> -> memref<32x128xf32, #tpu.memory_space<hbm>>
      %dma_wait3A_75 = arith.constant 0 : i32
      %dma_wait3A_76 = tpu.memref_slice %arg9[%select_n3A, %mul3A_32, %dma_wait3A_75] : memref<8x128x128xf32, #tpu.memory_space<hbm>> -> memref<1x32x128xf32, #tpu.memory_space<hbm>>
      %dma_wait3A_77 = tpu.memref_squeeze %dma_wait3A_76 : memref<1x32x128xf32, #tpu.memory_space<hbm>> -> memref<32x128xf32, #tpu.memory_space<hbm>>
      tpu.wait_dma2 semaphore(%run_scoped3A : memref<!tpu.dma_semaphore, #tpu.memory_space<semaphore_mem>>) src(%arg20 : memref<32x128xf32, #tpu.memory_space<vmem>>) dst(%dma_wait3A_77 : memref<32x128xf32, #tpu.memory_space<hbm>>)
      tpu.yield
    }) : () -> ()
    "tpu.region"() ({
      %run_scoped3A = tpu.sem_alloc : memref<!tpu.dma_semaphore, #tpu.memory_space<semaphore_mem>>
      %dma_start3A_67 = arith.constant 0 : i32
      %dma_start3A_68 = tpu.memref_slice %arg10[%add3A, %dma_start3A_67] : memref<32x64xf32, #tpu.memory_space<hbm>> -> memref<1x64xf32, #tpu.memory_space<hbm>>
      %dma_start3A_69 = tpu.memref_squeeze %dma_start3A_68 : memref<1x64xf32, #tpu.memory_space<hbm>> -> memref<64xf32, #tpu.memory_space<hbm>>
      %dma_start3A_70 = arith.constant 0 : i32
      %dma_start3A_71 = tpu.memref_slice %arg10[%add3A, %dma_start3A_70] : memref<32x64xf32, #tpu.memory_space<hbm>> -> memref<1x64xf32, #tpu.memory_space<hbm>>
      %dma_start3A_72 = tpu.memref_squeeze %dma_start3A_71 : memref<1x64xf32, #tpu.memory_space<hbm>> -> memref<64xf32, #tpu.memory_space<hbm>>
      tpu.enqueue_dma source(%arg21 : memref<64xf32, #tpu.memory_space<vmem>>) target(%dma_start3A_72 : memref<64xf32, #tpu.memory_space<hbm>>) target_semaphore(%run_scoped3A : memref<!tpu.dma_semaphore, #tpu.memory_space<semaphore_mem>>)
      %dma_wait3A = arith.constant 0 : i32
      %dma_wait3A_73 = tpu.memref_slice %arg10[%add3A, %dma_wait3A] : memref<32x64xf32, #tpu.memory_space<hbm>> -> memref<1x64xf32, #tpu.memory_space<hbm>>
      %dma_wait3A_74 = tpu.memref_squeeze %dma_wait3A_73 : memref<1x64xf32, #tpu.memory_space<hbm>> -> memref<64xf32, #tpu.memory_space<hbm>>
      %dma_wait3A_75 = arith.constant 0 : i32
      %dma_wait3A_76 = tpu.memref_slice %arg10[%add3A, %dma_wait3A_75] : memref<32x64xf32, #tpu.memory_space<hbm>> -> memref<1x64xf32, #tpu.memory_space<hbm>>
      %dma_wait3A_77 = tpu.memref_squeeze %dma_wait3A_76 : memref<1x64xf32, #tpu.memory_space<hbm>> -> memref<64xf32, #tpu.memory_space<hbm>>
      tpu.wait_dma2 semaphore(%run_scoped3A : memref<!tpu.dma_semaphore, #tpu.memory_space<semaphore_mem>>) src(%arg21 : memref<64xf32, #tpu.memory_space<vmem>>) dst(%dma_wait3A_77 : memref<64xf32, #tpu.memory_space<hbm>>)
      tpu.yield
    }) : () -> ()
    return
  }
}

module attributes {stable_mosaic.version = 14 : i64} {
  func.func @_tc_proto_body(%arg0: i32, %arg1: i32, %arg2: memref<1x8x128xi32, #tpu.memory_space<vmem>>, %arg3: memref<1x256x8x128xf32, #tpu.memory_space<vmem>>, %arg4: memref<256x152xf32, #tpu.memory_space<vmem>>, %arg5: memref<1x152xf32, #tpu.memory_space<vmem>>) attributes {dimension_semantics = [#tpu.dimension_semantics<arbitrary>, #tpu.dimension_semantics<arbitrary>], iteration_bounds = array<i64: 8, 16>, scalar_prefetch = 0 : i64, scratch_operands = 0 : i64, tpu.core_type = #tpu.core_type<tc>, window_params = [{transform_indices = @transform_0, window_bounds = array<i64: 1, 8, 128>}, {transform_indices = @transform_1, window_bounds = array<i64: 1, 256, 8, 128>}, {pipeline_mode = #tpu.pipeline_mode<synchronous>, transform_indices = @transform_2, window_bounds = array<i64: 256, 152>}, {pipeline_mode = #tpu.pipeline_mode<synchronous>, transform_indices = @transform_3, window_bounds = array<i64: 1, 152>}]} {
    %mul3A = arith.constant 16 : i32
    %mul3A_0 = arith.muli %arg0, %mul3A : i32
    %add3A = arith.addi %mul3A_0, %arg1 : i32
    %get3A = arith.constant 0 : index
    %get3A_1 = arith.constant 0 : index
    %get3A_2 = arith.constant 0 : index
    %get3A_3 = vector.load %arg2[%get3A, %get3A_1, %get3A_2] : memref<1x8x128xi32, #tpu.memory_space<vmem>>, vector<1x8x128xi32>
    %reshape3A = vector.shape_cast %get3A_3 : vector<1x8x128xi32> to vector<1x1024xi32>
    %iota3A = tpu.iota {dimensions = array<i32: 0>} : vector<152x1024xi32>
    %eq3A = vector.broadcast %reshape3A : vector<1x1024xi32> to vector<152x1024xi32>
    %eq3A_4 = arith.cmpi eq, %iota3A, %eq3A : vector<152x1024xi32>
    %convert_element_type3A = arith.extui %eq3A_4 : vector<152x1024xi1> to vector<152x1024xi32>
    %convert_element_type3A_5 = arith.sitofp %convert_element_type3A : vector<152x1024xi32> to vector<152x1024xf32>
    %get3A_6 = arith.constant 0 : index
    %get3A_7 = arith.constant 0 : index
    %get3A_8 = arith.constant 0 : index
    %get3A_9 = arith.constant 0 : index
    %get3A_10 = vector.load %arg3[%get3A_6, %get3A_7, %get3A_8, %get3A_9] : memref<1x256x8x128xf32, #tpu.memory_space<vmem>>, vector<1x256x8x128xf32>
    %reshape3A_11 = vector.shape_cast %get3A_10 : vector<1x256x8x128xf32> to vector<256x1024xf32>
    %dot_general3A = arith.constant dense<0.000000e+00> : vector<256x152xf32>
    %dot_general3A_12 = tpu.matmul %reshape3A_11, %convert_element_type3A_5, %dot_general3A {dimension_numbers = #tpu.dot_dimension_numbers<[1], [1], [0], [0], [0, 0, 1, 0], [], []>, precision = #tpu.contract_precision<fp32>, transpose_lhs_hint = false} : vector<256x1024xf32>, vector<152x1024xf32>, vector<256x152xf32> -> vector<256x152xf32>
    %reduce_sum3A = arith.constant dense<0.000000e+00> : vector<152xf32>
    %reduce_sum3A_13 = vector.multi_reduction <add>, %convert_element_type3A_5, %reduce_sum3A [1] : vector<152x1024xf32> to vector<152xf32>
    %eq3A_14 = arith.constant 0 : i32
    %eq3A_15 = arith.cmpi eq, %add3A, %eq3A_14 : i32
    %convert_element_type3A_16 = arith.extui %eq3A_15 : i1 to i32
    %cond3A = arith.constant 0 : i32
    %cond3A_17 = arith.cmpi ne, %convert_element_type3A_16, %cond3A : i32
    scf.if %cond3A_17 {
      %broadcast_in_dim3A_31 = arith.constant 0.000000e+00 : f32
      %broadcast_in_dim3A_32 = vector.broadcast %broadcast_in_dim3A_31 : f32 to vector<256x152xf32>
      %swap3A_33 = arith.constant 0 : index
      %swap3A_34 = arith.constant 0 : index
      %swap3A_35 = vector.load %arg4[%swap3A_33, %swap3A_34] : memref<256x152xf32, #tpu.memory_space<vmem>>, vector<256x152xf32>
      tpu.vector_store %arg4[%swap3A_33, %swap3A_34], %broadcast_in_dim3A_32 {strides = array<i32>} : memref<256x152xf32, #tpu.memory_space<vmem>>, vector<256x152xf32>,
      %broadcast_in_dim3A_36 = arith.constant 0.000000e+00 : f32
      %broadcast_in_dim3A_37 = vector.broadcast %broadcast_in_dim3A_36 : f32 to vector<1x152xf32>
      %swap3A_38 = arith.constant 0 : index
      %swap3A_39 = arith.constant 0 : index
      %swap3A_40 = vector.load %arg5[%swap3A_38, %swap3A_39] : memref<1x152xf32, #tpu.memory_space<vmem>>, vector<1x152xf32>
      tpu.vector_store %arg5[%swap3A_38, %swap3A_39], %broadcast_in_dim3A_37 {strides = array<i32>} : memref<1x152xf32, #tpu.memory_space<vmem>>, vector<1x152xf32>,
    } else {
    }
    %get3A_18 = arith.constant 0 : index
    %get3A_19 = arith.constant 0 : index
    %get3A_20 = vector.load %arg4[%get3A_18, %get3A_19] : memref<256x152xf32, #tpu.memory_space<vmem>>, vector<256x152xf32>
    %add3A_21 = arith.addf %get3A_20, %dot_general3A_12 : vector<256x152xf32>
    %swap3A = arith.constant 0 : index
    %swap3A_22 = arith.constant 0 : index
    %swap3A_23 = vector.load %arg4[%swap3A, %swap3A_22] : memref<256x152xf32, #tpu.memory_space<vmem>>, vector<256x152xf32>
    tpu.vector_store %arg4[%swap3A, %swap3A_22], %add3A_21 {strides = array<i32>} : memref<256x152xf32, #tpu.memory_space<vmem>>, vector<256x152xf32>,
    %get3A_24 = arith.constant 0 : index
    %get3A_25 = arith.constant 0 : index
    %get3A_26 = vector.load %arg5[%get3A_24, %get3A_25] : memref<1x152xf32, #tpu.memory_space<vmem>>, vector<1x152xf32>
    %broadcast_in_dim3A = vector.shape_cast %reduce_sum3A_13 : vector<152xf32> to vector<1x152xf32>
    %add3A_27 = arith.addf %get3A_26, %broadcast_in_dim3A : vector<1x152xf32>
    %swap3A_28 = arith.constant 0 : index
    %swap3A_29 = arith.constant 0 : index
    %swap3A_30 = vector.load %arg5[%swap3A_28, %swap3A_29] : memref<1x152xf32, #tpu.memory_space<vmem>>, vector<1x152xf32>
    tpu.vector_store %arg5[%swap3A_28, %swap3A_29], %add3A_27 {strides = array<i32>} : memref<1x152xf32, #tpu.memory_space<vmem>>, vector<1x152xf32>,
    return
  }
  func.func @transform_0(%arg0: i32, %arg1: i32) -> (i32, i32, i32) {
    %c0_i32 = arith.constant 0 : i32
    %c0_i32_0 = arith.constant 0 : i32
    return %arg0, %arg1, %c0_i32 : i32, i32, i32
  }
  func.func @transform_1(%arg0: i32, %arg1: i32) -> (i32, i32, i32, i32) {
    %c0_i32 = arith.constant 0 : i32
    %c0_i32_0 = arith.constant 0 : i32
    %c0_i32_1 = arith.constant 0 : i32
    return %arg0, %c0_i32, %arg1, %c0_i32_0 : i32, i32, i32, i32
  }
  func.func @transform_2(%arg0: i32, %arg1: i32) -> (i32, i32) {
    %c0_i32 = arith.constant 0 : i32
    %c0_i32_0 = arith.constant 0 : i32
    %c0_i32_1 = arith.constant 0 : i32
    return %c0_i32, %c0_i32_0 : i32, i32
  }
  func.func @transform_3(%arg0: i32, %arg1: i32) -> (i32, i32) {
    %c0_i32 = arith.constant 0 : i32
    %c0_i32_0 = arith.constant 0 : i32
    %c0_i32_1 = arith.constant 0 : i32
    return %c0_i32, %c0_i32_0 : i32, i32
  }
}

</mosaic_0001>

<sc_bundles>
// kernel: kernel.4.cloned.1.call-start
scs
__scs_entry_jumppad:
0x0: {  	(pc) =	sbr.rel $0x88, $3  }
0x1: {  	(tag) =	ssettag $0x0;
	lr =	simm.s32 $0x1  }
0x2: {  	[smem:$0x3F9D] =	sst lr;
	_ =	strace $0xD0000000  }
0x3: {  	_ = 	snop  }
0x4: {  	_ = 	snop  }
0x5: {  	_ = 	snop  }
0x6: {  	_ = 	snop  }
0x7: {  	_ = 	snop  }
__scs_overlays_trampoline_lowered:
0x8: {  	[smem:$0x3FAC] =	sst s0  }
0x9: {  	[smem:$0x3FAD] =	sst s1  }
0xa: {  	[smem:$0x3FAE] =	sst s2  }
0xb: {  	[smem:$0x3FAF] =	sst s3  }
0xc: {  	[smem:$0x3FB0] =	sst s4  }
0xd: {  	[smem:$0x3FB1] =	sst s5  }
0xe: {  	[smem:$0x3FB2] =	sst s6  }
0xf: {  	[smem:$0x3FB3] =	sst s7  }
0x10: {  	[smem:$0x3FB4] =	sst s8  }
0x11: {  	[smem:$0x3FB5] =	sst s9;
	s0 =	simm.s32 @!p0 $0x0  }
0x12: {  	s1 =	sld [smem:$0x3F9B];
	s0 =	simm.s32 @p0 $0x1  }
0x13: {  	[smem:$0x3FB6] =	sst s0;
	s0 =	simm.s32 @!p1 $0x0  }
0x14: {  	s2 =	sld [smem:$0x3F9A];
	s0 =	simm.s32 @p1 $0x1  }
0x15: {  	[smem:$0x3FB7] =	sst s0;
	s0 =	simm.s32 @!p2 $0x0  }
0x16: {  	s3 =	sld [smem:$0x3FDB];
	s0 =	simm.s32 @p2 $0x1  }
0x17: {  	s4 =	simm.s32 $0x1BF5;
	[smem:$0x3FB9] =	sst s0  }
0x18: {  	s0 =	sld [smem:$0x3F9C];
	_ =	swait.ge [sflag:s4], $0x0  }
0x19: {  	s7 =	sld [smem:$0x3F9D]  }
0x1a: {  	s8 =	sadd.s32 $0xFFFFE003, lr  }
0x1b: {  	s9 =	sadd.s32 $0xFFFFFEF7, lr;
	s5 =	simm.s32 $0xFFFFFFFF;
	p2 =	slt.u32 s8, $0xFFFFF086  }
0x1c: {  	p1 =	slt.u32 s9, $0xF7A;
	s5 =	simm.s32 @!p2 $0x0  }
0x1d: {  	s5 =	simm.s32 @p1 $0x1;
	p0 =	seq.s32 s7, s2  }
0x1e: {  	s7 =	smul.u32 @!p0 $0xF7A, s2;
	p2 =	seq.s32 @!p0 s5, $0x0  }
0x1f: {  	s9 =	smul.u32 $0xF7A, s1;
	s8 =	simm.s32 @!p0 $0x1BF5;
	p2 =	por !p2, p0  }
0x20: {  	[sflag:s8] =	ssyncset.s32 @!p0 $0xFFFFF086;
	s6 =	sadd.s32 @!p0 s3, s7;
	s7 =	simm.s32 @!p0 $0x108  }
0x21: {  	s3 =	sadd.s32 s3, s9;
	s6 =	sadd.s32 @!p0 $0x88, s6;
	s7 =	simm.s32 @p2 $0x1082  }
0x22: {  	[simem:s7], [sflag:s8] =	dma.local @!p0 [hbm:s6], $0xF7A  }
0x23: {  	s9 =	sor.u32 $0xD0000000, s2;
	s6 =	simm.s32 $0x108;
	_ =	swait.ge @!p0 [sflag:s8], $0x0  }
0x24: {  	s3 =	sadd.s32 $0x88, s3;
	s6 =	simm.s32 @!p1 $0x1082;
	[sflag:s4] =	ssyncset.s32 $0xFFFFF086  }
0x25: {  	[simem:s6], [sflag:s4] =	dma.local [hbm:s3], $0xF7A  }
0x26: {  	[smem:$0x3F9D] =	sst s1;
	(tag) =	ssettag s2;
	_ =	strace s9  }
0x27: {  	s1 =	sld [smem:$0x3FAD]  }
0x28: {  	s2 =	sld [smem:$0x3FAE]  }
0x29: {  	s4 =	sld [smem:$0x3FB0]  }
0x2a: {  	p0 =	seq.s32 s5, $0x0;
	s5 =	sld [smem:$0x3FB1]  }
0x2b: {  	s6 =	sld [smem:$0x3FB2]  }
0x2c: {  	s7 =	sld [smem:$0x3FB3]  }
0x2d: {  	s3 =	simm.s32 $0x108;
	s8 =	sld [smem:$0x3FB4]  }
0x2e: {  	s3 =	simm.s32 @!p0 $0x1082;
	s9 =	sld [smem:$0x3FB5]  }
0x2f: {  	lr =	sadd.s32 s0, s3;
	s0 =	sld [smem:$0x3FAC]  }
0x30: {  	s3 =	sld [smem:$0x3FAF]  }
0x31: {  	[smem:$0x3FB8] =	sst s10  }
0x32: {  	s10 =	sld [smem:$0x3FB6];
	_ =	sdelay $0x3  }
0x33: {  	p0 =	seq.s32 s10, $0x1;
	s10 =	sld [smem:$0x3FB8];
	_ =	sdelay $0x3  }
0x34: {  	[smem:$0x3FB8] =	sst s10  }
0x35: {  	s10 =	sld [smem:$0x3FB7];
	_ =	sdelay $0x3  }
0x36: {  	p1 =	seq.s32 s10, $0x1;
	s10 =	sld [smem:$0x3FB8];
	_ =	sdelay $0x3  }
0x37: {  	[smem:$0x3FB8] =	sst s10  }
0x38: {  	s10 =	sld [smem:$0x3FB9]  }
0x39: {  	_ = 	snop;
	(pc) =	sbr.ind lr, $3  }
0x3a: {  	_ = 	snop  }
0x3b: {  	_ = 	snop  }
0x3c: {  	p2 =	seq.s32 s10, $0x1;
	s10 =	sld [smem:$0x3FB8]  }
0x3d: {  	_ =	shalt  }
0x3e: {  	_ =	shalt  }
0x3f: {  	_ =	shalt  }
0x40: {  	_ =	shalt  }
0x41: {  	_ =	shalt  }
0x42: {  	_ =	shalt  }
0x43: {  	_ =	shalt  }
0x44: {  	_ =	shalt  }
0x45: {  	_ =	shalt  }
0x46: {  	_ =	shalt  }
0x47: {  	_ =	shalt  }
0x48: {  	_ =	shalt  }
0x49: {  	_ =	shalt  }
0x4a: {  	_ =	shalt  }
0x4b: {  	_ =	shalt  }
0x4c: {  	_ =	shalt  }
0x4d: {  	_ =	shalt  }
0x4e: {  	_ =	shalt  }
0x4f: {  	_ =	shalt  }
0x50: {  	_ =	shalt  }
0x51: {  	_ =	shalt  }
0x52: {  	_ =	shalt  }
0x53: {  	_ =	shalt  }
0x54: {  	_ =	shalt  }
0x55: {  	_ =	shalt  }
0x56: {  	_ =	shalt  }
0x57: {  	_ =	shalt  }
0x58: {  	_ =	shalt  }
0x59: {  	_ =	shalt  }
0x5a: {  	_ =	shalt  }
0x5b: {  	_ =	shalt  }
0x5c: {  	_ =	shalt  }
0x5d: {  	_ =	shalt  }
0x5e: {  	_ =	shalt  }
0x5f: {  	_ =	shalt  }
0x60: {  	_ =	shalt  }
0x61: {  	_ =	shalt  }
0x62: {  	_ =	shalt  }
0x63: {  	_ =	shalt  }
0x64: {  	_ =	shalt  }
0x65: {  	_ =	shalt  }
0x66: {  	_ =	shalt  }
0x67: {  	_ =	shalt  }
0x68: {  	_ =	shalt  }
0x69: {  	_ =	shalt  }
0x6a: {  	_ =	shalt  }
0x6b: {  	_ =	shalt  }
0x6c: {  	_ =	shalt  }
0x6d: {  	_ =	shalt  }
0x6e: {  	_ =	shalt  }
0x6f: {  	_ =	shalt  }
0x70: {  	_ =	shalt  }
0x71: {  	_ =	shalt  }
0x72: {  	_ =	shalt  }
0x73: {  	_ =	shalt  }
0x74: {  	_ =	shalt  }
0x75: {  	_ =	shalt  }
0x76: {  	_ =	shalt  }
0x77: {  	_ =	shalt  }
0x78: {  	_ =	shalt  }
0x79: {  	_ =	shalt  }
0x7a: {  	_ =	shalt  }
0x7b: {  	_ =	shalt  }
0x7c: {  	_ =	shalt  }
0x7d: {  	_ =	shalt  }
0x7e: {  	_ =	shalt  }
0x7f: {  	_ =	shalt  }
0x80: {  	_ =	shalt  }
0x81: {  	_ =	shalt  }
0x82: {  	_ =	shalt  }
0x83: {  	_ =	shalt  }
0x84: {  	_ =	shalt  }
0x85: {  	_ =	shalt  }
0x86: {  	_ =	shalt  }
0x87: {  	_ =	shalt  }
.Lfunc_end0:
.L_simem_size_0:
called_computation_lowered:
.L_overlay_start_0:
0x88: {  	s2 =	sld [smem:$0x3FD9]  }
0x89: {  	s3 =	sld [smem:$0x3FFE];
	_ =	sdelay $0x1  }
0x8a: {  	s1 =	srdreg.scid  }
0x8b: {  	s0 =	sand.u32 $0x1, s1  }
0x8c: {  	s14 =	sshll.u32 s0, $0xA;
	s2 =	sadd.s32 s3, s2  }
0x8d: {  	s2 =	sadd.s32 s2, s14  }
0x8e: {  	[smem:$0x3FC4] =	sst s2  }
0x8f: {  	_ = 	snop  }
0x90: {  	s2 =	sld [smem:$0x3FD0]  }
0x91: {  	s15 =	sld [smem:$0x3FC9]  }
0x92: {  	s4 =	sld [smem:$0x3FC7]  }
0x93: {  	s6 =	simm.s32 $0xA;
	s7 =	simm.s32 $0x10;
	s5 =	sld [smem:$0x3FC6]  }
0x94: {  	[smem:s7], [sflag:s6] =	dma.local [hbm:s2], $0x1  }
0x95: {  	_ =	swait.eq [sflag:s6], $0x1  }
0x96: {  	[sflag:s6] =	ssyncset.done $0x0  }
0x97: {  	s16 =	sld [smem:$0x11];
	[sflag:s6] =	ssyncadd.s32 $0xFFFFFFFF  }
0x98: {  	s17 =	sld [smem:$0x12];
	(tm) =	ssettm $0x1  }
0x99: {  	s18 =	sld [smem:$0x3FFB];
	_ =	sdelay $0x3  }
0x9a: {  	_ =	strace s18  }
0x9b: {  	s7 =	sld [smem:$0x3FFC];
	_ =	sdelay $0x3  }
0x9c: {  	_ =	strace s7  }
0x9d: {  	s7 =	sld [smem:$0x3FFD];
	_ =	sdelay $0x3  }
0x9e: {  	_ =	strace s7  }
0x9f: {  	_ =	strace $0x8FFFFFFF  }
0xa0: {  	s19 =	sld [smem:$0x3FDB];
	_ =	sdelay $0x1  }
0xa1: {  	s8 =	simm.s32 $_scs_section_size  }
0xa2: {  	s9 =	simm.s32 $_size__tile_overlayer_lowered;
	s10 =	simm.s32 $_tile_overlayer_lowered  }
0xa3: {  	s22 =	simm.s32 $0x1BFF;
	s21 =	sshll.u32 s10, $0x1;
	s7 =	sadd.s32 s8, s19  }
0xa4: {  	s11 =	simm.s32 $0x0;
	s20 =	sshll.u32 s9, $0x1;
	s9 =	sadd.s32 s21, s7  }
0xa5: {  	[timem:s11], [sflag:s22] =	dma.local [hbm:s9], s20  }
0xa6: {  	_ =	swait.ge [sflag:s22], s20  }
0xa7: {  	s8 =	ssub.s32 $0x0, s20;
	[sflag:s22] =	ssyncset.done $0x0  }
0xa8: {  	[sflag:s22] =	ssyncadd.s32 s8;
	_ =	sdelay $0x1  }
0xa9: {  	s23 =	simm.s32 $0x1B8B  }
0xaa: {  	_ =	swait.ge [sflag:s23], $0x1  }
0xab: {  	[sflag:s23] =	ssyncset.done $0x0  }
0xac: {  	s25 =	simm.s32 $0x1B8E;
	s24 =	sld [smem:$0x3FFE];
	[sflag:s23] =	ssyncadd.s32 $0xFFFFFFFF  }
0xad: {  	s26 =	simm.s32 $execute0_lowered;
	[smem:$0x3FD2] =	sst s25  }
0xae: {  	s9 =	sshll.u32 s26, $0x1;
	_ =	strace $0x80000046;
	[dreg:$0x1] =	wrdreg $0xFFFFFFFF  }
0xaf: {  	s28 =	simm.s32 $_size_execute0_lowered;
	s7 =	sadd.s32 s7, s9;
	[dreg:$0x0] =	wrdreg $0x0  }
0xb0: {  	s9 =	sshll.u32 s28, $0x1;
	[dreg:$0x2] =	wrdreg s7  }
0xb1: {  	[dreg:$0x3] =	wrdreg s9  }
0xb2: {  	[dreg:$0x4] =	wrdreg $0xC0  }
0xb3: {  	_ =	task [dreg:s11], $0x5FFFF  }
0xb4: {  	[dreg:$0x1] =	wrdreg $0xFFFFFFFF  }
0xb5: {  	[dreg:$0x0] =	wrdreg $0x60  }
0xb6: {  	[dreg:$0x2] =	wrdreg s15  }
0xb7: {  	[dreg:$0x3] =	wrdreg s4  }
0xb8: {  	[dreg:$0x4] =	wrdreg s5  }
0xb9: {  	[dreg:$0x5] =	wrdreg s24  }
0xba: {  	[dreg:$0x6] =	wrdreg s16  }
0xbb: {  	[dreg:$0x7] =	wrdreg s17  }
0xbc: {  	[dreg:$0x8] =	wrdreg $0x9  }
0xbd: {  	_ =	task.clear_ibuf [dreg:s11], $0x9FFFF;
	_ =	strace $0x90000046  }
0xbe: {  	s29 =	simm.s32 $0x9;
	_ =	strace $0x80000048  }
0xbf: {  	_ =	swait.ge [sflag:s29], $0x1  }
0xc0: {  	[sflag:s29] =	ssyncadd.s32 $0xFFFFFFFF  }
0xc1: {  	_ =	strace $0x90000048  }
0xc2: {  	_ =	sfence  }
0xc3: {  	s30 =	sld [smem:$0x0];
	_ =	sdelay $0x2  }
0xc4: {  	s31 =	sshll.u32 s1, $0xD;
	s1 =	sshrl.u32 s1, $0x2  }
0xc5: {  	s3 =	sand.u32 $0x4000, s31;
	s1 =	sadd.s32 s1, s30  }
0xc6: {  	s0 =	sor.u32 s3, s0;
	s1 =	sshll.u32 s1, $0x11  }
0xc7: {  	s0 =	sor.u32 s1, s0  }
0xc8: {  	s0 =	sadd.s32 $0x8F2B, s0  }
0xc9: {  	[sflag:s0] =	ssyncadd.remote.s32 $0x1  }
0xca: {  	_ =	sfence.sel $0xFFFF  }
0xcb: {  	[dreg:$0x0] =	wrdreg $0xFFFFFFFF;
	(pc) =	sbr.abs _section_cstart, $3  }
0xcc: {  	[dreg:$0x1] =	wrdreg $0xFFFFFFFF  }
0xcd: {  	_ =	task.clear_ibuf [dreg:s11], $0x2FFFF;
	_ =	strace $0x9FFFFFFF  }
0xce: {  	(tm) =	ssettm $0x7FFFFFFF  }
0xcf: {  	_ =	shalt  }
tec
execute0_lowered:
.L_overlay_start_1:
0x0: {  	(tag) =	ssettag $0x1  }
0x1: {  	s1 =	rddreg [dreg:$0x0]  }
0x2: {  	s0 =	rddreg [dreg:$0x1]  }
0x3: {  	s3 =	rddreg [dreg:$0x2]  }
0x4: {  	s2 =	rddreg [dreg:$0x3]  }
0x5: {  	s12 =	rddreg [dreg:$0x4]  }
0x6: {  	s13 =	rddreg [dreg:$0x5];
	s4 =	simm.s32 $0x0  }
0x7: {  	s5 =	srdreg.scid;
	s10 =	stileid.u32;
	s17 =	simm.s32 $0x4000  }
0x8: {  	s19 =	simm.s32 $0x3;
	s20 =	simm.s32 $0x12000;
	s21 =	simm.s32 $0x1B600  }
0x9: {  	s24 =	simm.s32 $0x1;
	s29 =	simm.s32 $0x1E700;
	s30 =	simm.s32 $0x1F700  }
0xa: {  	s31 =	simm.s32 $0x0;
	[smem:$0x7FF] =	sst s4;
	s7 =	sand.u32 $0x1, s5  }
0xb: {  	s25 =	sshll.u32 s10, $0x1;
	s5 =	sadd.s32 $0x200, s2;
	s6 =	sadd.s32 $0x1600, s2  }
0xc: {  	s26 =	sshrl.u32 s10, $0x1;
	_ =	strace $0x80000047;
	s8 =	sor.u32 s7, s25  }
0xd: {  	s10 =	sshll.u32 s26, $0x16;
	s11 =	ssub.s32 $0x2, s7;
	s25 =	simm.s32 $0xA000  }
0xe: {  	s9 =	sshll.u32 s8, $0x4;
	s8 =	sshll.u32 s8, $0xC;
	s28 =	sshrl.u32 s11, $0x1  }
0xf: {  	s14 =	sadd.s32 s9, s2;
	s8 =	sand.u32 $0x3000, s8;
	s9 =	sshll.u32 s26, $0xE  }
0x10: {  	s16 =	ssub.s32 s11, s28;
	s26 =	simm.s32 $0x2;
	s7 =	sor.u32 s10, s8  }
0x11: {  	s8 =	sor.u32 s9, s8;
	s14 =	sadd.s32 $0x1800, s14;
	s10 =	sshrl.u32 s7, $0x3  }
0x12: {  	s15 =	sshrl.u32 s8, $0x3;
	s11 =	sor.u32 $0x40000, s7;
	s8 =	sadd.s32 s1, s10  }
0x13: {  	s9 =	sadd.s32 s0, s15;
	s10 =	sadd.s32 s3, s15;
	s12 =	sadd.s32 s12, s15  }
0x14: {  	v0 =	vimm.f32 $0.0e+00;
	s13 =	sadd.s32 s13, s15;
	s15 =	smax.u32 s16, $0x1;
	s16 =	simm.s32 $0x1000  }
.LBB2_1:
0x15: {  	s0 =	simm.s32 $0x2000  }
0x16: {  	[tilespmem:s0], [sflag:$0x1] =	stream.strided.gather [hbm4b:s8+s16], $0x8000, s17, s16, $0x38;
	[tilespmem:$0x1F780] =	vst v63  }
0x17: {  	_ = 	snop  }
0x18: {  	[tilespmem:s4], [sflag:$0x3] =	stream.linear.gather [hbm4b:s9+s4], $0x1000, $0x38;
	[tilespmem:$0x1F780] =	vst v63  }
0x19: {  	_ =	swait.ge [sflag:s19], $0x1000  }
0x1a: {  	[sflag:s19] =	ssyncset.done $0x0  }
0x1b: {  	[sflag:s19] =	ssyncadd.s32 $0xFFFFF000  }
0x1c: {  	[tilespmem:s16], [sflag:$0x3] =	stream.linear.gather [hbm4b:s10+s4], $0x1000, $0x38;
	[tilespmem:$0x1F780] =	vst v63  }
0x1d: {  	_ =	swait.ge [sflag:s19], $0x1000  }
0x1e: {  	[sflag:s19] =	ssyncset.done $0x0  }
0x1f: {  	[sflag:s19] =	ssyncadd.s32 $0xFFFFF000  }
0x20: {  	[tilespmem:s20], [sflag:$0x3] =	stream.linear.gather [hbm4b:s5+s4], $0x9600, $0x38;
	[tilespmem:$0x1F780] =	vst v63  }
0x21: {  	_ =	swait.ge [sflag:s19], $0x9600  }
0x22: {  	[sflag:s19] =	ssyncset.done $0x0  }
0x23: {  	[sflag:s19] =	ssyncadd.s32 $0xFFFF6A00  }
0x24: {  	[tilespmem:s21], [sflag:$0x3] =	stream.linear.gather [hbm4b:s2+s4], $0x100, $0x38;
	[tilespmem:$0x1F780] =	vst v63  }
0x25: {  	_ =	swait.ge [sflag:s19], $0x100  }
0x26: {  	[sflag:s19] =	ssyncset.done $0x0  }
0x27: {  	s23 =	simm.s32 $0x1B700;
	[sflag:s19] =	ssyncadd.s32 $0xFFFFFF00  }
0x28: {  	[tilespmem:s23], [sflag:$0x3] =	stream.linear.gather [hbm4b:s6+s4], $0x1000, $0x38;
	[tilespmem:$0x1F780] =	vst v63  }
0x29: {  	_ =	swait.ge [sflag:s19], $0x1000  }
0x2a: {  	[sflag:s19] =	ssyncset.done $0x0  }
0x2b: {  	s28 =	simm.s32 $0x1C700;
	[sflag:s19] =	ssyncadd.s32 $0xFFFFF000  }
0x2c: {  	[tilespmem:s28], [sflag:$0x3] =	stream.linear.gather [hbm4b:s6+s4], $0x1000, $0x38;
	[tilespmem:$0x1F780] =	vst v63  }
0x2d: {  	_ =	swait.ge [sflag:s19], $0x1000  }
0x2e: {  	[sflag:s19] =	ssyncset.done $0x0  }
0x2f: {  	[sflag:s19] =	ssyncadd.s32 $0xFFFFF000  }
0x30: {  	[tilespmem:$0x1F700] =	vst v0  }
0x31: {  	[tilespmem:$0x1F710] =	vst v0  }
0x32: {  	[tilespmem:$0x1F720] =	vst v0  }
0x33: {  	s0 =	simm.s32 $0x0;
	[tilespmem:$0x1F730] =	vst v0  }
.LBB2_2:
0x34: {  	s3 =	sshllo.u32 s0, $0x1  }
0x35: {  	s18 =	sshll.u32 s3, $0x11  }
0x36: {  	_ =	swait.ge [sflag:s24], $0x8000;
	s18 =	sadd.s32 s7, s18  }
0x37: {  	[sflag:s24] =	ssyncset.done $0x0;
	s18 =	sshrl.u32 s18, $0x3  }
0x38: {  	[sflag:s24] =	ssyncadd.s32 $0xFFFF8000;
	s18 =	sadd.s32 s1, s18  }
0x39: {  	[tilespmem:s25], [sflag:$0x2] =	stream.strided.gather [hbm4b:s18+s16], $0x8000, s17, s16, $0x38;
	[tilespmem:$0x1F780] =	vst v63  }
0x3a: {  	s18 =	simm.s32 $0x0  }
0x3b: {  	v9 =	vld [tilespmem:s18+$0x0];
	_ =	sdelay $0x1  }
0x3c: {  	s22 =	smul.u32 $0x960, s0;
	_ =	sdelay $0x1  }
0x3d: {  	v1 =	vmov s22  }
0x3e: {  	s23 =	sadd.s32 $0x96, s22;
	v5 =	vadd.s32 v1, v9  }
0x3f: {  	v2 =	vmov s23;
	v8 =	vld [tilespmem:s18+$0x1C700]  }
0x40: {  	s23 =	sadd.s32 $0x12C, s22;
	v11 =	vld [tilespmem:s18+$0x2000];
	v6 =	vadd.s32 v2, v9  }
0x41: {  	v3 =	vmov s23;
	v10 =	vld [tilespmem:s18+$0x3000]  }
0x42: {  	s23 =	sadd.s32 $0x1C2, s22;
	v16 =	vld [tilespmem:s18+$0x1B700];
	v7 =	vadd.s32 v3, v9  }
0x43: {  	v4 =	vmov s23;
	v12 =	vld.idx.msk [tilespmem:v5+s20+$0x0], $0xffff  }
0x44: {  	s23 =	sadd.s32 $0x258, s22;
	v19 =	vld [tilespmem:s18+$0x4000];
	v13 =	vadd.s32 v4, v9  }
0x45: {  	v21 =	vmul.f32 v11, v11;
	v5 =	vmov s23;
	v17 =	vld.idx.msk [tilespmem:v6+s20+$0x0], $0xffff  }
0x46: {  	s23 =	sadd.s32 $0x2EE, s22;
	v18 =	vadd.s32 v5, v9  }
0x47: {  	v16 =	vadd.f32 v21, v16;
	v21 =	vmul.f32 v10, v10;
	v20 =	vld.idx.msk [tilespmem:v7+s20+$0x0], $0xffff;
	v6 =	vmov s23  }
0x48: {  	s23 =	sadd.s32 $0x384, s22;
	v22 =	vadd.s32 v6, v9;
	v11 =	vmul.f32 v12, v11;
	v12 =	vld [tilespmem:s18+$0x5000]  }
0x49: {  	v16 =	vadd.f32 v21, v16;
	v21 =	vmul.f32 v19, v19;
	v13 =	vld.idx.msk [tilespmem:v13+s20+$0x0], $0xffff;
	v7 =	vmov s23  }
0x4a: {  	v23 =	vadd.s32 v7, v9;
	v10 =	vmul.f32 v17, v10;
	v17 =	vld [tilespmem:s18+$0x6000];
	v11 =	vadd.f32 v11, v8  }
0x4b: {  	s22 =	sadd.s32 $0x41A, s22;
	v18 =	vld.idx.msk [tilespmem:v18+s20+$0x0], $0xffff  }
0x4c: {  	v16 =	vadd.f32 v21, v16;
	v8 =	vmov s22;
	v10 =	vadd.f32 v10, v11;
	v11 =	vld [tilespmem:s18+$0x7000]  }
0x4d: {  	v19 =	vmul.f32 v20, v19;
	v20 =	vld.idx.msk [tilespmem:v22+s20+$0x0], $0xffff;
	v9 =	vadd.s32 v8, v9;
	v21 =	vmul.f32 v12, v12  }
0x4e: {  	v22 =	vld [tilespmem:s18+$0x8000];
	v12 =	vmul.f32 v13, v12  }
0x4f: {  	v10 =	vadd.f32 v19, v10;
	v19 =	vld.idx.msk [tilespmem:v23+s20+$0x0], $0xffff;
	v16 =	vadd.f32 v21, v16;
	v21 =	vmul.f32 v17, v17  }
0x50: {  	v17 =	vmul.f32 v18, v17;
	v18 =	vld [tilespmem:s18+$0x9000]  }
0x51: {  	v15 =	vld [tilespmem:s18+$0x10];
	v10 =	vadd.f32 v12, v10;
	v16 =	vadd.f32 v21, v16;
	v21 =	vmul.f32 v11, v11  }
0x52: {  	v23 =	vld.idx.msk [tilespmem:v9+s20+$0x0], $0xffff;
	v9 =	vmul.f32 v20, v11  }
0x53: {  	v10 =	vadd.f32 v17, v10;
	v17 =	vmul.f32 v22, v22;
	v16 =	vadd.f32 v21, v16  }
0x54: {  	v19 =	vmul.f32 v19, v22  }
0x55: {  	v20 =	vadd.f32 v9, v10;
	v16 =	vadd.f32 v17, v16;
	v17 =	vmul.f32 v18, v18  }
0x56: {  	v21 =	vadd.s32 v1, v15  }
0x57: {  	v18 =	vmul.f32 v23, v18;
	v19 =	vadd.f32 v19, v20;
	v16 =	vadd.f32 v17, v16  }
0x58: {  	v14 =	vld [tilespmem:s18+$0x20]  }
0x59: {  	v24 =	vld [tilespmem:s18+$0x1C710];
	v18 =	vadd.f32 v18, v19;
	[tilespmem:s18+$0x1B700] =	vst v16;
	v16 =	vadd.s32 v2, v15  }
0x5a: {  	v22 =	vld [tilespmem:s18+$0x2010]  }
0x5b: {  	v20 =	vld [tilespmem:s18+$0x3010];
	[tilespmem:s18+$0x1C700] =	vst v18;
	v18 =	vadd.s32 v3, v15  }
0x5c: {  	v21 =	vld.idx.msk [tilespmem:v21+s20+$0x0], $0xffff  }
0x5d: {  	v23 =	vadd.s32 v4, v15;
	v19 =	vld [tilespmem:s18+$0x1B710]  }
0x5e: {  	v16 =	vld.idx.msk [tilespmem:v16+s20+$0x0], $0xffff  }
0x5f: {  	v25 =	vadd.s32 v5, v15;
	v17 =	vld [tilespmem:s18+$0x4010]  }
0x60: {  	v26 =	vmul.f32 v22, v22;
	v18 =	vld.idx.msk [tilespmem:v18+s20+$0x0], $0xffff  }
0x61: {  	v27 =	vld [tilespmem:s18+$0x5010];
	v28 =	vadd.s32 v6, v15;
	v21 =	vmul.f32 v21, v22  }
0x62: {  	v29 =	vmul.f32 v20, v20;
	v23 =	vld.idx.msk [tilespmem:v23+s20+$0x0], $0xffff;
	v19 =	vadd.f32 v26, v19  }
0x63: {  	v51 =	vadd.s32 v7, v15;
	v22 =	vld [tilespmem:s18+$0x6010];
	v21 =	vadd.f32 v21, v24;
	v16 =	vmul.f32 v16, v20  }
0x64: {  	v25 =	vld.idx.msk [tilespmem:v25+s20+$0x0], $0xffff;
	v19 =	vadd.f32 v29, v19;
	v20 =	vmul.f32 v17, v17  }
0x65: {  	v52 =	vld [tilespmem:s18+$0x7010];
	v15 =	vadd.s32 v8, v15;
	v17 =	vmul.f32 v18, v17;
	v16 =	vadd.f32 v16, v21  }
0x66: {  	v18 =	vld.idx.msk [tilespmem:v28+s20+$0x0], $0xffff;
	v19 =	vadd.f32 v20, v19;
	v20 =	vmul.f32 v27, v27  }
0x67: {  	v23 =	vmul.f32 v23, v27;
	v21 =	vld [tilespmem:s18+$0x8010];
	v16 =	vadd.f32 v17, v16  }
0x68: {  	v26 =	vld.idx.msk [tilespmem:v51+s20+$0x0], $0xffff;
	v17 =	vadd.f32 v20, v19;
	v19 =	vmul.f32 v22, v22  }
0x69: {  	v20 =	vmul.f32 v25, v22;
	v22 =	vld [tilespmem:s18+$0x9010];
	v16 =	vadd.f32 v23, v16  }
0x6a: {  	v15 =	vld.idx.msk [tilespmem:v15+s20+$0x0], $0xffff;
	v17 =	vadd.f32 v19, v17;
	v19 =	vmul.f32 v52, v52  }
0x6b: {  	v18 =	vmul.f32 v18, v52;
	v16 =	vadd.f32 v20, v16  }
0x6c: {  	v17 =	vadd.f32 v19, v17;
	v19 =	vmul.f32 v21, v21  }
0x6d: {  	v20 =	vmul.f32 v26, v21;
	v16 =	vadd.f32 v18, v16  }
0x6e: {  	v17 =	vadd.f32 v19, v17;
	v18 =	vmul.f32 v22, v22  }
0x6f: {  	v21 =	vadd.s32 v1, v14;
	v15 =	vmul.f32 v15, v22;
	v16 =	vadd.f32 v20, v16  }
0x70: {  	v53 =	vld [tilespmem:s18+$0x1C720];
	v17 =	vadd.f32 v18, v17  }
0x71: {  	v56 =	vld [tilespmem:s18+$0x5020];
	v15 =	vadd.f32 v15, v16;
	v16 =	vadd.s32 v2, v14  }
0x72: {  	v22 =	vld [tilespmem:s18+$0x2020];
	[tilespmem:s18+$0x1B710] =	vst v17  }
0x73: {  	v20 =	vld [tilespmem:s18+$0x3020];
	[tilespmem:s18+$0x1C710] =	vst v15;
	v15 =	vadd.s32 v3, v14  }
0x74: {  	v21 =	vld.idx.msk [tilespmem:v21+s20+$0x0], $0xffff  }
0x75: {  	v23 =	vadd.s32 v4, v14;
	v17 =	vld [tilespmem:s18+$0x1B720]  }
0x76: {  	v16 =	vld.idx.msk [tilespmem:v16+s20+$0x0], $0xffff  }
0x77: {  	v54 =	vadd.s32 v5, v14;
	v18 =	vld [tilespmem:s18+$0x4020]  }
0x78: {  	v55 =	vmul.f32 v22, v22;
	v15 =	vld.idx.msk [tilespmem:v15+s20+$0x0], $0xffff  }
0x79: {  	v60 =	vld [tilespmem:s18+$0x7020];
	v57 =	vadd.s32 v6, v14;
	v21 =	vmul.f32 v21, v22  }
0x7a: {  	v58 =	vmul.f32 v20, v20;
	v23 =	vld.idx.msk [tilespmem:v23+s20+$0x0], $0xffff;
	v17 =	vadd.f32 v55, v17  }
0x7b: {  	v59 =	vadd.s32 v7, v14;
	v22 =	vld [tilespmem:s18+$0x6020];
	v16 =	vmul.f32 v16, v20;
	v21 =	vadd.f32 v21, v53  }
0x7c: {  	v25 =	vld.idx.msk [tilespmem:v54+s20+$0x0], $0xffff;
	v17 =	vadd.f32 v58, v17;
	v20 =	vmul.f32 v18, v18  }
0x7d: {  	v13 =	vld [tilespmem:s18+$0x30];
	v14 =	vadd.s32 v8, v14;
	v15 =	vmul.f32 v15, v18;
	v16 =	vadd.f32 v16, v21  }
0x7e: {  	v18 =	vld.idx.msk [tilespmem:v57+s20+$0x0], $0xffff;
	v17 =	vadd.f32 v20, v17;
	v20 =	vmul.f32 v56, v56  }
0x7f: {  	v23 =	vmul.f32 v23, v56;
	v21 =	vld [tilespmem:s18+$0x8020];
	v15 =	vadd.f32 v15, v16  }
0x80: {  	v26 =	vld.idx.msk [tilespmem:v59+s20+$0x0], $0xffff;
	v16 =	vadd.f32 v20, v17;
	v17 =	vmul.f32 v22, v22  }
0x81: {  	v20 =	vmul.f32 v25, v22;
	v22 =	vld [tilespmem:s18+$0x9020];
	v15 =	vadd.f32 v23, v15  }
0x82: {  	v14 =	vld.idx.msk [tilespmem:v14+s20+$0x0], $0xffff;
	v16 =	vadd.f32 v17, v16;
	v17 =	vmul.f32 v60, v60  }
0x83: {  	v23 =	vld [tilespmem:s18+$0x2030];
	v18 =	vmul.f32 v18, v60;
	v15 =	vadd.f32 v20, v15  }
0x84: {  	v61 =	vld [tilespmem:s18+$0x1B730];
	v16 =	vadd.f32 v17, v16;
	v17 =	vmul.f32 v21, v21  }
0x85: {  	v19 =	vld [tilespmem:s18+$0x3030];
	v20 =	vmul.f32 v26, v21;
	v15 =	vadd.f32 v18, v15  }
0x86: {  	v16 =	vadd.f32 v17, v16;
	v17 =	vmul.f32 v22, v22  }
0x87: {  	v62 =	vadd.s32 v1, v13;
	v21 =	vld [tilespmem:s18+$0x4030];
	v14 =	vmul.f32 v14, v22;
	v15 =	vadd.f32 v20, v15  }
0x88: {  	v16 =	vadd.f32 v17, v16;
	v20 =	vmul.f32 v23, v23  }
0x89: {  	v33 =	vadd.s32 v2, v13;
	v18 =	vld [tilespmem:s18+$0x5030];
	v14 =	vadd.f32 v14, v15  }
0x8a: {  	v63 =	vld [tilespmem:s18+$0x1C730];
	[tilespmem:s18+$0x1B720] =	vst v16;
	v15 =	vadd.f32 v20, v61;
	v16 =	vmul.f32 v19, v19  }
0x8b: {  	v34 =	vadd.s32 v3, v13;
	v17 =	vld [tilespmem:s18+$0x6030];
	[tilespmem:s18+$0x1C720] =	vst v14  }
0x8c: {  	v14 =	vadd.f32 v16, v15;
	v15 =	vmul.f32 v21, v21;
	v16 =	vld.idx.msk [tilespmem:v62+s20+$0x0], $0xffff  }
0x8d: {  	v35 =	vadd.s32 v4, v13;
	v20 =	vld [tilespmem:s18+$0x7030]  }
0x8e: {  	v27 =	vld.idx.msk [tilespmem:v33+s20+$0x0], $0xffff;
	v14 =	vadd.f32 v15, v14;
	v15 =	vmul.f32 v18, v18  }
0x8f: {  	v36 =	vld [tilespmem:s18+$0x8030];
	v37 =	vadd.s32 v5, v13  }
0x90: {  	v24 =	vld.idx.msk [tilespmem:v34+s20+$0x0], $0xffff;
	v14 =	vadd.f32 v15, v14;
	v15 =	vmul.f32 v17, v17  }
0x91: {  	v31 =	vadd.s32 v6, v13;
	v22 =	vld [tilespmem:s18+$0x9030];
	v16 =	vmul.f32 v16, v23  }
0x92: {  	v30 =	vadd.s32 v8, v13;
	v14 =	vadd.f32 v15, v14;
	v15 =	vmul.f32 v20, v20;
	v23 =	vld.idx.msk [tilespmem:v35+s20+$0x0], $0xffff  }
0x93: {  	v13 =	vadd.s32 v7, v13;
	v19 =	vmul.f32 v27, v19;
	v16 =	vadd.f32 v16, v63  }
0x94: {  	v38 =	vld.idx.msk [tilespmem:v37+s20+$0x0], $0xffff;
	v14 =	vadd.f32 v15, v14;
	v15 =	vmul.f32 v36, v36  }
0x95: {  	v40 =	vld [tilespmem:s18+$0x3040];
	v21 =	vmul.f32 v24, v21;
	v16 =	vadd.f32 v19, v16  }
0x96: {  	v14 =	vadd.f32 v15, v14;
	v19 =	vld.idx.msk [tilespmem:v31+s20+$0x0], $0xffff  }
0x97: {  	v12 =	vld [tilespmem:s18+$0x40];
	v15 =	vmul.f32 v22, v22;
	v18 =	vmul.f32 v23, v18;
	v16 =	vadd.f32 v21, v16  }
0x98: {  	v13 =	vld.idx.msk [tilespmem:v13+s20+$0x0], $0xffff  }
0x99: {  	v17 =	vmul.f32 v38, v17;
	v14 =	vadd.f32 v15, v14;
	v15 =	vld [tilespmem:s18+$0x2040];
	v16 =	vadd.f32 v18, v16  }
0x9a: {  	v39 =	vld.idx.msk [tilespmem:v30+s20+$0x0], $0xffff  }
0x9b: {  	[tilespmem:s18+$0x1B730] =	vst v14;
	v14 =	vld [tilespmem:s18+$0x1B740];
	v18 =	vmul.f32 v19, v20;
	v16 =	vadd.f32 v17, v16;
	_ =	sdelay $0x1  }
0x9c: {  	v13 =	vmul.f32 v13, v36;
	v17 =	vld [tilespmem:s18+$0x4040];
	v16 =	vadd.f32 v18, v16  }
0x9d: {  	v18 =	vmul.f32 v15, v15  }
0x9e: {  	v21 =	vmul.f32 v39, v22;
	v19 =	vld [tilespmem:s18+$0x5040];
	v13 =	vadd.f32 v13, v16;
	v16 =	vadd.s32 v1, v12  }
0x9f: {  	v14 =	vadd.f32 v18, v14;
	v18 =	vmul.f32 v40, v40  }
0xa0: {  	v23 =	vadd.s32 v2, v12;
	v20 =	vld [tilespmem:s18+$0x6040];
	v13 =	vadd.f32 v21, v13  }
0xa1: {  	v41 =	vld [tilespmem:s18+$0x1C740];
	v42 =	vadd.s32 v3, v12;
	v14 =	vadd.f32 v18, v14;
	v18 =	vmul.f32 v17, v17  }
0xa2: {  	v22 =	vld [tilespmem:s18+$0x7040];
	[tilespmem:s18+$0x1C730] =	vst v13  }
0xa3: {  	v13 =	vadd.f32 v18, v14;
	v14 =	vmul.f32 v19, v19;
	v16 =	vld.idx.msk [tilespmem:v16+s20+$0x0], $0xffff  }
0xa4: {  	v21 =	vld [tilespmem:s18+$0x8040];
	v18 =	vadd.s32 v4, v12  }
0xa5: {  	v23 =	vld.idx.msk [tilespmem:v23+s20+$0x0], $0xffff;
	v13 =	vadd.f32 v14, v13;
	v14 =	vmul.f32 v20, v20  }
0xa6: {  	v43 =	vadd.s32 v5, v12;
	v26 =	vld.idx.msk [tilespmem:v42+s20+$0x0], $0xffff  }
0xa7: {  	v44 =	vld [tilespmem:s18+$0x9040];
	v45 =	vmul.f32 v22, v22;
	v13 =	vadd.f32 v14, v13  }
0xa8: {  	v14 =	vadd.s32 v6, v12;
	v15 =	vmul.f32 v16, v15  }
0xa9: {  	v46 =	vadd.s32 v7, v12;
	v12 =	vadd.s32 v8, v12;
	v18 =	vld.idx.msk [tilespmem:v18+s20+$0x0], $0xffff;
	v13 =	vadd.f32 v45, v13  }
0xaa: {  	v16 =	vmul.f32 v21, v21;
	v23 =	vmul.f32 v23, v40;
	v15 =	vadd.f32 v15, v41  }
0xab: {  	v47 =	vld.idx.msk [tilespmem:v43+s20+$0x0], $0xffff;
	v17 =	vmul.f32 v26, v17  }
0xac: {  	v11 =	vld [tilespmem:s18+$0x50];
	v13 =	vadd.f32 v16, v13;
	v16 =	vmul.f32 v44, v44;
	v15 =	vadd.f32 v23, v15  }
0xad: {  	v14 =	vld.idx.msk [tilespmem:v14+s20+$0x0], $0xffff  }
0xae: {  	v12 =	vld.idx.msk [tilespmem:v12+s20+$0x0], $0xffff;
	v13 =	vadd.f32 v16, v13;
	v16 =	vmul.f32 v18, v19;
	v15 =	vadd.f32 v17, v15  }
0xaf: {  	v23 =	vld.idx.msk [tilespmem:v46+s20+$0x0], $0xffff  }
0xb0: {  	[tilespmem:s18+$0x1B740] =	vst v13;
	v13 =	vld [tilespmem:s18+$0x2050];
	v17 =	vmul.f32 v47, v20;
	v15 =	vadd.f32 v16, v15  }
0xb1: {  	v18 =	vld [tilespmem:s18+$0x1B750]  }
0xb2: {  	v16 =	vld [tilespmem:s18+$0x3050];
	v14 =	vmul.f32 v14, v22;
	v15 =	vadd.f32 v17, v15;
	_ =	sdelay $0x1  }
0xb3: {  	v19 =	vmul.f32 v23, v21;
	v17 =	vld [tilespmem:s18+$0x4050];
	v14 =	vadd.f32 v14, v15  }
0xb4: {  	v48 =	vld [tilespmem:s18+$0x1C750];
	v15 =	vmul.f32 v13, v13  }
0xb5: {  	v20 =	vld [tilespmem:s18+$0x5050];
	v12 =	vmul.f32 v12, v44;
	v14 =	vadd.f32 v19, v14;
	v19 =	vadd.s32 v1, v11  }
0xb6: {  	v10 =	vld [tilespmem:s18+$0x60];
	v15 =	vadd.f32 v15, v18;
	v18 =	vmul.f32 v16, v16  }
0xb7: {  	v21 =	vld [tilespmem:s18+$0x6050];
	v23 =	vadd.s32 v2, v11;
	v12 =	vadd.f32 v12, v14  }
0xb8: {  	v9 =	vld [tilespmem:s18+$0x70];
	v49 =	vadd.s32 v3, v11;
	v15 =	vadd.f32 v18, v15;
	v18 =	vmul.f32 v17, v17  }
0xb9: {  	v22 =	vld [tilespmem:s18+$0x7050];
	[tilespmem:s18+$0x1C740] =	vst v12  }
0xba: {  	v12 =	vadd.f32 v18, v15;
	v15 =	vmul.f32 v20, v20;
	v18 =	vld.idx.msk [tilespmem:v19+s20+$0x0], $0xffff  }
0xbb: {  	v14 =	vld [tilespmem:s18+$0x8050];
	v19 =	vadd.s32 v4, v11  }
0xbc: {  	v23 =	vld.idx.msk [tilespmem:v23+s20+$0x0], $0xffff;
	v12 =	vadd.f32 v15, v12;
	v15 =	vmul.f32 v21, v21  }
0xbd: {  	v50 =	vadd.s32 v5, v11;
	v25 =	vld.idx.msk [tilespmem:v49+s20+$0x0], $0xffff  }
0xbe: {  	v51 =	vld [tilespmem:s18+$0x9050];
	v52 =	vmul.f32 v22, v22;
	v12 =	vadd.f32 v15, v12  }
0xbf: {  	v15 =	vadd.s32 v6, v11;
	v13 =	vmul.f32 v18, v13  }
0xc0: {  	v53 =	vadd.s32 v7, v11;
	v11 =	vadd.s32 v8, v11;
	v12 =	vadd.f32 v52, v12;
	v19 =	vld.idx.msk [tilespmem:v19+s20+$0x0], $0xffff  }
0xc1: {  	v18 =	vmul.f32 v14, v14;
	v16 =	vmul.f32 v23, v16;
	v13 =	vadd.f32 v13, v48  }
0xc2: {  	v23 =	vld.idx.msk [tilespmem:v50+s20+$0x0], $0xffff;
	v17 =	vmul.f32 v25, v17  }
0xc3: {  	v12 =	vadd.f32 v18, v12;
	v18 =	vmul.f32 v51, v51;
	v13 =	vadd.f32 v16, v13  }
0xc4: {  	v15 =	vld.idx.msk [tilespmem:v15+s20+$0x0], $0xffff  }
0xc5: {  	v11 =	vld.idx.msk [tilespmem:v11+s20+$0x0], $0xffff;
	v12 =	vadd.f32 v18, v12;
	v18 =	vmul.f32 v19, v20;
	v13 =	vadd.f32 v17, v13  }
0xc6: {  	v16 =	vld.idx.msk [tilespmem:v53+s20+$0x0], $0xffff  }
0xc7: {  	[tilespmem:s18+$0x1B750] =	vst v12;
	v12 =	vld [tilespmem:s18+$0x2060];
	v17 =	vmul.f32 v23, v21;
	v13 =	vadd.f32 v18, v13  }
0xc8: {  	v19 =	vld [tilespmem:s18+$0x1B760]  }
0xc9: {  	v18 =	vld [tilespmem:s18+$0x3060];
	v15 =	vmul.f32 v15, v22;
	v13 =	vadd.f32 v17, v13;
	_ =	sdelay $0x1  }
0xca: {  	v14 =	vmul.f32 v16, v14;
	v17 =	vld [tilespmem:s18+$0x4060];
	v13 =	vadd.f32 v15, v13  }
0xcb: {  	v15 =	vmul.f32 v12, v12  }
0xcc: {  	v20 =	vadd.s32 v1, v10;
	v11 =	vmul.f32 v11, v51;
	v16 =	vld [tilespmem:s18+$0x5060];
	v13 =	vadd.f32 v14, v13  }
0xcd: {  	v14 =	vadd.f32 v15, v19;
	v15 =	vmul.f32 v18, v18  }
0xce: {  	v21 =	vld [tilespmem:s18+$0x6060];
	v22 =	vadd.s32 v2, v10;
	v11 =	vadd.f32 v11, v13  }
0xcf: {  	v54 =	vadd.s32 v3, v10;
	v23 =	vld [tilespmem:s18+$0x1C760];
	v14 =	vadd.f32 v15, v14;
	v15 =	vmul.f32 v17, v17  }
0xd0: {  	v19 =	vld [tilespmem:s18+$0x7060];
	[tilespmem:s18+$0x1C750] =	vst v11  }
0xd1: {  	v11 =	vadd.f32 v15, v14;
	v14 =	vmul.f32 v16, v16;
	v15 =	vld.idx.msk [tilespmem:v20+s20+$0x0], $0xffff  }
0xd2: {  	v13 =	vld [tilespmem:s18+$0x8060];
	v20 =	vadd.s32 v4, v10  }
0xd3: {  	v22 =	vld.idx.msk [tilespmem:v22+s20+$0x0], $0xffff;
	v11 =	vadd.f32 v14, v11;
	v14 =	vmul.f32 v21, v21  }
0xd4: {  	v55 =	vadd.s32 v5, v10;
	v24 =	vld.idx.msk [tilespmem:v54+s20+$0x0], $0xffff  }
0xd5: {  	v56 =	vld [tilespmem:s18+$0x9060];
	v57 =	vmul.f32 v19, v19;
	v11 =	vadd.f32 v14, v11  }
0xd6: {  	v14 =	vadd.s32 v6, v10;
	v12 =	vmul.f32 v15, v12  }
0xd7: {  	v58 =	vadd.s32 v7, v10;
	v10 =	vadd.s32 v8, v10;
	v11 =	vadd.f32 v57, v11;
	v20 =	vld.idx.msk [tilespmem:v20+s20+$0x0], $0xffff  }
0xd8: {  	v15 =	vmul.f32 v13, v13;
	v18 =	vmul.f32 v22, v18;
	v12 =	vadd.f32 v12, v23  }
0xd9: {  	v22 =	vld.idx.msk [tilespmem:v55+s20+$0x0], $0xffff;
	v17 =	vmul.f32 v24, v17  }
0xda: {  	v11 =	vadd.f32 v15, v11;
	v15 =	vmul.f32 v56, v56;
	v12 =	vadd.f32 v18, v12  }
0xdb: {  	v14 =	vld.idx.msk [tilespmem:v14+s20+$0x0], $0xffff  }
0xdc: {  	v10 =	vld.idx.msk [tilespmem:v10+s20+$0x0], $0xffff;
	v11 =	vadd.f32 v15, v11;
	v15 =	vmul.f32 v20, v16;
	v12 =	vadd.f32 v17, v12  }
0xdd: {  	v18 =	vld.idx.msk [tilespmem:v58+s20+$0x0], $0xffff  }
0xde: {  	v16 =	vmul.f32 v22, v21;
	[tilespmem:s18+$0x1B760] =	vst v11;
	v11 =	vld [tilespmem:s18+$0x2070];
	v12 =	vadd.f32 v15, v12  }
0xdf: {  	v17 =	vld [tilespmem:s18+$0x1B770]  }
0xe0: {  	v15 =	vld [tilespmem:s18+$0x3070];
	v14 =	vmul.f32 v14, v19;
	v12 =	vadd.f32 v16, v12;
	_ =	sdelay $0x1  }
0xe1: {  	v13 =	vmul.f32 v18, v13;
	v16 =	vld [tilespmem:s18+$0x4070];
	v12 =	vadd.f32 v14, v12  }
0xe2: {  	v14 =	vmul.f32 v11, v11  }
0xe3: {  	v10 =	vmul.f32 v10, v56;
	v18 =	vld [tilespmem:s18+$0x5070];
	v12 =	vadd.f32 v13, v12;
	v13 =	vadd.s32 v1, v9  }
0xe4: {  	v14 =	vadd.f32 v14, v17;
	v17 =	vmul.f32 v15, v15  }
0xe5: {  	v21 =	vadd.s32 v2, v9;
	v19 =	vld [tilespmem:s18+$0x6070];
	v10 =	vadd.f32 v10, v12  }
0xe6: {  	v59 =	vld [tilespmem:s18+$0x1C770];
	v14 =	vadd.f32 v17, v14;
	v17 =	vmul.f32 v16, v16  }
0xe7: {  	v23 =	vadd.s32 v3, v9;
	v20 =	vld [tilespmem:s18+$0x7070];
	[tilespmem:s18+$0x1C760] =	vst v10  }
0xe8: {  	v10 =	vadd.f32 v17, v14;
	v14 =	vmul.f32 v18, v18;
	v13 =	vld.idx.msk [tilespmem:v13+s20+$0x0], $0xffff  }
0xe9: {  	v12 =	vld [tilespmem:s18+$0x8070];
	v17 =	vadd.s32 v4, v9  }
0xea: {  	v21 =	vld.idx.msk [tilespmem:v21+s20+$0x0], $0xffff;
	v10 =	vadd.f32 v14, v10;
	v14 =	vmul.f32 v19, v19  }
0xeb: {  	v60 =	vadd.s32 v5, v9;
	v22 =	vld [tilespmem:s18+$0x9070]  }
0xec: {  	v62 =	vadd.s32 v7, v9;
	v61 =	vmul.f32 v20, v20;
	v23 =	vld.idx.msk [tilespmem:v23+s20+$0x0], $0xffff;
	v10 =	vadd.f32 v14, v10  }
0xed: {  	v14 =	vadd.s32 v6, v9;
	v11 =	vmul.f32 v13, v11  }
0xee: {  	v17 =	vld.idx.msk [tilespmem:v17+s20+$0x0], $0xffff;
	v10 =	vadd.f32 v61, v10;
	v13 =	vmul.f32 v12, v12  }
0xef: {  	v9 =	vadd.s32 v8, v9;
	v15 =	vmul.f32 v21, v15;
	v11 =	vadd.f32 v11, v59  }
0xf0: {  	v21 =	vld.idx.msk [tilespmem:v60+s20+$0x0], $0xffff;
	v10 =	vadd.f32 v13, v10;
	v13 =	vmul.f32 v22, v22  }
0xf1: {  	v16 =	vmul.f32 v23, v16;
	v23 =	vld.idx.msk [tilespmem:v62+s20+$0x0], $0xffff;
	v11 =	vadd.f32 v15, v11  }
0xf2: {  	v14 =	vld.idx.msk [tilespmem:v14+s20+$0x0], $0xffff;
	v10 =	vadd.f32 v13, v10  }
0xf3: {  	v13 =	vmul.f32 v17, v18;
	v11 =	vadd.f32 v16, v11  }
0xf4: {  	s28 =	simm.s32 $0x80;
	v9 =	vld.idx.msk [tilespmem:v9+s20+$0x0], $0xffff;
	[tilespmem:s18+$0x1B770] =	vst v10  }
0xf5: {  	v10 =	vmul.f32 v21, v19;
	v16 =	vld [tilespmem:s28+$0x0];
	v11 =	vadd.f32 v13, v11  }
0xf6: {  	v15 =	vld [tilespmem:s28+$0x10]  }
0xf7: {  	v18 =	vmul.f32 v23, v12;
	v12 =	vld [tilespmem:s28+$0x40];
	v17 =	vmul.f32 v14, v20;
	v10 =	vadd.f32 v10, v11  }
0xf8: {  	v14 =	vld [tilespmem:s28+$0x20]  }
0xf9: {  	v13 =	vld [tilespmem:s28+$0x30];
	v17 =	vadd.f32 v17, v10  }
0xfa: {  	v23 =	vmul.f32 v9, v22;
	v9 =	vld [tilespmem:s28+$0x70]  }
0xfb: {  	v11 =	vld [tilespmem:s28+$0x50];
	v22 =	vadd.s32 v1, v16;
	v63 =	vadd.f32 v18, v17  }
0xfc: {  	v10 =	vld [tilespmem:s28+$0x60];
	v21 =	vadd.s32 v2, v16;
	v20 =	vadd.s32 v3, v16  }
0xfd: {  	s22 =	simm.s32 $0x400;
	v19 =	vadd.s32 v4, v16;
	v17 =	vadd.s32 v6, v16;
	v18 =	vld [tilespmem:s28+$0x1C700];
	v23 =	vadd.f32 v23, v63  }
.LBB2_3:
0xfe: {  	p0 =	sne.s32 s22, $0x3E00;
	v24 =	vld [tilespmem:s28+$0x3000];
	s23 =	smov.u32 s22;
	s22 =	sadd.s32 $0x200, s22  }
0xff: {  	v25 =	vld [tilespmem:s28+$0x2000];
	[tilespmem:s18+$0x1C770] =	vst v23;
	s18 =	smov.u32 s28  }
0x100: {  	v22 =	vld.idx.msk [tilespmem:v22+s20+$0x0], $0xffff  }
0x101: {  	v21 =	vld.idx.msk [tilespmem:v21+s20+$0x0], $0xffff  }
0x102: {  	v26 =	vadd.s32 v5, v16;
	v23 =	vld [tilespmem:s18+$0x1B700]  }
0x103: {  	v20 =	vld.idx.msk [tilespmem:v20+s20+$0x0], $0xffff  }
0x104: {  	v27 =	vld [tilespmem:s18+$0x4000]  }
0x105: {  	v28 =	vmul.f32 v25, v25;
	v19 =	vld.idx.msk [tilespmem:v19+s20+$0x0], $0xffff  }
0x106: {  	v29 =	vadd.s32 v7, v16;
	v22 =	vmul.f32 v22, v25;
	v25 =	vld [tilespmem:s18+$0x5000]  }
0x107: {  	v21 =	vmul.f32 v21, v24;
	v23 =	vadd.f32 v28, v23;
	v28 =	vmul.f32 v24, v24;
	v24 =	vld.idx.msk [tilespmem:v26+s20+$0x0], $0xffff  }
0x108: {  	v16 =	vadd.s32 v8, v16;
	v18 =	vadd.f32 v22, v18;
	v22 =	vld [tilespmem:s18+$0x6000]  }
0x109: {  	v23 =	vadd.f32 v28, v23;
	v26 =	vmul.f32 v27, v27;
	v20 =	vmul.f32 v20, v27;
	v17 =	vld.idx.msk [tilespmem:v17+s20+$0x0], $0xffff  }
0x10a: {  	v18 =	vadd.f32 v21, v18;
	v21 =	vld [tilespmem:s18+$0x7000]  }
0x10b: {  	v23 =	vadd.f32 v26, v23;
	v26 =	vmul.f32 v25, v25;
	v19 =	vmul.f32 v19, v25;
	v25 =	vld [tilespmem:s18+$0x8000]  }
0x10c: {  	v18 =	vadd.f32 v20, v18;
	v20 =	vld.idx.msk [tilespmem:v29+s20+$0x0], $0xffff  }
0x10d: {  	v23 =	vadd.f32 v26, v23;
	v26 =	vmul.f32 v22, v22;
	v22 =	vmul.f32 v24, v22;
	v24 =	vld [tilespmem:s18+$0x9000]  }
0x10e: {  	v18 =	vadd.f32 v19, v18;
	v16 =	vld.idx.msk [tilespmem:v16+s20+$0x0], $0xffff  }
0x10f: {  	v19 =	vadd.f32 v26, v23;
	v23 =	vmul.f32 v21, v21;
	v17 =	vmul.f32 v17, v21  }
0x110: {  	v18 =	vadd.f32 v22, v18  }
0x111: {  	v21 =	vmul.f32 v25, v25;
	v19 =	vadd.f32 v23, v19  }
0x112: {  	v17 =	vadd.f32 v17, v18;
	v18 =	vmul.f32 v20, v25  }
0x113: {  	v20 =	vmul.f32 v24, v24;
	v19 =	vadd.f32 v21, v19;
	v21 =	vadd.s32 v1, v15  }
0x114: {  	v17 =	vadd.f32 v18, v17;
	v16 =	vmul.f32 v16, v24  }
0x115: {  	v18 =	vadd.f32 v20, v19;
	v19 =	vadd.s32 v2, v15;
	v20 =	vld [tilespmem:s18+$0x4010]  }
0x116: {  	v16 =	vadd.f32 v16, v17;
	v17 =	vld [tilespmem:s18+$0x3010]  }
0x117: {  	v22 =	vadd.s32 v3, v15;
	[tilespmem:s18+$0x1B700] =	vst v18;
	v18 =	vld [tilespmem:s18+$0x1B710]  }
0x118: {  	[tilespmem:s18+$0x1C700] =	vst v16;
	v16 =	vld [tilespmem:s18+$0x2010]  }
0x119: {  	v23 =	vadd.s32 v4, v15;
	v21 =	vld.idx.msk [tilespmem:v21+s20+$0x0], $0xffff  }
0x11a: {  	v19 =	vld.idx.msk [tilespmem:v19+s20+$0x0], $0xffff  }
0x11b: {  	v25 =	vadd.s32 v5, v15;
	v24 =	vld [tilespmem:s18+$0x1C710]  }
0x11c: {  	v22 =	vld.idx.msk [tilespmem:v22+s20+$0x0], $0xffff  }
0x11d: {  	v28 =	vadd.s32 v6, v15;
	v26 =	vmul.f32 v16, v16;
	v27 =	vld [tilespmem:s18+$0x5010]  }
0x11e: {  	v29 =	vmul.f32 v17, v17;
	v23 =	vld.idx.msk [tilespmem:v23+s20+$0x0], $0xffff  }
0x11f: {  	v16 =	vmul.f32 v21, v16;
	v18 =	vadd.f32 v26, v18;
	v21 =	vld [tilespmem:s18+$0x6010];
	v26 =	vadd.s32 v7, v15  }
0x120: {  	v17 =	vmul.f32 v19, v17;
	v19 =	vmul.f32 v20, v20;
	v25 =	vld.idx.msk [tilespmem:v25+s20+$0x0], $0xffff  }
0x121: {  	v15 =	vadd.s32 v8, v15;
	v16 =	vadd.f32 v16, v24;
	v18 =	vadd.f32 v29, v18;
	v24 =	vld [tilespmem:s18+$0x7010]  }
0x122: {  	v20 =	vmul.f32 v22, v20;
	v22 =	vld.idx.msk [tilespmem:v28+s20+$0x0], $0xffff  }
0x123: {  	v16 =	vadd.f32 v17, v16;
	v17 =	vadd.f32 v19, v18;
	v18 =	vmul.f32 v27, v27;
	v19 =	vld [tilespmem:s18+$0x8010]  }
0x124: {  	v23 =	vmul.f32 v23, v27;
	v26 =	vld.idx.msk [tilespmem:v26+s20+$0x0], $0xffff  }
0x125: {  	v16 =	vadd.f32 v20, v16;
	v17 =	vadd.f32 v18, v17;
	v18 =	vmul.f32 v21, v21  }
0x126: {  	v20 =	vmul.f32 v25, v21;
	v15 =	vld.idx.msk [tilespmem:v15+s20+$0x0], $0xffff  }
0x127: {  	v16 =	vadd.f32 v23, v16;
	v17 =	vadd.f32 v18, v17;
	v18 =	vmul.f32 v24, v24;
	v21 =	vld [tilespmem:s18+$0x9010]  }
0x128: {  	v22 =	vmul.f32 v22, v24  }
0x129: {  	v16 =	vadd.f32 v20, v16;
	v17 =	vadd.f32 v18, v17;
	v18 =	vmul.f32 v19, v19  }
0x12a: {  	v19 =	vmul.f32 v26, v19  }
0x12b: {  	v16 =	vadd.f32 v22, v16;
	v17 =	vadd.f32 v18, v17  }
0x12c: {  	v18 =	vmul.f32 v21, v21;
	v20 =	vmul.f32 v15, v21;
	v21 =	vadd.s32 v1, v14  }
0x12d: {  	v16 =	vadd.f32 v19, v16;
	v15 =	vld [tilespmem:s18+$0x3030]  }
0x12e: {  	v17 =	vadd.f32 v18, v17;
	v18 =	vadd.s32 v2, v14;
	v19 =	vld [tilespmem:s18+$0x4020]  }
0x12f: {  	v16 =	vadd.f32 v20, v16;
	v20 =	vld [tilespmem:s18+$0x3020]  }
0x130: {  	v22 =	vadd.s32 v3, v14;
	[tilespmem:s18+$0x1B710] =	vst v17;
	v17 =	vld [tilespmem:s18+$0x1B720]  }
0x131: {  	[tilespmem:s18+$0x1C710] =	vst v16;
	v16 =	vld [tilespmem:s18+$0x2020]  }
0x132: {  	v23 =	vadd.s32 v4, v14;
	v21 =	vld.idx.msk [tilespmem:v21+s20+$0x0], $0xffff  }
0x133: {  	v18 =	vld.idx.msk [tilespmem:v18+s20+$0x0], $0xffff  }
0x134: {  	v25 =	vadd.s32 v5, v14;
	v24 =	vld [tilespmem:s18+$0x1C720]  }
0x135: {  	v22 =	vld.idx.msk [tilespmem:v22+s20+$0x0], $0xffff  }
0x136: {  	v28 =	vadd.s32 v6, v14;
	v26 =	vmul.f32 v16, v16;
	v27 =	vld [tilespmem:s18+$0x5020]  }
0x137: {  	v29 =	vmul.f32 v20, v20;
	v23 =	vld.idx.msk [tilespmem:v23+s20+$0x0], $0xffff  }
0x138: {  	v16 =	vmul.f32 v21, v16;
	v17 =	vadd.f32 v26, v17;
	v21 =	vld [tilespmem:s18+$0x6020];
	v26 =	vadd.s32 v7, v14  }
0x139: {  	v18 =	vmul.f32 v18, v20;
	v20 =	vmul.f32 v19, v19;
	v25 =	vld.idx.msk [tilespmem:v25+s20+$0x0], $0xffff  }
0x13a: {  	v14 =	vadd.s32 v8, v14;
	v16 =	vadd.f32 v16, v24;
	v17 =	vadd.f32 v29, v17;
	v24 =	vld [tilespmem:s18+$0x7020]  }
0x13b: {  	v19 =	vmul.f32 v22, v19;
	v22 =	vld.idx.msk [tilespmem:v28+s20+$0x0], $0xffff  }
0x13c: {  	v16 =	vadd.f32 v18, v16;
	v18 =	vmul.f32 v27, v27;
	v17 =	vadd.f32 v20, v17;
	v20 =	vld [tilespmem:s18+$0x8020]  }
0x13d: {  	v23 =	vmul.f32 v23, v27;
	v26 =	vld.idx.msk [tilespmem:v26+s20+$0x0], $0xffff  }
0x13e: {  	v16 =	vadd.f32 v19, v16;
	v17 =	vadd.f32 v18, v17;
	v18 =	vmul.f32 v21, v21;
	v19 =	vld [tilespmem:s18+$0x2030]  }
0x13f: {  	v21 =	vmul.f32 v25, v21;
	v14 =	vld.idx.msk [tilespmem:v14+s20+$0x0], $0xffff  }
0x140: {  	v16 =	vadd.f32 v23, v16;
	v17 =	vadd.f32 v18, v17;
	v18 =	vmul.f32 v24, v24;
	v23 =	vld [tilespmem:s18+$0x9020]  }
0x141: {  	v22 =	vmul.f32 v22, v24;
	v24 =	vld [tilespmem:s18+$0x1B730]  }
0x142: {  	v16 =	vadd.f32 v21, v16;
	v17 =	vadd.f32 v18, v17;
	v18 =	vmul.f32 v20, v20  }
0x143: {  	v20 =	vmul.f32 v26, v20;
	v21 =	vmul.f32 v19, v19;
	v25 =	vld [tilespmem:s18+$0x4030]  }
0x144: {  	v16 =	vadd.f32 v22, v16;
	v17 =	vadd.f32 v18, v17  }
0x145: {  	v22 =	vadd.s32 v1, v13;
	v18 =	vmul.f32 v23, v23;
	v14 =	vmul.f32 v14, v23;
	v23 =	vld [tilespmem:s18+$0x5030]  }
0x146: {  	v16 =	vadd.f32 v20, v16;
	v20 =	vadd.f32 v21, v24;
	v21 =	vmul.f32 v15, v15;
	v24 =	vld [tilespmem:s18+$0x9030]  }
0x147: {  	v27 =	vadd.s32 v8, v13;
	v17 =	vadd.f32 v18, v17;
	v18 =	vadd.s32 v2, v13;
	v26 =	vld [tilespmem:s18+$0x6030]  }
0x148: {  	v14 =	vadd.f32 v14, v16;
	v16 =	vld [tilespmem:s18+$0x1C730];
	v20 =	vadd.f32 v21, v20;
	v21 =	vmul.f32 v25, v25  }
0x149: {  	[tilespmem:s18+$0x1B720] =	vst v17;
	v17 =	vadd.s32 v3, v13;
	v28 =	vld [tilespmem:s18+$0x7030]  }
0x14a: {  	[tilespmem:s18+$0x1C720] =	vst v14;
	v14 =	vadd.f32 v21, v20;
	v20 =	vmul.f32 v23, v23;
	v21 =	vld [tilespmem:s18+$0x8030]  }
0x14b: {  	v29 =	vadd.s32 v4, v13;
	v22 =	vld.idx.msk [tilespmem:v22+s20+$0x0], $0xffff  }
0x14c: {  	v18 =	vld.idx.msk [tilespmem:v18+s20+$0x0], $0xffff;
	v14 =	vadd.f32 v20, v14;
	v20 =	vmul.f32 v26, v26  }
0x14d: {  	v30 =	vadd.s32 v5, v13;
	v27 =	vld.idx.msk [tilespmem:v27+s20+$0x0], $0xffff  }
0x14e: {  	v17 =	vld.idx.msk [tilespmem:v17+s20+$0x0], $0xffff;
	v14 =	vadd.f32 v20, v14;
	v20 =	vmul.f32 v28, v28  }
0x14f: {  	v31 =	vadd.s32 v6, v13  }
0x150: {  	v29 =	vld.idx.msk [tilespmem:v29+s20+$0x0], $0xffff;
	v14 =	vadd.f32 v20, v14;
	v20 =	vmul.f32 v21, v21  }
0x151: {  	v13 =	vadd.s32 v7, v13;
	v19 =	vmul.f32 v22, v19  }
0x152: {  	v15 =	vmul.f32 v18, v15;
	v18 =	vld.idx.msk [tilespmem:v30+s20+$0x0], $0xffff;
	v14 =	vadd.f32 v20, v14  }
0x153: {  	v16 =	vadd.f32 v19, v16;
	v19 =	vmul.f32 v24, v24;
	v20 =	vld [tilespmem:s18+$0x3040]  }
0x154: {  	v17 =	vmul.f32 v17, v25;
	v22 =	vld.idx.msk [tilespmem:v31+s20+$0x0], $0xffff  }
0x155: {  	v15 =	vadd.f32 v15, v16;
	v14 =	vadd.f32 v19, v14;
	v16 =	vld [tilespmem:s18+$0x2040]  }
0x156: {  	v19 =	vmul.f32 v29, v23;
	v13 =	vld.idx.msk [tilespmem:v13+s20+$0x0], $0xffff  }
0x157: {  	v15 =	vadd.f32 v17, v15;
	[tilespmem:s18+$0x1B730] =	vst v14;
	v14 =	vld [tilespmem:s18+$0x1B740]  }
0x158: {  	v17 =	vmul.f32 v18, v26  }
0x159: {  	v15 =	vadd.f32 v19, v15;
	v18 =	vld [tilespmem:s18+$0x4040]  }
0x15a: {  	v19 =	vmul.f32 v22, v28;
	v22 =	vmul.f32 v16, v16  }
0x15b: {  	v15 =	vadd.f32 v17, v15;
	v17 =	vld [tilespmem:s18+$0x5040]  }
0x15c: {  	v13 =	vmul.f32 v13, v21;
	v21 =	vmul.f32 v20, v20;
	v14 =	vadd.f32 v22, v14  }
0x15d: {  	v15 =	vadd.f32 v19, v15;
	v19 =	vld [tilespmem:s18+$0x6040]  }
0x15e: {  	v22 =	vmul.f32 v27, v24;
	v14 =	vadd.f32 v21, v14;
	v21 =	vmul.f32 v18, v18  }
0x15f: {  	v13 =	vadd.f32 v13, v15;
	v15 =	vadd.s32 v1, v12;
	v23 =	vld [tilespmem:s18+$0x7040]  }
0x160: {  	v24 =	vadd.s32 v2, v12;
	v14 =	vadd.f32 v21, v14;
	v21 =	vmul.f32 v17, v17  }
0x161: {  	v13 =	vadd.f32 v22, v13;
	v22 =	vadd.s32 v3, v12;
	v25 =	vld [tilespmem:s18+$0x8040]  }
0x162: {  	v27 =	vadd.s32 v4, v12;
	v26 =	vld [tilespmem:s18+$0x1C740];
	v14 =	vadd.f32 v21, v14;
	v21 =	vmul.f32 v19, v19  }
0x163: {  	[tilespmem:s18+$0x1C730] =	vst v13;
	v13 =	vadd.s32 v5, v12;
	v28 =	vld [tilespmem:s18+$0x9040]  }
0x164: {  	v15 =	vld.idx.msk [tilespmem:v15+s20+$0x0], $0xffff;
	v14 =	vadd.f32 v21, v14;
	v21 =	vadd.s32 v6, v12;
	v29 =	vmul.f32 v23, v23  }
0x165: {  	v30 =	vadd.s32 v7, v12;
	v24 =	vld.idx.msk [tilespmem:v24+s20+$0x0], $0xffff  }
0x166: {  	v12 =	vadd.s32 v8, v12;
	v22 =	vld.idx.msk [tilespmem:v22+s20+$0x0], $0xffff;
	v14 =	vadd.f32 v29, v14;
	v29 =	vmul.f32 v25, v25  }
0x167: {  	v27 =	vld.idx.msk [tilespmem:v27+s20+$0x0], $0xffff  }
0x168: {  	v13 =	vld.idx.msk [tilespmem:v13+s20+$0x0], $0xffff;
	v14 =	vadd.f32 v29, v14;
	v29 =	vmul.f32 v28, v28  }
0x169: {  	v21 =	vld.idx.msk [tilespmem:v21+s20+$0x0], $0xffff  }
0x16a: {  	v15 =	vmul.f32 v15, v16;
	v16 =	vld.idx.msk [tilespmem:v30+s20+$0x0], $0xffff;
	v14 =	vadd.f32 v29, v14  }
0x16b: {  	v20 =	vmul.f32 v24, v20;
	v12 =	vld.idx.msk [tilespmem:v12+s20+$0x0], $0xffff  }
0x16c: {  	v15 =	vadd.f32 v15, v26;
	[tilespmem:s18+$0x1B740] =	vst v14  }
0x16d: {  	v14 =	vmul.f32 v22, v18  }
0x16e: {  	v15 =	vadd.f32 v20, v15;
	v18 =	vld [tilespmem:s18+$0x2050]  }
0x16f: {  	v17 =	vmul.f32 v27, v17;
	v20 =	vld [tilespmem:s18+$0x3050]  }
0x170: {  	v14 =	vadd.f32 v14, v15;
	v15 =	vld [tilespmem:s18+$0x1B750]  }
0x171: {  	v13 =	vmul.f32 v13, v19  }
0x172: {  	v14 =	vadd.f32 v17, v14;
	v17 =	vld [tilespmem:s18+$0x4050]  }
0x173: {  	v19 =	vmul.f32 v21, v23;
	v21 =	vmul.f32 v18, v18  }
0x174: {  	v13 =	vadd.f32 v13, v14;
	v14 =	vld [tilespmem:s18+$0x5050]  }
0x175: {  	v16 =	vmul.f32 v16, v25;
	v15 =	vadd.f32 v21, v15;
	v21 =	vmul.f32 v20, v20  }
0x176: {  	v13 =	vadd.f32 v19, v13;
	v19 =	vld [tilespmem:s18+$0x6050]  }
0x177: {  	v12 =	vmul.f32 v12, v28;
	v15 =	vadd.f32 v21, v15;
	v21 =	vmul.f32 v17, v17  }
0x178: {  	v13 =	vadd.f32 v16, v13;
	v16 =	vadd.s32 v1, v11;
	v22 =	vld [tilespmem:s18+$0x7050]  }
0x179: {  	v23 =	vadd.s32 v2, v11;
	v15 =	vadd.f32 v21, v15;
	v21 =	vmul.f32 v14, v14  }
0x17a: {  	v12 =	vadd.f32 v12, v13;
	v13 =	vadd.s32 v3, v11;
	v24 =	vld [tilespmem:s18+$0x8050]  }
0x17b: {  	v26 =	vadd.s32 v4, v11;
	v25 =	vld [tilespmem:s18+$0x1C750];
	v15 =	vadd.f32 v21, v15;
	v21 =	vmul.f32 v19, v19  }
0x17c: {  	[tilespmem:s18+$0x1C740] =	vst v12;
	v12 =	vadd.s32 v5, v11;
	v27 =	vld [tilespmem:s18+$0x9050]  }
0x17d: {  	v16 =	vld.idx.msk [tilespmem:v16+s20+$0x0], $0xffff;
	v15 =	vadd.f32 v21, v15;
	v21 =	vadd.s32 v6, v11;
	v28 =	vmul.f32 v22, v22  }
0x17e: {  	v29 =	vadd.s32 v7, v11;
	v23 =	vld.idx.msk [tilespmem:v23+s20+$0x0], $0xffff  }
0x17f: {  	v11 =	vadd.s32 v8, v11;
	v13 =	vld.idx.msk [tilespmem:v13+s20+$0x0], $0xffff;
	v15 =	vadd.f32 v28, v15;
	v28 =	vmul.f32 v24, v24  }
0x180: {  	v26 =	vld.idx.msk [tilespmem:v26+s20+$0x0], $0xffff  }
0x181: {  	v12 =	vld.idx.msk [tilespmem:v12+s20+$0x0], $0xffff;
	v15 =	vadd.f32 v28, v15;
	v28 =	vmul.f32 v27, v27  }
0x182: {  	v21 =	vld.idx.msk [tilespmem:v21+s20+$0x0], $0xffff  }
0x183: {  	v16 =	vmul.f32 v16, v18;
	v18 =	vld.idx.msk [tilespmem:v29+s20+$0x0], $0xffff;
	v15 =	vadd.f32 v28, v15  }
0x184: {  	v20 =	vmul.f32 v23, v20;
	v11 =	vld.idx.msk [tilespmem:v11+s20+$0x0], $0xffff  }
0x185: {  	v16 =	vadd.f32 v16, v25;
	[tilespmem:s18+$0x1B750] =	vst v15  }
0x186: {  	v13 =	vmul.f32 v13, v17  }
0x187: {  	v15 =	vadd.f32 v20, v16;
	v16 =	vld [tilespmem:s18+$0x2060]  }
0x188: {  	v14 =	vmul.f32 v26, v14;
	v17 =	vld [tilespmem:s18+$0x3060]  }
0x189: {  	v13 =	vadd.f32 v13, v15;
	v15 =	vld [tilespmem:s18+$0x1B760]  }
0x18a: {  	v12 =	vmul.f32 v12, v19  }
0x18b: {  	v13 =	vadd.f32 v14, v13;
	v14 =	vld [tilespmem:s18+$0x4060]  }
0x18c: {  	v19 =	vmul.f32 v21, v22;
	v20 =	vmul.f32 v16, v16  }
0x18d: {  	v12 =	vadd.f32 v12, v13;
	v13 =	vld [tilespmem:s18+$0x5060]  }
0x18e: {  	v18 =	vmul.f32 v18, v24;
	v15 =	vadd.f32 v20, v15;
	v20 =	vmul.f32 v17, v17  }
0x18f: {  	v12 =	vadd.f32 v19, v12;
	v19 =	vadd.s32 v1, v10;
	v21 =	vld [tilespmem:s18+$0x6060]  }
0x190: {  	v11 =	vmul.f32 v11, v27;
	v15 =	vadd.f32 v20, v15;
	v20 =	vmul.f32 v14, v14  }
0x191: {  	v12 =	vadd.f32 v18, v12;
	v18 =	vld [tilespmem:s18+$0x7060]  }
0x192: {  	v22 =	vadd.s32 v2, v10;
	v15 =	vadd.f32 v20, v15;
	v20 =	vmul.f32 v13, v13  }
0x193: {  	v11 =	vadd.f32 v11, v12;
	v12 =	vadd.s32 v3, v10;
	v23 =	vld [tilespmem:s18+$0x8060]  }
0x194: {  	v25 =	vadd.s32 v4, v10;
	v24 =	vld [tilespmem:s18+$0x1C760];
	v15 =	vadd.f32 v20, v15;
	v20 =	vmul.f32 v21, v21  }
0x195: {  	[tilespmem:s18+$0x1C750] =	vst v11;
	v11 =	vadd.s32 v5, v10;
	v26 =	vld [tilespmem:s18+$0x9060]  }
0x196: {  	v19 =	vld.idx.msk [tilespmem:v19+s20+$0x0], $0xffff;
	v15 =	vadd.f32 v20, v15;
	v20 =	vadd.s32 v6, v10;
	v27 =	vmul.f32 v18, v18  }
0x197: {  	v28 =	vadd.s32 v7, v10;
	v22 =	vld.idx.msk [tilespmem:v22+s20+$0x0], $0xffff  }
0x198: {  	v10 =	vadd.s32 v8, v10;
	v12 =	vld.idx.msk [tilespmem:v12+s20+$0x0], $0xffff;
	v15 =	vadd.f32 v27, v15;
	v27 =	vmul.f32 v23, v23  }
0x199: {  	v25 =	vld.idx.msk [tilespmem:v25+s20+$0x0], $0xffff  }
0x19a: {  	v11 =	vld.idx.msk [tilespmem:v11+s20+$0x0], $0xffff;
	v15 =	vadd.f32 v27, v15;
	v27 =	vmul.f32 v26, v26  }
0x19b: {  	v20 =	vld.idx.msk [tilespmem:v20+s20+$0x0], $0xffff  }
0x19c: {  	v16 =	vmul.f32 v19, v16;
	v19 =	vld.idx.msk [tilespmem:v28+s20+$0x0], $0xffff;
	v15 =	vadd.f32 v27, v15  }
0x19d: {  	v17 =	vmul.f32 v22, v17;
	v10 =	vld.idx.msk [tilespmem:v10+s20+$0x0], $0xffff  }
0x19e: {  	v16 =	vadd.f32 v16, v24;
	[tilespmem:s18+$0x1B760] =	vst v15  }
0x19f: {  	v12 =	vmul.f32 v12, v14  }
0x1a0: {  	v14 =	vadd.f32 v17, v16;
	v15 =	vld [tilespmem:s18+$0x2070]  }
0x1a1: {  	v13 =	vmul.f32 v25, v13;
	v16 =	vld [tilespmem:s18+$0x3070]  }
0x1a2: {  	v12 =	vadd.f32 v12, v14;
	v14 =	vld [tilespmem:s18+$0x1B770]  }
0x1a3: {  	v11 =	vmul.f32 v11, v21  }
0x1a4: {  	v12 =	vadd.f32 v13, v12;
	v13 =	vld [tilespmem:s18+$0x4070]  }
0x1a5: {  	v17 =	vmul.f32 v20, v18;
	v18 =	vmul.f32 v15, v15  }
0x1a6: {  	v11 =	vadd.f32 v11, v12;
	v12 =	vld [tilespmem:s18+$0x5070]  }
0x1a7: {  	v19 =	vmul.f32 v19, v23;
	v14 =	vadd.f32 v18, v14;
	v18 =	vmul.f32 v16, v16  }
0x1a8: {  	v11 =	vadd.f32 v17, v11;
	v17 =	vld [tilespmem:s18+$0x6070]  }
0x1a9: {  	v10 =	vmul.f32 v10, v26;
	v14 =	vadd.f32 v18, v14;
	v18 =	vmul.f32 v13, v13  }
0x1aa: {  	v11 =	vadd.f32 v19, v11;
	v19 =	vadd.s32 v1, v9;
	v20 =	vld [tilespmem:s18+$0x7070]  }
0x1ab: {  	v21 =	vadd.s32 v2, v9;
	v14 =	vadd.f32 v18, v14;
	v18 =	vmul.f32 v12, v12  }
0x1ac: {  	v10 =	vadd.f32 v10, v11;
	v11 =	vadd.s32 v3, v9;
	v22 =	vld [tilespmem:s18+$0x8070]  }
0x1ad: {  	v23 =	vadd.s32 v4, v9;
	v14 =	vadd.f32 v18, v14;
	v18 =	vmul.f32 v17, v17;
	v24 =	vld [tilespmem:s18+$0x9070]  }
0x1ae: {  	v25 =	vadd.s32 v5, v9;
	[tilespmem:s18+$0x1C760] =	vst v10;
	v10 =	vld [tilespmem:s18+$0x1C770]  }
0x1af: {  	v19 =	vld.idx.msk [tilespmem:v19+s20+$0x0], $0xffff;
	v14 =	vadd.f32 v18, v14;
	v18 =	vadd.s32 v6, v9;
	v26 =	vmul.f32 v20, v20  }
0x1b0: {  	v27 =	vadd.s32 v7, v9;
	v21 =	vld.idx.msk [tilespmem:v21+s20+$0x0], $0xffff  }
0x1b1: {  	v9 =	vadd.s32 v8, v9;
	v11 =	vld.idx.msk [tilespmem:v11+s20+$0x0], $0xffff;
	v14 =	vadd.f32 v26, v14;
	v26 =	vmul.f32 v22, v22  }
0x1b2: {  	v23 =	vld.idx.msk [tilespmem:v23+s20+$0x0], $0xffff  }
0x1b3: {  	v25 =	vld.idx.msk [tilespmem:v25+s20+$0x0], $0xffff;
	v14 =	vadd.f32 v26, v14;
	v26 =	vmul.f32 v24, v24  }
0x1b4: {  	v18 =	vld.idx.msk [tilespmem:v18+s20+$0x0], $0xffff  }
0x1b5: {  	v15 =	vmul.f32 v19, v15;
	v19 =	vld.idx.msk [tilespmem:v27+s20+$0x0], $0xffff;
	v14 =	vadd.f32 v26, v14  }
0x1b6: {  	v16 =	vmul.f32 v21, v16;
	v9 =	vld.idx.msk [tilespmem:v9+s20+$0x0], $0xffff  }
0x1b7: {  	v10 =	vadd.f32 v15, v10;
	[tilespmem:s18+$0x1B770] =	vst v14  }
0x1b8: {  	v11 =	vmul.f32 v11, v13  }
0x1b9: {  	v10 =	vadd.f32 v16, v10  }
0x1ba: {  	v12 =	vmul.f32 v23, v12  }
0x1bb: {  	v10 =	vadd.f32 v11, v10  }
0x1bc: {  	s28 =	sshra.s32 s23, $0x2;
	v11 =	vmul.f32 v25, v17  }
0x1bd: {  	v10 =	vadd.f32 v12, v10;
	v16 =	vld [tilespmem:s28+$0x0]  }
0x1be: {  	v17 =	vmul.f32 v18, v20;
	v15 =	vld [tilespmem:s28+$0x10]  }
0x1bf: {  	v10 =	vadd.f32 v11, v10;
	v14 =	vld [tilespmem:s28+$0x20]  }
0x1c0: {  	v18 =	vmul.f32 v19, v22;
	v13 =	vld [tilespmem:s28+$0x30]  }
.Ltmp0:
0x1c1: {  	v17 =	vadd.f32 v17, v10;
	v12 =	vld [tilespmem:s28+$0x40];
	(pc) =	sbr.rel @p0 .LBB2_3-.Ltmp0, $4  }
0x1c2: {  	v23 =	vmul.f32 v9, v24;
	v22 =	vadd.s32 v1, v16;
	v21 =	vadd.s32 v2, v16;
	v11 =	vld [tilespmem:s28+$0x50]  }
0x1c3: {  	v20 =	vadd.s32 v3, v16;
	v19 =	vadd.s32 v4, v16;
	v24 =	vadd.f32 v18, v17;
	v10 =	vld [tilespmem:s28+$0x60]  }
0x1c4: {  	v17 =	vadd.s32 v6, v16;
	v9 =	vld [tilespmem:s28+$0x70]  }
0x1c5: {  	v23 =	vadd.f32 v23, v24;
	v18 =	vld [tilespmem:s28+$0x1C700]  }
0x1c6: {  	_ =	sdelay $0x1  }
0x1c7: {  	v24 =	vld [tilespmem:s28+$0x3000]  }
0x1c8: {  	v25 =	vld [tilespmem:s28+$0x2000];
	[tilespmem:s18+$0x1C770] =	vst v23  }
0x1c9: {  	v22 =	vld.idx.msk [tilespmem:v22+s20+$0x0], $0xffff  }
0x1ca: {  	v23 =	vld [tilespmem:s28+$0x1B700]  }
0x1cb: {  	v21 =	vld.idx.msk [tilespmem:v21+s20+$0x0], $0xffff  }
0x1cc: {  	v26 =	vadd.s32 v5, v16;
	v27 =	vld [tilespmem:s28+$0x4000]  }
0x1cd: {  	v20 =	vld.idx.msk [tilespmem:v20+s20+$0x0], $0xffff;
	v28 =	vmul.f32 v25, v25  }
0x1ce: {  	v55 =	vld [tilespmem:s28+$0x5000];
	v22 =	vmul.f32 v22, v25  }
0x1cf: {  	v19 =	vld.idx.msk [tilespmem:v19+s20+$0x0], $0xffff;
	v56 =	vmul.f32 v24, v24;
	v23 =	vadd.f32 v28, v23  }
0x1d0: {  	v29 =	vadd.s32 v7, v16;
	v21 =	vmul.f32 v21, v24;
	v18 =	vadd.f32 v22, v18;
	v22 =	vld [tilespmem:s28+$0x6000]  }
0x1d1: {  	v57 =	vld.idx.msk [tilespmem:v26+s20+$0x0], $0xffff;
	v58 =	vmul.f32 v27, v27;
	v23 =	vadd.f32 v56, v23  }
0x1d2: {  	v16 =	vadd.s32 v8, v16;
	v20 =	vmul.f32 v20, v27;
	v18 =	vadd.f32 v21, v18;
	v21 =	vld [tilespmem:s28+$0x7000]  }
0x1d3: {  	v17 =	vld.idx.msk [tilespmem:v17+s20+$0x0], $0xffff;
	v59 =	vmul.f32 v55, v55;
	v23 =	vadd.f32 v58, v23  }
0x1d4: {  	v60 =	vld [tilespmem:s28+$0x8000];
	v19 =	vmul.f32 v19, v55;
	v18 =	vadd.f32 v20, v18  }
0x1d5: {  	v20 =	vld.idx.msk [tilespmem:v29+s20+$0x0], $0xffff;
	v23 =	vadd.f32 v59, v23;
	v61 =	vmul.f32 v22, v22  }
0x1d6: {  	v62 =	vld [tilespmem:s28+$0x9000];
	v22 =	vmul.f32 v57, v22;
	v18 =	vadd.f32 v19, v18  }
0x1d7: {  	v16 =	vld.idx.msk [tilespmem:v16+s20+$0x0], $0xffff;
	v19 =	vadd.f32 v61, v23;
	v23 =	vmul.f32 v21, v21  }
0x1d8: {  	v17 =	vmul.f32 v17, v21;
	v18 =	vadd.f32 v22, v18  }
0x1d9: {  	v21 =	vmul.f32 v60, v60;
	v19 =	vadd.f32 v23, v19  }
0x1da: {  	v17 =	vadd.f32 v17, v18;
	v18 =	vmul.f32 v20, v60  }
0x1db: {  	v20 =	vmul.f32 v62, v62;
	v19 =	vadd.f32 v21, v19  }
0x1dc: {  	v16 =	vmul.f32 v16, v62;
	v21 =	vadd.s32 v1, v15;
	v17 =	vadd.f32 v18, v17  }
0x1dd: {  	v18 =	vadd.f32 v20, v19  }
0x1de: {  	v63 =	vld [tilespmem:s28+$0x1C710];
	v16 =	vadd.f32 v16, v17;
	v17 =	vadd.s32 v2, v15  }
0x1df: {  	v22 =	vld [tilespmem:s28+$0x2010];
	[tilespmem:s28+$0x1B700] =	vst v18  }
0x1e0: {  	v20 =	vld [tilespmem:s28+$0x3010];
	[tilespmem:s28+$0x1C700] =	vst v16;
	v16 =	vadd.s32 v3, v15  }
0x1e1: {  	v21 =	vld.idx.msk [tilespmem:v21+s20+$0x0], $0xffff  }
0x1e2: {  	v23 =	vadd.s32 v4, v15;
	v18 =	vld [tilespmem:s28+$0x1B710]  }
0x1e3: {  	v17 =	vld.idx.msk [tilespmem:v17+s20+$0x0], $0xffff  }
0x1e4: {  	v32 =	vadd.s32 v5, v15;
	v19 =	vld [tilespmem:s28+$0x4010]  }
0x1e5: {  	v33 =	vmul.f32 v22, v22;
	v16 =	vld.idx.msk [tilespmem:v16+s20+$0x0], $0xffff  }
0x1e6: {  	v35 =	vadd.s32 v6, v15;
	v34 =	vld [tilespmem:s28+$0x5010];
	v21 =	vmul.f32 v21, v22  }
0x1e7: {  	v23 =	vld.idx.msk [tilespmem:v23+s20+$0x0], $0xffff;
	v36 =	vmul.f32 v20, v20;
	v18 =	vadd.f32 v33, v18  }
0x1e8: {  	v37 =	vadd.s32 v7, v15;
	v22 =	vld [tilespmem:s28+$0x6010];
	v17 =	vmul.f32 v17, v20;
	v21 =	vadd.f32 v21, v63  }
0x1e9: {  	v25 =	vld.idx.msk [tilespmem:v32+s20+$0x0], $0xffff;
	v18 =	vadd.f32 v36, v18;
	v20 =	vmul.f32 v19, v19  }
0x1ea: {  	v38 =	vld [tilespmem:s28+$0x7010];
	v15 =	vadd.s32 v8, v15;
	v16 =	vmul.f32 v16, v19;
	v17 =	vadd.f32 v17, v21  }
0x1eb: {  	v19 =	vld.idx.msk [tilespmem:v35+s20+$0x0], $0xffff;
	v18 =	vadd.f32 v20, v18;
	v20 =	vmul.f32 v34, v34  }
0x1ec: {  	v23 =	vmul.f32 v23, v34;
	v21 =	vld [tilespmem:s28+$0x8010];
	v16 =	vadd.f32 v16, v17  }
0x1ed: {  	v26 =	vld.idx.msk [tilespmem:v37+s20+$0x0], $0xffff;
	v17 =	vadd.f32 v20, v18;
	v18 =	vmul.f32 v22, v22  }
0x1ee: {  	v20 =	vmul.f32 v25, v22;
	v22 =	vld [tilespmem:s28+$0x9010];
	v16 =	vadd.f32 v23, v16  }
0x1ef: {  	v15 =	vld.idx.msk [tilespmem:v15+s20+$0x0], $0xffff;
	v17 =	vadd.f32 v18, v17;
	v18 =	vmul.f32 v38, v38  }
0x1f0: {  	v19 =	vmul.f32 v19, v38;
	v16 =	vadd.f32 v20, v16  }
0x1f1: {  	v17 =	vadd.f32 v18, v17;
	v18 =	vmul.f32 v21, v21  }
0x1f2: {  	v20 =	vmul.f32 v26, v21;
	v16 =	vadd.f32 v19, v16  }
0x1f3: {  	v17 =	vadd.f32 v18, v17;
	v18 =	vmul.f32 v22, v22  }
0x1f4: {  	v21 =	vadd.s32 v1, v14;
	v15 =	vmul.f32 v15, v22;
	v16 =	vadd.f32 v20, v16  }
0x1f5: {  	v17 =	vadd.f32 v18, v17  }
0x1f6: {  	v39 =	vld [tilespmem:s28+$0x1C720];
	v15 =	vadd.f32 v15, v16;
	v16 =	vadd.s32 v2, v14  }
0x1f7: {  	v22 =	vld [tilespmem:s28+$0x2020];
	[tilespmem:s28+$0x1B710] =	vst v17  }
0x1f8: {  	v20 =	vld [tilespmem:s28+$0x3020];
	[tilespmem:s28+$0x1C710] =	vst v15;
	v15 =	vadd.s32 v3, v14  }
0x1f9: {  	v21 =	vld.idx.msk [tilespmem:v21+s20+$0x0], $0xffff  }
0x1fa: {  	v23 =	vadd.s32 v4, v14;
	v17 =	vld [tilespmem:s28+$0x1B720]  }
0x1fb: {  	v16 =	vld.idx.msk [tilespmem:v16+s20+$0x0], $0xffff  }
0x1fc: {  	v40 =	vadd.s32 v5, v14;
	v18 =	vld [tilespmem:s28+$0x4020]  }
0x1fd: {  	v41 =	vmul.f32 v22, v22;
	v15 =	vld.idx.msk [tilespmem:v15+s20+$0x0], $0xffff  }
0x1fe: {  	v43 =	vadd.s32 v6, v14;
	v42 =	vld [tilespmem:s28+$0x5020];
	v21 =	vmul.f32 v21, v22  }
0x1ff: {  	v44 =	vmul.f32 v20, v20;
	v23 =	vld.idx.msk [tilespmem:v23+s20+$0x0], $0xffff;
	v17 =	vadd.f32 v41, v17  }
0x200: {  	v45 =	vadd.s32 v7, v14;
	v22 =	vld [tilespmem:s28+$0x6020];
	v16 =	vmul.f32 v16, v20;
	v21 =	vadd.f32 v21, v39  }
0x201: {  	v25 =	vld.idx.msk [tilespmem:v40+s20+$0x0], $0xffff;
	v17 =	vadd.f32 v44, v17;
	v20 =	vmul.f32 v18, v18  }
0x202: {  	v46 =	vld [tilespmem:s28+$0x7020];
	v14 =	vadd.s32 v8, v14;
	v15 =	vmul.f32 v15, v18;
	v16 =	vadd.f32 v16, v21  }
0x203: {  	v18 =	vld.idx.msk [tilespmem:v43+s20+$0x0], $0xffff;
	v17 =	vadd.f32 v20, v17;
	v20 =	vmul.f32 v42, v42  }
0x204: {  	v23 =	vmul.f32 v23, v42;
	v21 =	vld [tilespmem:s28+$0x8020];
	v15 =	vadd.f32 v15, v16  }
0x205: {  	v26 =	vld.idx.msk [tilespmem:v45+s20+$0x0], $0xffff;
	v16 =	vadd.f32 v20, v17;
	v17 =	vmul.f32 v22, v22  }
0x206: {  	v20 =	vmul.f32 v25, v22;
	v22 =	vld [tilespmem:s28+$0x9020];
	v15 =	vadd.f32 v23, v15  }
0x207: {  	v14 =	vld.idx.msk [tilespmem:v14+s20+$0x0], $0xffff;
	v16 =	vadd.f32 v17, v16;
	v17 =	vmul.f32 v46, v46  }
0x208: {  	v23 =	vld [tilespmem:s28+$0x2030];
	v18 =	vmul.f32 v18, v46;
	v15 =	vadd.f32 v20, v15  }
0x209: {  	v47 =	vld [tilespmem:s28+$0x1B730];
	v16 =	vadd.f32 v17, v16;
	v17 =	vmul.f32 v21, v21  }
0x20a: {  	v19 =	vld [tilespmem:s28+$0x3030];
	v20 =	vmul.f32 v26, v21;
	v15 =	vadd.f32 v18, v15  }
0x20b: {  	v16 =	vadd.f32 v17, v16;
	v17 =	vmul.f32 v22, v22  }
0x20c: {  	v48 =	vadd.s32 v1, v13;
	v21 =	vld [tilespmem:s28+$0x4030];
	v14 =	vmul.f32 v14, v22;
	v15 =	vadd.f32 v20, v15  }
0x20d: {  	v16 =	vadd.f32 v17, v16;
	v20 =	vmul.f32 v23, v23  }
0x20e: {  	v50 =	vadd.s32 v2, v13;
	v18 =	vld [tilespmem:s28+$0x5030];
	v14 =	vadd.f32 v14, v15  }
0x20f: {  	v49 =	vld [tilespmem:s28+$0x1C730];
	[tilespmem:s28+$0x1B720] =	vst v16;
	v15 =	vadd.f32 v20, v47;
	v16 =	vmul.f32 v19, v19  }
0x210: {  	v51 =	vadd.s32 v3, v13;
	v17 =	vld [tilespmem:s28+$0x6030];
	[tilespmem:s28+$0x1C720] =	vst v14  }
0x211: {  	v14 =	vadd.f32 v16, v15;
	v15 =	vmul.f32 v21, v21;
	v16 =	vld.idx.msk [tilespmem:v48+s20+$0x0], $0xffff  }
0x212: {  	v52 =	vadd.s32 v4, v13;
	v20 =	vld [tilespmem:s28+$0x7030]  }
0x213: {  	v27 =	vld.idx.msk [tilespmem:v50+s20+$0x0], $0xffff;
	v14 =	vadd.f32 v15, v14;
	v15 =	vmul.f32 v18, v18  }
0x214: {  	v54 =	vadd.s32 v5, v13;
	v53 =	vld [tilespmem:s28+$0x8030]  }
0x215: {  	v24 =	vld.idx.msk [tilespmem:v51+s20+$0x0], $0xffff;
	v14 =	vadd.f32 v15, v14;
	v15 =	vmul.f32 v17, v17  }
0x216: {  	v31 =	vadd.s32 v6, v13;
	v22 =	vld [tilespmem:s28+$0x9030];
	v16 =	vmul.f32 v16, v23  }
0x217: {  	v30 =	vadd.s32 v8, v13;
	v14 =	vadd.f32 v15, v14;
	v15 =	vmul.f32 v20, v20;
	v23 =	vld.idx.msk [tilespmem:v52+s20+$0x0], $0xffff  }
0x218: {  	v13 =	vadd.s32 v7, v13;
	v19 =	vmul.f32 v27, v19;
	v16 =	vadd.f32 v16, v49  }
0x219: {  	v55 =	vld.idx.msk [tilespmem:v54+s20+$0x0], $0xffff;
	v14 =	vadd.f32 v15, v14;
	v15 =	vmul.f32 v53, v53  }
0x21a: {  	v21 =	vmul.f32 v24, v21;
	v16 =	vadd.f32 v19, v16  }
0x21b: {  	v14 =	vadd.f32 v15, v14;
	v19 =	vld.idx.msk [tilespmem:v31+s20+$0x0], $0xffff  }
0x21c: {  	v57 =	vld [tilespmem:s28+$0x3040];
	v15 =	vmul.f32 v22, v22;
	v18 =	vmul.f32 v23, v18;
	v16 =	vadd.f32 v21, v16  }
0x21d: {  	v13 =	vld.idx.msk [tilespmem:v13+s20+$0x0], $0xffff  }
0x21e: {  	v17 =	vmul.f32 v55, v17;
	v14 =	vadd.f32 v15, v14;
	v15 =	vld [tilespmem:s28+$0x2040];
	v16 =	vadd.f32 v18, v16  }
0x21f: {  	v56 =	vld.idx.msk [tilespmem:v30+s20+$0x0], $0xffff  }
0x220: {  	[tilespmem:s28+$0x1B730] =	vst v14;
	v14 =	vld [tilespmem:s28+$0x1B740];
	v18 =	vmul.f32 v19, v20;
	v16 =	vadd.f32 v17, v16;
	_ =	sdelay $0x1  }
0x221: {  	v13 =	vmul.f32 v13, v53;
	v17 =	vld [tilespmem:s28+$0x4040];
	v16 =	vadd.f32 v18, v16  }
0x222: {  	v18 =	vmul.f32 v15, v15  }
0x223: {  	v21 =	vmul.f32 v56, v22;
	v19 =	vld [tilespmem:s28+$0x5040];
	v13 =	vadd.f32 v13, v16;
	v16 =	vadd.s32 v1, v12  }
0x224: {  	v14 =	vadd.f32 v18, v14;
	v18 =	vmul.f32 v57, v57  }
0x225: {  	v23 =	vadd.s32 v2, v12;
	v20 =	vld [tilespmem:s28+$0x6040];
	v13 =	vadd.f32 v21, v13  }
0x226: {  	v58 =	vld [tilespmem:s28+$0x1C740];
	v59 =	vadd.s32 v3, v12;
	v14 =	vadd.f32 v18, v14;
	v18 =	vmul.f32 v17, v17  }
0x227: {  	v22 =	vld [tilespmem:s28+$0x7040];
	[tilespmem:s28+$0x1C730] =	vst v13  }
0x228: {  	v13 =	vadd.f32 v18, v14;
	v14 =	vmul.f32 v19, v19;
	v16 =	vld.idx.msk [tilespmem:v16+s20+$0x0], $0xffff  }
0x229: {  	v21 =	vld [tilespmem:s28+$0x8040];
	v18 =	vadd.s32 v4, v12  }
0x22a: {  	v23 =	vld.idx.msk [tilespmem:v23+s20+$0x0], $0xffff;
	v13 =	vadd.f32 v14, v13;
	v14 =	vmul.f32 v20, v20  }
0x22b: {  	v60 =	vadd.s32 v5, v12;
	v26 =	vld.idx.msk [tilespmem:v59+s20+$0x0], $0xffff  }
0x22c: {  	v61 =	vld [tilespmem:s28+$0x9040];
	v62 =	vmul.f32 v22, v22;
	v13 =	vadd.f32 v14, v13  }
0x22d: {  	v14 =	vadd.s32 v6, v12;
	v15 =	vmul.f32 v16, v15  }
0x22e: {  	v63 =	vadd.s32 v7, v12;
	v12 =	vadd.s32 v8, v12;
	v18 =	vld.idx.msk [tilespmem:v18+s20+$0x0], $0xffff;
	v13 =	vadd.f32 v62, v13  }
0x22f: {  	v16 =	vmul.f32 v21, v21;
	v23 =	vmul.f32 v23, v57;
	v15 =	vadd.f32 v15, v58  }
0x230: {  	v32 =	vld.idx.msk [tilespmem:v60+s20+$0x0], $0xffff;
	v17 =	vmul.f32 v26, v17  }
0x231: {  	v13 =	vadd.f32 v16, v13;
	v16 =	vmul.f32 v61, v61;
	v15 =	vadd.f32 v23, v15  }
0x232: {  	v14 =	vld.idx.msk [tilespmem:v14+s20+$0x0], $0xffff  }
0x233: {  	v12 =	vld.idx.msk [tilespmem:v12+s20+$0x0], $0xffff;
	v13 =	vadd.f32 v16, v13;
	v16 =	vmul.f32 v18, v19;
	v15 =	vadd.f32 v17, v15  }
0x234: {  	v23 =	vld.idx.msk [tilespmem:v63+s20+$0x0], $0xffff  }
0x235: {  	[tilespmem:s28+$0x1B740] =	vst v13;
	v13 =	vld [tilespmem:s28+$0x2050];
	v17 =	vmul.f32 v32, v20;
	v15 =	vadd.f32 v16, v15  }
0x236: {  	v18 =	vld [tilespmem:s28+$0x1B750]  }
0x237: {  	v16 =	vld [tilespmem:s28+$0x3050];
	v14 =	vmul.f32 v14, v22;
	v15 =	vadd.f32 v17, v15;
	_ =	sdelay $0x1  }
0x238: {  	v19 =	vmul.f32 v23, v21;
	v17 =	vld [tilespmem:s28+$0x4050];
	v14 =	vadd.f32 v14, v15  }
0x239: {  	v15 =	vmul.f32 v13, v13  }
0x23a: {  	v20 =	vld [tilespmem:s28+$0x5050];
	v12 =	vmul.f32 v12, v61;
	v14 =	vadd.f32 v19, v14;
	v19 =	vadd.s32 v1, v11  }
0x23b: {  	v15 =	vadd.f32 v15, v18;
	v18 =	vmul.f32 v16, v16  }
0x23c: {  	v21 =	vld [tilespmem:s28+$0x6050];
	v23 =	vadd.s32 v2, v11;
	v12 =	vadd.f32 v12, v14  }
0x23d: {  	v33 =	vld [tilespmem:s28+$0x1C750];
	v34 =	vadd.s32 v3, v11;
	v15 =	vadd.f32 v18, v15;
	v18 =	vmul.f32 v17, v17  }
0x23e: {  	v22 =	vld [tilespmem:s28+$0x7050];
	[tilespmem:s28+$0x1C740] =	vst v12  }
0x23f: {  	v12 =	vadd.f32 v18, v15;
	v15 =	vmul.f32 v20, v20;
	v18 =	vld.idx.msk [tilespmem:v19+s20+$0x0], $0xffff  }
0x240: {  	v14 =	vld [tilespmem:s28+$0x8050];
	v19 =	vadd.s32 v4, v11  }
0x241: {  	v23 =	vld.idx.msk [tilespmem:v23+s20+$0x0], $0xffff;
	v12 =	vadd.f32 v15, v12;
	v15 =	vmul.f32 v21, v21  }
0x242: {  	v35 =	vadd.s32 v5, v11;
	v25 =	vld.idx.msk [tilespmem:v34+s20+$0x0], $0xffff  }
0x243: {  	v36 =	vld [tilespmem:s28+$0x9050];
	v37 =	vmul.f32 v22, v22;
	v12 =	vadd.f32 v15, v12  }
0x244: {  	v15 =	vadd.s32 v6, v11;
	v13 =	vmul.f32 v18, v13  }
0x245: {  	v38 =	vadd.s32 v7, v11;
	v11 =	vadd.s32 v8, v11;
	v12 =	vadd.f32 v37, v12;
	v19 =	vld.idx.msk [tilespmem:v19+s20+$0x0], $0xffff  }
0x246: {  	v18 =	vmul.f32 v14, v14;
	v16 =	vmul.f32 v23, v16;
	v13 =	vadd.f32 v13, v33  }
0x247: {  	v23 =	vld.idx.msk [tilespmem:v35+s20+$0x0], $0xffff;
	v17 =	vmul.f32 v25, v17  }
0x248: {  	v12 =	vadd.f32 v18, v12;
	v18 =	vmul.f32 v36, v36;
	v13 =	vadd.f32 v16, v13  }
0x249: {  	v15 =	vld.idx.msk [tilespmem:v15+s20+$0x0], $0xffff  }
0x24a: {  	v11 =	vld.idx.msk [tilespmem:v11+s20+$0x0], $0xffff;
	v12 =	vadd.f32 v18, v12;
	v18 =	vmul.f32 v19, v20;
	v13 =	vadd.f32 v17, v13  }
0x24b: {  	v16 =	vld.idx.msk [tilespmem:v38+s20+$0x0], $0xffff  }
0x24c: {  	[tilespmem:s28+$0x1B750] =	vst v12;
	v12 =	vld [tilespmem:s28+$0x2060];
	v17 =	vmul.f32 v23, v21;
	v13 =	vadd.f32 v18, v13  }
0x24d: {  	v19 =	vld [tilespmem:s28+$0x1B760]  }
0x24e: {  	v18 =	vld [tilespmem:s28+$0x3060];
	v15 =	vmul.f32 v15, v22;
	v13 =	vadd.f32 v17, v13;
	_ =	sdelay $0x1  }
0x24f: {  	v14 =	vmul.f32 v16, v14;
	v17 =	vld [tilespmem:s28+$0x4060];
	v13 =	vadd.f32 v15, v13  }
0x250: {  	v15 =	vmul.f32 v12, v12  }
0x251: {  	v20 =	vadd.s32 v1, v10;
	v11 =	vmul.f32 v11, v36;
	v16 =	vld [tilespmem:s28+$0x5060];
	v13 =	vadd.f32 v14, v13  }
0x252: {  	v14 =	vadd.f32 v15, v19;
	v15 =	vmul.f32 v18, v18  }
0x253: {  	v21 =	vld [tilespmem:s28+$0x6060];
	v22 =	vadd.s32 v2, v10;
	v11 =	vadd.f32 v11, v13  }
0x254: {  	v39 =	vadd.s32 v3, v10;
	v23 =	vld [tilespmem:s28+$0x1C760];
	v14 =	vadd.f32 v15, v14;
	v15 =	vmul.f32 v17, v17  }
0x255: {  	v19 =	vld [tilespmem:s28+$0x7060];
	[tilespmem:s28+$0x1C750] =	vst v11  }
0x256: {  	v11 =	vadd.f32 v15, v14;
	v14 =	vmul.f32 v16, v16;
	v15 =	vld.idx.msk [tilespmem:v20+s20+$0x0], $0xffff  }
0x257: {  	v13 =	vld [tilespmem:s28+$0x8060];
	v20 =	vadd.s32 v4, v10  }
0x258: {  	v22 =	vld.idx.msk [tilespmem:v22+s20+$0x0], $0xffff;
	v11 =	vadd.f32 v14, v11;
	v14 =	vmul.f32 v21, v21  }
0x259: {  	v40 =	vadd.s32 v5, v10;
	v24 =	vld.idx.msk [tilespmem:v39+s20+$0x0], $0xffff  }
0x25a: {  	v41 =	vld [tilespmem:s28+$0x9060];
	v11 =	vadd.f32 v14, v11;
	v14 =	vmul.f32 v19, v19  }
0x25b: {  	v42 =	vadd.s32 v6, v10;
	v12 =	vmul.f32 v15, v12  }
0x25c: {  	v15 =	vadd.s32 v7, v10;
	v11 =	vadd.f32 v14, v11;
	v20 =	vld.idx.msk [tilespmem:v20+s20+$0x0], $0xffff  }
0x25d: {  	v14 =	vmul.f32 v13, v13;
	v18 =	vmul.f32 v22, v18;
	v12 =	vadd.f32 v12, v23  }
0x25e: {  	v10 =	vadd.s32 v8, v10;
	v22 =	vld.idx.msk [tilespmem:v40+s20+$0x0], $0xffff;
	v17 =	vmul.f32 v24, v17  }
0x25f: {  	v11 =	vadd.f32 v14, v11;
	v14 =	vmul.f32 v41, v41;
	v12 =	vadd.f32 v18, v12  }
0x260: {  	v18 =	vld.idx.msk [tilespmem:v42+s20+$0x0], $0xffff  }
0x261: {  	v11 =	vadd.f32 v14, v11;
	v14 =	vmul.f32 v20, v16;
	v12 =	vadd.f32 v17, v12  }
0x262: {  	v15 =	vld.idx.msk [tilespmem:v15+s20+$0x0], $0xffff  }
0x263: {  	v10 =	vld.idx.msk [tilespmem:v10+s20+$0x0], $0xffff;
	[tilespmem:s28+$0x1B760] =	vst v11;
	v11 =	vmul.f32 v22, v21;
	v12 =	vadd.f32 v14, v12;
	_ =	sdelay $0x1  }
0x264: {  	v17 =	vmul.f32 v18, v19;
	v11 =	vadd.f32 v11, v12;
	_ =	sdelay $0x1  }
0x265: {  	v13 =	vmul.f32 v15, v13;
	v11 =	vadd.f32 v17, v11;
	_ =	sdelay $0x1  }
0x266: {  	v1 =	vadd.s32 v1, v9;
	v10 =	vmul.f32 v10, v41;
	v11 =	vadd.f32 v13, v11;
	_ =	sdelay $0x1  }
0x267: {  	v2 =	vadd.s32 v2, v9;
	v16 =	vld [tilespmem:s28+$0x3070];
	v10 =	vadd.f32 v10, v11  }
0x268: {  	v14 =	vld [tilespmem:s28+$0x2070]  }
0x269: {  	v3 =	vadd.s32 v3, v9;
	v12 =	vld [tilespmem:s28+$0x1B770];
	[tilespmem:s28+$0x1C760] =	vst v10  }
0x26a: {  	v1 =	vld.idx.msk [tilespmem:v1+s20+$0x0], $0xffff  }
0x26b: {  	v4 =	vadd.s32 v4, v9;
	v10 =	vld [tilespmem:s28+$0x1C770]  }
0x26c: {  	v2 =	vld.idx.msk [tilespmem:v2+s20+$0x0], $0xffff  }
0x26d: {  	v5 =	vadd.s32 v5, v9;
	v18 =	vld [tilespmem:s28+$0x4070]  }
0x26e: {  	v20 =	vmul.f32 v14, v14;
	v3 =	vld.idx.msk [tilespmem:v3+s20+$0x0], $0xffff  }
0x26f: {  	v6 =	vadd.s32 v6, v9;
	v15 =	vld [tilespmem:s28+$0x5070];
	v1 =	vmul.f32 v1, v14  }
0x270: {  	v12 =	vadd.f32 v20, v12;
	v4 =	vld.idx.msk [tilespmem:v4+s20+$0x0], $0xffff;
	v14 =	vmul.f32 v16, v16  }
0x271: {  	v7 =	vadd.s32 v7, v9;
	v17 =	vld [tilespmem:s28+$0x6070];
	v2 =	vmul.f32 v2, v16;
	v1 =	vadd.f32 v1, v10  }
0x272: {  	v5 =	vld.idx.msk [tilespmem:v5+s20+$0x0], $0xffff;
	v10 =	vadd.f32 v14, v12;
	v12 =	vmul.f32 v18, v18  }
0x273: {  	v8 =	vadd.s32 v8, v9;
	v13 =	vld [tilespmem:s28+$0x7070];
	v3 =	vmul.f32 v3, v18;
	v1 =	vadd.f32 v2, v1  }
0x274: {  	v9 =	vmul.f32 v15, v15;
	v6 =	vld.idx.msk [tilespmem:v6+s20+$0x0], $0xffff;
	v2 =	vadd.f32 v12, v10  }
0x275: {  	v11 =	vld [tilespmem:s28+$0x8070];
	v4 =	vmul.f32 v4, v15;
	v1 =	vadd.f32 v3, v1  }
0x276: {  	v7 =	vld.idx.msk [tilespmem:v7+s20+$0x0], $0xffff;
	v2 =	vadd.f32 v9, v2;
	v3 =	vmul.f32 v17, v17  }
0x277: {  	v19 =	vld [tilespmem:s28+$0x9070];
	v5 =	vmul.f32 v5, v17;
	v1 =	vadd.f32 v4, v1  }
0x278: {  	v2 =	vadd.f32 v3, v2;
	v3 =	vmul.f32 v13, v13;
	v4 =	vld.idx.msk [tilespmem:v8+s20+$0x0], $0xffff  }
0x279: {  	v6 =	vmul.f32 v6, v13;
	v1 =	vadd.f32 v5, v1  }
0x27a: {  	v2 =	vadd.f32 v3, v2;
	v3 =	vmul.f32 v11, v11  }
0x27b: {  	v5 =	vmul.f32 v7, v11;
	v1 =	vadd.f32 v6, v1  }
0x27c: {  	v2 =	vadd.f32 v3, v2;
	v3 =	vmul.f32 v19, v19  }
0x27d: {  	v4 =	vmul.f32 v4, v19;
	v1 =	vadd.f32 v5, v1  }
0x27e: {  	v2 =	vadd.f32 v3, v2  }
0x27f: {  	v1 =	vadd.f32 v4, v1  }
0x280: {  	p0 =	seq.s32 s0, $0xF;
	[tilespmem:s28+$0x1B770] =	vst v2  }
0x281: {  	s18 =	sshll.u32 @!p0 s0, $0x12;
	[tilespmem:s28+$0x1C770] =	vst v1  }
0x282: {  	s22 =	simm.s32 @!p0 $0x1000;
	s18 =	sadd.s32 @!p0 s18, s11;
	_ =	swait.ge [sflag:s26], $0x8000  }
0x283: {  	s23 =	simm.s32 @!p0 $0x4000;
	s18 =	sshrl.u32 @!p0 s18, $0x3;
	[sflag:s26] =	ssyncset.done $0x0  }
0x284: {  	s18 =	sadd.s32 @!p0 s1, s18;
	s28 =	simm.s32 @!p0 $0x2000;
	[sflag:s26] =	ssyncadd.s32 $0xFFFF8000  }
0x285: {  	[tilespmem:s28], [sflag:$0x1] =	stream.strided.gather @!p0 [hbm4b:s18+s22], $0x8000, s23, s22, $0x38;
	[tilespmem:$0x1F780] =	vst v63  }
0x286: {  	s18 =	simm.s32 $0x0  }
0x287: {  	v9 =	vld [tilespmem:s18+$0x0];
	_ =	sdelay $0x1  }
0x288: {  	s3 =	smul.u32 $0x4B0, s3;
	_ =	sdelay $0x1  }
0x289: {  	v1 =	vmov s3  }
0x28a: {  	s23 =	sadd.s32 $0x96, s3;
	v5 =	vadd.s32 v1, v9  }
0x28b: {  	v2 =	vmov s23;
	v8 =	vld [tilespmem:s18+$0x1C700]  }
0x28c: {  	s28 =	sadd.s32 $0x12C, s3;
	v11 =	vld [tilespmem:s18+$0xA000];
	v6 =	vadd.s32 v2, v9  }
0x28d: {  	v3 =	vmov s28;
	v10 =	vld [tilespmem:s18+$0xB000]  }
0x28e: {  	s23 =	sadd.s32 $0x1C2, s3;
	v16 =	vld [tilespmem:s18+$0x1B700];
	v7 =	vadd.s32 v3, v9  }
0x28f: {  	v4 =	vmov s23;
	v12 =	vld.idx.msk [tilespmem:v5+s20+$0x0], $0xffff  }
0x290: {  	s28 =	sadd.s32 $0x258, s3;
	v19 =	vld [tilespmem:s18+$0xC000];
	v13 =	vadd.s32 v4, v9  }
0x291: {  	v21 =	vmul.f32 v11, v11;
	v5 =	vmov s28;
	v17 =	vld.idx.msk [tilespmem:v6+s20+$0x0], $0xffff  }
0x292: {  	s23 =	sadd.s32 $0x2EE, s3;
	v18 =	vadd.s32 v5, v9  }
0x293: {  	v16 =	vadd.f32 v21, v16;
	v21 =	vmul.f32 v10, v10;
	v6 =	vmov s23;
	v20 =	vld.idx.msk [tilespmem:v7+s20+$0x0], $0xffff  }
0x294: {  	s28 =	sadd.s32 $0x384, s3;
	v22 =	vadd.s32 v6, v9;
	v11 =	vmul.f32 v12, v11;
	v12 =	vld [tilespmem:s18+$0xD000]  }
0x295: {  	v16 =	vadd.f32 v21, v16;
	v21 =	vmul.f32 v19, v19;
	v13 =	vld.idx.msk [tilespmem:v13+s20+$0x0], $0xffff;
	v7 =	vmov s28  }
0x296: {  	v23 =	vadd.s32 v7, v9;
	v10 =	vmul.f32 v17, v10;
	v17 =	vld [tilespmem:s18+$0xE000];
	v11 =	vadd.f32 v11, v8  }
0x297: {  	s3 =	sadd.s32 $0x41A, s3;
	v18 =	vld.idx.msk [tilespmem:v18+s20+$0x0], $0xffff  }
0x298: {  	v16 =	vadd.f32 v21, v16;
	v8 =	vmov s3;
	v10 =	vadd.f32 v10, v11;
	v11 =	vld [tilespmem:s18+$0xF000]  }
0x299: {  	v19 =	vmul.f32 v20, v19;
	v20 =	vld.idx.msk [tilespmem:v22+s20+$0x0], $0xffff;
	v9 =	vadd.s32 v8, v9;
	v21 =	vmul.f32 v12, v12  }
0x29a: {  	v22 =	vld [tilespmem:s18+$0x10000];
	v12 =	vmul.f32 v13, v12  }
0x29b: {  	v10 =	vadd.f32 v19, v10;
	v19 =	vld.idx.msk [tilespmem:v23+s20+$0x0], $0xffff;
	v16 =	vadd.f32 v21, v16;
	v21 =	vmul.f32 v17, v17  }
0x29c: {  	v17 =	vmul.f32 v18, v17;
	v18 =	vld [tilespmem:s18+$0x11000]  }
0x29d: {  	v15 =	vld [tilespmem:s18+$0x10];
	v10 =	vadd.f32 v12, v10;
	v16 =	vadd.f32 v21, v16;
	v21 =	vmul.f32 v11, v11  }
0x29e: {  	v23 =	vld.idx.msk [tilespmem:v9+s20+$0x0], $0xffff;
	v9 =	vmul.f32 v20, v11  }
0x29f: {  	v10 =	vadd.f32 v17, v10;
	v17 =	vmul.f32 v22, v22;
	v16 =	vadd.f32 v21, v16  }
0x2a0: {  	v19 =	vmul.f32 v19, v22  }
0x2a1: {  	v20 =	vadd.f32 v9, v10;
	v16 =	vadd.f32 v17, v16;
	v17 =	vmul.f32 v18, v18  }
0x2a2: {  	v21 =	vadd.s32 v1, v15  }
0x2a3: {  	v18 =	vmul.f32 v23, v18;
	v19 =	vadd.f32 v19, v20;
	v16 =	vadd.f32 v17, v16  }
0x2a4: {  	v14 =	vld [tilespmem:s18+$0x20]  }
0x2a5: {  	v43 =	vld [tilespmem:s18+$0x1C710];
	v18 =	vadd.f32 v18, v19;
	[tilespmem:s18+$0x1B700] =	vst v16;
	v16 =	vadd.s32 v2, v15  }
0x2a6: {  	v22 =	vld [tilespmem:s18+$0xA010]  }
0x2a7: {  	v20 =	vld [tilespmem:s18+$0xB010];
	[tilespmem:s18+$0x1C700] =	vst v18;
	v18 =	vadd.s32 v3, v15  }
0x2a8: {  	v21 =	vld.idx.msk [tilespmem:v21+s20+$0x0], $0xffff  }
0x2a9: {  	v23 =	vadd.s32 v4, v15;
	v19 =	vld [tilespmem:s18+$0x1B710]  }
0x2aa: {  	v16 =	vld.idx.msk [tilespmem:v16+s20+$0x0], $0xffff  }
0x2ab: {  	v44 =	vadd.s32 v5, v15;
	v17 =	vld [tilespmem:s18+$0xC010]  }
0x2ac: {  	v45 =	vmul.f32 v22, v22;
	v18 =	vld.idx.msk [tilespmem:v18+s20+$0x0], $0xffff  }
0x2ad: {  	v46 =	vld [tilespmem:s18+$0xD010];
	v47 =	vadd.s32 v6, v15;
	v21 =	vmul.f32 v21, v22  }
0x2ae: {  	v48 =	vmul.f32 v20, v20;
	v23 =	vld.idx.msk [tilespmem:v23+s20+$0x0], $0xffff;
	v19 =	vadd.f32 v45, v19  }
0x2af: {  	v49 =	vadd.s32 v7, v15;
	v22 =	vld [tilespmem:s18+$0xE010];
	v21 =	vadd.f32 v21, v43;
	v16 =	vmul.f32 v16, v20  }
0x2b0: {  	v25 =	vld.idx.msk [tilespmem:v44+s20+$0x0], $0xffff;
	v19 =	vadd.f32 v48, v19;
	v20 =	vmul.f32 v17, v17  }
0x2b1: {  	v50 =	vld [tilespmem:s18+$0xF010];
	v15 =	vadd.s32 v8, v15;
	v17 =	vmul.f32 v18, v17;
	v16 =	vadd.f32 v16, v21  }
0x2b2: {  	v18 =	vld.idx.msk [tilespmem:v47+s20+$0x0], $0xffff;
	v19 =	vadd.f32 v20, v19;
	v20 =	vmul.f32 v46, v46  }
0x2b3: {  	v23 =	vmul.f32 v23, v46;
	v21 =	vld [tilespmem:s18+$0x10010];
	v16 =	vadd.f32 v17, v16  }
0x2b4: {  	v26 =	vld.idx.msk [tilespmem:v49+s20+$0x0], $0xffff;
	v17 =	vadd.f32 v20, v19;
	v19 =	vmul.f32 v22, v22  }
0x2b5: {  	v20 =	vmul.f32 v25, v22;
	v22 =	vld [tilespmem:s18+$0x11010];
	v16 =	vadd.f32 v23, v16  }
0x2b6: {  	v15 =	vld.idx.msk [tilespmem:v15+s20+$0x0], $0xffff;
	v17 =	vadd.f32 v19, v17;
	v19 =	vmul.f32 v50, v50  }
0x2b7: {  	v18 =	vmul.f32 v18, v50;
	v16 =	vadd.f32 v20, v16  }
0x2b8: {  	v17 =	vadd.f32 v19, v17;
	v19 =	vmul.f32 v21, v21  }
0x2b9: {  	v20 =	vmul.f32 v26, v21;
	v16 =	vadd.f32 v18, v16  }
0x2ba: {  	v17 =	vadd.f32 v19, v17;
	v18 =	vmul.f32 v22, v22  }
0x2bb: {  	v21 =	vadd.s32 v1, v14;
	v15 =	vmul.f32 v15, v22;
	v16 =	vadd.f32 v20, v16  }
0x2bc: {  	v51 =	vld [tilespmem:s18+$0x1C720];
	v17 =	vadd.f32 v18, v17  }
0x2bd: {  	v54 =	vld [tilespmem:s18+$0xD020];
	v15 =	vadd.f32 v15, v16;
	v16 =	vadd.s32 v2, v14  }
0x2be: {  	v22 =	vld [tilespmem:s18+$0xA020];
	[tilespmem:s18+$0x1B710] =	vst v17  }
0x2bf: {  	v20 =	vld [tilespmem:s18+$0xB020];
	[tilespmem:s18+$0x1C710] =	vst v15;
	v15 =	vadd.s32 v3, v14  }
0x2c0: {  	v21 =	vld.idx.msk [tilespmem:v21+s20+$0x0], $0xffff  }
0x2c1: {  	v23 =	vadd.s32 v4, v14;
	v17 =	vld [tilespmem:s18+$0x1B720]  }
0x2c2: {  	v16 =	vld.idx.msk [tilespmem:v16+s20+$0x0], $0xffff  }
0x2c3: {  	v52 =	vadd.s32 v5, v14;
	v18 =	vld [tilespmem:s18+$0xC020]  }
0x2c4: {  	v53 =	vmul.f32 v22, v22;
	v15 =	vld.idx.msk [tilespmem:v15+s20+$0x0], $0xffff  }
0x2c5: {  	v58 =	vld [tilespmem:s18+$0xF020];
	v55 =	vadd.s32 v6, v14;
	v21 =	vmul.f32 v21, v22  }
0x2c6: {  	v56 =	vmul.f32 v20, v20;
	v23 =	vld.idx.msk [tilespmem:v23+s20+$0x0], $0xffff;
	v17 =	vadd.f32 v53, v17  }
0x2c7: {  	v57 =	vadd.s32 v7, v14;
	v22 =	vld [tilespmem:s18+$0xE020];
	v16 =	vmul.f32 v16, v20;
	v21 =	vadd.f32 v21, v51  }
0x2c8: {  	v25 =	vld.idx.msk [tilespmem:v52+s20+$0x0], $0xffff;
	v17 =	vadd.f32 v56, v17;
	v20 =	vmul.f32 v18, v18  }
0x2c9: {  	v13 =	vld [tilespmem:s18+$0x30];
	v14 =	vadd.s32 v8, v14;
	v15 =	vmul.f32 v15, v18;
	v16 =	vadd.f32 v16, v21  }
0x2ca: {  	v18 =	vld.idx.msk [tilespmem:v55+s20+$0x0], $0xffff;
	v17 =	vadd.f32 v20, v17;
	v20 =	vmul.f32 v54, v54  }
0x2cb: {  	v23 =	vmul.f32 v23, v54;
	v21 =	vld [tilespmem:s18+$0x10020];
	v15 =	vadd.f32 v15, v16  }
0x2cc: {  	v26 =	vld.idx.msk [tilespmem:v57+s20+$0x0], $0xffff;
	v16 =	vadd.f32 v20, v17;
	v17 =	vmul.f32 v22, v22  }
0x2cd: {  	v20 =	vmul.f32 v25, v22;
	v22 =	vld [tilespmem:s18+$0x11020];
	v15 =	vadd.f32 v23, v15  }
0x2ce: {  	v14 =	vld.idx.msk [tilespmem:v14+s20+$0x0], $0xffff;
	v16 =	vadd.f32 v17, v16;
	v17 =	vmul.f32 v58, v58  }
0x2cf: {  	v23 =	vld [tilespmem:s18+$0xA030];
	v18 =	vmul.f32 v18, v58;
	v15 =	vadd.f32 v20, v15  }
0x2d0: {  	v59 =	vld [tilespmem:s18+$0x1B730];
	v16 =	vadd.f32 v17, v16;
	v17 =	vmul.f32 v21, v21  }
0x2d1: {  	v19 =	vld [tilespmem:s18+$0xB030];
	v20 =	vmul.f32 v26, v21;
	v15 =	vadd.f32 v18, v15  }
0x2d2: {  	v16 =	vadd.f32 v17, v16;
	v17 =	vmul.f32 v22, v22  }
0x2d3: {  	v60 =	vadd.s32 v1, v13;
	v21 =	vld [tilespmem:s18+$0xC030];
	v14 =	vmul.f32 v14, v22;
	v15 =	vadd.f32 v20, v15  }
0x2d4: {  	v16 =	vadd.f32 v17, v16;
	v20 =	vmul.f32 v23, v23  }
0x2d5: {  	v62 =	vadd.s32 v2, v13;
	v18 =	vld [tilespmem:s18+$0xD030];
	v14 =	vadd.f32 v14, v15  }
0x2d6: {  	v61 =	vld [tilespmem:s18+$0x1C730];
	[tilespmem:s18+$0x1B720] =	vst v16;
	v15 =	vadd.f32 v20, v59;
	v16 =	vmul.f32 v19, v19  }
0x2d7: {  	v63 =	vadd.s32 v3, v13;
	v17 =	vld [tilespmem:s18+$0xE030];
	[tilespmem:s18+$0x1C720] =	vst v14  }
0x2d8: {  	v14 =	vadd.f32 v16, v15;
	v15 =	vmul.f32 v21, v21;
	v16 =	vld.idx.msk [tilespmem:v60+s20+$0x0], $0xffff  }
0x2d9: {  	v33 =	vadd.s32 v4, v13;
	v20 =	vld [tilespmem:s18+$0xF030]  }
0x2da: {  	v27 =	vld.idx.msk [tilespmem:v62+s20+$0x0], $0xffff;
	v14 =	vadd.f32 v15, v14;
	v15 =	vmul.f32 v18, v18  }
0x2db: {  	v34 =	vld [tilespmem:s18+$0x10030];
	v35 =	vadd.s32 v5, v13  }
0x2dc: {  	v24 =	vld.idx.msk [tilespmem:v63+s20+$0x0], $0xffff;
	v14 =	vadd.f32 v15, v14;
	v15 =	vmul.f32 v17, v17  }
0x2dd: {  	v37 =	vadd.s32 v6, v13;
	v22 =	vld [tilespmem:s18+$0x11030];
	v16 =	vmul.f32 v16, v23  }
0x2de: {  	v36 =	vadd.s32 v8, v13;
	v14 =	vadd.f32 v15, v14;
	v15 =	vmul.f32 v20, v20;
	v23 =	vld.idx.msk [tilespmem:v33+s20+$0x0], $0xffff  }
0x2df: {  	v13 =	vadd.s32 v7, v13;
	v19 =	vmul.f32 v27, v19;
	v16 =	vadd.f32 v16, v61  }
0x2e0: {  	v38 =	vld.idx.msk [tilespmem:v35+s20+$0x0], $0xffff;
	v14 =	vadd.f32 v15, v14;
	v15 =	vmul.f32 v34, v34  }
0x2e1: {  	v40 =	vld [tilespmem:s18+$0xB040];
	v21 =	vmul.f32 v24, v21;
	v16 =	vadd.f32 v19, v16  }
0x2e2: {  	v14 =	vadd.f32 v15, v14;
	v19 =	vld.idx.msk [tilespmem:v37+s20+$0x0], $0xffff  }
0x2e3: {  	v12 =	vld [tilespmem:s18+$0x40];
	v15 =	vmul.f32 v22, v22;
	v18 =	vmul.f32 v23, v18;
	v16 =	vadd.f32 v21, v16  }
0x2e4: {  	v13 =	vld.idx.msk [tilespmem:v13+s20+$0x0], $0xffff  }
0x2e5: {  	v17 =	vmul.f32 v38, v17;
	v14 =	vadd.f32 v15, v14;
	v15 =	vld [tilespmem:s18+$0xA040];
	v16 =	vadd.f32 v18, v16  }
0x2e6: {  	v39 =	vld.idx.msk [tilespmem:v36+s20+$0x0], $0xffff  }
0x2e7: {  	[tilespmem:s18+$0x1B730] =	vst v14;
	v14 =	vld [tilespmem:s18+$0x1B740];
	v18 =	vmul.f32 v19, v20;
	v16 =	vadd.f32 v17, v16;
	_ =	sdelay $0x1  }
0x2e8: {  	v13 =	vmul.f32 v13, v34;
	v17 =	vld [tilespmem:s18+$0xC040];
	v16 =	vadd.f32 v18, v16  }
0x2e9: {  	v18 =	vmul.f32 v15, v15  }
0x2ea: {  	v21 =	vmul.f32 v39, v22;
	v19 =	vld [tilespmem:s18+$0xD040];
	v13 =	vadd.f32 v13, v16;
	v16 =	vadd.s32 v1, v12  }
0x2eb: {  	v14 =	vadd.f32 v18, v14;
	v18 =	vmul.f32 v40, v40  }
0x2ec: {  	v23 =	vadd.s32 v2, v12;
	v20 =	vld [tilespmem:s18+$0xE040];
	v13 =	vadd.f32 v21, v13  }
0x2ed: {  	v41 =	vld [tilespmem:s18+$0x1C740];
	v42 =	vadd.s32 v3, v12;
	v14 =	vadd.f32 v18, v14;
	v18 =	vmul.f32 v17, v17  }
0x2ee: {  	v22 =	vld [tilespmem:s18+$0xF040];
	[tilespmem:s18+$0x1C730] =	vst v13  }
0x2ef: {  	v13 =	vadd.f32 v18, v14;
	v14 =	vmul.f32 v19, v19;
	v16 =	vld.idx.msk [tilespmem:v16+s20+$0x0], $0xffff  }
0x2f0: {  	v21 =	vld [tilespmem:s18+$0x10040];
	v18 =	vadd.s32 v4, v12  }
0x2f1: {  	v23 =	vld.idx.msk [tilespmem:v23+s20+$0x0], $0xffff;
	v13 =	vadd.f32 v14, v13;
	v14 =	vmul.f32 v20, v20  }
0x2f2: {  	v43 =	vadd.s32 v5, v12;
	v26 =	vld.idx.msk [tilespmem:v42+s20+$0x0], $0xffff  }
0x2f3: {  	v44 =	vld [tilespmem:s18+$0x11040];
	v45 =	vmul.f32 v22, v22;
	v13 =	vadd.f32 v14, v13  }
0x2f4: {  	v14 =	vadd.s32 v6, v12;
	v15 =	vmul.f32 v16, v15  }
0x2f5: {  	v46 =	vadd.s32 v7, v12;
	v12 =	vadd.s32 v8, v12;
	v18 =	vld.idx.msk [tilespmem:v18+s20+$0x0], $0xffff;
	v13 =	vadd.f32 v45, v13  }
0x2f6: {  	v16 =	vmul.f32 v21, v21;
	v23 =	vmul.f32 v23, v40;
	v15 =	vadd.f32 v15, v41  }
0x2f7: {  	v47 =	vld.idx.msk [tilespmem:v43+s20+$0x0], $0xffff;
	v17 =	vmul.f32 v26, v17  }
0x2f8: {  	v11 =	vld [tilespmem:s18+$0x50];
	v13 =	vadd.f32 v16, v13;
	v16 =	vmul.f32 v44, v44;
	v15 =	vadd.f32 v23, v15  }
0x2f9: {  	v14 =	vld.idx.msk [tilespmem:v14+s20+$0x0], $0xffff  }
0x2fa: {  	v12 =	vld.idx.msk [tilespmem:v12+s20+$0x0], $0xffff;
	v13 =	vadd.f32 v16, v13;
	v16 =	vmul.f32 v18, v19;
	v15 =	vadd.f32 v17, v15  }
0x2fb: {  	v23 =	vld.idx.msk [tilespmem:v46+s20+$0x0], $0xffff  }
0x2fc: {  	[tilespmem:s18+$0x1B740] =	vst v13;
	v13 =	vld [tilespmem:s18+$0xA050];
	v17 =	vmul.f32 v47, v20;
	v15 =	vadd.f32 v16, v15  }
0x2fd: {  	v18 =	vld [tilespmem:s18+$0x1B750]  }
0x2fe: {  	v16 =	vld [tilespmem:s18+$0xB050];
	v14 =	vmul.f32 v14, v22;
	v15 =	vadd.f32 v17, v15;
	_ =	sdelay $0x1  }
0x2ff: {  	v19 =	vmul.f32 v23, v21;
	v17 =	vld [tilespmem:s18+$0xC050];
	v14 =	vadd.f32 v14, v15  }
0x300: {  	v10 =	vld [tilespmem:s18+$0x60];
	v15 =	vmul.f32 v13, v13  }
0x301: {  	v20 =	vld [tilespmem:s18+$0xD050];
	v12 =	vmul.f32 v12, v44;
	v14 =	vadd.f32 v19, v14;
	v19 =	vadd.s32 v1, v11  }
0x302: {  	v9 =	vld [tilespmem:s18+$0x70];
	v15 =	vadd.f32 v15, v18;
	v18 =	vmul.f32 v16, v16  }
0x303: {  	v21 =	vld [tilespmem:s18+$0xE050];
	v23 =	vadd.s32 v2, v11;
	v12 =	vadd.f32 v12, v14  }
0x304: {  	v49 =	vadd.s32 v3, v11;
	v48 =	vld [tilespmem:s18+$0x1C750];
	v15 =	vadd.f32 v18, v15;
	v18 =	vmul.f32 v17, v17  }
0x305: {  	v22 =	vld [tilespmem:s18+$0xF050];
	[tilespmem:s18+$0x1C740] =	vst v12  }
0x306: {  	v12 =	vadd.f32 v18, v15;
	v15 =	vmul.f32 v20, v20;
	v18 =	vld.idx.msk [tilespmem:v19+s20+$0x0], $0xffff  }
0x307: {  	v14 =	vld [tilespmem:s18+$0x10050];
	v19 =	vadd.s32 v4, v11  }
0x308: {  	v23 =	vld.idx.msk [tilespmem:v23+s20+$0x0], $0xffff;
	v12 =	vadd.f32 v15, v12;
	v15 =	vmul.f32 v21, v21  }
0x309: {  	v50 =	vadd.s32 v5, v11;
	v25 =	vld.idx.msk [tilespmem:v49+s20+$0x0], $0xffff  }
0x30a: {  	v51 =	vld [tilespmem:s18+$0x11050];
	v52 =	vmul.f32 v22, v22;
	v12 =	vadd.f32 v15, v12  }
0x30b: {  	v15 =	vadd.s32 v6, v11;
	v13 =	vmul.f32 v18, v13  }
0x30c: {  	v53 =	vadd.s32 v7, v11;
	v11 =	vadd.s32 v8, v11;
	v12 =	vadd.f32 v52, v12;
	v19 =	vld.idx.msk [tilespmem:v19+s20+$0x0], $0xffff  }
0x30d: {  	v18 =	vmul.f32 v14, v14;
	v16 =	vmul.f32 v23, v16;
	v13 =	vadd.f32 v13, v48  }
0x30e: {  	v23 =	vld.idx.msk [tilespmem:v50+s20+$0x0], $0xffff;
	v17 =	vmul.f32 v25, v17  }
0x30f: {  	v12 =	vadd.f32 v18, v12;
	v18 =	vmul.f32 v51, v51;
	v13 =	vadd.f32 v16, v13  }
0x310: {  	v15 =	vld.idx.msk [tilespmem:v15+s20+$0x0], $0xffff  }
0x311: {  	v11 =	vld.idx.msk [tilespmem:v11+s20+$0x0], $0xffff;
	v12 =	vadd.f32 v18, v12;
	v18 =	vmul.f32 v19, v20;
	v13 =	vadd.f32 v17, v13  }
0x312: {  	v16 =	vld.idx.msk [tilespmem:v53+s20+$0x0], $0xffff  }
0x313: {  	[tilespmem:s18+$0x1B750] =	vst v12;
	v12 =	vld [tilespmem:s18+$0xA060];
	v17 =	vmul.f32 v23, v21;
	v13 =	vadd.f32 v18, v13  }
0x314: {  	v19 =	vld [tilespmem:s18+$0x1B760]  }
0x315: {  	v18 =	vld [tilespmem:s18+$0xB060];
	v15 =	vmul.f32 v15, v22;
	v13 =	vadd.f32 v17, v13;
	_ =	sdelay $0x1  }
0x316: {  	v14 =	vmul.f32 v16, v14;
	v17 =	vld [tilespmem:s18+$0xC060];
	v13 =	vadd.f32 v15, v13  }
0x317: {  	v15 =	vmul.f32 v12, v12  }
0x318: {  	v20 =	vadd.s32 v1, v10;
	v11 =	vmul.f32 v11, v51;
	v16 =	vld [tilespmem:s18+$0xD060];
	v13 =	vadd.f32 v14, v13  }
0x319: {  	v14 =	vadd.f32 v15, v19;
	v15 =	vmul.f32 v18, v18  }
0x31a: {  	v21 =	vld [tilespmem:s18+$0xE060];
	v22 =	vadd.s32 v2, v10;
	v11 =	vadd.f32 v11, v13  }
0x31b: {  	v54 =	vadd.s32 v3, v10;
	v23 =	vld [tilespmem:s18+$0x1C760];
	v14 =	vadd.f32 v15, v14;
	v15 =	vmul.f32 v17, v17  }
0x31c: {  	v19 =	vld [tilespmem:s18+$0xF060];
	[tilespmem:s18+$0x1C750] =	vst v11  }
0x31d: {  	v11 =	vadd.f32 v15, v14;
	v14 =	vmul.f32 v16, v16;
	v15 =	vld.idx.msk [tilespmem:v20+s20+$0x0], $0xffff  }
0x31e: {  	v13 =	vld [tilespmem:s18+$0x10060];
	v20 =	vadd.s32 v4, v10  }
0x31f: {  	v22 =	vld.idx.msk [tilespmem:v22+s20+$0x0], $0xffff;
	v11 =	vadd.f32 v14, v11;
	v14 =	vmul.f32 v21, v21  }
0x320: {  	v55 =	vadd.s32 v5, v10;
	v24 =	vld.idx.msk [tilespmem:v54+s20+$0x0], $0xffff  }
0x321: {  	v56 =	vld [tilespmem:s18+$0x11060];
	v57 =	vmul.f32 v19, v19;
	v11 =	vadd.f32 v14, v11  }
0x322: {  	v14 =	vadd.s32 v6, v10;
	v12 =	vmul.f32 v15, v12  }
0x323: {  	v58 =	vadd.s32 v7, v10;
	v10 =	vadd.s32 v8, v10;
	v11 =	vadd.f32 v57, v11;
	v20 =	vld.idx.msk [tilespmem:v20+s20+$0x0], $0xffff  }
0x324: {  	v15 =	vmul.f32 v13, v13;
	v18 =	vmul.f32 v22, v18;
	v12 =	vadd.f32 v12, v23  }
0x325: {  	v22 =	vld.idx.msk [tilespmem:v55+s20+$0x0], $0xffff;
	v17 =	vmul.f32 v24, v17  }
0x326: {  	v11 =	vadd.f32 v15, v11;
	v15 =	vmul.f32 v56, v56;
	v12 =	vadd.f32 v18, v12  }
0x327: {  	v14 =	vld.idx.msk [tilespmem:v14+s20+$0x0], $0xffff  }
0x328: {  	v10 =	vld.idx.msk [tilespmem:v10+s20+$0x0], $0xffff;
	v11 =	vadd.f32 v15, v11;
	v15 =	vmul.f32 v20, v16;
	v12 =	vadd.f32 v17, v12  }
0x329: {  	v18 =	vld.idx.msk [tilespmem:v58+s20+$0x0], $0xffff  }
0x32a: {  	v16 =	vmul.f32 v22, v21;
	[tilespmem:s18+$0x1B760] =	vst v11;
	v11 =	vld [tilespmem:s18+$0xA070];
	v12 =	vadd.f32 v15, v12  }
0x32b: {  	v17 =	vld [tilespmem:s18+$0x1B770]  }
0x32c: {  	v15 =	vld [tilespmem:s18+$0xB070];
	v14 =	vmul.f32 v14, v19;
	v12 =	vadd.f32 v16, v12;
	_ =	sdelay $0x1  }
0x32d: {  	v13 =	vmul.f32 v18, v13;
	v16 =	vld [tilespmem:s18+$0xC070];
	v12 =	vadd.f32 v14, v12  }
0x32e: {  	v14 =	vmul.f32 v11, v11  }
0x32f: {  	v10 =	vmul.f32 v10, v56;
	v18 =	vld [tilespmem:s18+$0xD070];
	v12 =	vadd.f32 v13, v12;
	v13 =	vadd.s32 v1, v9  }
0x330: {  	v14 =	vadd.f32 v14, v17;
	v17 =	vmul.f32 v15, v15  }
0x331: {  	v21 =	vadd.s32 v2, v9;
	v19 =	vld [tilespmem:s18+$0xE070];
	v10 =	vadd.f32 v10, v12  }
0x332: {  	v59 =	vld [tilespmem:s18+$0x1C770];
	v14 =	vadd.f32 v17, v14;
	v17 =	vmul.f32 v16, v16  }
0x333: {  	v23 =	vadd.s32 v3, v9;
	v20 =	vld [tilespmem:s18+$0xF070];
	[tilespmem:s18+$0x1C760] =	vst v10  }
0x334: {  	v10 =	vadd.f32 v17, v14;
	v14 =	vmul.f32 v18, v18;
	v13 =	vld.idx.msk [tilespmem:v13+s20+$0x0], $0xffff  }
0x335: {  	v12 =	vld [tilespmem:s18+$0x10070];
	v17 =	vadd.s32 v4, v9  }
0x336: {  	v21 =	vld.idx.msk [tilespmem:v21+s20+$0x0], $0xffff;
	v10 =	vadd.f32 v14, v10;
	v14 =	vmul.f32 v19, v19  }
0x337: {  	v60 =	vadd.s32 v5, v9;
	v22 =	vld [tilespmem:s18+$0x11070]  }
0x338: {  	v62 =	vadd.s32 v7, v9;
	v61 =	vmul.f32 v20, v20;
	v23 =	vld.idx.msk [tilespmem:v23+s20+$0x0], $0xffff;
	v10 =	vadd.f32 v14, v10  }
0x339: {  	v14 =	vadd.s32 v6, v9;
	v11 =	vmul.f32 v13, v11  }
0x33a: {  	v17 =	vld.idx.msk [tilespmem:v17+s20+$0x0], $0xffff;
	v10 =	vadd.f32 v61, v10;
	v13 =	vmul.f32 v12, v12  }
0x33b: {  	v9 =	vadd.s32 v8, v9;
	v15 =	vmul.f32 v21, v15;
	v11 =	vadd.f32 v11, v59  }
0x33c: {  	v21 =	vld.idx.msk [tilespmem:v60+s20+$0x0], $0xffff;
	v10 =	vadd.f32 v13, v10;
	v13 =	vmul.f32 v22, v22  }
0x33d: {  	v16 =	vmul.f32 v23, v16;
	v23 =	vld.idx.msk [tilespmem:v62+s20+$0x0], $0xffff;
	v11 =	vadd.f32 v15, v11  }
0x33e: {  	v14 =	vld.idx.msk [tilespmem:v14+s20+$0x0], $0xffff;
	v10 =	vadd.f32 v13, v10  }
0x33f: {  	v13 =	vmul.f32 v17, v18;
	v11 =	vadd.f32 v16, v11  }
0x340: {  	s23 =	simm.s32 $0x80;
	v9 =	vld.idx.msk [tilespmem:v9+s20+$0x0], $0xffff;
	[tilespmem:s18+$0x1B770] =	vst v10  }
0x341: {  	v10 =	vmul.f32 v21, v19;
	v16 =	vld [tilespmem:s23+$0x0];
	v11 =	vadd.f32 v13, v11  }
0x342: {  	v15 =	vld [tilespmem:s23+$0x10]  }
0x343: {  	v18 =	vmul.f32 v23, v12;
	v12 =	vld [tilespmem:s23+$0x40];
	v17 =	vmul.f32 v14, v20;
	v10 =	vadd.f32 v10, v11  }
0x344: {  	v14 =	vld [tilespmem:s23+$0x20]  }
0x345: {  	v13 =	vld [tilespmem:s23+$0x30];
	v17 =	vadd.f32 v17, v10  }
0x346: {  	v23 =	vmul.f32 v9, v22;
	v9 =	vld [tilespmem:s23+$0x70]  }
0x347: {  	v11 =	vld [tilespmem:s23+$0x50];
	v22 =	vadd.s32 v1, v16;
	v63 =	vadd.f32 v18, v17  }
0x348: {  	v10 =	vld [tilespmem:s23+$0x60];
	v21 =	vadd.s32 v2, v16;
	v20 =	vadd.s32 v3, v16  }
0x349: {  	s3 =	simm.s32 $0x400;
	v19 =	vadd.s32 v4, v16;
	v17 =	vadd.s32 v6, v16;
	v18 =	vld [tilespmem:s23+$0x1C700];
	v23 =	vadd.f32 v23, v63  }
.LBB2_5:
0x34a: {  	p0 =	sne.s32 s3, $0x3E00;
	v24 =	vld [tilespmem:s23+$0xB000];
	s22 =	smov.u32 s3;
	s3 =	sadd.s32 $0x200, s3  }
0x34b: {  	v25 =	vld [tilespmem:s23+$0xA000];
	[tilespmem:s18+$0x1C770] =	vst v23;
	s18 =	smov.u32 s23  }
0x34c: {  	v22 =	vld.idx.msk [tilespmem:v22+s20+$0x0], $0xffff  }
0x34d: {  	v21 =	vld.idx.msk [tilespmem:v21+s20+$0x0], $0xffff  }
0x34e: {  	v26 =	vadd.s32 v5, v16;
	v23 =	vld [tilespmem:s18+$0x1B700]  }
0x34f: {  	v20 =	vld.idx.msk [tilespmem:v20+s20+$0x0], $0xffff  }
0x350: {  	v27 =	vld [tilespmem:s18+$0xC000]  }
0x351: {  	v28 =	vmul.f32 v25, v25;
	v19 =	vld.idx.msk [tilespmem:v19+s20+$0x0], $0xffff  }
0x352: {  	v29 =	vadd.s32 v7, v16;
	v22 =	vmul.f32 v22, v25;
	v25 =	vld [tilespmem:s18+$0xD000]  }
0x353: {  	v21 =	vmul.f32 v21, v24;
	v23 =	vadd.f32 v28, v23;
	v28 =	vmul.f32 v24, v24;
	v24 =	vld.idx.msk [tilespmem:v26+s20+$0x0], $0xffff  }
0x354: {  	v16 =	vadd.s32 v8, v16;
	v18 =	vadd.f32 v22, v18;
	v22 =	vld [tilespmem:s18+$0xE000]  }
0x355: {  	v23 =	vadd.f32 v28, v23;
	v26 =	vmul.f32 v27, v27;
	v20 =	vmul.f32 v20, v27;
	v17 =	vld.idx.msk [tilespmem:v17+s20+$0x0], $0xffff  }
0x356: {  	v18 =	vadd.f32 v21, v18;
	v21 =	vld [tilespmem:s18+$0xF000]  }
0x357: {  	v23 =	vadd.f32 v26, v23;
	v26 =	vmul.f32 v25, v25;
	v19 =	vmul.f32 v19, v25;
	v25 =	vld [tilespmem:s18+$0x10000]  }
0x358: {  	v18 =	vadd.f32 v20, v18;
	v20 =	vld.idx.msk [tilespmem:v29+s20+$0x0], $0xffff  }
0x359: {  	v23 =	vadd.f32 v26, v23;
	v26 =	vmul.f32 v22, v22;
	v22 =	vmul.f32 v24, v22;
	v24 =	vld [tilespmem:s18+$0x11000]  }
0x35a: {  	v18 =	vadd.f32 v19, v18;
	v16 =	vld.idx.msk [tilespmem:v16+s20+$0x0], $0xffff  }
0x35b: {  	v19 =	vadd.f32 v26, v23;
	v23 =	vmul.f32 v21, v21;
	v17 =	vmul.f32 v17, v21  }
0x35c: {  	v18 =	vadd.f32 v22, v18  }
0x35d: {  	v21 =	vmul.f32 v25, v25;
	v19 =	vadd.f32 v23, v19  }
0x35e: {  	v17 =	vadd.f32 v17, v18;
	v18 =	vmul.f32 v20, v25  }
0x35f: {  	v20 =	vmul.f32 v24, v24;
	v19 =	vadd.f32 v21, v19;
	v21 =	vadd.s32 v1, v15  }
0x360: {  	v17 =	vadd.f32 v18, v17;
	v16 =	vmul.f32 v16, v24  }
0x361: {  	v18 =	vadd.f32 v20, v19;
	v19 =	vadd.s32 v2, v15;
	v20 =	vld [tilespmem:s18+$0xC010]  }
0x362: {  	v16 =	vadd.f32 v16, v17;
	v17 =	vld [tilespmem:s18+$0xB010]  }
0x363: {  	v22 =	vadd.s32 v3, v15;
	[tilespmem:s18+$0x1B700] =	vst v18;
	v18 =	vld [tilespmem:s18+$0x1B710]  }
0x364: {  	[tilespmem:s18+$0x1C700] =	vst v16;
	v16 =	vld [tilespmem:s18+$0xA010]  }
0x365: {  	v23 =	vadd.s32 v4, v15;
	v21 =	vld.idx.msk [tilespmem:v21+s20+$0x0], $0xffff  }
0x366: {  	v19 =	vld.idx.msk [tilespmem:v19+s20+$0x0], $0xffff  }
0x367: {  	v25 =	vadd.s32 v5, v15;
	v24 =	vld [tilespmem:s18+$0x1C710]  }
0x368: {  	v22 =	vld.idx.msk [tilespmem:v22+s20+$0x0], $0xffff  }
0x369: {  	v28 =	vadd.s32 v6, v15;
	v26 =	vmul.f32 v16, v16;
	v27 =	vld [tilespmem:s18+$0xD010]  }
0x36a: {  	v29 =	vmul.f32 v17, v17;
	v23 =	vld.idx.msk [tilespmem:v23+s20+$0x0], $0xffff  }
0x36b: {  	v16 =	vmul.f32 v21, v16;
	v18 =	vadd.f32 v26, v18;
	v21 =	vld [tilespmem:s18+$0xE010];
	v26 =	vadd.s32 v7, v15  }
0x36c: {  	v17 =	vmul.f32 v19, v17;
	v19 =	vmul.f32 v20, v20;
	v25 =	vld.idx.msk [tilespmem:v25+s20+$0x0], $0xffff  }
0x36d: {  	v15 =	vadd.s32 v8, v15;
	v16 =	vadd.f32 v16, v24;
	v18 =	vadd.f32 v29, v18;
	v24 =	vld [tilespmem:s18+$0xF010]  }
0x36e: {  	v20 =	vmul.f32 v22, v20;
	v22 =	vld.idx.msk [tilespmem:v28+s20+$0x0], $0xffff  }
0x36f: {  	v16 =	vadd.f32 v17, v16;
	v17 =	vadd.f32 v19, v18;
	v18 =	vmul.f32 v27, v27;
	v19 =	vld [tilespmem:s18+$0x10010]  }
0x370: {  	v23 =	vmul.f32 v23, v27;
	v26 =	vld.idx.msk [tilespmem:v26+s20+$0x0], $0xffff  }
0x371: {  	v16 =	vadd.f32 v20, v16;
	v17 =	vadd.f32 v18, v17;
	v18 =	vmul.f32 v21, v21  }
0x372: {  	v20 =	vmul.f32 v25, v21;
	v15 =	vld.idx.msk [tilespmem:v15+s20+$0x0], $0xffff  }
0x373: {  	v16 =	vadd.f32 v23, v16;
	v17 =	vadd.f32 v18, v17;
	v18 =	vmul.f32 v24, v24;
	v21 =	vld [tilespmem:s18+$0x11010]  }
0x374: {  	v22 =	vmul.f32 v22, v24  }
0x375: {  	v16 =	vadd.f32 v20, v16;
	v17 =	vadd.f32 v18, v17;
	v18 =	vmul.f32 v19, v19  }
0x376: {  	v19 =	vmul.f32 v26, v19  }
0x377: {  	v16 =	vadd.f32 v22, v16;
	v17 =	vadd.f32 v18, v17  }
0x378: {  	v18 =	vmul.f32 v21, v21;
	v20 =	vmul.f32 v15, v21;
	v21 =	vadd.s32 v1, v14  }
0x379: {  	v16 =	vadd.f32 v19, v16;
	v15 =	vld [tilespmem:s18+$0xB030]  }
0x37a: {  	v17 =	vadd.f32 v18, v17;
	v18 =	vadd.s32 v2, v14;
	v19 =	vld [tilespmem:s18+$0xC020]  }
0x37b: {  	v16 =	vadd.f32 v20, v16;
	v20 =	vld [tilespmem:s18+$0xB020]  }
0x37c: {  	v22 =	vadd.s32 v3, v14;
	[tilespmem:s18+$0x1B710] =	vst v17;
	v17 =	vld [tilespmem:s18+$0x1B720]  }
0x37d: {  	[tilespmem:s18+$0x1C710] =	vst v16;
	v16 =	vld [tilespmem:s18+$0xA020]  }
0x37e: {  	v23 =	vadd.s32 v4, v14;
	v21 =	vld.idx.msk [tilespmem:v21+s20+$0x0], $0xffff  }
0x37f: {  	v18 =	vld.idx.msk [tilespmem:v18+s20+$0x0], $0xffff  }
0x380: {  	v25 =	vadd.s32 v5, v14;
	v24 =	vld [tilespmem:s18+$0x1C720]  }
0x381: {  	v22 =	vld.idx.msk [tilespmem:v22+s20+$0x0], $0xffff  }
0x382: {  	v28 =	vadd.s32 v6, v14;
	v26 =	vmul.f32 v16, v16;
	v27 =	vld [tilespmem:s18+$0xD020]  }
0x383: {  	v29 =	vmul.f32 v20, v20;
	v23 =	vld.idx.msk [tilespmem:v23+s20+$0x0], $0xffff  }
0x384: {  	v16 =	vmul.f32 v21, v16;
	v17 =	vadd.f32 v26, v17;
	v21 =	vld [tilespmem:s18+$0xE020];
	v26 =	vadd.s32 v7, v14  }
0x385: {  	v18 =	vmul.f32 v18, v20;
	v20 =	vmul.f32 v19, v19;
	v25 =	vld.idx.msk [tilespmem:v25+s20+$0x0], $0xffff  }
0x386: {  	v14 =	vadd.s32 v8, v14;
	v16 =	vadd.f32 v16, v24;
	v17 =	vadd.f32 v29, v17;
	v24 =	vld [tilespmem:s18+$0xF020]  }
0x387: {  	v19 =	vmul.f32 v22, v19;
	v22 =	vld.idx.msk [tilespmem:v28+s20+$0x0], $0xffff  }
0x388: {  	v16 =	vadd.f32 v18, v16;
	v18 =	vmul.f32 v27, v27;
	v17 =	vadd.f32 v20, v17;
	v20 =	vld [tilespmem:s18+$0x10020]  }
0x389: {  	v23 =	vmul.f32 v23, v27;
	v26 =	vld.idx.msk [tilespmem:v26+s20+$0x0], $0xffff  }
0x38a: {  	v16 =	vadd.f32 v19, v16;
	v17 =	vadd.f32 v18, v17;
	v18 =	vmul.f32 v21, v21;
	v19 =	vld [tilespmem:s18+$0xA030]  }
0x38b: {  	v21 =	vmul.f32 v25, v21;
	v14 =	vld.idx.msk [tilespmem:v14+s20+$0x0], $0xffff  }
0x38c: {  	v16 =	vadd.f32 v23, v16;
	v17 =	vadd.f32 v18, v17;
	v18 =	vmul.f32 v24, v24;
	v23 =	vld [tilespmem:s18+$0x11020]  }
0x38d: {  	v22 =	vmul.f32 v22, v24;
	v24 =	vld [tilespmem:s18+$0x1B730]  }
0x38e: {  	v16 =	vadd.f32 v21, v16;
	v17 =	vadd.f32 v18, v17;
	v18 =	vmul.f32 v20, v20  }
0x38f: {  	v20 =	vmul.f32 v26, v20;
	v21 =	vmul.f32 v19, v19;
	v25 =	vld [tilespmem:s18+$0xC030]  }
0x390: {  	v16 =	vadd.f32 v22, v16;
	v17 =	vadd.f32 v18, v17  }
0x391: {  	v22 =	vadd.s32 v1, v13;
	v18 =	vmul.f32 v23, v23;
	v14 =	vmul.f32 v14, v23;
	v23 =	vld [tilespmem:s18+$0xD030]  }
0x392: {  	v16 =	vadd.f32 v20, v16;
	v20 =	vadd.f32 v21, v24;
	v21 =	vmul.f32 v15, v15;
	v24 =	vld [tilespmem:s18+$0x11030]  }
0x393: {  	v27 =	vadd.s32 v8, v13;
	v17 =	vadd.f32 v18, v17;
	v18 =	vadd.s32 v2, v13;
	v26 =	vld [tilespmem:s18+$0xE030]  }
0x394: {  	v14 =	vadd.f32 v14, v16;
	v16 =	vld [tilespmem:s18+$0x1C730];
	v20 =	vadd.f32 v21, v20;
	v21 =	vmul.f32 v25, v25  }
0x395: {  	[tilespmem:s18+$0x1B720] =	vst v17;
	v17 =	vadd.s32 v3, v13;
	v28 =	vld [tilespmem:s18+$0xF030]  }
0x396: {  	[tilespmem:s18+$0x1C720] =	vst v14;
	v14 =	vadd.f32 v21, v20;
	v20 =	vmul.f32 v23, v23;
	v21 =	vld [tilespmem:s18+$0x10030]  }
0x397: {  	v29 =	vadd.s32 v4, v13;
	v22 =	vld.idx.msk [tilespmem:v22+s20+$0x0], $0xffff  }
0x398: {  	v18 =	vld.idx.msk [tilespmem:v18+s20+$0x0], $0xffff;
	v14 =	vadd.f32 v20, v14;
	v20 =	vmul.f32 v26, v26  }
0x399: {  	v30 =	vadd.s32 v5, v13;
	v27 =	vld.idx.msk [tilespmem:v27+s20+$0x0], $0xffff  }
0x39a: {  	v17 =	vld.idx.msk [tilespmem:v17+s20+$0x0], $0xffff;
	v14 =	vadd.f32 v20, v14;
	v20 =	vmul.f32 v28, v28  }
0x39b: {  	v31 =	vadd.s32 v6, v13  }
0x39c: {  	v29 =	vld.idx.msk [tilespmem:v29+s20+$0x0], $0xffff;
	v14 =	vadd.f32 v20, v14;
	v20 =	vmul.f32 v21, v21  }
0x39d: {  	v13 =	vadd.s32 v7, v13;
	v19 =	vmul.f32 v22, v19  }
0x39e: {  	v15 =	vmul.f32 v18, v15;
	v18 =	vld.idx.msk [tilespmem:v30+s20+$0x0], $0xffff;
	v14 =	vadd.f32 v20, v14  }
0x39f: {  	v16 =	vadd.f32 v19, v16;
	v19 =	vmul.f32 v24, v24;
	v20 =	vld [tilespmem:s18+$0xB040]  }
0x3a0: {  	v17 =	vmul.f32 v17, v25;
	v22 =	vld.idx.msk [tilespmem:v31+s20+$0x0], $0xffff  }
0x3a1: {  	v15 =	vadd.f32 v15, v16;
	v14 =	vadd.f32 v19, v14;
	v16 =	vld [tilespmem:s18+$0xA040]  }
0x3a2: {  	v19 =	vmul.f32 v29, v23;
	v13 =	vld.idx.msk [tilespmem:v13+s20+$0x0], $0xffff  }
0x3a3: {  	v15 =	vadd.f32 v17, v15;
	[tilespmem:s18+$0x1B730] =	vst v14;
	v14 =	vld [tilespmem:s18+$0x1B740]  }
0x3a4: {  	v17 =	vmul.f32 v18, v26  }
0x3a5: {  	v15 =	vadd.f32 v19, v15;
	v18 =	vld [tilespmem:s18+$0xC040]  }
0x3a6: {  	v19 =	vmul.f32 v22, v28;
	v22 =	vmul.f32 v16, v16  }
0x3a7: {  	v15 =	vadd.f32 v17, v15;
	v17 =	vld [tilespmem:s18+$0xD040]  }
0x3a8: {  	v13 =	vmul.f32 v13, v21;
	v21 =	vmul.f32 v20, v20;
	v14 =	vadd.f32 v22, v14  }
0x3a9: {  	v15 =	vadd.f32 v19, v15;
	v19 =	vld [tilespmem:s18+$0xE040]  }
0x3aa: {  	v22 =	vmul.f32 v27, v24;
	v14 =	vadd.f32 v21, v14;
	v21 =	vmul.f32 v18, v18  }
0x3ab: {  	v13 =	vadd.f32 v13, v15;
	v15 =	vadd.s32 v1, v12;
	v23 =	vld [tilespmem:s18+$0xF040]  }
0x3ac: {  	v24 =	vadd.s32 v2, v12;
	v14 =	vadd.f32 v21, v14;
	v21 =	vmul.f32 v17, v17  }
0x3ad: {  	v13 =	vadd.f32 v22, v13;
	v22 =	vadd.s32 v3, v12;
	v25 =	vld [tilespmem:s18+$0x10040]  }
0x3ae: {  	v27 =	vadd.s32 v4, v12;
	v26 =	vld [tilespmem:s18+$0x1C740];
	v14 =	vadd.f32 v21, v14;
	v21 =	vmul.f32 v19, v19  }
0x3af: {  	[tilespmem:s18+$0x1C730] =	vst v13;
	v13 =	vadd.s32 v5, v12;
	v28 =	vld [tilespmem:s18+$0x11040]  }
0x3b0: {  	v15 =	vld.idx.msk [tilespmem:v15+s20+$0x0], $0xffff;
	v14 =	vadd.f32 v21, v14;
	v21 =	vadd.s32 v6, v12;
	v29 =	vmul.f32 v23, v23  }
0x3b1: {  	v30 =	vadd.s32 v7, v12;
	v24 =	vld.idx.msk [tilespmem:v24+s20+$0x0], $0xffff  }
0x3b2: {  	v12 =	vadd.s32 v8, v12;
	v22 =	vld.idx.msk [tilespmem:v22+s20+$0x0], $0xffff;
	v14 =	vadd.f32 v29, v14;
	v29 =	vmul.f32 v25, v25  }
0x3b3: {  	v27 =	vld.idx.msk [tilespmem:v27+s20+$0x0], $0xffff  }
0x3b4: {  	v13 =	vld.idx.msk [tilespmem:v13+s20+$0x0], $0xffff;
	v14 =	vadd.f32 v29, v14;
	v29 =	vmul.f32 v28, v28  }
0x3b5: {  	v21 =	vld.idx.msk [tilespmem:v21+s20+$0x0], $0xffff  }
0x3b6: {  	v15 =	vmul.f32 v15, v16;
	v16 =	vld.idx.msk [tilespmem:v30+s20+$0x0], $0xffff;
	v14 =	vadd.f32 v29, v14  }
0x3b7: {  	v20 =	vmul.f32 v24, v20;
	v12 =	vld.idx.msk [tilespmem:v12+s20+$0x0], $0xffff  }
0x3b8: {  	v15 =	vadd.f32 v15, v26;
	[tilespmem:s18+$0x1B740] =	vst v14  }
0x3b9: {  	v14 =	vmul.f32 v22, v18  }
0x3ba: {  	v15 =	vadd.f32 v20, v15;
	v18 =	vld [tilespmem:s18+$0xA050]  }
0x3bb: {  	v17 =	vmul.f32 v27, v17;
	v20 =	vld [tilespmem:s18+$0xB050]  }
0x3bc: {  	v14 =	vadd.f32 v14, v15;
	v15 =	vld [tilespmem:s18+$0x1B750]  }
0x3bd: {  	v13 =	vmul.f32 v13, v19  }
0x3be: {  	v14 =	vadd.f32 v17, v14;
	v17 =	vld [tilespmem:s18+$0xC050]  }
0x3bf: {  	v19 =	vmul.f32 v21, v23;
	v21 =	vmul.f32 v18, v18  }
0x3c0: {  	v13 =	vadd.f32 v13, v14;
	v14 =	vld [tilespmem:s18+$0xD050]  }
0x3c1: {  	v16 =	vmul.f32 v16, v25;
	v15 =	vadd.f32 v21, v15;
	v21 =	vmul.f32 v20, v20  }
0x3c2: {  	v13 =	vadd.f32 v19, v13;
	v19 =	vld [tilespmem:s18+$0xE050]  }
0x3c3: {  	v12 =	vmul.f32 v12, v28;
	v15 =	vadd.f32 v21, v15;
	v21 =	vmul.f32 v17, v17  }
0x3c4: {  	v13 =	vadd.f32 v16, v13;
	v16 =	vadd.s32 v1, v11;
	v22 =	vld [tilespmem:s18+$0xF050]  }
0x3c5: {  	v23 =	vadd.s32 v2, v11;
	v15 =	vadd.f32 v21, v15;
	v21 =	vmul.f32 v14, v14  }
0x3c6: {  	v12 =	vadd.f32 v12, v13;
	v13 =	vadd.s32 v3, v11;
	v24 =	vld [tilespmem:s18+$0x10050]  }
0x3c7: {  	v26 =	vadd.s32 v4, v11;
	v25 =	vld [tilespmem:s18+$0x1C750];
	v15 =	vadd.f32 v21, v15;
	v21 =	vmul.f32 v19, v19  }
0x3c8: {  	[tilespmem:s18+$0x1C740] =	vst v12;
	v12 =	vadd.s32 v5, v11;
	v27 =	vld [tilespmem:s18+$0x11050]  }
0x3c9: {  	v16 =	vld.idx.msk [tilespmem:v16+s20+$0x0], $0xffff;
	v15 =	vadd.f32 v21, v15;
	v21 =	vadd.s32 v6, v11;
	v28 =	vmul.f32 v22, v22  }
0x3ca: {  	v29 =	vadd.s32 v7, v11;
	v23 =	vld.idx.msk [tilespmem:v23+s20+$0x0], $0xffff  }
0x3cb: {  	v11 =	vadd.s32 v8, v11;
	v13 =	vld.idx.msk [tilespmem:v13+s20+$0x0], $0xffff;
	v15 =	vadd.f32 v28, v15;
	v28 =	vmul.f32 v24, v24  }
0x3cc: {  	v26 =	vld.idx.msk [tilespmem:v26+s20+$0x0], $0xffff  }
0x3cd: {  	v12 =	vld.idx.msk [tilespmem:v12+s20+$0x0], $0xffff;
	v15 =	vadd.f32 v28, v15;
	v28 =	vmul.f32 v27, v27  }
0x3ce: {  	v21 =	vld.idx.msk [tilespmem:v21+s20+$0x0], $0xffff  }
0x3cf: {  	v16 =	vmul.f32 v16, v18;
	v18 =	vld.idx.msk [tilespmem:v29+s20+$0x0], $0xffff;
	v15 =	vadd.f32 v28, v15  }
0x3d0: {  	v20 =	vmul.f32 v23, v20;
	v11 =	vld.idx.msk [tilespmem:v11+s20+$0x0], $0xffff  }
0x3d1: {  	v16 =	vadd.f32 v16, v25;
	[tilespmem:s18+$0x1B750] =	vst v15  }
0x3d2: {  	v13 =	vmul.f32 v13, v17  }
0x3d3: {  	v15 =	vadd.f32 v20, v16;
	v16 =	vld [tilespmem:s18+$0xA060]  }
0x3d4: {  	v14 =	vmul.f32 v26, v14;
	v17 =	vld [tilespmem:s18+$0xB060]  }
0x3d5: {  	v13 =	vadd.f32 v13, v15;
	v15 =	vld [tilespmem:s18+$0x1B760]  }
0x3d6: {  	v12 =	vmul.f32 v12, v19  }
0x3d7: {  	v13 =	vadd.f32 v14, v13;
	v14 =	vld [tilespmem:s18+$0xC060]  }
0x3d8: {  	v19 =	vmul.f32 v21, v22;
	v20 =	vmul.f32 v16, v16  }
0x3d9: {  	v12 =	vadd.f32 v12, v13;
	v13 =	vld [tilespmem:s18+$0xD060]  }
0x3da: {  	v18 =	vmul.f32 v18, v24;
	v15 =	vadd.f32 v20, v15;
	v20 =	vmul.f32 v17, v17  }
0x3db: {  	v12 =	vadd.f32 v19, v12;
	v19 =	vadd.s32 v1, v10;
	v21 =	vld [tilespmem:s18+$0xE060]  }
0x3dc: {  	v11 =	vmul.f32 v11, v27;
	v15 =	vadd.f32 v20, v15;
	v20 =	vmul.f32 v14, v14  }
0x3dd: {  	v12 =	vadd.f32 v18, v12;
	v18 =	vld [tilespmem:s18+$0xF060]  }
0x3de: {  	v22 =	vadd.s32 v2, v10;
	v15 =	vadd.f32 v20, v15;
	v20 =	vmul.f32 v13, v13  }
0x3df: {  	v11 =	vadd.f32 v11, v12;
	v12 =	vadd.s32 v3, v10;
	v23 =	vld [tilespmem:s18+$0x10060]  }
0x3e0: {  	v25 =	vadd.s32 v4, v10;
	v24 =	vld [tilespmem:s18+$0x1C760];
	v15 =	vadd.f32 v20, v15;
	v20 =	vmul.f32 v21, v21  }
0x3e1: {  	[tilespmem:s18+$0x1C750] =	vst v11;
	v11 =	vadd.s32 v5, v10;
	v26 =	vld [tilespmem:s18+$0x11060]  }
0x3e2: {  	v19 =	vld.idx.msk [tilespmem:v19+s20+$0x0], $0xffff;
	v15 =	vadd.f32 v20, v15;
	v20 =	vadd.s32 v6, v10;
	v27 =	vmul.f32 v18, v18  }
0x3e3: {  	v28 =	vadd.s32 v7, v10;
	v22 =	vld.idx.msk [tilespmem:v22+s20+$0x0], $0xffff  }
0x3e4: {  	v10 =	vadd.s32 v8, v10;
	v12 =	vld.idx.msk [tilespmem:v12+s20+$0x0], $0xffff;
	v15 =	vadd.f32 v27, v15;
	v27 =	vmul.f32 v23, v23  }
0x3e5: {  	v25 =	vld.idx.msk [tilespmem:v25+s20+$0x0], $0xffff  }
0x3e6: {  	v11 =	vld.idx.msk [tilespmem:v11+s20+$0x0], $0xffff;
	v15 =	vadd.f32 v27, v15;
	v27 =	vmul.f32 v26, v26  }
0x3e7: {  	v20 =	vld.idx.msk [tilespmem:v20+s20+$0x0], $0xffff  }
0x3e8: {  	v16 =	vmul.f32 v19, v16;
	v19 =	vld.idx.msk [tilespmem:v28+s20+$0x0], $0xffff;
	v15 =	vadd.f32 v27, v15  }
0x3e9: {  	v17 =	vmul.f32 v22, v17;
	v10 =	vld.idx.msk [tilespmem:v10+s20+$0x0], $0xffff  }
0x3ea: {  	v16 =	vadd.f32 v16, v24;
	[tilespmem:s18+$0x1B760] =	vst v15  }
0x3eb: {  	v12 =	vmul.f32 v12, v14  }
0x3ec: {  	v14 =	vadd.f32 v17, v16;
	v15 =	vld [tilespmem:s18+$0xA070]  }
0x3ed: {  	v13 =	vmul.f32 v25, v13;
	v16 =	vld [tilespmem:s18+$0xB070]  }
0x3ee: {  	v12 =	vadd.f32 v12, v14;
	v14 =	vld [tilespmem:s18+$0x1B770]  }
0x3ef: {  	v11 =	vmul.f32 v11, v21  }
0x3f0: {  	v12 =	vadd.f32 v13, v12;
	v13 =	vld [tilespmem:s18+$0xC070]  }
0x3f1: {  	v17 =	vmul.f32 v20, v18;
	v18 =	vmul.f32 v15, v15  }
0x3f2: {  	v11 =	vadd.f32 v11, v12;
	v12 =	vld [tilespmem:s18+$0xD070]  }
0x3f3: {  	v19 =	vmul.f32 v19, v23;
	v14 =	vadd.f32 v18, v14;
	v18 =	vmul.f32 v16, v16  }
0x3f4: {  	v11 =	vadd.f32 v17, v11;
	v17 =	vld [tilespmem:s18+$0xE070]  }
0x3f5: {  	v10 =	vmul.f32 v10, v26;
	v14 =	vadd.f32 v18, v14;
	v18 =	vmul.f32 v13, v13  }
0x3f6: {  	v11 =	vadd.f32 v19, v11;
	v19 =	vadd.s32 v1, v9;
	v20 =	vld [tilespmem:s18+$0xF070]  }
0x3f7: {  	v21 =	vadd.s32 v2, v9;
	v14 =	vadd.f32 v18, v14;
	v18 =	vmul.f32 v12, v12  }
0x3f8: {  	v10 =	vadd.f32 v10, v11;
	v11 =	vadd.s32 v3, v9;
	v22 =	vld [tilespmem:s18+$0x10070]  }
0x3f9: {  	v23 =	vadd.s32 v4, v9;
	v14 =	vadd.f32 v18, v14;
	v18 =	vmul.f32 v17, v17;
	v24 =	vld [tilespmem:s18+$0x11070]  }
0x3fa: {  	v25 =	vadd.s32 v5, v9;
	[tilespmem:s18+$0x1C760] =	vst v10;
	v10 =	vld [tilespmem:s18+$0x1C770]  }
0x3fb: {  	v19 =	vld.idx.msk [tilespmem:v19+s20+$0x0], $0xffff;
	v14 =	vadd.f32 v18, v14;
	v18 =	vadd.s32 v6, v9;
	v26 =	vmul.f32 v20, v20  }
0x3fc: {  	v27 =	vadd.s32 v7, v9;
	v21 =	vld.idx.msk [tilespmem:v21+s20+$0x0], $0xffff  }
0x3fd: {  	v9 =	vadd.s32 v8, v9;
	v11 =	vld.idx.msk [tilespmem:v11+s20+$0x0], $0xffff;
	v14 =	vadd.f32 v26, v14;
	v26 =	vmul.f32 v22, v22  }
0x3fe: {  	v23 =	vld.idx.msk [tilespmem:v23+s20+$0x0], $0xffff  }
0x3ff: {  	v25 =	vld.idx.msk [tilespmem:v25+s20+$0x0], $0xffff;
	v14 =	vadd.f32 v26, v14;
	v26 =	vmul.f32 v24, v24  }
0x400: {  	v18 =	vld.idx.msk [tilespmem:v18+s20+$0x0], $0xffff  }
0x401: {  	v15 =	vmul.f32 v19, v15;
	v19 =	vld.idx.msk [tilespmem:v27+s20+$0x0], $0xffff;
	v14 =	vadd.f32 v26, v14  }
0x402: {  	v16 =	vmul.f32 v21, v16;
	v9 =	vld.idx.msk [tilespmem:v9+s20+$0x0], $0xffff  }
0x403: {  	v10 =	vadd.f32 v15, v10;
	[tilespmem:s18+$0x1B770] =	vst v14  }
0x404: {  	v11 =	vmul.f32 v11, v13  }
0x405: {  	v10 =	vadd.f32 v16, v10  }
0x406: {  	v12 =	vmul.f32 v23, v12  }
0x407: {  	v10 =	vadd.f32 v11, v10  }
0x408: {  	s23 =	sshra.s32 s22, $0x2;
	v11 =	vmul.f32 v25, v17  }
0x409: {  	v10 =	vadd.f32 v12, v10;
	v16 =	vld [tilespmem:s23+$0x0]  }
0x40a: {  	v17 =	vmul.f32 v18, v20;
	v15 =	vld [tilespmem:s23+$0x10]  }
0x40b: {  	v10 =	vadd.f32 v11, v10;
	v14 =	vld [tilespmem:s23+$0x20]  }
0x40c: {  	v18 =	vmul.f32 v19, v22;
	v13 =	vld [tilespmem:s23+$0x30]  }
.Ltmp1:
0x40d: {  	v17 =	vadd.f32 v17, v10;
	v12 =	vld [tilespmem:s23+$0x40];
	(pc) =	sbr.rel @p0 .LBB2_5-.Ltmp1, $4  }
0x40e: {  	v23 =	vmul.f32 v9, v24;
	v22 =	vadd.s32 v1, v16;
	v21 =	vadd.s32 v2, v16;
	v11 =	vld [tilespmem:s23+$0x50]  }
0x40f: {  	v20 =	vadd.s32 v3, v16;
	v19 =	vadd.s32 v4, v16;
	v24 =	vadd.f32 v18, v17;
	v10 =	vld [tilespmem:s23+$0x60]  }
0x410: {  	v17 =	vadd.s32 v6, v16;
	v9 =	vld [tilespmem:s23+$0x70]  }
0x411: {  	v23 =	vadd.f32 v23, v24;
	v18 =	vld [tilespmem:s23+$0x1C700]  }
0x412: {  	_ =	sdelay $0x1  }
0x413: {  	v24 =	vld [tilespmem:s23+$0xB000]  }
0x414: {  	v25 =	vld [tilespmem:s23+$0xA000];
	[tilespmem:s18+$0x1C770] =	vst v23  }
0x415: {  	v22 =	vld.idx.msk [tilespmem:v22+s20+$0x0], $0xffff  }
0x416: {  	v23 =	vld [tilespmem:s23+$0x1B700]  }
0x417: {  	v21 =	vld.idx.msk [tilespmem:v21+s20+$0x0], $0xffff  }
0x418: {  	v26 =	vadd.s32 v5, v16;
	v27 =	vld [tilespmem:s23+$0xC000]  }
0x419: {  	v20 =	vld.idx.msk [tilespmem:v20+s20+$0x0], $0xffff;
	v28 =	vmul.f32 v25, v25  }
0x41a: {  	v32 =	vld [tilespmem:s23+$0xD000];
	v22 =	vmul.f32 v22, v25  }
0x41b: {  	v19 =	vld.idx.msk [tilespmem:v19+s20+$0x0], $0xffff;
	v33 =	vmul.f32 v24, v24;
	v23 =	vadd.f32 v28, v23  }
0x41c: {  	v29 =	vadd.s32 v7, v16;
	v34 =	vld [tilespmem:s23+$0xE000];
	v21 =	vmul.f32 v21, v24;
	v18 =	vadd.f32 v22, v18  }
0x41d: {  	v35 =	vld.idx.msk [tilespmem:v26+s20+$0x0], $0xffff;
	v36 =	vmul.f32 v27, v27;
	v23 =	vadd.f32 v33, v23  }
0x41e: {  	v38 =	vadd.s32 v8, v16;
	v37 =	vld [tilespmem:s23+$0xF000];
	v20 =	vmul.f32 v20, v27;
	v18 =	vadd.f32 v21, v18  }
0x41f: {  	v17 =	vld.idx.msk [tilespmem:v17+s20+$0x0], $0xffff;
	v39 =	vmul.f32 v32, v32;
	v23 =	vadd.f32 v36, v23  }
0x420: {  	v40 =	vld [tilespmem:s23+$0x10000];
	v19 =	vmul.f32 v19, v32;
	v18 =	vadd.f32 v20, v18  }
0x421: {  	v41 =	vld.idx.msk [tilespmem:v29+s20+$0x0], $0xffff;
	v42 =	vmul.f32 v34, v34;
	v23 =	vadd.f32 v39, v23  }
0x422: {  	v43 =	vld [tilespmem:s23+$0x11000];
	v22 =	vmul.f32 v35, v34;
	v18 =	vadd.f32 v19, v18  }
0x423: {  	v16 =	vld.idx.msk [tilespmem:v38+s20+$0x0], $0xffff;
	v45 =	vmul.f32 v37, v37;
	v44 =	vadd.f32 v42, v23  }
0x424: {  	v17 =	vmul.f32 v17, v37;
	v18 =	vadd.f32 v22, v18  }
0x425: {  	v46 =	vmul.f32 v40, v40;
	v19 =	vadd.f32 v45, v44  }
0x426: {  	v47 =	vmul.f32 v41, v40;
	v17 =	vadd.f32 v17, v18  }
0x427: {  	v48 =	vmul.f32 v43, v43;
	v19 =	vadd.f32 v46, v19  }
0x428: {  	v52 =	vadd.s32 v1, v15;
	v16 =	vmul.f32 v16, v43;
	v17 =	vadd.f32 v47, v17  }
0x429: {  	v49 =	vadd.f32 v48, v19  }
0x42a: {  	v53 =	vadd.s32 v2, v15;
	v51 =	vld [tilespmem:s23+$0xB010];
	v16 =	vadd.f32 v16, v17  }
0x42b: {  	v54 =	vld [tilespmem:s23+$0x1B710];
	[tilespmem:s23+$0x1B700] =	vst v49  }
0x42c: {  	v55 =	vadd.s32 v3, v15;
	v56 =	vld [tilespmem:s23+$0xA010];
	[tilespmem:s23+$0x1C700] =	vst v16  }
0x42d: {  	v21 =	vld.idx.msk [tilespmem:v52+s20+$0x0], $0xffff  }
0x42e: {  	v57 =	vadd.s32 v4, v15;
	v58 =	vld [tilespmem:s23+$0x1C710]  }
0x42f: {  	v17 =	vld.idx.msk [tilespmem:v53+s20+$0x0], $0xffff  }
0x430: {  	v59 =	vadd.s32 v5, v15;
	v50 =	vld [tilespmem:s23+$0xC010]  }
0x431: {  	v60 =	vmul.f32 v56, v56;
	v16 =	vld.idx.msk [tilespmem:v55+s20+$0x0], $0xffff  }
0x432: {  	v62 =	vadd.s32 v6, v15;
	v61 =	vld [tilespmem:s23+$0xD010];
	v21 =	vmul.f32 v21, v56  }
0x433: {  	v63 =	vmul.f32 v51, v51;
	v18 =	vadd.f32 v60, v54;
	v23 =	vld.idx.msk [tilespmem:v57+s20+$0x0], $0xffff  }
0x434: {  	v31 =	vld [tilespmem:s23+$0xE010];
	v32 =	vadd.s32 v7, v15;
	v17 =	vmul.f32 v17, v51;
	v21 =	vadd.f32 v21, v58  }
0x435: {  	v33 =	vmul.f32 v50, v50;
	v18 =	vadd.f32 v63, v18;
	v25 =	vld.idx.msk [tilespmem:v59+s20+$0x0], $0xffff  }
0x436: {  	v34 =	vld [tilespmem:s23+$0xF010];
	v35 =	vadd.s32 v8, v15;
	v16 =	vmul.f32 v16, v50;
	v17 =	vadd.f32 v17, v21  }
0x437: {  	v37 =	vmul.f32 v61, v61;
	v18 =	vadd.f32 v33, v18;
	v36 =	vld.idx.msk [tilespmem:v62+s20+$0x0], $0xffff  }
0x438: {  	v38 =	vld [tilespmem:s23+$0x10010];
	v23 =	vmul.f32 v23, v61;
	v16 =	vadd.f32 v16, v17  }
0x439: {  	v40 =	vmul.f32 v31, v31;
	v39 =	vadd.f32 v37, v18;
	v26 =	vld.idx.msk [tilespmem:v32+s20+$0x0], $0xffff  }
0x43a: {  	v42 =	vld [tilespmem:s23+$0x11010];
	v41 =	vmul.f32 v25, v31;
	v16 =	vadd.f32 v23, v16  }
0x43b: {  	v43 =	vmul.f32 v34, v34;
	v15 =	vld.idx.msk [tilespmem:v35+s20+$0x0], $0xffff;
	v17 =	vadd.f32 v40, v39  }
0x43c: {  	v19 =	vmul.f32 v36, v34;
	v16 =	vadd.f32 v41, v16  }
0x43d: {  	v44 =	vmul.f32 v38, v38;
	v17 =	vadd.f32 v43, v17  }
0x43e: {  	v45 =	vmul.f32 v26, v38;
	v16 =	vadd.f32 v19, v16  }
0x43f: {  	v46 =	vmul.f32 v42, v42;
	v17 =	vadd.f32 v44, v17  }
0x440: {  	v49 =	vadd.s32 v1, v14;
	v15 =	vmul.f32 v15, v42;
	v16 =	vadd.f32 v45, v16  }
0x441: {  	v17 =	vadd.f32 v46, v17  }
0x442: {  	v48 =	vld [tilespmem:s23+$0xB020];
	v50 =	vadd.s32 v2, v14;
	v15 =	vadd.f32 v15, v16  }
0x443: {  	v53 =	vld [tilespmem:s23+$0xA020];
	[tilespmem:s23+$0x1B710] =	vst v17  }
0x444: {  	v52 =	vadd.s32 v3, v14;
	v55 =	vld [tilespmem:s23+$0x1C720];
	[tilespmem:s23+$0x1C710] =	vst v15  }
0x445: {  	v21 =	vld.idx.msk [tilespmem:v49+s20+$0x0], $0xffff  }
0x446: {  	v54 =	vadd.s32 v4, v14;
	v51 =	vld [tilespmem:s23+$0x1B720]  }
0x447: {  	v16 =	vld.idx.msk [tilespmem:v50+s20+$0x0], $0xffff  }
0x448: {  	v47 =	vld [tilespmem:s23+$0xC020];
	v56 =	vadd.s32 v5, v14  }
0x449: {  	v57 =	vmul.f32 v53, v53;
	v15 =	vld.idx.msk [tilespmem:v52+s20+$0x0], $0xffff  }
0x44a: {  	v59 =	vadd.s32 v6, v14;
	v58 =	vld [tilespmem:s23+$0xD020];
	v21 =	vmul.f32 v21, v53  }
0x44b: {  	v60 =	vmul.f32 v48, v48;
	v17 =	vadd.f32 v57, v51;
	v23 =	vld.idx.msk [tilespmem:v54+s20+$0x0], $0xffff  }
0x44c: {  	v62 =	vadd.s32 v7, v14;
	v61 =	vld [tilespmem:s23+$0xE020];
	v16 =	vmul.f32 v16, v48;
	v21 =	vadd.f32 v21, v55  }
0x44d: {  	v63 =	vmul.f32 v47, v47;
	v17 =	vadd.f32 v60, v17;
	v25 =	vld.idx.msk [tilespmem:v56+s20+$0x0], $0xffff  }
0x44e: {  	v30 =	vadd.s32 v8, v14;
	v29 =	vld [tilespmem:s23+$0xF020];
	v15 =	vmul.f32 v15, v47;
	v16 =	vadd.f32 v16, v21  }
0x44f: {  	v32 =	vmul.f32 v58, v58;
	v17 =	vadd.f32 v63, v17;
	v31 =	vld.idx.msk [tilespmem:v59+s20+$0x0], $0xffff  }
0x450: {  	v33 =	vld [tilespmem:s23+$0x10020];
	v23 =	vmul.f32 v23, v58;
	v15 =	vadd.f32 v15, v16  }
0x451: {  	v35 =	vmul.f32 v61, v61;
	v26 =	vld.idx.msk [tilespmem:v62+s20+$0x0], $0xffff;
	v34 =	vadd.f32 v32, v17  }
0x452: {  	v37 =	vld [tilespmem:s23+$0x11020];
	v36 =	vmul.f32 v25, v61;
	v15 =	vadd.f32 v23, v15  }
0x453: {  	v38 =	vmul.f32 v29, v29;
	v14 =	vld.idx.msk [tilespmem:v30+s20+$0x0], $0xffff;
	v16 =	vadd.f32 v35, v34  }
0x454: {  	v18 =	vmul.f32 v31, v29;
	v15 =	vadd.f32 v36, v15  }
0x455: {  	v41 =	vmul.f32 v33, v33;
	v16 =	vadd.f32 v38, v16  }
0x456: {  	v42 =	vmul.f32 v26, v33;
	v15 =	vadd.f32 v18, v15  }
0x457: {  	v44 =	vmul.f32 v37, v37;
	v16 =	vadd.f32 v41, v16  }
0x458: {  	v46 =	vadd.s32 v1, v13;
	v14 =	vmul.f32 v14, v37;
	v15 =	vadd.f32 v42, v15  }
0x459: {  	v16 =	vadd.f32 v44, v16  }
0x45a: {  	v39 =	vld [tilespmem:s23+$0xA030];
	v50 =	vadd.s32 v2, v13;
	v14 =	vadd.f32 v14, v15  }
0x45b: {  	v40 =	vld [tilespmem:s23+$0x1B730];
	[tilespmem:s23+$0x1B720] =	vst v16  }
0x45c: {  	v19 =	vld [tilespmem:s23+$0xB030];
	v54 =	vadd.s32 v3, v13;
	[tilespmem:s23+$0x1C720] =	vst v14  }
0x45d: {  	v57 =	vld.idx.msk [tilespmem:v46+s20+$0x0], $0xffff  }
0x45e: {  	v49 =	vld [tilespmem:s23+$0x1C730];
	v58 =	vadd.s32 v4, v13  }
0x45f: {  	v27 =	vld.idx.msk [tilespmem:v50+s20+$0x0], $0xffff  }
0x460: {  	v43 =	vld [tilespmem:s23+$0xC030];
	v61 =	vadd.s32 v5, v13  }
0x461: {  	v48 =	vmul.f32 v39, v39;
	v24 =	vld.idx.msk [tilespmem:v54+s20+$0x0], $0xffff  }
0x462: {  	v45 =	vld [tilespmem:s23+$0xD030];
	v31 =	vadd.s32 v6, v13;
	v16 =	vmul.f32 v57, v39  }
0x463: {  	v52 =	vmul.f32 v19, v19;
	v51 =	vadd.f32 v48, v40;
	v32 =	vld.idx.msk [tilespmem:v58+s20+$0x0], $0xffff  }
0x464: {  	v47 =	vld [tilespmem:s23+$0xE030];
	v33 =	vadd.s32 v7, v13;
	v19 =	vmul.f32 v27, v19;
	v16 =	vadd.f32 v16, v49  }
0x465: {  	v56 =	vmul.f32 v43, v43;
	v55 =	vadd.f32 v52, v51;
	v35 =	vld.idx.msk [tilespmem:v61+s20+$0x0], $0xffff  }
0x466: {  	v30 =	vadd.s32 v8, v13;
	v53 =	vld [tilespmem:s23+$0xF030];
	v21 =	vmul.f32 v24, v43;
	v16 =	vadd.f32 v19, v16  }
0x467: {  	v59 =	vmul.f32 v45, v45;
	v14 =	vadd.f32 v56, v55;
	v38 =	vld.idx.msk [tilespmem:v31+s20+$0x0], $0xffff  }
0x468: {  	v60 =	vld [tilespmem:s23+$0x10030];
	v18 =	vmul.f32 v32, v45;
	v16 =	vadd.f32 v21, v16  }
0x469: {  	v62 =	vmul.f32 v47, v47;
	v13 =	vld.idx.msk [tilespmem:v33+s20+$0x0], $0xffff;
	v14 =	vadd.f32 v59, v14  }
0x46a: {  	v22 =	vld [tilespmem:s23+$0x11030];
	v17 =	vmul.f32 v35, v47;
	v16 =	vadd.f32 v18, v16  }
0x46b: {  	v63 =	vmul.f32 v53, v53;
	v36 =	vld.idx.msk [tilespmem:v30+s20+$0x0], $0xffff;
	v14 =	vadd.f32 v62, v14  }
0x46c: {  	v42 =	vmul.f32 v38, v53;
	v16 =	vadd.f32 v17, v16  }
0x46d: {  	v34 =	vmul.f32 v60, v60;
	v14 =	vadd.f32 v63, v14  }
0x46e: {  	v13 =	vmul.f32 v13, v60;
	v16 =	vadd.f32 v42, v16  }
0x46f: {  	v37 =	vmul.f32 v22, v22;
	v14 =	vadd.f32 v34, v14  }
0x470: {  	v48 =	vadd.s32 v1, v12;
	v47 =	vmul.f32 v36, v22;
	v13 =	vadd.f32 v13, v16  }
0x471: {  	v14 =	vadd.f32 v37, v14  }
0x472: {  	v40 =	vld [tilespmem:s23+$0xA040];
	v51 =	vadd.s32 v2, v12;
	v13 =	vadd.f32 v47, v13  }
0x473: {  	v41 =	vld [tilespmem:s23+$0x1B740];
	[tilespmem:s23+$0x1B730] =	vst v14  }
0x474: {  	v55 =	vadd.s32 v3, v12;
	v54 =	vld [tilespmem:s23+$0x1C740];
	[tilespmem:s23+$0x1C730] =	vst v13  }
0x475: {  	v16 =	vld.idx.msk [tilespmem:v48+s20+$0x0], $0xffff  }
0x476: {  	v58 =	vadd.s32 v4, v12;
	v39 =	vld [tilespmem:s23+$0xB040]  }
0x477: {  	v23 =	vld.idx.msk [tilespmem:v51+s20+$0x0], $0xffff  }
0x478: {  	v43 =	vld [tilespmem:s23+$0xC040];
	v60 =	vadd.s32 v5, v12  }
0x479: {  	v44 =	vmul.f32 v40, v40;
	v26 =	vld.idx.msk [tilespmem:v55+s20+$0x0], $0xffff  }
0x47a: {  	v62 =	vadd.s32 v6, v12;
	v45 =	vld [tilespmem:s23+$0xD040];
	v15 =	vmul.f32 v16, v40  }
0x47b: {  	v49 =	vmul.f32 v39, v39;
	v14 =	vadd.f32 v44, v41;
	v18 =	vld.idx.msk [tilespmem:v58+s20+$0x0], $0xffff  }
0x47c: {  	v46 =	vld [tilespmem:s23+$0xE040];
	v33 =	vadd.s32 v7, v12;
	v23 =	vmul.f32 v23, v39;
	v15 =	vadd.f32 v15, v54  }
0x47d: {  	v53 =	vmul.f32 v43, v43;
	v14 =	vadd.f32 v49, v14;
	v36 =	vld.idx.msk [tilespmem:v60+s20+$0x0], $0xffff  }
0x47e: {  	v50 =	vld [tilespmem:s23+$0xF040];
	v35 =	vadd.s32 v8, v12;
	v17 =	vmul.f32 v26, v43;
	v15 =	vadd.f32 v23, v15  }
0x47f: {  	v57 =	vmul.f32 v45, v45;
	v56 =	vadd.f32 v53, v14;
	v14 =	vld.idx.msk [tilespmem:v62+s20+$0x0], $0xffff  }
0x480: {  	v52 =	vld [tilespmem:s23+$0x10040];
	v39 =	vmul.f32 v18, v45;
	v15 =	vadd.f32 v17, v15  }
0x481: {  	v59 =	vmul.f32 v46, v46;
	v13 =	vadd.f32 v57, v56;
	v38 =	vld.idx.msk [tilespmem:v33+s20+$0x0], $0xffff  }
0x482: {  	v61 =	vld [tilespmem:s23+$0x11040];
	v41 =	vmul.f32 v36, v46;
	v15 =	vadd.f32 v39, v15  }
0x483: {  	v63 =	vmul.f32 v50, v50;
	v12 =	vld.idx.msk [tilespmem:v35+s20+$0x0], $0xffff;
	v13 =	vadd.f32 v59, v13  }
0x484: {  	v14 =	vmul.f32 v14, v50;
	v15 =	vadd.f32 v41, v15  }
0x485: {  	v34 =	vmul.f32 v52, v52;
	v13 =	vadd.f32 v63, v13  }
0x486: {  	v45 =	vmul.f32 v38, v52;
	v14 =	vadd.f32 v14, v15  }
0x487: {  	v37 =	vmul.f32 v61, v61;
	v13 =	vadd.f32 v34, v13  }
0x488: {  	v49 =	vadd.s32 v1, v11;
	v12 =	vmul.f32 v12, v61;
	v14 =	vadd.f32 v45, v14  }
0x489: {  	v13 =	vadd.f32 v37, v13  }
0x48a: {  	v42 =	vld [tilespmem:s23+$0xB050];
	v52 =	vadd.s32 v2, v11;
	v12 =	vadd.f32 v12, v14  }
0x48b: {  	v55 =	vld [tilespmem:s23+$0x1C750];
	[tilespmem:s23+$0x1B740] =	vst v13  }
0x48c: {  	v56 =	vadd.s32 v3, v11;
	v40 =	vld [tilespmem:s23+$0xA050];
	[tilespmem:s23+$0x1C740] =	vst v12  }
0x48d: {  	v59 =	vld.idx.msk [tilespmem:v49+s20+$0x0], $0xffff  }
0x48e: {  	v60 =	vadd.s32 v4, v11;
	v43 =	vld [tilespmem:s23+$0x1B750]  }
0x48f: {  	v23 =	vld.idx.msk [tilespmem:v52+s20+$0x0], $0xffff  }
0x490: {  	v44 =	vld [tilespmem:s23+$0xC050];
	v62 =	vadd.s32 v5, v11  }
0x491: {  	v46 =	vmul.f32 v40, v40;
	v25 =	vld.idx.msk [tilespmem:v56+s20+$0x0], $0xffff  }
0x492: {  	v32 =	vadd.s32 v6, v11;
	v47 =	vld [tilespmem:s23+$0xD050];
	v13 =	vmul.f32 v59, v40  }
0x493: {  	v50 =	vmul.f32 v42, v42;
	v15 =	vadd.f32 v46, v43;
	v19 =	vld.idx.msk [tilespmem:v60+s20+$0x0], $0xffff  }
0x494: {  	v48 =	vld [tilespmem:s23+$0xE050];
	v34 =	vadd.s32 v7, v11;
	v16 =	vmul.f32 v23, v42;
	v13 =	vadd.f32 v13, v55  }
0x495: {  	v54 =	vmul.f32 v44, v44;
	v15 =	vadd.f32 v50, v15;
	v37 =	vld.idx.msk [tilespmem:v62+s20+$0x0], $0xffff  }
0x496: {  	v51 =	vld [tilespmem:s23+$0xF050];
	v36 =	vadd.s32 v8, v11;
	v17 =	vmul.f32 v25, v44;
	v13 =	vadd.f32 v16, v13  }
0x497: {  	v58 =	vmul.f32 v47, v47;
	v57 =	vadd.f32 v54, v15;
	v15 =	vld.idx.msk [tilespmem:v32+s20+$0x0], $0xffff  }
0x498: {  	v53 =	vld [tilespmem:s23+$0x10050];
	v40 =	vmul.f32 v19, v47;
	v13 =	vadd.f32 v17, v13  }
0x499: {  	v61 =	vmul.f32 v48, v48;
	v12 =	vadd.f32 v58, v57;
	v39 =	vld.idx.msk [tilespmem:v34+s20+$0x0], $0xffff  }
0x49a: {  	v63 =	vld [tilespmem:s23+$0x11050];
	v42 =	vmul.f32 v37, v48;
	v13 =	vadd.f32 v40, v13  }
0x49b: {  	v33 =	vmul.f32 v51, v51;
	v11 =	vld.idx.msk [tilespmem:v36+s20+$0x0], $0xffff;
	v12 =	vadd.f32 v61, v12  }
0x49c: {  	v15 =	vmul.f32 v15, v51;
	v13 =	vadd.f32 v42, v13  }
0x49d: {  	v35 =	vmul.f32 v53, v53;
	v41 =	vld [tilespmem:s23+$0xA060];
	v12 =	vadd.f32 v33, v12  }
0x49e: {  	v43 =	vld [tilespmem:s23+$0xB060];
	v14 =	vmul.f32 v39, v53;
	v13 =	vadd.f32 v15, v13  }
0x49f: {  	v38 =	vmul.f32 v63, v63;
	v12 =	vadd.f32 v35, v12;
	v44 =	vld [tilespmem:s23+$0x1B760]  }
0x4a0: {  	v48 =	vadd.s32 v1, v10;
	v11 =	vmul.f32 v11, v63;
	v13 =	vadd.f32 v14, v13  }
0x4a1: {  	v45 =	vld [tilespmem:s23+$0xC060];
	v12 =	vadd.f32 v38, v12  }
0x4a2: {  	v46 =	vmul.f32 v41, v41;
	v49 =	vld [tilespmem:s23+$0xE060];
	v53 =	vadd.s32 v2, v10;
	v11 =	vadd.f32 v11, v13  }
0x4a3: {  	v47 =	vld [tilespmem:s23+$0xD060];
	[tilespmem:s23+$0x1B750] =	vst v12  }
0x4a4: {  	v57 =	vadd.s32 v3, v10;
	v52 =	vld [tilespmem:s23+$0xF060];
	v51 =	vmul.f32 v43, v43;
	v50 =	vadd.f32 v46, v44;
	[tilespmem:s23+$0x1C750] =	vst v11  }
0x4a5: {  	v60 =	vld.idx.msk [tilespmem:v48+s20+$0x0], $0xffff  }
0x4a6: {  	v56 =	vld [tilespmem:s23+$0x1C760];
	v61 =	vadd.s32 v4, v10;
	v55 =	vmul.f32 v45, v45;
	v14 =	vadd.f32 v51, v50  }
0x4a7: {  	v22 =	vld.idx.msk [tilespmem:v53+s20+$0x0], $0xffff  }
0x4a8: {  	v54 =	vld [tilespmem:s23+$0x10060];
	v63 =	vadd.s32 v5, v10;
	v59 =	vmul.f32 v47, v47;
	v58 =	vadd.f32 v55, v14  }
0x4a9: {  	v32 =	vadd.s32 v6, v10;
	v24 =	vld.idx.msk [tilespmem:v57+s20+$0x0], $0xffff  }
0x4aa: {  	v30 =	vld [tilespmem:s23+$0x11060];
	v62 =	vmul.f32 v49, v49;
	v11 =	vadd.f32 v59, v58;
	v12 =	vmul.f32 v60, v41  }
0x4ab: {  	v33 =	vadd.s32 v7, v10;
	v31 =	vmul.f32 v52, v52;
	v20 =	vld.idx.msk [tilespmem:v61+s20+$0x0], $0xffff  }
0x4ac: {  	v11 =	vadd.f32 v62, v11;
	v18 =	vmul.f32 v22, v43;
	v12 =	vadd.f32 v12, v56  }
0x4ad: {  	v34 =	vmul.f32 v54, v54;
	v35 =	vadd.s32 v8, v10;
	v36 =	vld.idx.msk [tilespmem:v63+s20+$0x0], $0xffff  }
0x4ae: {  	v11 =	vadd.f32 v31, v11;
	v17 =	vmul.f32 v24, v45;
	v12 =	vadd.f32 v18, v12  }
0x4af: {  	v37 =	vmul.f32 v30, v30;
	v38 =	vld.idx.msk [tilespmem:v32+s20+$0x0], $0xffff  }
0x4b0: {  	v11 =	vadd.f32 v34, v11;
	v39 =	vmul.f32 v20, v47;
	v12 =	vadd.f32 v17, v12  }
0x4b1: {  	v15 =	vld.idx.msk [tilespmem:v33+s20+$0x0], $0xffff  }
0x4b2: {  	v40 =	vmul.f32 v36, v49;
	v11 =	vadd.f32 v37, v11;
	v12 =	vadd.f32 v39, v12  }
0x4b3: {  	v10 =	vld.idx.msk [tilespmem:v35+s20+$0x0], $0xffff  }
0x4b4: {  	v43 =	vmul.f32 v38, v52;
	[tilespmem:s23+$0x1B760] =	vst v11;
	v11 =	vadd.f32 v40, v12;
	_ =	sdelay $0x1  }
0x4b5: {  	v13 =	vmul.f32 v15, v54;
	v11 =	vadd.f32 v43, v11;
	_ =	sdelay $0x1  }
0x4b6: {  	v1 =	vadd.s32 v1, v9;
	v10 =	vmul.f32 v10, v30;
	v11 =	vadd.f32 v13, v11;
	_ =	sdelay $0x1  }
0x4b7: {  	v2 =	vadd.s32 v2, v9;
	v44 =	vld [tilespmem:s23+$0x1B770];
	v10 =	vadd.f32 v10, v11  }
0x4b8: {  	v42 =	vld [tilespmem:s23+$0xB070]  }
0x4b9: {  	v3 =	vadd.s32 v3, v9;
	v41 =	vld [tilespmem:s23+$0xA070];
	[tilespmem:s23+$0x1C760] =	vst v10  }
0x4ba: {  	v1 =	vld.idx.msk [tilespmem:v1+s20+$0x0], $0xffff  }
0x4bb: {  	v51 =	vadd.s32 v4, v9;
	v52 =	vld [tilespmem:s23+$0x1C770]  }
0x4bc: {  	v2 =	vld.idx.msk [tilespmem:v2+s20+$0x0], $0xffff  }
0x4bd: {  	v53 =	vadd.s32 v5, v9;
	v45 =	vld [tilespmem:s23+$0xC070]  }
0x4be: {  	v54 =	vmul.f32 v41, v41;
	v3 =	vld.idx.msk [tilespmem:v3+s20+$0x0], $0xffff  }
0x4bf: {  	v46 =	vld [tilespmem:s23+$0xD070];
	v55 =	vadd.s32 v6, v9;
	v1 =	vmul.f32 v1, v41  }
0x4c0: {  	v56 =	vmul.f32 v42, v42;
	v12 =	vadd.f32 v54, v44;
	v4 =	vld.idx.msk [tilespmem:v51+s20+$0x0], $0xffff  }
0x4c1: {  	v57 =	vadd.s32 v7, v9;
	v47 =	vld [tilespmem:s23+$0xE070];
	v2 =	vmul.f32 v2, v42;
	v1 =	vadd.f32 v1, v52  }
0x4c2: {  	v59 =	vmul.f32 v45, v45;
	v58 =	vadd.f32 v56, v12;
	v5 =	vld.idx.msk [tilespmem:v53+s20+$0x0], $0xffff  }
0x4c3: {  	v48 =	vld [tilespmem:s23+$0xF070];
	v60 =	vadd.s32 v8, v9;
	v3 =	vmul.f32 v3, v45;
	v1 =	vadd.f32 v2, v1  }
0x4c4: {  	v61 =	vmul.f32 v46, v46;
	v6 =	vld.idx.msk [tilespmem:v55+s20+$0x0], $0xffff;
	v2 =	vadd.f32 v59, v58  }
0x4c5: {  	v49 =	vld [tilespmem:s23+$0x10070];
	v4 =	vmul.f32 v4, v46;
	v1 =	vadd.f32 v3, v1  }
0x4c6: {  	v7 =	vld.idx.msk [tilespmem:v57+s20+$0x0], $0xffff;
	v2 =	vadd.f32 v61, v2;
	v3 =	vmul.f32 v47, v47  }
0x4c7: {  	v50 =	vld [tilespmem:s23+$0x11070];
	v5 =	vmul.f32 v5, v47;
	v1 =	vadd.f32 v4, v1  }
0x4c8: {  	v62 =	vld.idx.msk [tilespmem:v60+s20+$0x0], $0xffff;
	v2 =	vadd.f32 v3, v2;
	v3 =	vmul.f32 v48, v48  }
0x4c9: {  	v6 =	vmul.f32 v6, v48;
	v1 =	vadd.f32 v5, v1  }
0x4ca: {  	v2 =	vadd.f32 v3, v2;
	v3 =	vmul.f32 v49, v49  }
0x4cb: {  	s0 =	sadd.s32 $0x1, s0;
	v63 =	vmul.f32 v7, v49;
	v1 =	vadd.f32 v6, v1  }
0x4cc: {  	p0 =	sne.s32 s0, $0x10;
	v2 =	vadd.f32 v3, v2;
	v3 =	vmul.f32 v50, v50  }
.Ltmp2:
0x4cd: {  	v4 =	vmul.f32 v62, v50;
	v1 =	vadd.f32 v63, v1;
	(pc) =	sbr.rel @p0 .LBB2_2-.Ltmp2, $4  }
0x4ce: {  	v2 =	vadd.f32 v3, v2  }
0x4cf: {  	v1 =	vadd.f32 v4, v1  }
0x4d0: {  	[tilespmem:s23+$0x1B770] =	vst v2  }
0x4d1: {  	[tilespmem:s23+$0x1C770] =	vst v1  }
0x4d2: {  	s0 =	simm.s32 $0x0  }
.LBB2_8:
0x4d3: {  	s3 =	sshra.s32 s0, $0x2  }
0x4d4: {  	v1 =	vld [tilespmem:s3+$0x1B700];
	_ =	sdelay $0x4  }
0x4d5: {  	v2 =	vshra.s32 v1, $0x1;
	v3 =	vmul.f32 $5.000000000e-01, v1  }
0x4d6: {  	v2 =	vsub.s32 $0x5F3759DF, v2  }
0x4d7: {  	v4 =	vmul.f32 v2, v3;
	_ =	sdelay $0x1  }
0x4d8: {  	v4 =	vmul.f32 v2, v4;
	_ =	sdelay $0x1  }
0x4d9: {  	v4 =	vsub.f32 $1.500000000e+00, v4;
	_ =	sdelay $0x1  }
0x4da: {  	v2 =	vmul.f32 v2, v4;
	_ =	sdelay $0x1  }
0x4db: {  	v4 =	vmul.f32 v2, v3;
	_ =	sdelay $0x1  }
0x4dc: {  	v4 =	vmul.f32 v4, v2;
	_ =	sdelay $0x1  }
0x4dd: {  	v4 =	vsub.f32 $1.500000000e+00, v4;
	_ =	sdelay $0x1  }
0x4de: {  	v2 =	vmul.f32 v4, v2;
	_ =	sdelay $0x1  }
0x4df: {  	v3 =	vmul.f32 v2, v3;
	_ =	sdelay $0x1  }
0x4e0: {  	v3 =	vmul.f32 v3, v2  }
0x4e1: {  	v13 =	vld [tilespmem:s3+$0x0]  }
0x4e2: {  	v3 =	vsub.f32 $1.500000000e+00, v3;
	_ =	sdelay $0x1  }
0x4e3: {  	v2 =	vmul.f32 v3, v2  }
0x4e4: {  	v3 =	vld [tilespmem:s3+$0x1C700]  }
0x4e5: {  	v1 =	vmul.f32 v2, v1;
	_ =	sdelay $0x1  }
0x4e6: {  	vm0 =	vgt.f32 v1, $9.999999960e-13  }
0x4e7: {  	v1 =	vnsel vm0, $0x5368D4A5, v2;
	v2 =	vld.idx.msk [tilespmem:v13+s21+$0x0], $0xffff  }
0x4e8: {  	v1 =	vmul.f32 v1, v3  }
0x4e9: {  	v3 =	vld [tilespmem:s3+$0x1000]  }
0x4ea: {  	v14 =	vsub.f32 $1.000000000e+00, v1;
	_ =	sdelay $0x1  }
0x4eb: {  	v4 =	vmul.f32 v14, v2;
	_ =	sdelay $0x1  }
0x4ec: {  	v4 =	vmul.f32 v4, v3  }
0x4ed: {  	[tilespmem:s3+$0x1D700] =	vst v1  }
0x4ee: {  	[tilespmem:s3+$0x1E700] =	vst v4  }
0x4ef: {  	v5 =	vld [tilespmem:$0x1F700]  }
0x4f0: {  	v6 =	vld [tilespmem:$0x1F710]  }
0x4f1: {  	v7 =	vld [tilespmem:$0x1F720]  }
0x4f2: {  	v8 =	vld [tilespmem:$0x1F730]  }
0x4f3: {  	v3 =	vmul.f32 v2, v3  }
0x4f4: {  	v1 =	vmul.f32 v1, v2;
	v4 =	vadd.f32 v4, v5  }
0x4f5: {  	v3 =	vadd.f32 v6, v3  }
0x4f6: {  	v1 =	vadd.f32 v1, v7;
	[tilespmem:$0x1F700] =	vst v4  }
0x4f7: {  	v2 =	vadd.f32 v8, v2;
	[tilespmem:$0x1F710] =	vst v3  }
0x4f8: {  	[tilespmem:$0x1F720] =	vst v1  }
0x4f9: {  	[tilespmem:$0x1F730] =	vst v2  }
0x4fa: {  	v1 =	vld [tilespmem:s3+$0x1B710];
	_ =	sdelay $0x4  }
0x4fb: {  	v2 =	vshra.s32 v1, $0x1;
	v3 =	vmul.f32 $5.000000000e-01, v1  }
0x4fc: {  	v2 =	vsub.s32 $0x5F3759DF, v2  }
0x4fd: {  	v15 =	vmul.f32 v2, v3;
	_ =	sdelay $0x1  }
0x4fe: {  	v4 =	vmul.f32 v2, v15;
	_ =	sdelay $0x1  }
0x4ff: {  	v4 =	vsub.f32 $1.500000000e+00, v4;
	_ =	sdelay $0x1  }
0x500: {  	v2 =	vmul.f32 v2, v4;
	_ =	sdelay $0x1  }
0x501: {  	v4 =	vmul.f32 v2, v3;
	_ =	sdelay $0x1  }
0x502: {  	v4 =	vmul.f32 v4, v2;
	_ =	sdelay $0x1  }
0x503: {  	v4 =	vsub.f32 $1.500000000e+00, v4;
	_ =	sdelay $0x1  }
0x504: {  	v2 =	vmul.f32 v4, v2;
	_ =	sdelay $0x1  }
0x505: {  	v3 =	vmul.f32 v2, v3;
	_ =	sdelay $0x1  }
0x506: {  	v3 =	vmul.f32 v3, v2  }
0x507: {  	v16 =	vld [tilespmem:s3+$0x10]  }
0x508: {  	v3 =	vsub.f32 $1.500000000e+00, v3;
	_ =	sdelay $0x1  }
0x509: {  	v2 =	vmul.f32 v3, v2  }
0x50a: {  	v3 =	vld [tilespmem:s3+$0x1C710]  }
0x50b: {  	v1 =	vmul.f32 v2, v1;
	_ =	sdelay $0x1  }
0x50c: {  	vm9 =	vgt.f32 v1, $9.999999960e-13  }
0x50d: {  	v1 =	vnsel vm9, $0x5368D4A5, v2;
	v2 =	vld.idx.msk [tilespmem:v16+s21+$0x0], $0xffff  }
0x50e: {  	v1 =	vmul.f32 v1, v3  }
0x50f: {  	v3 =	vld [tilespmem:s3+$0x1010]  }
0x510: {  	v17 =	vsub.f32 $1.000000000e+00, v1;
	_ =	sdelay $0x1  }
0x511: {  	v4 =	vmul.f32 v17, v2;
	_ =	sdelay $0x1  }
0x512: {  	v4 =	vmul.f32 v4, v3  }
0x513: {  	[tilespmem:s3+$0x1D710] =	vst v1  }
0x514: {  	[tilespmem:s3+$0x1E710] =	vst v4  }
0x515: {  	v18 =	vld [tilespmem:$0x1F700]  }
0x516: {  	v19 =	vld [tilespmem:$0x1F710]  }
0x517: {  	v20 =	vld [tilespmem:$0x1F720]  }
0x518: {  	v21 =	vld [tilespmem:$0x1F730]  }
0x519: {  	v3 =	vmul.f32 v2, v3  }
0x51a: {  	v1 =	vmul.f32 v1, v2;
	v4 =	vadd.f32 v4, v18  }
0x51b: {  	v3 =	vadd.f32 v19, v3  }
0x51c: {  	v1 =	vadd.f32 v1, v20;
	[tilespmem:$0x1F700] =	vst v4  }
0x51d: {  	v2 =	vadd.f32 v21, v2;
	[tilespmem:$0x1F710] =	vst v3  }
0x51e: {  	[tilespmem:$0x1F720] =	vst v1  }
0x51f: {  	[tilespmem:$0x1F730] =	vst v2  }
0x520: {  	v1 =	vld [tilespmem:s3+$0x1B720];
	_ =	sdelay $0x4  }
0x521: {  	v2 =	vshra.s32 v1, $0x1;
	v3 =	vmul.f32 $5.000000000e-01, v1  }
0x522: {  	v2 =	vsub.s32 $0x5F3759DF, v2  }
0x523: {  	v22 =	vmul.f32 v2, v3;
	_ =	sdelay $0x1  }
0x524: {  	v4 =	vmul.f32 v2, v22;
	_ =	sdelay $0x1  }
0x525: {  	v4 =	vsub.f32 $1.500000000e+00, v4;
	_ =	sdelay $0x1  }
0x526: {  	v2 =	vmul.f32 v2, v4;
	_ =	sdelay $0x1  }
0x527: {  	v4 =	vmul.f32 v2, v3;
	_ =	sdelay $0x1  }
0x528: {  	v4 =	vmul.f32 v4, v2;
	_ =	sdelay $0x1  }
0x529: {  	v4 =	vsub.f32 $1.500000000e+00, v4;
	_ =	sdelay $0x1  }
0x52a: {  	v2 =	vmul.f32 v4, v2;
	_ =	sdelay $0x1  }
0x52b: {  	v3 =	vmul.f32 v2, v3;
	_ =	sdelay $0x1  }
0x52c: {  	v3 =	vmul.f32 v3, v2  }
0x52d: {  	v23 =	vld [tilespmem:s3+$0x20]  }
0x52e: {  	v3 =	vsub.f32 $1.500000000e+00, v3;
	_ =	sdelay $0x1  }
0x52f: {  	v2 =	vmul.f32 v3, v2  }
0x530: {  	v3 =	vld [tilespmem:s3+$0x1C720]  }
0x531: {  	v1 =	vmul.f32 v2, v1;
	_ =	sdelay $0x1  }
0x532: {  	vm10 =	vgt.f32 v1, $9.999999960e-13  }
0x533: {  	v1 =	vnsel vm10, $0x5368D4A5, v2;
	v2 =	vld.idx.msk [tilespmem:v23+s21+$0x0], $0xffff  }
0x534: {  	v1 =	vmul.f32 v1, v3  }
0x535: {  	v3 =	vld [tilespmem:s3+$0x1020]  }
0x536: {  	v24 =	vsub.f32 $1.000000000e+00, v1;
	_ =	sdelay $0x1  }
0x537: {  	v4 =	vmul.f32 v24, v2;
	_ =	sdelay $0x1  }
0x538: {  	v4 =	vmul.f32 v4, v3  }
0x539: {  	[tilespmem:s3+$0x1D720] =	vst v1  }
0x53a: {  	[tilespmem:s3+$0x1E720] =	vst v4  }
0x53b: {  	v25 =	vld [tilespmem:$0x1F700]  }
0x53c: {  	v26 =	vld [tilespmem:$0x1F710]  }
0x53d: {  	v27 =	vld [tilespmem:$0x1F720]  }
0x53e: {  	v28 =	vld [tilespmem:$0x1F730]  }
0x53f: {  	v3 =	vmul.f32 v2, v3  }
0x540: {  	v1 =	vmul.f32 v1, v2;
	v4 =	vadd.f32 v4, v25  }
0x541: {  	v3 =	vadd.f32 v26, v3  }
0x542: {  	v1 =	vadd.f32 v1, v27;
	[tilespmem:$0x1F700] =	vst v4  }
0x543: {  	v2 =	vadd.f32 v28, v2;
	[tilespmem:$0x1F710] =	vst v3  }
0x544: {  	[tilespmem:$0x1F720] =	vst v1  }
0x545: {  	[tilespmem:$0x1F730] =	vst v2  }
0x546: {  	v1 =	vld [tilespmem:s3+$0x1B730];
	_ =	sdelay $0x4  }
0x547: {  	v2 =	vshra.s32 v1, $0x1;
	v3 =	vmul.f32 $5.000000000e-01, v1  }
0x548: {  	v2 =	vsub.s32 $0x5F3759DF, v2  }
0x549: {  	v29 =	vmul.f32 v2, v3;
	_ =	sdelay $0x1  }
0x54a: {  	v4 =	vmul.f32 v2, v29;
	_ =	sdelay $0x1  }
0x54b: {  	v4 =	vsub.f32 $1.500000000e+00, v4;
	_ =	sdelay $0x1  }
0x54c: {  	v2 =	vmul.f32 v2, v4;
	_ =	sdelay $0x1  }
0x54d: {  	v4 =	vmul.f32 v2, v3;
	_ =	sdelay $0x1  }
0x54e: {  	v4 =	vmul.f32 v4, v2;
	_ =	sdelay $0x1  }
0x54f: {  	v4 =	vsub.f32 $1.500000000e+00, v4;
	_ =	sdelay $0x1  }
0x550: {  	v2 =	vmul.f32 v4, v2;
	_ =	sdelay $0x1  }
0x551: {  	v3 =	vmul.f32 v2, v3;
	_ =	sdelay $0x1  }
0x552: {  	v3 =	vmul.f32 v3, v2  }
0x553: {  	v30 =	vld [tilespmem:s3+$0x30]  }
0x554: {  	v3 =	vsub.f32 $1.500000000e+00, v3;
	_ =	sdelay $0x1  }
0x555: {  	v2 =	vmul.f32 v3, v2  }
0x556: {  	v3 =	vld [tilespmem:s3+$0x1C730]  }
0x557: {  	v1 =	vmul.f32 v2, v1;
	_ =	sdelay $0x1  }
0x558: {  	vm11 =	vgt.f32 v1, $9.999999960e-13  }
0x559: {  	v1 =	vnsel vm11, $0x5368D4A5, v2;
	v2 =	vld.idx.msk [tilespmem:v30+s21+$0x0], $0xffff  }
0x55a: {  	v1 =	vmul.f32 v1, v3  }
0x55b: {  	v3 =	vld [tilespmem:s3+$0x1030]  }
0x55c: {  	v31 =	vsub.f32 $1.000000000e+00, v1;
	_ =	sdelay $0x1  }
0x55d: {  	v4 =	vmul.f32 v31, v2;
	_ =	sdelay $0x1  }
0x55e: {  	v4 =	vmul.f32 v4, v3  }
0x55f: {  	[tilespmem:s3+$0x1D730] =	vst v1  }
0x560: {  	[tilespmem:s3+$0x1E730] =	vst v4  }
0x561: {  	v32 =	vld [tilespmem:$0x1F700]  }
0x562: {  	v33 =	vld [tilespmem:$0x1F710]  }
0x563: {  	v34 =	vld [tilespmem:$0x1F720]  }
0x564: {  	v35 =	vld [tilespmem:$0x1F730]  }
0x565: {  	v3 =	vmul.f32 v2, v3  }
0x566: {  	v1 =	vmul.f32 v1, v2;
	v4 =	vadd.f32 v4, v32  }
0x567: {  	v3 =	vadd.f32 v33, v3  }
0x568: {  	v1 =	vadd.f32 v1, v34;
	[tilespmem:$0x1F700] =	vst v4  }
0x569: {  	v2 =	vadd.f32 v35, v2;
	[tilespmem:$0x1F710] =	vst v3  }
0x56a: {  	[tilespmem:$0x1F720] =	vst v1  }
0x56b: {  	[tilespmem:$0x1F730] =	vst v2  }
0x56c: {  	v1 =	vld [tilespmem:s3+$0x1B740];
	_ =	sdelay $0x4  }
0x56d: {  	v2 =	vshra.s32 v1, $0x1;
	v3 =	vmul.f32 $5.000000000e-01, v1  }
0x56e: {  	v2 =	vsub.s32 $0x5F3759DF, v2  }
0x56f: {  	v36 =	vmul.f32 v2, v3;
	_ =	sdelay $0x1  }
0x570: {  	v4 =	vmul.f32 v2, v36;
	_ =	sdelay $0x1  }
0x571: {  	v4 =	vsub.f32 $1.500000000e+00, v4;
	_ =	sdelay $0x1  }
0x572: {  	v2 =	vmul.f32 v2, v4;
	_ =	sdelay $0x1  }
0x573: {  	v4 =	vmul.f32 v2, v3;
	_ =	sdelay $0x1  }
0x574: {  	v4 =	vmul.f32 v4, v2;
	_ =	sdelay $0x1  }
0x575: {  	v4 =	vsub.f32 $1.500000000e+00, v4;
	_ =	sdelay $0x1  }
0x576: {  	v2 =	vmul.f32 v4, v2;
	_ =	sdelay $0x1  }
0x577: {  	v3 =	vmul.f32 v2, v3;
	_ =	sdelay $0x1  }
0x578: {  	v3 =	vmul.f32 v3, v2  }
0x579: {  	v37 =	vld [tilespmem:s3+$0x40]  }
0x57a: {  	v3 =	vsub.f32 $1.500000000e+00, v3;
	_ =	sdelay $0x1  }
0x57b: {  	v2 =	vmul.f32 v3, v2  }
0x57c: {  	v3 =	vld [tilespmem:s3+$0x1C740]  }
0x57d: {  	v1 =	vmul.f32 v2, v1;
	_ =	sdelay $0x1  }
0x57e: {  	vm12 =	vgt.f32 v1, $9.999999960e-13  }
0x57f: {  	v1 =	vnsel vm12, $0x5368D4A5, v2;
	v2 =	vld.idx.msk [tilespmem:v37+s21+$0x0], $0xffff  }
0x580: {  	v1 =	vmul.f32 v1, v3  }
0x581: {  	v3 =	vld [tilespmem:s3+$0x1040]  }
0x582: {  	v38 =	vsub.f32 $1.000000000e+00, v1;
	_ =	sdelay $0x1  }
0x583: {  	v4 =	vmul.f32 v38, v2;
	_ =	sdelay $0x1  }
0x584: {  	v4 =	vmul.f32 v4, v3  }
0x585: {  	[tilespmem:s3+$0x1D740] =	vst v1  }
0x586: {  	[tilespmem:s3+$0x1E740] =	vst v4  }
0x587: {  	v39 =	vld [tilespmem:$0x1F700]  }
0x588: {  	v40 =	vld [tilespmem:$0x1F710]  }
0x589: {  	v41 =	vld [tilespmem:$0x1F720]  }
0x58a: {  	v42 =	vld [tilespmem:$0x1F730]  }
0x58b: {  	v3 =	vmul.f32 v2, v3  }
0x58c: {  	v1 =	vmul.f32 v1, v2;
	v4 =	vadd.f32 v4, v39  }
0x58d: {  	v3 =	vadd.f32 v40, v3  }
0x58e: {  	v1 =	vadd.f32 v1, v41;
	[tilespmem:$0x1F700] =	vst v4  }
0x58f: {  	v2 =	vadd.f32 v42, v2;
	[tilespmem:$0x1F710] =	vst v3  }
0x590: {  	[tilespmem:$0x1F720] =	vst v1  }
0x591: {  	[tilespmem:$0x1F730] =	vst v2  }
0x592: {  	v1 =	vld [tilespmem:s3+$0x1B750];
	_ =	sdelay $0x4  }
0x593: {  	v2 =	vshra.s32 v1, $0x1;
	v3 =	vmul.f32 $5.000000000e-01, v1  }
0x594: {  	v2 =	vsub.s32 $0x5F3759DF, v2  }
0x595: {  	v43 =	vmul.f32 v2, v3;
	_ =	sdelay $0x1  }
0x596: {  	v4 =	vmul.f32 v2, v43;
	_ =	sdelay $0x1  }
0x597: {  	v4 =	vsub.f32 $1.500000000e+00, v4;
	_ =	sdelay $0x1  }
0x598: {  	v2 =	vmul.f32 v2, v4;
	_ =	sdelay $0x1  }
0x599: {  	v4 =	vmul.f32 v2, v3;
	_ =	sdelay $0x1  }
0x59a: {  	v4 =	vmul.f32 v4, v2;
	_ =	sdelay $0x1  }
0x59b: {  	v4 =	vsub.f32 $1.500000000e+00, v4;
	_ =	sdelay $0x1  }
0x59c: {  	v2 =	vmul.f32 v4, v2;
	_ =	sdelay $0x1  }
0x59d: {  	v3 =	vmul.f32 v2, v3;
	_ =	sdelay $0x1  }
0x59e: {  	v3 =	vmul.f32 v3, v2  }
0x59f: {  	v44 =	vld [tilespmem:s3+$0x50]  }
0x5a0: {  	v3 =	vsub.f32 $1.500000000e+00, v3;
	_ =	sdelay $0x1  }
0x5a1: {  	v2 =	vmul.f32 v3, v2  }
0x5a2: {  	v3 =	vld [tilespmem:s3+$0x1C750]  }
0x5a3: {  	v1 =	vmul.f32 v2, v1;
	_ =	sdelay $0x1  }
0x5a4: {  	vm13 =	vgt.f32 v1, $9.999999960e-13  }
0x5a5: {  	v1 =	vnsel vm13, $0x5368D4A5, v2;
	v2 =	vld.idx.msk [tilespmem:v44+s21+$0x0], $0xffff  }
0x5a6: {  	v1 =	vmul.f32 v1, v3  }
0x5a7: {  	v3 =	vld [tilespmem:s3+$0x1050]  }
0x5a8: {  	v45 =	vsub.f32 $1.000000000e+00, v1;
	_ =	sdelay $0x1  }
0x5a9: {  	v4 =	vmul.f32 v45, v2;
	_ =	sdelay $0x1  }
0x5aa: {  	v4 =	vmul.f32 v4, v3  }
0x5ab: {  	[tilespmem:s3+$0x1D750] =	vst v1  }
0x5ac: {  	[tilespmem:s3+$0x1E750] =	vst v4  }
0x5ad: {  	v46 =	vld [tilespmem:$0x1F700]  }
0x5ae: {  	v47 =	vld [tilespmem:$0x1F710]  }
0x5af: {  	v48 =	vld [tilespmem:$0x1F720]  }
0x5b0: {  	v49 =	vld [tilespmem:$0x1F730]  }
0x5b1: {  	v3 =	vmul.f32 v2, v3  }
0x5b2: {  	v1 =	vmul.f32 v1, v2;
	v4 =	vadd.f32 v4, v46  }
0x5b3: {  	v3 =	vadd.f32 v47, v3  }
0x5b4: {  	v1 =	vadd.f32 v1, v48;
	[tilespmem:$0x1F700] =	vst v4  }
0x5b5: {  	v2 =	vadd.f32 v49, v2;
	[tilespmem:$0x1F710] =	vst v3  }
0x5b6: {  	[tilespmem:$0x1F720] =	vst v1  }
0x5b7: {  	[tilespmem:$0x1F730] =	vst v2  }
0x5b8: {  	v1 =	vld [tilespmem:s3+$0x1B760];
	_ =	sdelay $0x4  }
0x5b9: {  	v2 =	vshra.s32 v1, $0x1;
	v3 =	vmul.f32 $5.000000000e-01, v1  }
0x5ba: {  	v2 =	vsub.s32 $0x5F3759DF, v2  }
0x5bb: {  	v50 =	vmul.f32 v2, v3;
	_ =	sdelay $0x1  }
0x5bc: {  	v4 =	vmul.f32 v2, v50;
	_ =	sdelay $0x1  }
0x5bd: {  	v4 =	vsub.f32 $1.500000000e+00, v4;
	_ =	sdelay $0x1  }
0x5be: {  	v2 =	vmul.f32 v2, v4;
	_ =	sdelay $0x1  }
0x5bf: {  	v4 =	vmul.f32 v2, v3;
	_ =	sdelay $0x1  }
0x5c0: {  	v4 =	vmul.f32 v4, v2;
	_ =	sdelay $0x1  }
0x5c1: {  	v4 =	vsub.f32 $1.500000000e+00, v4;
	_ =	sdelay $0x1  }
0x5c2: {  	v2 =	vmul.f32 v4, v2;
	_ =	sdelay $0x1  }
0x5c3: {  	v3 =	vmul.f32 v2, v3;
	_ =	sdelay $0x1  }
0x5c4: {  	v3 =	vmul.f32 v3, v2  }
0x5c5: {  	v51 =	vld [tilespmem:s3+$0x60]  }
0x5c6: {  	v3 =	vsub.f32 $1.500000000e+00, v3;
	_ =	sdelay $0x1  }
0x5c7: {  	v2 =	vmul.f32 v3, v2  }
0x5c8: {  	v3 =	vld [tilespmem:s3+$0x1C760]  }
0x5c9: {  	v1 =	vmul.f32 v2, v1;
	_ =	sdelay $0x1  }
0x5ca: {  	vm14 =	vgt.f32 v1, $9.999999960e-13  }
0x5cb: {  	v1 =	vnsel vm14, $0x5368D4A5, v2;
	v2 =	vld.idx.msk [tilespmem:v51+s21+$0x0], $0xffff  }
0x5cc: {  	v1 =	vmul.f32 v1, v3  }
0x5cd: {  	v3 =	vld [tilespmem:s3+$0x1060]  }
0x5ce: {  	v52 =	vsub.f32 $1.000000000e+00, v1;
	_ =	sdelay $0x1  }
0x5cf: {  	v4 =	vmul.f32 v52, v2;
	_ =	sdelay $0x1  }
0x5d0: {  	v4 =	vmul.f32 v4, v3  }
0x5d1: {  	[tilespmem:s3+$0x1D760] =	vst v1  }
0x5d2: {  	[tilespmem:s3+$0x1E760] =	vst v4  }
0x5d3: {  	v53 =	vld [tilespmem:$0x1F700]  }
0x5d4: {  	v54 =	vld [tilespmem:$0x1F710]  }
0x5d5: {  	v55 =	vld [tilespmem:$0x1F720]  }
0x5d6: {  	v56 =	vld [tilespmem:$0x1F730]  }
0x5d7: {  	v3 =	vmul.f32 v2, v3  }
0x5d8: {  	v1 =	vmul.f32 v1, v2;
	v4 =	vadd.f32 v4, v53  }
0x5d9: {  	v3 =	vadd.f32 v54, v3  }
0x5da: {  	v1 =	vadd.f32 v1, v55;
	[tilespmem:$0x1F700] =	vst v4  }
0x5db: {  	v2 =	vadd.f32 v56, v2;
	[tilespmem:$0x1F710] =	vst v3  }
0x5dc: {  	[tilespmem:$0x1F720] =	vst v1  }
0x5dd: {  	[tilespmem:$0x1F730] =	vst v2  }
0x5de: {  	v1 =	vld [tilespmem:s3+$0x1B770];
	_ =	sdelay $0x4  }
0x5df: {  	v2 =	vshra.s32 v1, $0x1;
	v3 =	vmul.f32 $5.000000000e-01, v1  }
0x5e0: {  	v2 =	vsub.s32 $0x5F3759DF, v2  }
0x5e1: {  	v57 =	vmul.f32 v2, v3;
	_ =	sdelay $0x1  }
0x5e2: {  	v4 =	vmul.f32 v2, v57;
	_ =	sdelay $0x1  }
0x5e3: {  	v4 =	vsub.f32 $1.500000000e+00, v4;
	_ =	sdelay $0x1  }
0x5e4: {  	v2 =	vmul.f32 v2, v4;
	_ =	sdelay $0x1  }
0x5e5: {  	v4 =	vmul.f32 v2, v3;
	_ =	sdelay $0x1  }
0x5e6: {  	v4 =	vmul.f32 v4, v2;
	_ =	sdelay $0x1  }
0x5e7: {  	v4 =	vsub.f32 $1.500000000e+00, v4;
	_ =	sdelay $0x1  }
0x5e8: {  	v2 =	vmul.f32 v4, v2;
	_ =	sdelay $0x1  }
0x5e9: {  	v3 =	vmul.f32 v2, v3;
	_ =	sdelay $0x1  }
0x5ea: {  	v3 =	vmul.f32 v3, v2  }
0x5eb: {  	v58 =	vld [tilespmem:s3+$0x70]  }
0x5ec: {  	v3 =	vsub.f32 $1.500000000e+00, v3;
	_ =	sdelay $0x1  }
0x5ed: {  	v2 =	vmul.f32 v3, v2  }
0x5ee: {  	v3 =	vld [tilespmem:s3+$0x1C770]  }
0x5ef: {  	v1 =	vmul.f32 v2, v1;
	_ =	sdelay $0x1  }
0x5f0: {  	vm15 =	vgt.f32 v1, $9.999999960e-13  }
0x5f1: {  	v1 =	vnsel vm15, $0x5368D4A5, v2;
	v2 =	vld.idx.msk [tilespmem:v58+s21+$0x0], $0xffff  }
0x5f2: {  	v1 =	vmul.f32 v1, v3  }
0x5f3: {  	v3 =	vld [tilespmem:s3+$0x1070]  }
0x5f4: {  	v59 =	vsub.f32 $1.000000000e+00, v1;
	_ =	sdelay $0x1  }
0x5f5: {  	v4 =	vmul.f32 v59, v2;
	_ =	sdelay $0x1  }
0x5f6: {  	v4 =	vmul.f32 v4, v3  }
0x5f7: {  	[tilespmem:s3+$0x1D770] =	vst v1  }
0x5f8: {  	[tilespmem:s3+$0x1E770] =	vst v4  }
0x5f9: {  	v60 =	vld [tilespmem:$0x1F700]  }
0x5fa: {  	v61 =	vld [tilespmem:$0x1F710]  }
0x5fb: {  	v62 =	vld [tilespmem:$0x1F720]  }
0x5fc: {  	v63 =	vld [tilespmem:$0x1F730]  }
0x5fd: {  	v3 =	vmul.f32 v2, v3  }
0x5fe: {  	p0 =	sne.s32 s0, $0x3E00;
	v1 =	vmul.f32 v1, v2;
	v4 =	vadd.f32 v4, v60  }
.Ltmp3:
0x5ff: {  	v3 =	vadd.f32 v61, v3;
	(pc) =	sbr.rel @p0 .LBB2_8-.Ltmp3, $4  }
0x600: {  	v1 =	vadd.f32 v1, v62;
	[tilespmem:$0x1F700] =	vst v4  }
0x601: {  	v2 =	vadd.f32 v63, v2;
	[tilespmem:$0x1F710] =	vst v3  }
0x602: {  	[tilespmem:$0x1F720] =	vst v1  }
0x603: {  	s0 =	sadd.s32 $0x200, s0;
	[tilespmem:$0x1F730] =	vst v2  }
0x604: {  	s0 =	simm.s32 $0x1D700  }
0x605: {  	[hbm4b:s12+s4] =	stream.linear.scatter [tilespmem:s0], [sflag:$0x3], $0x1000, $0x38;
	[tilespmem:$0x1F780] =	vst v63  }
0x606: {  	_ =	swait.ge [sflag:s19], $0x1000  }
0x607: {  	[sflag:s19] =	ssyncset.done $0x0  }
0x608: {  	[sflag:s19] =	ssyncadd.s32 $0xFFFFF000  }
0x609: {  	[hbm4b:s13+s4] =	stream.linear.scatter [tilespmem:s29], [sflag:$0x3], $0x1000, $0x38;
	[tilespmem:$0x1F780] =	vst v63  }
0x60a: {  	s31 =	sadd.s32 $0x1, s31;
	_ =	swait.ge [sflag:s19], $0x1000  }
0x60b: {  	p0 =	sne.s32 s31, s15;
	[sflag:s19] =	ssyncset.done $0x0  }
.Ltmp4:
0x60c: {  	[sflag:s19] =	ssyncadd.s32 $0xFFFFF000;
	(pc) =	sbr.rel @p0 .LBB2_1-.Ltmp4, $4  }
0x60d: {  	[hbm4b:s14+s4] =	stream.linear.scatter [tilespmem:s30], [sflag:$0x3], $0x80, $0x38;
	[tilespmem:$0x1F780] =	vst v63  }
0x60e: {  	_ =	swait.ge [sflag:s19], $0x80  }
0x60f: {  	[sflag:s19] =	ssyncset.done $0x0  }
0x610: {  	[sflag:s19] =	ssyncadd.s32 $0xFFFFFF80  }
0x611: {  	_ =	sfence.sel $0x180000  }
0x612: {  	[bflag:$0x0] =	sbarrier.arrive $0xFFFF  }
0x613: {  	_ =	strace $0x90000047  }
0x614: {  	s0 =	stileid.u32;
	[bflag:$0x2] =	sbarrier.arrive $0xFFFF  }
0x615: {  	p0 =	sne.s32 s0, $0x0;
	s0 =	rddreg [dreg:$0x6]  }
0x616: {  	s0 =	sadd.s32 @!p0 $0x100000, s0  }
0x617: {  	[sflag:s0] =	ssyncadd.tile.s32 @!p0 $0x1;
	_ =	shalt  }
.Lfunc_end2:
_tile_overlayer_lowered:
.L_overlay_start_2:
0x618: {  	(tag) =	ssettag $0x2  }
0x619: {  	s0 =	rddreg [dreg:$0x0];
	s2 =	stileid.u32  }
0x61a: {  	s1 =	rddreg [dreg:$0x1];
	p0 =	sne.s32 s2, $0x0  }
0x61b: {  	s3 =	rddreg [dreg:$0x2];
	[bflag:$0x3] =	sbarrier.arrive $0xFFFF;
	s2 =	simm.s32 @!p0 $0x1C03  }
0x61c: {  	[timem:s3], [sflag:s2] =	dma.local @!p0 [hbm:s0], s1  }
0x61d: {  	s0 =	simm.s32 @!p0 $0x3  }
0x61e: {  	_ =	swait.ge @!p0 [sflag:s0], s1  }
0x61f: {  	s1 =	ssub.s32 @!p0 $0x0, s1;
	[sflag:s0] =	ssyncset.done @!p0 $0x0  }
0x620: {  	[sflag:s0] =	ssyncadd.s32 @!p0 s1  }
0x621: {  	[bflag:$0x3] =	sbarrier.arrive $0xFFFF  }
0x622: {  	_ =	shalt  }

</sc_bundles>
